<compile_context>
chip_gen: v7x
topology: tpu7x:2x2x1
jax: 0.10.2.dev20260603
libtpu: 0.0.44.dev20260713+nightly
codegen_flags: <defaults>
</compile_context>

<pallas_src>
import functools

import jax
import jax.numpy as jnp
from jax import lax
from jax.experimental import pallas as pl
from jax.experimental.pallas import tpu as pltpu
from jax.experimental.pallas import tpu_sc as plsc

HIDDEN = 768
INTER = 2048
NUM_EXPERTS = 64
N_TOKENS = 32768
CAP = 512

ROUTER_BLOCK = 2048
FFN_IC = 512

SC_CORES = 2
SC_SUBCORES = 16
SC_WORKERS = SC_CORES * SC_SUBCORES
EXP_PER_WORKER = NUM_EXPERTS // SC_WORKERS
LOGIT_CHUNK = 8192
GATHER_CHUNK = 32


def _router_body(x_ref, gw_ref, logits_ref, m_ref, s_ref, aux_ref):
    i = pl.program_id(0)

    @pl.when(i == 0)
    def _init():
        m_ref[...] = jnp.full_like(m_ref, -1e30)
        s_ref[...] = jnp.zeros_like(s_ref)
        aux_ref[...] = jnp.zeros_like(aux_ref)

    xb = x_ref[...]
    gw = gw_ref[...]
    lg = jax.lax.dot_general(gw, xb, (((1,), (1,)), ((), ())),
                             preferred_element_type=jnp.float32)
    logits_ref[...] = lg

    blkmax = jnp.max(lg, axis=1, keepdims=True)
    m_old = m_ref[...]
    m_new = jnp.maximum(m_old, blkmax)
    s_ref[...] = (s_ref[...] * jnp.exp(m_old - m_new)
                  + jnp.sum(jnp.exp(lg - m_new), axis=1, keepdims=True))
    m_ref[...] = m_new

    tmax = jnp.max(lg, axis=0, keepdims=True)
    lse = jnp.log(jnp.sum(jnp.exp(lg - tmax), axis=0, keepdims=True)) + tmax
    aux_ref[...] += jnp.sum(lse * lse).reshape(1, 1)


def _router(x, gate_w):
    n, h = x.shape
    e = gate_w.shape[0]
    nblocks = n // ROUTER_BLOCK
    return pl.pallas_call(
        _router_body,
        grid=(nblocks,),
        in_specs=[
            pl.BlockSpec((ROUTER_BLOCK, h), lambda i: (i, 0)),
            pl.BlockSpec((e, h), lambda i: (0, 0)),
        ],
        out_specs=[
            pl.BlockSpec((e, ROUTER_BLOCK), lambda i: (0, i)),
            pl.BlockSpec((e, 1), lambda i: (0, 0)),
            pl.BlockSpec((e, 1), lambda i: (0, 0)),
            pl.BlockSpec((1, 1), lambda i: (0, 0)),
        ],
        out_shape=[
            jax.ShapeDtypeStruct((e, n), jnp.float32),
            jax.ShapeDtypeStruct((e, 1), jnp.float32),
            jax.ShapeDtypeStruct((e, 1), jnp.float32),
            jax.ShapeDtypeStruct((1, 1), jnp.float32),
        ],
    )(x, gate_w)


def _bisect_body(cap, lgt_ref, m_ref, s_ref, params_ref):
    lg = lgt_ref[...]
    bits = jax.lax.bitcast_convert_type(lg, jnp.int32)
    keys = jnp.where(bits >= 0, bits, bits ^ jnp.int32(0x7FFFFFFF))

    e = lg.shape[0]
    imin = jnp.iinfo(jnp.int32).min
    imax = jnp.iinfo(jnp.int32).max
    lo0 = jnp.full((e, 1), imin, jnp.int32)
    hi0 = jnp.full((e, 1), imax, jnp.int32)

    def body(_, c):
        lo, hi = c
        fl = (lo & hi) + ((lo ^ hi) >> 1)
        mid = fl + ((lo ^ hi) & 1)
        cnt = jnp.sum((keys >= mid).astype(jnp.int32), axis=1, keepdims=True)
        pred = cnt >= cap
        return jnp.where(pred, mid, lo), jnp.where(pred, hi, mid - 1)

    lo, _ = jax.lax.fori_loop(0, 32, body, (lo0, hi0))
    tbits = jnp.where(lo >= 0, lo, lo ^ jnp.int32(0x7FFFFFFF))
    thresh = jax.lax.bitcast_convert_type(tbits, jnp.float32)

    m = m_ref[...]
    inv_s = 1.0 / s_ref[...]
    zeros = jnp.zeros((e, 12), jnp.float32)
    params_ref[...] = jnp.concatenate([zeros[:, :1], thresh, m, inv_s, zeros],
                                      axis=1)


def _bisect(logits_t, m, s, cap):
    e, n = logits_t.shape
    return pl.pallas_call(
        functools.partial(_bisect_body, cap),
        grid=(1,),
        in_specs=[
            pl.BlockSpec((e, n), lambda i: (0, 0)),
            pl.BlockSpec((e, 1), lambda i: (0, 0)),
            pl.BlockSpec((e, 1), lambda i: (0, 0)),
        ],
        out_specs=pl.BlockSpec((e, 16), lambda i: (0, 0)),
        out_shape=jax.ShapeDtypeStruct((e, 16), jnp.float32),
    )(logits_t, m, s)


def _splat_lane(ref, lane):
    return plsc.load_gather(ref, [jnp.full((16,), lane, jnp.int32)])


def _sc_compact_body(logits_hbm, params_hbm, x_hbm,
                     topidx_hbm, topprob_hbm, expertin_hbm, cntp_hbm,
                     chunk_v, idx_v, prob_v, tieidx_v, tieprob_v,
                     param_v, rows_v, cnt1d_v, red_v, sem, dsem,
                     cntstage_s):
    sid = lax.axis_index("s")
    score = lax.axis_index("c")
    wid = sid * SC_CORES + score
    lanes = jax.lax.iota(jnp.int32, 16)
    n_iters = LOGIT_CHUNK // 16
    zero16f = jnp.zeros((16,), jnp.float32)

    def zc(j, carry):
        cnt1d_v[pl.ds(j * 16, 16)] = zero16f
        return carry
    jax.lax.fori_loop(0, N_TOKENS // 16, zc, 0)

    for t in range(EXP_PER_WORKER):
        e = wid * EXP_PER_WORKER + t
        pltpu.sync_copy(params_hbm.at[e], param_v)
        thresh = _splat_lane(param_v, 1)
        m_e = _splat_lane(param_v, 2)
        inv_s = _splat_lane(param_v, 3)

        def chunk_loop(ci, carry):
            cnt, tie = carry

            def vec_loop(j, carry2):
                cnt2, tie2 = carry2
                v = chunk_v[pl.ds(j * 16, 16)]
                base = ci * LOGIT_CHUNK + j * 16
                idxv = lanes + base
                gt = v > thresh
                eq = v == thresh
                prob = jnp.exp(v - m_e) * inv_s
                gcs = plsc.cumsum(jnp.where(gt, 1, 0))
                pos = cnt2 + gcs - 1
                plsc.store_scatter(idx_v, [pos], idxv, mask=gt)
                plsc.store_scatter(prob_v, [pos], prob, mask=gt)
                plsc.addupdate_scatter(cnt1d_v, [idxv], prob, mask=gt)
                ecs = plsc.cumsum(jnp.where(eq, 1, 0))
                tpos = tie2 + ecs - 1
                teq = eq & (tpos < CAP)
                plsc.store_scatter(tieidx_v, [tpos], idxv, mask=teq)
                plsc.store_scatter(tieprob_v, [tpos], prob, mask=teq)
                cnt2 = cnt2 + plsc.all_reduce_population_count(gt)
                tie2 = tie2 + plsc.all_reduce_population_count(eq)
                return cnt2, tie2

            pltpu.sync_copy(
                logits_hbm.at[pl.ds(e * N_TOKENS + ci * LOGIT_CHUNK,
                                    LOGIT_CHUNK)], chunk_v)
            return jax.lax.fori_loop(0, n_iters, vec_loop, (cnt, tie))

        zero16 = jnp.zeros((16,), jnp.int32)
        cnt, _tie = jax.lax.fori_loop(0, N_TOKENS // LOGIT_CHUNK, chunk_loop,
                                      (zero16, zero16))

        take = CAP - cnt

        def tie_loop(k, _):
            gl = k * 16 + lanes
            msk = gl < take
            tv = tieidx_v[pl.ds(k * 16, 16)]
            tp = tieprob_v[pl.ds(k * 16, 16)]
            pos = cnt + gl
            plsc.store_scatter(idx_v, [pos], tv, mask=msk)
            plsc.store_scatter(prob_v, [pos], tp, mask=msk)
            plsc.addupdate_scatter(cnt1d_v, [tv], tp, mask=msk)
            return 0

        jax.lax.fori_loop(0, CAP // 16, tie_loop, 0)

        pltpu.sync_copy(idx_v, topidx_hbm.at[pl.ds(e * CAP, CAP)])
        pltpu.sync_copy(prob_v, topprob_hbm.at[pl.ds(e * CAP, CAP)])

        def gather_loop(g, _):
            idx_ref = idx_v.at[pl.ds(g * GATHER_CHUNK, GATHER_CHUNK)]
            pltpu.async_copy(x_hbm.at[idx_ref], rows_v, sem).wait()
            pltpu.sync_copy(
                rows_v,
                expertin_hbm.at[pl.ds(e * CAP + g * GATHER_CHUNK,
                                      GATHER_CHUNK)])
            return 0

        jax.lax.fori_loop(0, CAP // GATHER_CHUNK, gather_loop, 0)

    pltpu.sync_copy(cnt1d_v, cntstage_s.at[sid])
    plsc.subcore_barrier()
    seg = N_TOKENS // SC_SUBCORES

    def rz(j, carry):
        red_v[pl.ds(j * 16, 16)] = zero16f
        return carry
    jax.lax.fori_loop(0, seg // 16, rz, 0)
    for r in range(SC_SUBCORES):
        pltpu.sync_copy(cntstage_s.at[r, pl.ds(sid * seg, seg)],
                        cnt1d_v.at[pl.ds(0, seg)])

        def racc(j, carry):
            red_v[pl.ds(j * 16, 16)] = (red_v[pl.ds(j * 16, 16)]
                                        + cnt1d_v[pl.ds(j * 16, 16)])
            return carry
        jax.lax.fori_loop(0, seg // 16, racc, 0)
    pltpu.sync_copy(red_v,
                    cntp_hbm.at[pl.ds(score * N_TOKENS + sid * seg, seg)])


def _sc_compact(logits_t, params, x):
    n, h = x.shape
    mesh = plsc.VectorSubcoreMesh(core_axis_name="c", subcore_axis_name="s",
                                  num_cores=SC_CORES,
                                  num_subcores=SC_SUBCORES)
    f = pl.kernel(
        _sc_compact_body,
        out_type=[
            jax.ShapeDtypeStruct((NUM_EXPERTS * CAP,), jnp.int32),
            jax.ShapeDtypeStruct((NUM_EXPERTS * CAP,), jnp.float32),
            jax.ShapeDtypeStruct((NUM_EXPERTS * CAP, h), jnp.float32),
            jax.ShapeDtypeStruct((SC_CORES * N_TOKENS,), jnp.float32),
        ],
        mesh=mesh,
        compiler_params=pltpu.CompilerParams(needs_layout_passes=False),
        scratch_types=[
            pltpu.VMEM((LOGIT_CHUNK,), jnp.float32),
            pltpu.VMEM((CAP,), jnp.int32),
            pltpu.VMEM((CAP,), jnp.float32),
            pltpu.VMEM((CAP,), jnp.int32),
            pltpu.VMEM((CAP,), jnp.float32),
            pltpu.VMEM((16,), jnp.float32),
            pltpu.VMEM((GATHER_CHUNK, h), jnp.float32),
            pltpu.VMEM((N_TOKENS,), jnp.float32),
            pltpu.VMEM((N_TOKENS // SC_SUBCORES,), jnp.float32),
            pltpu.SemaphoreType.DMA,
            pltpu.SemaphoreType.DMA,
            pltpu.VMEM_SHARED((SC_SUBCORES, N_TOKENS), jnp.float32),
        ],
    )
    return f(logits_t.reshape(-1), params, x)


SHARE = 64
N_PASS = N_TOKENS // (SC_WORKERS * SHARE)
ROW_CHUNK = 8
DUMMY_LOC = SHARE
LOC_SHIFT = 20


def _sc_scatter_body(widx_hbm, cntp_hbm, weighted_hbm, final_hbm,
                     idxres_v, packed_v, gidx_v, cnt_a, cnt_b, inv_v,
                     accum_v, rows_v, sem):
    w = lax.axis_index("s") * SC_CORES + lax.axis_index("c")
    lanes = jax.lax.iota(jnp.int32, 16)
    h = rows_v.shape[1]
    hv = h // 16
    zero16f = jnp.zeros((16,), jnp.float32)

    pltpu.sync_copy(widx_hbm, idxres_v)

    def do_pass(p, carry0):
        base = (p * SC_WORKERS + w) * SHARE

        def zrow(r, carry):
            for b2 in range(hv):
                accum_v[r, pl.ds(b2 * 16, 16)] = zero16f
            return carry
        jax.lax.fori_loop(0, SHARE, zrow, 0)

        def scan_vec(j, cur):
            iv = idxres_v[pl.ds(j * 16, 16)]
            loc = iv - base
            inwin = (loc >= 0) & (loc < SHARE)
            cs = plsc.cumsum(jnp.where(inwin, 1, 0))
            pos = cur + cs - 1
            entry = j * 16 + lanes
            word = entry | (loc << LOC_SHIFT)
            plsc.store_scatter(packed_v, [pos], word, mask=inwin)
            return cur + plsc.all_reduce_population_count(inwin)

        cursor = jax.lax.fori_loop(0, N_TOKENS // 16, scan_vec,
                                   jnp.zeros((16,), jnp.int32))
        plsc.store_scatter(packed_v, [cursor + lanes],
                           jnp.full((16,), DUMMY_LOC << LOC_SHIFT, jnp.int32))

        ntotal = jnp.max(cursor)
        nch = jax.lax.shift_right_arithmetic(ntotal + ROW_CHUNK - 1, 3)

        def chunk_loop(c, carry):
            pk = packed_v[pl.ds(c * ROW_CHUNK, 16)]
            gidx_v[pl.ds(0, 16)] = pk & ((1 << LOC_SHIFT) - 1)
            pltpu.async_copy(
                weighted_hbm.at[gidx_v.at[pl.ds(0, ROW_CHUNK)]],
                rows_v, sem).wait()

            locvec = jax.lax.shift_right_arithmetic(pk, LOC_SHIFT)

            def addrow(r, carry2):
                loc_s = jnp.max(jnp.where(lanes == r, locvec, 0))
                for b2 in range(hv):
                    accum_v[loc_s, pl.ds(b2 * 16, 16)] = (
                        accum_v[loc_s, pl.ds(b2 * 16, 16)]
                        + rows_v[r, pl.ds(b2 * 16, 16)])
                return carry2

            jax.lax.fori_loop(0, ROW_CHUNK, addrow, 0)
            return carry

        jax.lax.fori_loop(0, nch, chunk_loop, 0)

        pltpu.sync_copy(cntp_hbm.at[pl.ds(base, SHARE)], cnt_a)
        pltpu.sync_copy(cntp_hbm.at[pl.ds(N_TOKENS + base, SHARE)], cnt_b)

        def invgrp(rg, carry):
            cv = cnt_a[pl.ds(rg * 16, 16)] + cnt_b[pl.ds(rg * 16, 16)]
            inv_v[pl.ds(16 + rg * 16, 16)] = 1.0 / jnp.maximum(cv, 1e-9)
            return carry
        jax.lax.fori_loop(0, SHARE // 16, invgrp, 0)

        def outchunk(c2, carry):
            ivec = inv_v[pl.ds(16 + c2 * ROW_CHUNK, 16)]

            def normrow(r, carry2):
                g = c2 * ROW_CHUNK + r
                inv = jnp.max(jnp.where(lanes == r, ivec, 0.0))
                for b2 in range(hv):
                    rows_v[r, pl.ds(b2 * 16, 16)] = (
                        accum_v[g, pl.ds(b2 * 16, 16)] * inv)
                return carry2
            jax.lax.fori_loop(0, ROW_CHUNK, normrow, 0)
            pltpu.sync_copy(
                rows_v,
                final_hbm.at[pl.ds(base + c2 * ROW_CHUNK, ROW_CHUNK)])
            return carry
        jax.lax.fori_loop(0, SHARE // ROW_CHUNK, outchunk, 0)
        return carry0

    jax.lax.fori_loop(0, N_PASS, do_pass, 0)


def _sc_scatter(flat_idx, cnt_partial, weighted_flat):
    n_entries, h = weighted_flat.shape
    mesh = plsc.VectorSubcoreMesh(core_axis_name="c", subcore_axis_name="s",
                                  num_cores=SC_CORES,
                                  num_subcores=SC_SUBCORES)
    f = pl.kernel(
        _sc_scatter_body,
        out_type=[jax.ShapeDtypeStruct((N_TOKENS, h), jnp.float32)],
        mesh=mesh,
        compiler_params=pltpu.CompilerParams(needs_layout_passes=False),
        scratch_types=[
            pltpu.VMEM((N_TOKENS,), jnp.int32),
            pltpu.VMEM((N_TOKENS + 16,), jnp.int32),
            pltpu.VMEM((16,), jnp.int32),
            pltpu.VMEM((SHARE,), jnp.float32),
            pltpu.VMEM((SHARE,), jnp.float32),
            pltpu.VMEM((16 + SHARE,), jnp.float32),
            pltpu.VMEM((SHARE + 1, HIDDEN), jnp.float32),
            pltpu.VMEM((ROW_CHUNK, HIDDEN), jnp.float32),
            pltpu.SemaphoreType.DMA,
        ],
    )
    (final,) = f(flat_idx, cnt_partial, weighted_flat)
    return final


def _ffn_body(nk, xe_ref, wg_ref, wu_ref, wd_ref, p_ref, out_ref):
    k = pl.program_id(1)
    xe = xe_ref[0].astype(jnp.bfloat16)
    wg = wg_ref[0].astype(jnp.bfloat16)
    wu = wu_ref[0].astype(jnp.bfloat16)
    g = jax.lax.dot_general(xe, wg, (((1,), (1,)), ((), ())),
                            preferred_element_type=jnp.float32)
    u = jax.lax.dot_general(xe, wu, (((1,), (1,)), ((), ())),
                            preferred_element_type=jnp.float32)
    hact = ((g * jax.nn.sigmoid(g)) * u).astype(jnp.bfloat16)
    wd = wd_ref[0].astype(jnp.bfloat16)
    o = jax.lax.dot_general(hact, wd, (((1,), (1,)), ((), ())),
                            preferred_element_type=jnp.float32)

    @pl.when(k == 0)
    def _():
        out_ref[0] = o

    @pl.when(k > 0)
    def _():
        out_ref[0] += o

    @pl.when(k == nk - 1)
    def _():
        out_ref[0] *= p_ref[0]


def _ffn(expert_in, gate_proj_w, up_proj_w, down_proj_w, top_probs):
    e, cap, h = expert_in.shape
    inter = gate_proj_w.shape[1]
    nk = inter // FFN_IC
    return pl.pallas_call(
        functools.partial(_ffn_body, nk),
        grid=(e, nk),
        in_specs=[
            pl.BlockSpec((1, cap, h), lambda ei, k: (ei, 0, 0)),
            pl.BlockSpec((1, FFN_IC, h), lambda ei, k: (ei, k, 0)),
            pl.BlockSpec((1, FFN_IC, h), lambda ei, k: (ei, k, 0)),
            pl.BlockSpec((1, h, FFN_IC), lambda ei, k: (ei, 0, k)),
            pl.BlockSpec((1, cap, 1), lambda ei, k: (ei, 0, 0)),
        ],
        out_specs=pl.BlockSpec((1, cap, h), lambda ei, k: (ei, 0, 0)),
        out_shape=jax.ShapeDtypeStruct((e, cap, h), jnp.float32),
    )(expert_in, gate_proj_w, up_proj_w, down_proj_w, top_probs[..., None])


def kernel(hidden_states, gate_w, gate_proj_w, up_proj_w, down_proj_w):
    b, seq, h = hidden_states.shape
    x = hidden_states.reshape(-1, h)
    n = x.shape[0]
    e = gate_w.shape[0]
    cap = max(n // e, 1)
    cap = min(cap, n)

    logits_t, m, s, aux_sum = _router(x, gate_w)
    params = _bisect(logits_t, m, s, cap)
    flat_idx, flat_probs, expert_in_flat, cnt_partial = _sc_compact(
        logits_t, params, x)

    top_idx = flat_idx.reshape(e, cap)
    top_probs = flat_probs.reshape(e, cap)
    expert_in = expert_in_flat.reshape(e, cap, h)

    weighted = _ffn(expert_in, gate_proj_w, up_proj_w, down_proj_w, top_probs)

    final = _sc_scatter(flat_idx, cnt_partial, weighted.reshape(-1, h))
    final = final.reshape(b, seq, h)

    aux_loss = (aux_sum.reshape(()) / n) * 0.001
    return final, aux_loss

# --- scband reference (transcript-rebuilt; emitter-appended) ---
"""Pipeline reference for scband-expert-choice-mo-elayer-1726576853054 (READ-ONLY COPY).

The authoritative reference and input builder live on the scoring server;
editing this copy changes nothing except your own understanding.
"""

import jax, jax.numpy as jnp
import numpy as np

HIDDEN = 768
INTER = 2048
NUM_EXPERTS = 64
CAPACITY_FACTOR = 1.0


def setup_inputs(seed: int = 0) -> dict:
    key = jax.random.key(seed)
    k1, k2, k3, k4, k5 = jax.random.split(key, 5)
    s = 0.02
    hidden_states = jax.random.normal(k1, (4, 8192, HIDDEN), dtype=jnp.float32)
    gate_w = jax.random.normal(k2, (NUM_EXPERTS, HIDDEN), dtype=jnp.float32) * s
    gate_proj_w = jax.random.normal(k3, (NUM_EXPERTS, INTER, HIDDEN), dtype=jnp.float32) * s
    up_proj_w = jax.random.normal(k4, (NUM_EXPERTS, INTER, HIDDEN), dtype=jnp.float32) * s
    down_proj_w = jax.random.normal(k5, (NUM_EXPERTS, HIDDEN, INTER), dtype=jnp.float32) * s
    return {
        'hidden_states': hidden_states,
        'gate_w': gate_w,
        'gate_proj_w': gate_proj_w,
        'up_proj_w': up_proj_w,
        'down_proj_w': down_proj_w,
    }


def reference(hidden_states, gate_w, gate_proj_w, up_proj_w, down_proj_w):
    B, S, H = hidden_states.shape
    x = hidden_states.reshape(-1, H)
    N = x.shape[0]
    E = gate_w.shape[0]
    # router
    router_logits = x @ gate_w.T  # [N, E]
    router_probs = jax.nn.softmax(router_logits, axis=0)  # softmax over tokens (expert choice)
    capacity = max(int(N * CAPACITY_FACTOR / E), 1)
    capacity = min(capacity, N)
    # experts choose their top-capacity tokens
    top_probs, top_idx = jax.lax.top_k(router_probs.T, capacity)  # [E, cap]
    expert_in = x[top_idx]  # gather -> [E, cap, H]
    gate = jax.nn.silu(jnp.einsum('ech,eih->eci', expert_in, gate_proj_w))
    up = jnp.einsum('ech,eih->eci', expert_in, up_proj_w)
    expert_out = jnp.einsum('eci,ehi->ech', gate * up, down_proj_w)  # [E, cap, H]
    weighted = top_probs[..., None] * expert_out
    flat_idx = top_idx.reshape(-1)
    final = jnp.zeros_like(x).at[flat_idx].add(weighted.reshape(-1, H))
    token_counts = jnp.zeros((N,), dtype=x.dtype).at[flat_idx].add(top_probs.reshape(-1))
    token_counts = jnp.clip(token_counts, 1e-9, None)
    final = final / token_counts[:, None]
    final = final.reshape(B, S, H)
    aux_loss = jnp.mean(jnp.square(jax.scipy.special.logsumexp(router_logits, axis=-1))) * 0.001
    return final, aux_loss

if __name__ == "__main__":
    import jax
    _d = setup_inputs()
    print(jax.jit(kernel)(*tuple(_d.values())))

</pallas_src>

<mosaic_0001>
#map = affine_map<(d0, d1) -> (0)>
#map1 = affine_map<(d0, d1) -> (0, 0)>
module attributes {stable_mosaic.version = 14 : i64} {
  func.func @_sc_compact_body(%arg0: i32, %arg1: i32, %arg2: memref<2097152xf32, #tpu.memory_space<hbm>>, %arg3: memref<64x16xf32, #tpu.memory_space<hbm>>, %arg4: memref<32768x768xf32, #tpu.memory_space<hbm>>, %arg5: memref<32768xi32, #tpu.memory_space<hbm>>, %arg6: memref<32768xf32, #tpu.memory_space<hbm>>, %arg7: memref<32768x768xf32, #tpu.memory_space<hbm>>, %arg8: memref<65536xf32, #tpu.memory_space<hbm>>, %arg9: memref<8192xf32, #tpu.memory_space<vmem>>, %arg10: memref<512xi32, #tpu.memory_space<vmem>>, %arg11: memref<512xf32, #tpu.memory_space<vmem>>, %arg12: memref<512xi32, #tpu.memory_space<vmem>>, %arg13: memref<512xf32, #tpu.memory_space<vmem>>, %arg14: memref<16xf32, #tpu.memory_space<vmem>>, %arg15: memref<32x768xf32, #tpu.memory_space<vmem>>, %arg16: memref<32768xf32, #tpu.memory_space<vmem>>, %arg17: memref<2048xf32, #tpu.memory_space<vmem>>, %arg18: memref<!tpu.dma_semaphore, #tpu.memory_space<semaphore_mem>>, %arg19: memref<!tpu.dma_semaphore, #tpu.memory_space<semaphore_mem>>, %arg20: memref<16x32768xf32, #tpu.memory_space<vmem_shared>>) attributes {dimension_semantics = [#tpu.dimension_semantics<core_parallel>, #tpu.dimension_semantics<subcore_parallel>], iteration_bounds = array<i64: 2, 16>, scalar_prefetch = 0 : i64, scratch_operands = 12 : i64, tpu.core_type = #tpu.core_type<sc_vector_subcore>, window_params = [{transform_indices = #map}, {transform_indices = #map1}, {transform_indices = #map1}, {transform_indices = #map}, {transform_indices = #map}, {transform_indices = #map1}, {transform_indices = #map}]} {
    %mul3A = arith.constant 2 : i32
    %mul3A_0 = arith.muli %arg1, %mul3A : i32
    %add3A = arith.addi %mul3A_0, %arg0 : i32
    %iota3A = tpu.iota {dimensions = array<i32: 0>} : vector<16xi32>
    %broadcast_in_dim3A = arith.constant 0.000000e+00 : f32
    %broadcast_in_dim3A_1 = vector.broadcast %broadcast_in_dim3A : f32 to vector<16xf32>
    %scan3A = arith.constant 0 : i32
    %scan3A_2 = arith.constant 0 : i32
    %scan3A_3 = arith.constant 2048 : i32
    %scan3A_4 = arith.addi %scan3A_2, %scan3A_3 : i32
    %scan3A_5 = arith.constant 1 : i32
    scf.for %scan3A_243 = %scan3A_2 to %scan3A_4 step %scan3A_5  : i32 {
      %mul3A_244 = arith.constant 16 : i32
      %mul3A_245 = arith.muli %scan3A_243, %mul3A_244 : i32
      %swap3A = arith.index_cast %mul3A_245 : i32 to index
      %swap3A_246 = tpu.vector_load %arg16[%swap3A] {strides = array<i32>} : memref<32768xf32, #tpu.memory_space<vmem>>, vector<16xf32>,
      tpu.vector_store %arg16[%swap3A], %broadcast_in_dim3A_1 {strides = array<i32>} : memref<32768xf32, #tpu.memory_space<vmem>>, vector<16xf32>,
    }
    %scan3A_6 = arith.constant 2048 : i32
    %mul3A_7 = arith.constant 2 : i32
    %mul3A_8 = arith.muli %add3A, %mul3A_7 : i32
    %add3A_9 = arith.constant 0 : i32
    %add3A_10 = arith.addi %mul3A_8, %add3A_9 : i32
    "tpu.region"() ({
      %run_scoped3A_243 = tpu.sem_alloc : memref<!tpu.dma_semaphore, #tpu.memory_space<semaphore_mem>>
      %dma_start3A = arith.constant 0 : i32
      %dma_start3A_244 = tpu.memref_slice %arg3[%add3A_10, %dma_start3A] : memref<64x16xf32, #tpu.memory_space<hbm>> -> memref<1x16xf32, #tpu.memory_space<hbm>>
      %dma_start3A_245 = tpu.memref_squeeze %dma_start3A_244 : memref<1x16xf32, #tpu.memory_space<hbm>> -> memref<16xf32, #tpu.memory_space<hbm>>
      %dma_start3A_246 = arith.constant 0 : i32
      %dma_start3A_247 = tpu.memref_slice %arg3[%add3A_10, %dma_start3A_246] : memref<64x16xf32, #tpu.memory_space<hbm>> -> memref<1x16xf32, #tpu.memory_space<hbm>>
      %dma_start3A_248 = tpu.memref_squeeze %dma_start3A_247 : memref<1x16xf32, #tpu.memory_space<hbm>> -> memref<16xf32, #tpu.memory_space<hbm>>
      tpu.enqueue_dma source(%dma_start3A_248 : memref<16xf32, #tpu.memory_space<hbm>>) target(%arg14 : memref<16xf32, #tpu.memory_space<vmem>>) target_semaphore(%run_scoped3A_243 : memref<!tpu.dma_semaphore, #tpu.memory_space<semaphore_mem>>)
      %dma_wait3A = arith.constant 0 : i32
      %dma_wait3A_249 = tpu.memref_slice %arg3[%add3A_10, %dma_wait3A] : memref<64x16xf32, #tpu.memory_space<hbm>> -> memref<1x16xf32, #tpu.memory_space<hbm>>
      %dma_wait3A_250 = tpu.memref_squeeze %dma_wait3A_249 : memref<1x16xf32, #tpu.memory_space<hbm>> -> memref<16xf32, #tpu.memory_space<hbm>>
      %dma_wait3A_251 = arith.constant 0 : i32
      %dma_wait3A_252 = tpu.memref_slice %arg3[%add3A_10, %dma_wait3A_251] : memref<64x16xf32, #tpu.memory_space<hbm>> -> memref<1x16xf32, #tpu.memory_space<hbm>>
      %dma_wait3A_253 = tpu.memref_squeeze %dma_wait3A_252 : memref<1x16xf32, #tpu.memory_space<hbm>> -> memref<16xf32, #tpu.memory_space<hbm>>
      tpu.wait_dma2 semaphore(%run_scoped3A_243 : memref<!tpu.dma_semaphore, #tpu.memory_space<semaphore_mem>>) src(%dma_wait3A_253 : memref<16xf32, #tpu.memory_space<hbm>>) dst(%arg14 : memref<16xf32, #tpu.memory_space<vmem>>)
      tpu.yield
    }) : () -> ()
    %broadcast_in_dim3A_11 = arith.constant 1 : i32
    %broadcast_in_dim3A_12 = vector.broadcast %broadcast_in_dim3A_11 : i32 to vector<16xi32>
    %gather3A = tpu.vector_load_idx %arg14[%broadcast_in_dim3A_12] : memref<16xf32, #tpu.memory_space<vmem>>[vector<16xi32>], vector<16xf32>,
    %broadcast_in_dim3A_13 = arith.constant 2 : i32
    %broadcast_in_dim3A_14 = vector.broadcast %broadcast_in_dim3A_13 : i32 to vector<16xi32>
    %gather3A_15 = tpu.vector_load_idx %arg14[%broadcast_in_dim3A_14] : memref<16xf32, #tpu.memory_space<vmem>>[vector<16xi32>], vector<16xf32>,
    %broadcast_in_dim3A_16 = arith.constant 3 : i32
    %broadcast_in_dim3A_17 = vector.broadcast %broadcast_in_dim3A_16 : i32 to vector<16xi32>
    %gather3A_18 = tpu.vector_load_idx %arg14[%broadcast_in_dim3A_17] : memref<16xf32, #tpu.memory_space<vmem>>[vector<16xi32>], vector<16xf32>,
    %broadcast_in_dim3A_19 = arith.constant 0 : i32
    %broadcast_in_dim3A_20 = vector.broadcast %broadcast_in_dim3A_19 : i32 to vector<16xi32>
    %scan3A_21 = arith.constant 0 : i32
    %scan3A_22 = arith.constant 4 : i32
    %scan3A_23 = arith.addi %scan3A_21, %scan3A_22 : i32
    %scan3A_24 = arith.constant 1 : i32
    %scan3A_25:2 = scf.for %scan3A_243 = %scan3A_21 to %scan3A_23 step %scan3A_24 iter_args(%scan3A_244 = %broadcast_in_dim3A_20, %scan3A_245 = %broadcast_in_dim3A_20) -> (vector<16xi32>, vector<16xi32>)  : i32 {
      %mul3A_246 = arith.constant 32768 : i32
      %mul3A_247 = arith.muli %add3A_10, %mul3A_246 : i32
      %mul3A_248 = arith.constant 8192 : i32
      %mul3A_249 = arith.muli %scan3A_243, %mul3A_248 : i32
      %add3A_250 = arith.addi %mul3A_247, %mul3A_249 : i32
      "tpu.region"() ({
        %run_scoped3A_257 = tpu.sem_alloc : memref<!tpu.dma_semaphore, #tpu.memory_space<semaphore_mem>>
        %dma_start3A = tpu.memref_slice %arg2[%add3A_250] : memref<2097152xf32, #tpu.memory_space<hbm>> -> memref<8192xf32, #tpu.memory_space<hbm>>
        %dma_start3A_258 = tpu.memref_slice %arg2[%add3A_250] : memref<2097152xf32, #tpu.memory_space<hbm>> -> memref<8192xf32, #tpu.memory_space<hbm>>
        tpu.enqueue_dma source(%dma_start3A_258 : memref<8192xf32, #tpu.memory_space<hbm>>) target(%arg9 : memref<8192xf32, #tpu.memory_space<vmem>>) target_semaphore(%run_scoped3A_257 : memref<!tpu.dma_semaphore, #tpu.memory_space<semaphore_mem>>)
        %dma_wait3A = tpu.memref_slice %arg2[%add3A_250] : memref<2097152xf32, #tpu.memory_space<hbm>> -> memref<8192xf32, #tpu.memory_space<hbm>>
        %dma_wait3A_259 = tpu.memref_slice %arg2[%add3A_250] : memref<2097152xf32, #tpu.memory_space<hbm>> -> memref<8192xf32, #tpu.memory_space<hbm>>
        tpu.wait_dma2 semaphore(%run_scoped3A_257 : memref<!tpu.dma_semaphore, #tpu.memory_space<semaphore_mem>>) src(%dma_wait3A_259 : memref<8192xf32, #tpu.memory_space<hbm>>) dst(%arg9 : memref<8192xf32, #tpu.memory_space<vmem>>)
        tpu.yield
      }) : () -> ()
      %scan3A_251 = arith.constant 0 : i32
      %scan3A_252 = arith.constant 512 : i32
      %scan3A_253 = arith.addi %scan3A_251, %scan3A_252 : i32
      %scan3A_254 = arith.constant 1 : i32
      %scan3A_255:2 = scf.for %scan3A_257 = %scan3A_251 to %scan3A_253 step %scan3A_254 iter_args(%scan3A_258 = %scan3A_244, %scan3A_259 = %scan3A_245) -> (vector<16xi32>, vector<16xi32>)  : i32 {
        %mul3A_260 = arith.constant 16 : i32
        %mul3A_261 = arith.muli %scan3A_257, %mul3A_260 : i32
        %get3A = arith.index_cast %mul3A_261 : i32 to index
        %get3A_262 = tpu.vector_load %arg9[%get3A] {strides = array<i32>} : memref<8192xf32, #tpu.memory_space<vmem>>, vector<16xf32>,
        %mul3A_263 = arith.constant 8192 : i32
        %mul3A_264 = arith.muli %scan3A_243, %mul3A_263 : i32
        %mul3A_265 = arith.constant 16 : i32
        %mul3A_266 = arith.muli %scan3A_257, %mul3A_265 : i32
        %add3A_267 = arith.addi %mul3A_264, %mul3A_266 : i32
        %add3A_268 = vector.broadcast %add3A_267 : i32 to vector<16xi32>
        %add3A_269 = arith.addi %iota3A, %add3A_268 : vector<16xi32>
        %gt3A = arith.cmpf ogt, %get3A_262, %gather3A : vector<16xf32>
        %eq3A = arith.cmpf oeq, %get3A_262, %gather3A : vector<16xf32>
        %sub3A_270 = arith.subf %get3A_262, %gather3A_15 : vector<16xf32>
        %exp3A = math.exp %sub3A_270 : vector<16xf32>
        %mul3A_271 = arith.mulf %exp3A, %gather3A_18 : vector<16xf32>
        %jit3A = arith.constant 1 : i32
        %jit3A_272 = arith.constant 0 : i32
        %broadcast_in_dim3A_273 = vector.broadcast %jit3A : i32 to vector<16xi32>
        %broadcast_in_dim3A_274 = vector.broadcast %jit3A_272 : i32 to vector<16xi32>
        %select_n3A = arith.select %gt3A, %broadcast_in_dim3A_273, %broadcast_in_dim3A_274 : vector<16xi1>, vector<16xi32>
        %broadcast_in_dim3A_275 = arith.constant true
        %broadcast_in_dim3A_276 = vector.broadcast %broadcast_in_dim3A_275 : i1 to vector<16xi1>
        %masked_cumsum3A = tpu.scan <sum>, %select_n3A masked %broadcast_in_dim3A_276 : vector<16xi32>, vector<16xi1> -> vector<16xi32>
        %add3A_277 = arith.addi %scan3A_258, %masked_cumsum3A : vector<16xi32>
        %sub3A_278 = arith.constant 1 : i32
        %sub3A_279 = vector.broadcast %sub3A_278 : i32 to vector<16xi32>
        %sub3A_280 = arith.subi %add3A_277, %sub3A_279 : vector<16xi32>
        tpu.vector_store_idx %arg10[%sub3A_280], %add3A_269 masked %gt3A : memref<512xi32, #tpu.memory_space<vmem>>[vector<16xi32>], vector<16xi32>, vector<16xi1>
        tpu.vector_store_idx %arg11[%sub3A_280], %mul3A_271 masked %gt3A : memref<512xf32, #tpu.memory_space<vmem>>[vector<16xi32>], vector<16xf32>, vector<16xi1>
        tpu.vector_store_idx %arg16[%add3A_269], %mul3A_271 masked %gt3A {add = true} : memref<32768xf32, #tpu.memory_space<vmem>>[vector<16xi32>], vector<16xf32>, vector<16xi1>
        %jit3A_281 = arith.constant 1 : i32
        %jit3A_282 = arith.constant 0 : i32
        %broadcast_in_dim3A_283 = vector.broadcast %jit3A_281 : i32 to vector<16xi32>
        %broadcast_in_dim3A_284 = vector.broadcast %jit3A_282 : i32 to vector<16xi32>
        %select_n3A_285 = arith.select %eq3A, %broadcast_in_dim3A_283, %broadcast_in_dim3A_284 : vector<16xi1>, vector<16xi32>
        %broadcast_in_dim3A_286 = arith.constant true
        %broadcast_in_dim3A_287 = vector.broadcast %broadcast_in_dim3A_286 : i1 to vector<16xi1>
        %masked_cumsum3A_288 = tpu.scan <sum>, %select_n3A_285 masked %broadcast_in_dim3A_287 : vector<16xi32>, vector<16xi1> -> vector<16xi32>
        %add3A_289 = arith.addi %scan3A_259, %masked_cumsum3A_288 : vector<16xi32>
        %sub3A_290 = arith.constant 1 : i32
        %sub3A_291 = vector.broadcast %sub3A_290 : i32 to vector<16xi32>
        %sub3A_292 = arith.subi %add3A_289, %sub3A_291 : vector<16xi32>
        %lt3A = arith.constant 512 : i32
        %lt3A_293 = vector.broadcast %lt3A : i32 to vector<16xi32>
        %lt3A_294 = arith.cmpi slt, %sub3A_292, %lt3A_293 : vector<16xi32>
        %and3A = arith.andi %eq3A, %lt3A_294 : vector<16xi1>
        tpu.vector_store_idx %arg12[%sub3A_292], %add3A_269 masked %and3A : memref<512xi32, #tpu.memory_space<vmem>>[vector<16xi32>], vector<16xi32>, vector<16xi1>
        tpu.vector_store_idx %arg13[%sub3A_292], %mul3A_271 masked %and3A : memref<512xf32, #tpu.memory_space<vmem>>[vector<16xi32>], vector<16xf32>, vector<16xi1>
        %all_reduce_population_count3A = tpu.all_reduce %gt3A {dim = 0 : i64, kind = #tpu.reduction_kind<sum>} : vector<16xi1> -> vector<16xi32>
        %add3A_295 = arith.addi %scan3A_258, %all_reduce_population_count3A : vector<16xi32>
        %all_reduce_population_count3A_296 = tpu.all_reduce %eq3A {dim = 0 : i64, kind = #tpu.reduction_kind<sum>} : vector<16xi1> -> vector<16xi32>
        %add3A_297 = arith.addi %scan3A_259, %all_reduce_population_count3A_296 : vector<16xi32>
        scf.yield %add3A_295, %add3A_297 : vector<16xi32>, vector<16xi32>
      }
      %scan3A_256 = arith.constant 512 : i32
      scf.yield %scan3A_255#0, %scan3A_255#1 : vector<16xi32>, vector<16xi32>
    }
    %scan3A_26 = arith.constant 4 : i32
    %sub3A = arith.constant 512 : i32
    %sub3A_27 = vector.broadcast %sub3A : i32 to vector<16xi32>
    %sub3A_28 = arith.subi %sub3A_27, %scan3A_25#0 : vector<16xi32>
    %scan3A_29 = arith.constant 0 : i32
    %scan3A_30 = arith.constant 0 : i32
    %scan3A_31 = arith.constant 32 : i32
    %scan3A_32 = arith.addi %scan3A_30, %scan3A_31 : i32
    %scan3A_33 = arith.constant 1 : i32
    %scan3A_34 = scf.for %scan3A_243 = %scan3A_30 to %scan3A_32 step %scan3A_33 iter_args(%scan3A_244 = %scan3A_29) -> (i32)  : i32 {
      %mul3A_245 = arith.constant 16 : i32
      %mul3A_246 = arith.muli %scan3A_243, %mul3A_245 : i32
      %add3A_247 = vector.broadcast %mul3A_246 : i32 to vector<16xi32>
      %add3A_248 = arith.addi %add3A_247, %iota3A : vector<16xi32>
      %lt3A = arith.cmpi slt, %add3A_248, %sub3A_28 : vector<16xi32>
      %mul3A_249 = arith.constant 16 : i32
      %mul3A_250 = arith.muli %scan3A_243, %mul3A_249 : i32
      %get3A = arith.index_cast %mul3A_250 : i32 to index
      %get3A_251 = tpu.vector_load %arg12[%get3A] {strides = array<i32>} : memref<512xi32, #tpu.memory_space<vmem>>, vector<16xi32>,
      %mul3A_252 = arith.constant 16 : i32
      %mul3A_253 = arith.muli %scan3A_243, %mul3A_252 : i32
      %get3A_254 = arith.index_cast %mul3A_253 : i32 to index
      %get3A_255 = tpu.vector_load %arg13[%get3A_254] {strides = array<i32>} : memref<512xf32, #tpu.memory_space<vmem>>, vector<16xf32>,
      %add3A_256 = arith.addi %scan3A_25#0, %add3A_248 : vector<16xi32>
      tpu.vector_store_idx %arg10[%add3A_256], %get3A_251 masked %lt3A : memref<512xi32, #tpu.memory_space<vmem>>[vector<16xi32>], vector<16xi32>, vector<16xi1>
      tpu.vector_store_idx %arg11[%add3A_256], %get3A_255 masked %lt3A : memref<512xf32, #tpu.memory_space<vmem>>[vector<16xi32>], vector<16xf32>, vector<16xi1>
      tpu.vector_store_idx %arg16[%get3A_251], %get3A_255 masked %lt3A {add = true} : memref<32768xf32, #tpu.memory_space<vmem>>[vector<16xi32>], vector<16xf32>, vector<16xi1>
      %scan3A_257 = arith.constant 0 : i32
      scf.yield %scan3A_257 : i32
    }
    %scan3A_35 = arith.constant 32 : i32
    %mul3A_36 = arith.constant 512 : i32
    %mul3A_37 = arith.muli %add3A_10, %mul3A_36 : i32
    "tpu.region"() ({
      %run_scoped3A_243 = tpu.sem_alloc : memref<!tpu.dma_semaphore, #tpu.memory_space<semaphore_mem>>
      %dma_start3A = tpu.memref_slice %arg5[%mul3A_37] : memref<32768xi32, #tpu.memory_space<hbm>> -> memref<512xi32, #tpu.memory_space<hbm>>
      %dma_start3A_244 = tpu.memref_slice %arg5[%mul3A_37] : memref<32768xi32, #tpu.memory_space<hbm>> -> memref<512xi32, #tpu.memory_space<hbm>>
      tpu.enqueue_dma source(%arg10 : memref<512xi32, #tpu.memory_space<vmem>>) target(%dma_start3A_244 : memref<512xi32, #tpu.memory_space<hbm>>) target_semaphore(%run_scoped3A_243 : memref<!tpu.dma_semaphore, #tpu.memory_space<semaphore_mem>>)
      %dma_wait3A = tpu.memref_slice %arg5[%mul3A_37] : memref<32768xi32, #tpu.memory_space<hbm>> -> memref<512xi32, #tpu.memory_space<hbm>>
      %dma_wait3A_245 = tpu.memref_slice %arg5[%mul3A_37] : memref<32768xi32, #tpu.memory_space<hbm>> -> memref<512xi32, #tpu.memory_space<hbm>>
      tpu.wait_dma2 semaphore(%run_scoped3A_243 : memref<!tpu.dma_semaphore, #tpu.memory_space<semaphore_mem>>) src(%arg10 : memref<512xi32, #tpu.memory_space<vmem>>) dst(%dma_wait3A_245 : memref<512xi32, #tpu.memory_space<hbm>>)
      tpu.yield
    }) : () -> ()
    %mul3A_38 = arith.constant 512 : i32
    %mul3A_39 = arith.muli %add3A_10, %mul3A_38 : i32
    "tpu.region"() ({
      %run_scoped3A_243 = tpu.sem_alloc : memref<!tpu.dma_semaphore, #tpu.memory_space<semaphore_mem>>
      %dma_start3A = tpu.memref_slice %arg6[%mul3A_39] : memref<32768xf32, #tpu.memory_space<hbm>> -> memref<512xf32, #tpu.memory_space<hbm>>
      %dma_start3A_244 = tpu.memref_slice %arg6[%mul3A_39] : memref<32768xf32, #tpu.memory_space<hbm>> -> memref<512xf32, #tpu.memory_space<hbm>>
      tpu.enqueue_dma source(%arg11 : memref<512xf32, #tpu.memory_space<vmem>>) target(%dma_start3A_244 : memref<512xf32, #tpu.memory_space<hbm>>) target_semaphore(%run_scoped3A_243 : memref<!tpu.dma_semaphore, #tpu.memory_space<semaphore_mem>>)
      %dma_wait3A = tpu.memref_slice %arg6[%mul3A_39] : memref<32768xf32, #tpu.memory_space<hbm>> -> memref<512xf32, #tpu.memory_space<hbm>>
      %dma_wait3A_245 = tpu.memref_slice %arg6[%mul3A_39] : memref<32768xf32, #tpu.memory_space<hbm>> -> memref<512xf32, #tpu.memory_space<hbm>>
      tpu.wait_dma2 semaphore(%run_scoped3A_243 : memref<!tpu.dma_semaphore, #tpu.memory_space<semaphore_mem>>) src(%arg11 : memref<512xf32, #tpu.memory_space<vmem>>) dst(%dma_wait3A_245 : memref<512xf32, #tpu.memory_space<hbm>>)
      tpu.yield
    }) : () -> ()
    %scan3A_40 = arith.constant 0 : i32
    %scan3A_41 = arith.constant 0 : i32
    %scan3A_42 = arith.constant 16 : i32
    %scan3A_43 = arith.addi %scan3A_41, %scan3A_42 : i32
    %scan3A_44 = arith.constant 1 : i32
    %scan3A_45 = scf.for %scan3A_243 = %scan3A_41 to %scan3A_43 step %scan3A_44 iter_args(%scan3A_244 = %scan3A_40) -> (i32)  : i32 {
      %mul3A_245 = arith.constant 32 : i32
      %mul3A_246 = arith.muli %scan3A_243, %mul3A_245 : i32
      %dma_start3A = tpu.memref_slice %arg10[%mul3A_246] : memref<512xi32, #tpu.memory_space<vmem>> -> memref<32xi32, #tpu.memory_space<vmem>>
      %dma_start3A_247 = arith.constant 0 : i32
      %dma_start3A_248 = arith.constant 0 : i32
      %dma_start3A_249 = tpu.memref_slice %arg4[%dma_start3A_247, %dma_start3A_248] : memref<32768x768xf32, #tpu.memory_space<hbm>> -> memref<32768x768xf32, #tpu.memory_space<hbm>>
      tpu.enqueue_indirect_dma source(%dma_start3A_249 : memref<32768x768xf32, #tpu.memory_space<hbm>>) target(%arg15 : memref<32x768xf32, #tpu.memory_space<vmem>>) offsets(%dma_start3A : memref<32xi32, #tpu.memory_space<vmem>>) semaphore(%arg18 : memref<!tpu.dma_semaphore, #tpu.memory_space<semaphore_mem>>)
      %dma_wait3A = tpu.memref_slice %arg10[%mul3A_246] : memref<512xi32, #tpu.memory_space<vmem>> -> memref<32xi32, #tpu.memory_space<vmem>>
      %dma_wait3A_250 = arith.constant 0 : i32
      %dma_wait3A_251 = arith.constant 0 : i32
      %dma_wait3A_252 = tpu.memref_slice %arg4[%dma_wait3A_250, %dma_wait3A_251] : memref<32768x768xf32, #tpu.memory_space<hbm>> -> memref<32768x768xf32, #tpu.memory_space<hbm>>
      tpu.wait_indirect_dma semaphore(%arg18 : memref<!tpu.dma_semaphore, #tpu.memory_space<semaphore_mem>>) src(%dma_wait3A_252 : memref<32768x768xf32, #tpu.memory_space<hbm>>) dst(%arg15 : memref<32x768xf32, #tpu.memory_space<vmem>>)
      %mul3A_253 = arith.constant 512 : i32
      %mul3A_254 = arith.muli %add3A_10, %mul3A_253 : i32
      %mul3A_255 = arith.constant 32 : i32
      %mul3A_256 = arith.muli %scan3A_243, %mul3A_255 : i32
      %add3A_257 = arith.addi %mul3A_254, %mul3A_256 : i32
      "tpu.region"() ({
        %run_scoped3A_259 = tpu.sem_alloc : memref<!tpu.dma_semaphore, #tpu.memory_space<semaphore_mem>>
        %dma_start3A_260 = arith.constant 0 : i32
        %dma_start3A_261 = tpu.memref_slice %arg7[%add3A_257, %dma_start3A_260] : memref<32768x768xf32, #tpu.memory_space<hbm>> -> memref<32x768xf32, #tpu.memory_space<hbm>>
        %dma_start3A_262 = arith.constant 0 : i32
        %dma_start3A_263 = tpu.memref_slice %arg7[%add3A_257, %dma_start3A_262] : memref<32768x768xf32, #tpu.memory_space<hbm>> -> memref<32x768xf32, #tpu.memory_space<hbm>>
        tpu.enqueue_dma source(%arg15 : memref<32x768xf32, #tpu.memory_space<vmem>>) target(%dma_start3A_263 : memref<32x768xf32, #tpu.memory_space<hbm>>) target_semaphore(%run_scoped3A_259 : memref<!tpu.dma_semaphore, #tpu.memory_space<semaphore_mem>>)
        %dma_wait3A_264 = arith.constant 0 : i32
        %dma_wait3A_265 = tpu.memref_slice %arg7[%add3A_257, %dma_wait3A_264] : memref<32768x768xf32, #tpu.memory_space<hbm>> -> memref<32x768xf32, #tpu.memory_space<hbm>>
        %dma_wait3A_266 = arith.constant 0 : i32
        %dma_wait3A_267 = tpu.memref_slice %arg7[%add3A_257, %dma_wait3A_266] : memref<32768x768xf32, #tpu.memory_space<hbm>> -> memref<32x768xf32, #tpu.memory_space<hbm>>
        tpu.wait_dma2 semaphore(%run_scoped3A_259 : memref<!tpu.dma_semaphore, #tpu.memory_space<semaphore_mem>>) src(%arg15 : memref<32x768xf32, #tpu.memory_space<vmem>>) dst(%dma_wait3A_267 : memref<32x768xf32, #tpu.memory_space<hbm>>)
        tpu.yield
      }) : () -> ()
      %scan3A_258 = arith.constant 0 : i32
      scf.yield %scan3A_258 : i32
    }
    %scan3A_46 = arith.constant 16 : i32
    %mul3A_47 = arith.constant 2 : i32
    %mul3A_48 = arith.muli %add3A, %mul3A_47 : i32
    %add3A_49 = arith.constant 1 : i32
    %add3A_50 = arith.addi %mul3A_48, %add3A_49 : i32
    "tpu.region"() ({
      %run_scoped3A_243 = tpu.sem_alloc : memref<!tpu.dma_semaphore, #tpu.memory_space<semaphore_mem>>
      %dma_start3A = arith.constant 0 : i32
      %dma_start3A_244 = tpu.memref_slice %arg3[%add3A_50, %dma_start3A] : memref<64x16xf32, #tpu.memory_space<hbm>> -> memref<1x16xf32, #tpu.memory_space<hbm>>
      %dma_start3A_245 = tpu.memref_squeeze %dma_start3A_244 : memref<1x16xf32, #tpu.memory_space<hbm>> -> memref<16xf32, #tpu.memory_space<hbm>>
      %dma_start3A_246 = arith.constant 0 : i32
      %dma_start3A_247 = tpu.memref_slice %arg3[%add3A_50, %dma_start3A_246] : memref<64x16xf32, #tpu.memory_space<hbm>> -> memref<1x16xf32, #tpu.memory_space<hbm>>
      %dma_start3A_248 = tpu.memref_squeeze %dma_start3A_247 : memref<1x16xf32, #tpu.memory_space<hbm>> -> memref<16xf32, #tpu.memory_space<hbm>>
      tpu.enqueue_dma source(%dma_start3A_248 : memref<16xf32, #tpu.memory_space<hbm>>) target(%arg14 : memref<16xf32, #tpu.memory_space<vmem>>) target_semaphore(%run_scoped3A_243 : memref<!tpu.dma_semaphore, #tpu.memory_space<semaphore_mem>>)
      %dma_wait3A = arith.constant 0 : i32
      %dma_wait3A_249 = tpu.memref_slice %arg3[%add3A_50, %dma_wait3A] : memref<64x16xf32, #tpu.memory_space<hbm>> -> memref<1x16xf32, #tpu.memory_space<hbm>>
      %dma_wait3A_250 = tpu.memref_squeeze %dma_wait3A_249 : memref<1x16xf32, #tpu.memory_space<hbm>> -> memref<16xf32, #tpu.memory_space<hbm>>
      %dma_wait3A_251 = arith.constant 0 : i32
      %dma_wait3A_252 = tpu.memref_slice %arg3[%add3A_50, %dma_wait3A_251] : memref<64x16xf32, #tpu.memory_space<hbm>> -> memref<1x16xf32, #tpu.memory_space<hbm>>
      %dma_wait3A_253 = tpu.memref_squeeze %dma_wait3A_252 : memref<1x16xf32, #tpu.memory_space<hbm>> -> memref<16xf32, #tpu.memory_space<hbm>>
      tpu.wait_dma2 semaphore(%run_scoped3A_243 : memref<!tpu.dma_semaphore, #tpu.memory_space<semaphore_mem>>) src(%dma_wait3A_253 : memref<16xf32, #tpu.memory_space<hbm>>) dst(%arg14 : memref<16xf32, #tpu.memory_space<vmem>>)
      tpu.yield
    }) : () -> ()
    %broadcast_in_dim3A_51 = arith.constant 1 : i32
    %broadcast_in_dim3A_52 = vector.broadcast %broadcast_in_dim3A_51 : i32 to vector<16xi32>
    %gather3A_53 = tpu.vector_load_idx %arg14[%broadcast_in_dim3A_52] : memref<16xf32, #tpu.memory_space<vmem>>[vector<16xi32>], vector<16xf32>,
    %broadcast_in_dim3A_54 = arith.constant 2 : i32
    %broadcast_in_dim3A_55 = vector.broadcast %broadcast_in_dim3A_54 : i32 to vector<16xi32>
    %gather3A_56 = tpu.vector_load_idx %arg14[%broadcast_in_dim3A_55] : memref<16xf32, #tpu.memory_space<vmem>>[vector<16xi32>], vector<16xf32>,
    %broadcast_in_dim3A_57 = arith.constant 3 : i32
    %broadcast_in_dim3A_58 = vector.broadcast %broadcast_in_dim3A_57 : i32 to vector<16xi32>
    %gather3A_59 = tpu.vector_load_idx %arg14[%broadcast_in_dim3A_58] : memref<16xf32, #tpu.memory_space<vmem>>[vector<16xi32>], vector<16xf32>,
    %broadcast_in_dim3A_60 = arith.constant 0 : i32
    %broadcast_in_dim3A_61 = vector.broadcast %broadcast_in_dim3A_60 : i32 to vector<16xi32>
    %scan3A_62 = arith.constant 0 : i32
    %scan3A_63 = arith.constant 4 : i32
    %scan3A_64 = arith.addi %scan3A_62, %scan3A_63 : i32
    %scan3A_65 = arith.constant 1 : i32
    %scan3A_66:2 = scf.for %scan3A_243 = %scan3A_62 to %scan3A_64 step %scan3A_65 iter_args(%scan3A_244 = %broadcast_in_dim3A_61, %scan3A_245 = %broadcast_in_dim3A_61) -> (vector<16xi32>, vector<16xi32>)  : i32 {
      %mul3A_246 = arith.constant 32768 : i32
      %mul3A_247 = arith.muli %add3A_50, %mul3A_246 : i32
      %mul3A_248 = arith.constant 8192 : i32
      %mul3A_249 = arith.muli %scan3A_243, %mul3A_248 : i32
      %add3A_250 = arith.addi %mul3A_247, %mul3A_249 : i32
      "tpu.region"() ({
        %run_scoped3A_257 = tpu.sem_alloc : memref<!tpu.dma_semaphore, #tpu.memory_space<semaphore_mem>>
        %dma_start3A = tpu.memref_slice %arg2[%add3A_250] : memref<2097152xf32, #tpu.memory_space<hbm>> -> memref<8192xf32, #tpu.memory_space<hbm>>
        %dma_start3A_258 = tpu.memref_slice %arg2[%add3A_250] : memref<2097152xf32, #tpu.memory_space<hbm>> -> memref<8192xf32, #tpu.memory_space<hbm>>
        tpu.enqueue_dma source(%dma_start3A_258 : memref<8192xf32, #tpu.memory_space<hbm>>) target(%arg9 : memref<8192xf32, #tpu.memory_space<vmem>>) target_semaphore(%run_scoped3A_257 : memref<!tpu.dma_semaphore, #tpu.memory_space<semaphore_mem>>)
        %dma_wait3A = tpu.memref_slice %arg2[%add3A_250] : memref<2097152xf32, #tpu.memory_space<hbm>> -> memref<8192xf32, #tpu.memory_space<hbm>>
        %dma_wait3A_259 = tpu.memref_slice %arg2[%add3A_250] : memref<2097152xf32, #tpu.memory_space<hbm>> -> memref<8192xf32, #tpu.memory_space<hbm>>
        tpu.wait_dma2 semaphore(%run_scoped3A_257 : memref<!tpu.dma_semaphore, #tpu.memory_space<semaphore_mem>>) src(%dma_wait3A_259 : memref<8192xf32, #tpu.memory_space<hbm>>) dst(%arg9 : memref<8192xf32, #tpu.memory_space<vmem>>)
        tpu.yield
      }) : () -> ()
      %scan3A_251 = arith.constant 0 : i32
      %scan3A_252 = arith.constant 512 : i32
      %scan3A_253 = arith.addi %scan3A_251, %scan3A_252 : i32
      %scan3A_254 = arith.constant 1 : i32
      %scan3A_255:2 = scf.for %scan3A_257 = %scan3A_251 to %scan3A_253 step %scan3A_254 iter_args(%scan3A_258 = %scan3A_244, %scan3A_259 = %scan3A_245) -> (vector<16xi32>, vector<16xi32>)  : i32 {
        %mul3A_260 = arith.constant 16 : i32
        %mul3A_261 = arith.muli %scan3A_257, %mul3A_260 : i32
        %get3A = arith.index_cast %mul3A_261 : i32 to index
        %get3A_262 = tpu.vector_load %arg9[%get3A] {strides = array<i32>} : memref<8192xf32, #tpu.memory_space<vmem>>, vector<16xf32>,
        %mul3A_263 = arith.constant 8192 : i32
        %mul3A_264 = arith.muli %scan3A_243, %mul3A_263 : i32
        %mul3A_265 = arith.constant 16 : i32
        %mul3A_266 = arith.muli %scan3A_257, %mul3A_265 : i32
        %add3A_267 = arith.addi %mul3A_264, %mul3A_266 : i32
        %add3A_268 = vector.broadcast %add3A_267 : i32 to vector<16xi32>
        %add3A_269 = arith.addi %iota3A, %add3A_268 : vector<16xi32>
        %gt3A = arith.cmpf ogt, %get3A_262, %gather3A_53 : vector<16xf32>
        %eq3A = arith.cmpf oeq, %get3A_262, %gather3A_53 : vector<16xf32>
        %sub3A_270 = arith.subf %get3A_262, %gather3A_56 : vector<16xf32>
        %exp3A = math.exp %sub3A_270 : vector<16xf32>
        %mul3A_271 = arith.mulf %exp3A, %gather3A_59 : vector<16xf32>
        %jit3A = arith.constant 1 : i32
        %jit3A_272 = arith.constant 0 : i32
        %broadcast_in_dim3A_273 = vector.broadcast %jit3A : i32 to vector<16xi32>
        %broadcast_in_dim3A_274 = vector.broadcast %jit3A_272 : i32 to vector<16xi32>
        %select_n3A = arith.select %gt3A, %broadcast_in_dim3A_273, %broadcast_in_dim3A_274 : vector<16xi1>, vector<16xi32>
        %broadcast_in_dim3A_275 = arith.constant true
        %broadcast_in_dim3A_276 = vector.broadcast %broadcast_in_dim3A_275 : i1 to vector<16xi1>
        %masked_cumsum3A = tpu.scan <sum>, %select_n3A masked %broadcast_in_dim3A_276 : vector<16xi32>, vector<16xi1> -> vector<16xi32>
        %add3A_277 = arith.addi %scan3A_258, %masked_cumsum3A : vector<16xi32>
        %sub3A_278 = arith.constant 1 : i32
        %sub3A_279 = vector.broadcast %sub3A_278 : i32 to vector<16xi32>
        %sub3A_280 = arith.subi %add3A_277, %sub3A_279 : vector<16xi32>
        tpu.vector_store_idx %arg10[%sub3A_280], %add3A_269 masked %gt3A : memref<512xi32, #tpu.memory_space<vmem>>[vector<16xi32>], vector<16xi32>, vector<16xi1>
        tpu.vector_store_idx %arg11[%sub3A_280], %mul3A_271 masked %gt3A : memref<512xf32, #tpu.memory_space<vmem>>[vector<16xi32>], vector<16xf32>, vector<16xi1>
        tpu.vector_store_idx %arg16[%add3A_269], %mul3A_271 masked %gt3A {add = true} : memref<32768xf32, #tpu.memory_space<vmem>>[vector<16xi32>], vector<16xf32>, vector<16xi1>
        %jit3A_281 = arith.constant 1 : i32
        %jit3A_282 = arith.constant 0 : i32
        %broadcast_in_dim3A_283 = vector.broadcast %jit3A_281 : i32 to vector<16xi32>
        %broadcast_in_dim3A_284 = vector.broadcast %jit3A_282 : i32 to vector<16xi32>
        %select_n3A_285 = arith.select %eq3A, %broadcast_in_dim3A_283, %broadcast_in_dim3A_284 : vector<16xi1>, vector<16xi32>
        %broadcast_in_dim3A_286 = arith.constant true
        %broadcast_in_dim3A_287 = vector.broadcast %broadcast_in_dim3A_286 : i1 to vector<16xi1>
        %masked_cumsum3A_288 = tpu.scan <sum>, %select_n3A_285 masked %broadcast_in_dim3A_287 : vector<16xi32>, vector<16xi1> -> vector<16xi32>
        %add3A_289 = arith.addi %scan3A_259, %masked_cumsum3A_288 : vector<16xi32>
        %sub3A_290 = arith.constant 1 : i32
        %sub3A_291 = vector.broadcast %sub3A_290 : i32 to vector<16xi32>
        %sub3A_292 = arith.subi %add3A_289, %sub3A_291 : vector<16xi32>
        %lt3A = arith.constant 512 : i32
        %lt3A_293 = vector.broadcast %lt3A : i32 to vector<16xi32>
        %lt3A_294 = arith.cmpi slt, %sub3A_292, %lt3A_293 : vector<16xi32>
        %and3A = arith.andi %eq3A, %lt3A_294 : vector<16xi1>
        tpu.vector_store_idx %arg12[%sub3A_292], %add3A_269 masked %and3A : memref<512xi32, #tpu.memory_space<vmem>>[vector<16xi32>], vector<16xi32>, vector<16xi1>
        tpu.vector_store_idx %arg13[%sub3A_292], %mul3A_271 masked %and3A : memref<512xf32, #tpu.memory_space<vmem>>[vector<16xi32>], vector<16xf32>, vector<16xi1>
        %all_reduce_population_count3A = tpu.all_reduce %gt3A {dim = 0 : i64, kind = #tpu.reduction_kind<sum>} : vector<16xi1> -> vector<16xi32>
        %add3A_295 = arith.addi %scan3A_258, %all_reduce_population_count3A : vector<16xi32>
        %all_reduce_population_count3A_296 = tpu.all_reduce %eq3A {dim = 0 : i64, kind = #tpu.reduction_kind<sum>} : vector<16xi1> -> vector<16xi32>
        %add3A_297 = arith.addi %scan3A_259, %all_reduce_population_count3A_296 : vector<16xi32>
        scf.yield %add3A_295, %add3A_297 : vector<16xi32>, vector<16xi32>
      }
      %scan3A_256 = arith.constant 512 : i32
      scf.yield %scan3A_255#0, %scan3A_255#1 : vector<16xi32>, vector<16xi32>
    }
    %scan3A_67 = arith.constant 4 : i32
    %sub3A_68 = arith.constant 512 : i32
    %sub3A_69 = vector.broadcast %sub3A_68 : i32 to vector<16xi32>
    %sub3A_70 = arith.subi %sub3A_69, %scan3A_66#0 : vector<16xi32>
    %scan3A_71 = arith.constant 0 : i32
    %scan3A_72 = arith.constant 0 : i32
    %scan3A_73 = arith.constant 32 : i32
    %scan3A_74 = arith.addi %scan3A_72, %scan3A_73 : i32
    %scan3A_75 = arith.constant 1 : i32
    %scan3A_76 = scf.for %scan3A_243 = %scan3A_72 to %scan3A_74 step %scan3A_75 iter_args(%scan3A_244 = %scan3A_71) -> (i32)  : i32 {
      %mul3A_245 = arith.constant 16 : i32
      %mul3A_246 = arith.muli %scan3A_243, %mul3A_245 : i32
      %add3A_247 = vector.broadcast %mul3A_246 : i32 to vector<16xi32>
      %add3A_248 = arith.addi %add3A_247, %iota3A : vector<16xi32>
      %lt3A = arith.cmpi slt, %add3A_248, %sub3A_70 : vector<16xi32>
      %mul3A_249 = arith.constant 16 : i32
      %mul3A_250 = arith.muli %scan3A_243, %mul3A_249 : i32
      %get3A = arith.index_cast %mul3A_250 : i32 to index
      %get3A_251 = tpu.vector_load %arg12[%get3A] {strides = array<i32>} : memref<512xi32, #tpu.memory_space<vmem>>, vector<16xi32>,
      %mul3A_252 = arith.constant 16 : i32
      %mul3A_253 = arith.muli %scan3A_243, %mul3A_252 : i32
      %get3A_254 = arith.index_cast %mul3A_253 : i32 to index
      %get3A_255 = tpu.vector_load %arg13[%get3A_254] {strides = array<i32>} : memref<512xf32, #tpu.memory_space<vmem>>, vector<16xf32>,
      %add3A_256 = arith.addi %scan3A_66#0, %add3A_248 : vector<16xi32>
      tpu.vector_store_idx %arg10[%add3A_256], %get3A_251 masked %lt3A : memref<512xi32, #tpu.memory_space<vmem>>[vector<16xi32>], vector<16xi32>, vector<16xi1>
      tpu.vector_store_idx %arg11[%add3A_256], %get3A_255 masked %lt3A : memref<512xf32, #tpu.memory_space<vmem>>[vector<16xi32>], vector<16xf32>, vector<16xi1>
      tpu.vector_store_idx %arg16[%get3A_251], %get3A_255 masked %lt3A {add = true} : memref<32768xf32, #tpu.memory_space<vmem>>[vector<16xi32>], vector<16xf32>, vector<16xi1>
      %scan3A_257 = arith.constant 0 : i32
      scf.yield %scan3A_257 : i32
    }
    %scan3A_77 = arith.constant 32 : i32
    %mul3A_78 = arith.constant 512 : i32
    %mul3A_79 = arith.muli %add3A_50, %mul3A_78 : i32
    "tpu.region"() ({
      %run_scoped3A_243 = tpu.sem_alloc : memref<!tpu.dma_semaphore, #tpu.memory_space<semaphore_mem>>
      %dma_start3A = tpu.memref_slice %arg5[%mul3A_79] : memref<32768xi32, #tpu.memory_space<hbm>> -> memref<512xi32, #tpu.memory_space<hbm>>
      %dma_start3A_244 = tpu.memref_slice %arg5[%mul3A_79] : memref<32768xi32, #tpu.memory_space<hbm>> -> memref<512xi32, #tpu.memory_space<hbm>>
      tpu.enqueue_dma source(%arg10 : memref<512xi32, #tpu.memory_space<vmem>>) target(%dma_start3A_244 : memref<512xi32, #tpu.memory_space<hbm>>) target_semaphore(%run_scoped3A_243 : memref<!tpu.dma_semaphore, #tpu.memory_space<semaphore_mem>>)
      %dma_wait3A = tpu.memref_slice %arg5[%mul3A_79] : memref<32768xi32, #tpu.memory_space<hbm>> -> memref<512xi32, #tpu.memory_space<hbm>>
      %dma_wait3A_245 = tpu.memref_slice %arg5[%mul3A_79] : memref<32768xi32, #tpu.memory_space<hbm>> -> memref<512xi32, #tpu.memory_space<hbm>>
      tpu.wait_dma2 semaphore(%run_scoped3A_243 : memref<!tpu.dma_semaphore, #tpu.memory_space<semaphore_mem>>) src(%arg10 : memref<512xi32, #tpu.memory_space<vmem>>) dst(%dma_wait3A_245 : memref<512xi32, #tpu.memory_space<hbm>>)
      tpu.yield
    }) : () -> ()
    %mul3A_80 = arith.constant 512 : i32
    %mul3A_81 = arith.muli %add3A_50, %mul3A_80 : i32
    "tpu.region"() ({
      %run_scoped3A_243 = tpu.sem_alloc : memref<!tpu.dma_semaphore, #tpu.memory_space<semaphore_mem>>
      %dma_start3A = tpu.memref_slice %arg6[%mul3A_81] : memref<32768xf32, #tpu.memory_space<hbm>> -> memref<512xf32, #tpu.memory_space<hbm>>
      %dma_start3A_244 = tpu.memref_slice %arg6[%mul3A_81] : memref<32768xf32, #tpu.memory_space<hbm>> -> memref<512xf32, #tpu.memory_space<hbm>>
      tpu.enqueue_dma source(%arg11 : memref<512xf32, #tpu.memory_space<vmem>>) target(%dma_start3A_244 : memref<512xf32, #tpu.memory_space<hbm>>) target_semaphore(%run_scoped3A_243 : memref<!tpu.dma_semaphore, #tpu.memory_space<semaphore_mem>>)
      %dma_wait3A = tpu.memref_slice %arg6[%mul3A_81] : memref<32768xf32, #tpu.memory_space<hbm>> -> memref<512xf32, #tpu.memory_space<hbm>>
      %dma_wait3A_245 = tpu.memref_slice %arg6[%mul3A_81] : memref<32768xf32, #tpu.memory_space<hbm>> -> memref<512xf32, #tpu.memory_space<hbm>>
      tpu.wait_dma2 semaphore(%run_scoped3A_243 : memref<!tpu.dma_semaphore, #tpu.memory_space<semaphore_mem>>) src(%arg11 : memref<512xf32, #tpu.memory_space<vmem>>) dst(%dma_wait3A_245 : memref<512xf32, #tpu.memory_space<hbm>>)
      tpu.yield
    }) : () -> ()
    %scan3A_82 = arith.constant 0 : i32
    %scan3A_83 = arith.constant 0 : i32
    %scan3A_84 = arith.constant 16 : i32
    %scan3A_85 = arith.addi %scan3A_83, %scan3A_84 : i32
    %scan3A_86 = arith.constant 1 : i32
    %scan3A_87 = scf.for %scan3A_243 = %scan3A_83 to %scan3A_85 step %scan3A_86 iter_args(%scan3A_244 = %scan3A_82) -> (i32)  : i32 {
      %mul3A_245 = arith.constant 32 : i32
      %mul3A_246 = arith.muli %scan3A_243, %mul3A_245 : i32
      %dma_start3A = tpu.memref_slice %arg10[%mul3A_246] : memref<512xi32, #tpu.memory_space<vmem>> -> memref<32xi32, #tpu.memory_space<vmem>>
      %dma_start3A_247 = arith.constant 0 : i32
      %dma_start3A_248 = arith.constant 0 : i32
      %dma_start3A_249 = tpu.memref_slice %arg4[%dma_start3A_247, %dma_start3A_248] : memref<32768x768xf32, #tpu.memory_space<hbm>> -> memref<32768x768xf32, #tpu.memory_space<hbm>>
      tpu.enqueue_indirect_dma source(%dma_start3A_249 : memref<32768x768xf32, #tpu.memory_space<hbm>>) target(%arg15 : memref<32x768xf32, #tpu.memory_space<vmem>>) offsets(%dma_start3A : memref<32xi32, #tpu.memory_space<vmem>>) semaphore(%arg18 : memref<!tpu.dma_semaphore, #tpu.memory_space<semaphore_mem>>)
      %dma_wait3A = tpu.memref_slice %arg10[%mul3A_246] : memref<512xi32, #tpu.memory_space<vmem>> -> memref<32xi32, #tpu.memory_space<vmem>>
      %dma_wait3A_250 = arith.constant 0 : i32
      %dma_wait3A_251 = arith.constant 0 : i32
      %dma_wait3A_252 = tpu.memref_slice %arg4[%dma_wait3A_250, %dma_wait3A_251] : memref<32768x768xf32, #tpu.memory_space<hbm>> -> memref<32768x768xf32, #tpu.memory_space<hbm>>
      tpu.wait_indirect_dma semaphore(%arg18 : memref<!tpu.dma_semaphore, #tpu.memory_space<semaphore_mem>>) src(%dma_wait3A_252 : memref<32768x768xf32, #tpu.memory_space<hbm>>) dst(%arg15 : memref<32x768xf32, #tpu.memory_space<vmem>>)
      %mul3A_253 = arith.constant 512 : i32
      %mul3A_254 = arith.muli %add3A_50, %mul3A_253 : i32
      %mul3A_255 = arith.constant 32 : i32
      %mul3A_256 = arith.muli %scan3A_243, %mul3A_255 : i32
      %add3A_257 = arith.addi %mul3A_254, %mul3A_256 : i32
      "tpu.region"() ({
        %run_scoped3A_259 = tpu.sem_alloc : memref<!tpu.dma_semaphore, #tpu.memory_space<semaphore_mem>>
        %dma_start3A_260 = arith.constant 0 : i32
        %dma_start3A_261 = tpu.memref_slice %arg7[%add3A_257, %dma_start3A_260] : memref<32768x768xf32, #tpu.memory_space<hbm>> -> memref<32x768xf32, #tpu.memory_space<hbm>>
        %dma_start3A_262 = arith.constant 0 : i32
        %dma_start3A_263 = tpu.memref_slice %arg7[%add3A_257, %dma_start3A_262] : memref<32768x768xf32, #tpu.memory_space<hbm>> -> memref<32x768xf32, #tpu.memory_space<hbm>>
        tpu.enqueue_dma source(%arg15 : memref<32x768xf32, #tpu.memory_space<vmem>>) target(%dma_start3A_263 : memref<32x768xf32, #tpu.memory_space<hbm>>) target_semaphore(%run_scoped3A_259 : memref<!tpu.dma_semaphore, #tpu.memory_space<semaphore_mem>>)
        %dma_wait3A_264 = arith.constant 0 : i32
        %dma_wait3A_265 = tpu.memref_slice %arg7[%add3A_257, %dma_wait3A_264] : memref<32768x768xf32, #tpu.memory_space<hbm>> -> memref<32x768xf32, #tpu.memory_space<hbm>>
        %dma_wait3A_266 = arith.constant 0 : i32
        %dma_wait3A_267 = tpu.memref_slice %arg7[%add3A_257, %dma_wait3A_266] : memref<32768x768xf32, #tpu.memory_space<hbm>> -> memref<32x768xf32, #tpu.memory_space<hbm>>
        tpu.wait_dma2 semaphore(%run_scoped3A_259 : memref<!tpu.dma_semaphore, #tpu.memory_space<semaphore_mem>>) src(%arg15 : memref<32x768xf32, #tpu.memory_space<vmem>>) dst(%dma_wait3A_267 : memref<32x768xf32, #tpu.memory_space<hbm>>)
        tpu.yield
      }) : () -> ()
      %scan3A_258 = arith.constant 0 : i32
      scf.yield %scan3A_258 : i32
    }
    %scan3A_88 = arith.constant 16 : i32
    "tpu.region"() ({
      %run_scoped3A_243 = tpu.sem_alloc : memref<!tpu.dma_semaphore, #tpu.memory_space<semaphore_mem>>
      %dma_start3A = arith.constant 0 : i32
      %dma_start3A_244 = tpu.memref_slice %arg20[%arg1, %dma_start3A] : memref<16x32768xf32, #tpu.memory_space<vmem_shared>> -> memref<1x32768xf32, #tpu.memory_space<vmem_shared>>
      %dma_start3A_245 = tpu.memref_squeeze %dma_start3A_244 : memref<1x32768xf32, #tpu.memory_space<vmem_shared>> -> memref<32768xf32, #tpu.memory_space<vmem_shared>>
      %dma_start3A_246 = arith.constant 0 : i32
      %dma_start3A_247 = tpu.memref_slice %arg20[%arg1, %dma_start3A_246] : memref<16x32768xf32, #tpu.memory_space<vmem_shared>> -> memref<1x32768xf32, #tpu.memory_space<vmem_shared>>
      %dma_start3A_248 = tpu.memref_squeeze %dma_start3A_247 : memref<1x32768xf32, #tpu.memory_space<vmem_shared>> -> memref<32768xf32, #tpu.memory_space<vmem_shared>>
      tpu.enqueue_dma source(%arg16 : memref<32768xf32, #tpu.memory_space<vmem>>) target(%dma_start3A_248 : memref<32768xf32, #tpu.memory_space<vmem_shared>>) target_semaphore(%run_scoped3A_243 : memref<!tpu.dma_semaphore, #tpu.memory_space<semaphore_mem>>)
      %dma_wait3A = arith.constant 0 : i32
      %dma_wait3A_249 = tpu.memref_slice %arg20[%arg1, %dma_wait3A] : memref<16x32768xf32, #tpu.memory_space<vmem_shared>> -> memref<1x32768xf32, #tpu.memory_space<vmem_shared>>
      %dma_wait3A_250 = tpu.memref_squeeze %dma_wait3A_249 : memref<1x32768xf32, #tpu.memory_space<vmem_shared>> -> memref<32768xf32, #tpu.memory_space<vmem_shared>>
      %dma_wait3A_251 = arith.constant 0 : i32
      %dma_wait3A_252 = tpu.memref_slice %arg20[%arg1, %dma_wait3A_251] : memref<16x32768xf32, #tpu.memory_space<vmem_shared>> -> memref<1x32768xf32, #tpu.memory_space<vmem_shared>>
      %dma_wait3A_253 = tpu.memref_squeeze %dma_wait3A_252 : memref<1x32768xf32, #tpu.memory_space<vmem_shared>> -> memref<32768xf32, #tpu.memory_space<vmem_shared>>
      tpu.wait_dma2 semaphore(%run_scoped3A_243 : memref<!tpu.dma_semaphore, #tpu.memory_space<semaphore_mem>>) src(%arg16 : memref<32768xf32, #tpu.memory_space<vmem>>) dst(%dma_wait3A_253 : memref<32768xf32, #tpu.memory_space<vmem_shared>>)
      tpu.yield
    }) : () -> ()
    %barrier3A = arith.constant 0 : index
    tpu.barrier barrier_id(%barrier3A)
    %scan3A_89 = arith.constant 0 : i32
    %scan3A_90 = arith.constant 0 : i32
    %scan3A_91 = arith.constant 128 : i32
    %scan3A_92 = arith.addi %scan3A_90, %scan3A_91 : i32
    %scan3A_93 = arith.constant 1 : i32
    scf.for %scan3A_243 = %scan3A_90 to %scan3A_92 step %scan3A_93  : i32 {
      %mul3A_244 = arith.constant 16 : i32
      %mul3A_245 = arith.muli %scan3A_243, %mul3A_244 : i32
      %swap3A = arith.index_cast %mul3A_245 : i32 to index
      %swap3A_246 = tpu.vector_load %arg17[%swap3A] {strides = array<i32>} : memref<2048xf32, #tpu.memory_space<vmem>>, vector<16xf32>,
      tpu.vector_store %arg17[%swap3A], %broadcast_in_dim3A_1 {strides = array<i32>} : memref<2048xf32, #tpu.memory_space<vmem>>, vector<16xf32>,
    }
    %scan3A_94 = arith.constant 128 : i32
    %mul3A_95 = arith.constant 2048 : i32
    %mul3A_96 = arith.muli %arg1, %mul3A_95 : i32
    %run_scoped3A = arith.constant 0 : i32
    "tpu.region"() ({
      %run_scoped3A_243 = tpu.sem_alloc : memref<!tpu.dma_semaphore, #tpu.memory_space<semaphore_mem>>
      %dma_start3A = arith.constant 0 : i32
      %dma_start3A_244 = tpu.memref_slice %arg16[%dma_start3A] : memref<32768xf32, #tpu.memory_space<vmem>> -> memref<2048xf32, #tpu.memory_space<vmem>>
      %dma_start3A_245 = tpu.memref_slice %arg20[%run_scoped3A, %mul3A_96] : memref<16x32768xf32, #tpu.memory_space<vmem_shared>> -> memref<1x2048xf32, #tpu.memory_space<vmem_shared>>
      %dma_start3A_246 = tpu.memref_squeeze %dma_start3A_245 : memref<1x2048xf32, #tpu.memory_space<vmem_shared>> -> memref<2048xf32, #tpu.memory_space<vmem_shared>>
      %dma_start3A_247 = arith.constant 0 : i32
      %dma_start3A_248 = tpu.memref_slice %arg16[%dma_start3A_247] : memref<32768xf32, #tpu.memory_space<vmem>> -> memref<2048xf32, #tpu.memory_space<vmem>>
      %dma_start3A_249 = tpu.memref_slice %arg20[%run_scoped3A, %mul3A_96] : memref<16x32768xf32, #tpu.memory_space<vmem_shared>> -> memref<1x2048xf32, #tpu.memory_space<vmem_shared>>
      %dma_start3A_250 = tpu.memref_squeeze %dma_start3A_249 : memref<1x2048xf32, #tpu.memory_space<vmem_shared>> -> memref<2048xf32, #tpu.memory_space<vmem_shared>>
      tpu.enqueue_dma source(%dma_start3A_250 : memref<2048xf32, #tpu.memory_space<vmem_shared>>) target(%dma_start3A_248 : memref<2048xf32, #tpu.memory_space<vmem>>) target_semaphore(%run_scoped3A_243 : memref<!tpu.dma_semaphore, #tpu.memory_space<semaphore_mem>>)
      %dma_wait3A = arith.constant 0 : i32
      %dma_wait3A_251 = tpu.memref_slice %arg16[%dma_wait3A] : memref<32768xf32, #tpu.memory_space<vmem>> -> memref<2048xf32, #tpu.memory_space<vmem>>
      %dma_wait3A_252 = tpu.memref_slice %arg20[%run_scoped3A, %mul3A_96] : memref<16x32768xf32, #tpu.memory_space<vmem_shared>> -> memref<1x2048xf32, #tpu.memory_space<vmem_shared>>
      %dma_wait3A_253 = tpu.memref_squeeze %dma_wait3A_252 : memref<1x2048xf32, #tpu.memory_space<vmem_shared>> -> memref<2048xf32, #tpu.memory_space<vmem_shared>>
      %dma_wait3A_254 = arith.constant 0 : i32
      %dma_wait3A_255 = tpu.memref_slice %arg16[%dma_wait3A_254] : memref<32768xf32, #tpu.memory_space<vmem>> -> memref<2048xf32, #tpu.memory_space<vmem>>
      %dma_wait3A_256 = tpu.memref_slice %arg20[%run_scoped3A, %mul3A_96] : memref<16x32768xf32, #tpu.memory_space<vmem_shared>> -> memref<1x2048xf32, #tpu.memory_space<vmem_shared>>
      %dma_wait3A_257 = tpu.memref_squeeze %dma_wait3A_256 : memref<1x2048xf32, #tpu.memory_space<vmem_shared>> -> memref<2048xf32, #tpu.memory_space<vmem_shared>>
      tpu.wait_dma2 semaphore(%run_scoped3A_243 : memref<!tpu.dma_semaphore, #tpu.memory_space<semaphore_mem>>) src(%dma_wait3A_257 : memref<2048xf32, #tpu.memory_space<vmem_shared>>) dst(%dma_wait3A_255 : memref<2048xf32, #tpu.memory_space<vmem>>)
      tpu.yield
    }) : () -> ()
    %scan3A_97 = arith.constant 0 : i32
    %scan3A_98 = arith.constant 0 : i32
    %scan3A_99 = arith.constant 128 : i32
    %scan3A_100 = arith.addi %scan3A_98, %scan3A_99 : i32
    %scan3A_101 = arith.constant 1 : i32
    scf.for %scan3A_243 = %scan3A_98 to %scan3A_100 step %scan3A_101  : i32 {
      %mul3A_244 = arith.constant 16 : i32
      %mul3A_245 = arith.muli %scan3A_243, %mul3A_244 : i32
      %get3A = arith.index_cast %mul3A_245 : i32 to index
      %get3A_246 = tpu.vector_load %arg17[%get3A] {strides = array<i32>} : memref<2048xf32, #tpu.memory_space<vmem>>, vector<16xf32>,
      %mul3A_247 = arith.constant 16 : i32
      %mul3A_248 = arith.muli %scan3A_243, %mul3A_247 : i32
      %get3A_249 = arith.index_cast %mul3A_248 : i32 to index
      %get3A_250 = tpu.vector_load %arg16[%get3A_249] {strides = array<i32>} : memref<32768xf32, #tpu.memory_space<vmem>>, vector<16xf32>,
      %add3A_251 = arith.addf %get3A_246, %get3A_250 : vector<16xf32>
      %mul3A_252 = arith.constant 16 : i32
      %mul3A_253 = arith.muli %scan3A_243, %mul3A_252 : i32
      %swap3A = arith.index_cast %mul3A_253 : i32 to index
      %swap3A_254 = tpu.vector_load %arg17[%swap3A] {strides = array<i32>} : memref<2048xf32, #tpu.memory_space<vmem>>, vector<16xf32>,
      tpu.vector_store %arg17[%swap3A], %add3A_251 {strides = array<i32>} : memref<2048xf32, #tpu.memory_space<vmem>>, vector<16xf32>,
    }
    %scan3A_102 = arith.constant 128 : i32
    %mul3A_103 = arith.constant 2048 : i32
    %mul3A_104 = arith.muli %arg1, %mul3A_103 : i32
    %run_scoped3A_105 = arith.constant 1 : i32
    "tpu.region"() ({
      %run_scoped3A_243 = tpu.sem_alloc : memref<!tpu.dma_semaphore, #tpu.memory_space<semaphore_mem>>
      %dma_start3A = arith.constant 0 : i32
      %dma_start3A_244 = tpu.memref_slice %arg16[%dma_start3A] : memref<32768xf32, #tpu.memory_space<vmem>> -> memref<2048xf32, #tpu.memory_space<vmem>>
      %dma_start3A_245 = tpu.memref_slice %arg20[%run_scoped3A_105, %mul3A_104] : memref<16x32768xf32, #tpu.memory_space<vmem_shared>> -> memref<1x2048xf32, #tpu.memory_space<vmem_shared>>
      %dma_start3A_246 = tpu.memref_squeeze %dma_start3A_245 : memref<1x2048xf32, #tpu.memory_space<vmem_shared>> -> memref<2048xf32, #tpu.memory_space<vmem_shared>>
      %dma_start3A_247 = arith.constant 0 : i32
      %dma_start3A_248 = tpu.memref_slice %arg16[%dma_start3A_247] : memref<32768xf32, #tpu.memory_space<vmem>> -> memref<2048xf32, #tpu.memory_space<vmem>>
      %dma_start3A_249 = tpu.memref_slice %arg20[%run_scoped3A_105, %mul3A_104] : memref<16x32768xf32, #tpu.memory_space<vmem_shared>> -> memref<1x2048xf32, #tpu.memory_space<vmem_shared>>
      %dma_start3A_250 = tpu.memref_squeeze %dma_start3A_249 : memref<1x2048xf32, #tpu.memory_space<vmem_shared>> -> memref<2048xf32, #tpu.memory_space<vmem_shared>>
      tpu.enqueue_dma source(%dma_start3A_250 : memref<2048xf32, #tpu.memory_space<vmem_shared>>) target(%dma_start3A_248 : memref<2048xf32, #tpu.memory_space<vmem>>) target_semaphore(%run_scoped3A_243 : memref<!tpu.dma_semaphore, #tpu.memory_space<semaphore_mem>>)
      %dma_wait3A = arith.constant 0 : i32
      %dma_wait3A_251 = tpu.memref_slice %arg16[%dma_wait3A] : memref<32768xf32, #tpu.memory_space<vmem>> -> memref<2048xf32, #tpu.memory_space<vmem>>
      %dma_wait3A_252 = tpu.memref_slice %arg20[%run_scoped3A_105, %mul3A_104] : memref<16x32768xf32, #tpu.memory_space<vmem_shared>> -> memref<1x2048xf32, #tpu.memory_space<vmem_shared>>
      %dma_wait3A_253 = tpu.memref_squeeze %dma_wait3A_252 : memref<1x2048xf32, #tpu.memory_space<vmem_shared>> -> memref<2048xf32, #tpu.memory_space<vmem_shared>>
      %dma_wait3A_254 = arith.constant 0 : i32
      %dma_wait3A_255 = tpu.memref_slice %arg16[%dma_wait3A_254] : memref<32768xf32, #tpu.memory_space<vmem>> -> memref<2048xf32, #tpu.memory_space<vmem>>
      %dma_wait3A_256 = tpu.memref_slice %arg20[%run_scoped3A_105, %mul3A_104] : memref<16x32768xf32, #tpu.memory_space<vmem_shared>> -> memref<1x2048xf32, #tpu.memory_space<vmem_shared>>
      %dma_wait3A_257 = tpu.memref_squeeze %dma_wait3A_256 : memref<1x2048xf32, #tpu.memory_space<vmem_shared>> -> memref<2048xf32, #tpu.memory_space<vmem_shared>>
      tpu.wait_dma2 semaphore(%run_scoped3A_243 : memref<!tpu.dma_semaphore, #tpu.memory_space<semaphore_mem>>) src(%dma_wait3A_257 : memref<2048xf32, #tpu.memory_space<vmem_shared>>) dst(%dma_wait3A_255 : memref<2048xf32, #tpu.memory_space<vmem>>)
      tpu.yield
    }) : () -> ()
    %scan3A_106 = arith.constant 0 : i32
    %scan3A_107 = arith.constant 0 : i32
    %scan3A_108 = arith.constant 128 : i32
    %scan3A_109 = arith.addi %scan3A_107, %scan3A_108 : i32
    %scan3A_110 = arith.constant 1 : i32
    scf.for %scan3A_243 = %scan3A_107 to %scan3A_109 step %scan3A_110  : i32 {
      %mul3A_244 = arith.constant 16 : i32
      %mul3A_245 = arith.muli %scan3A_243, %mul3A_244 : i32
      %get3A = arith.index_cast %mul3A_245 : i32 to index
      %get3A_246 = tpu.vector_load %arg17[%get3A] {strides = array<i32>} : memref<2048xf32, #tpu.memory_space<vmem>>, vector<16xf32>,
      %mul3A_247 = arith.constant 16 : i32
      %mul3A_248 = arith.muli %scan3A_243, %mul3A_247 : i32
      %get3A_249 = arith.index_cast %mul3A_248 : i32 to index
      %get3A_250 = tpu.vector_load %arg16[%get3A_249] {strides = array<i32>} : memref<32768xf32, #tpu.memory_space<vmem>>, vector<16xf32>,
      %add3A_251 = arith.addf %get3A_246, %get3A_250 : vector<16xf32>
      %mul3A_252 = arith.constant 16 : i32
      %mul3A_253 = arith.muli %scan3A_243, %mul3A_252 : i32
      %swap3A = arith.index_cast %mul3A_253 : i32 to index
      %swap3A_254 = tpu.vector_load %arg17[%swap3A] {strides = array<i32>} : memref<2048xf32, #tpu.memory_space<vmem>>, vector<16xf32>,
      tpu.vector_store %arg17[%swap3A], %add3A_251 {strides = array<i32>} : memref<2048xf32, #tpu.memory_space<vmem>>, vector<16xf32>,
    }
    %scan3A_111 = arith.constant 128 : i32
    %mul3A_112 = arith.constant 2048 : i32
    %mul3A_113 = arith.muli %arg1, %mul3A_112 : i32
    %run_scoped3A_114 = arith.constant 2 : i32
    "tpu.region"() ({
      %run_scoped3A_243 = tpu.sem_alloc : memref<!tpu.dma_semaphore, #tpu.memory_space<semaphore_mem>>
      %dma_start3A = arith.constant 0 : i32
      %dma_start3A_244 = tpu.memref_slice %arg16[%dma_start3A] : memref<32768xf32, #tpu.memory_space<vmem>> -> memref<2048xf32, #tpu.memory_space<vmem>>
      %dma_start3A_245 = tpu.memref_slice %arg20[%run_scoped3A_114, %mul3A_113] : memref<16x32768xf32, #tpu.memory_space<vmem_shared>> -> memref<1x2048xf32, #tpu.memory_space<vmem_shared>>
      %dma_start3A_246 = tpu.memref_squeeze %dma_start3A_245 : memref<1x2048xf32, #tpu.memory_space<vmem_shared>> -> memref<2048xf32, #tpu.memory_space<vmem_shared>>
      %dma_start3A_247 = arith.constant 0 : i32
      %dma_start3A_248 = tpu.memref_slice %arg16[%dma_start3A_247] : memref<32768xf32, #tpu.memory_space<vmem>> -> memref<2048xf32, #tpu.memory_space<vmem>>
      %dma_start3A_249 = tpu.memref_slice %arg20[%run_scoped3A_114, %mul3A_113] : memref<16x32768xf32, #tpu.memory_space<vmem_shared>> -> memref<1x2048xf32, #tpu.memory_space<vmem_shared>>
      %dma_start3A_250 = tpu.memref_squeeze %dma_start3A_249 : memref<1x2048xf32, #tpu.memory_space<vmem_shared>> -> memref<2048xf32, #tpu.memory_space<vmem_shared>>
      tpu.enqueue_dma source(%dma_start3A_250 : memref<2048xf32, #tpu.memory_space<vmem_shared>>) target(%dma_start3A_248 : memref<2048xf32, #tpu.memory_space<vmem>>) target_semaphore(%run_scoped3A_243 : memref<!tpu.dma_semaphore, #tpu.memory_space<semaphore_mem>>)
      %dma_wait3A = arith.constant 0 : i32
      %dma_wait3A_251 = tpu.memref_slice %arg16[%dma_wait3A] : memref<32768xf32, #tpu.memory_space<vmem>> -> memref<2048xf32, #tpu.memory_space<vmem>>
      %dma_wait3A_252 = tpu.memref_slice %arg20[%run_scoped3A_114, %mul3A_113] : memref<16x32768xf32, #tpu.memory_space<vmem_shared>> -> memref<1x2048xf32, #tpu.memory_space<vmem_shared>>
      %dma_wait3A_253 = tpu.memref_squeeze %dma_wait3A_252 : memref<1x2048xf32, #tpu.memory_space<vmem_shared>> -> memref<2048xf32, #tpu.memory_space<vmem_shared>>
      %dma_wait3A_254 = arith.constant 0 : i32
      %dma_wait3A_255 = tpu.memref_slice %arg16[%dma_wait3A_254] : memref<32768xf32, #tpu.memory_space<vmem>> -> memref<2048xf32, #tpu.memory_space<vmem>>
      %dma_wait3A_256 = tpu.memref_slice %arg20[%run_scoped3A_114, %mul3A_113] : memref<16x32768xf32, #tpu.memory_space<vmem_shared>> -> memref<1x2048xf32, #tpu.memory_space<vmem_shared>>
      %dma_wait3A_257 = tpu.memref_squeeze %dma_wait3A_256 : memref<1x2048xf32, #tpu.memory_space<vmem_shared>> -> memref<2048xf32, #tpu.memory_space<vmem_shared>>
      tpu.wait_dma2 semaphore(%run_scoped3A_243 : memref<!tpu.dma_semaphore, #tpu.memory_space<semaphore_mem>>) src(%dma_wait3A_257 : memref<2048xf32, #tpu.memory_space<vmem_shared>>) dst(%dma_wait3A_255 : memref<2048xf32, #tpu.memory_space<vmem>>)
      tpu.yield
    }) : () -> ()
    %scan3A_115 = arith.constant 0 : i32
    %scan3A_116 = arith.constant 0 : i32
    %scan3A_117 = arith.constant 128 : i32
    %scan3A_118 = arith.addi %scan3A_116, %scan3A_117 : i32
    %scan3A_119 = arith.constant 1 : i32
    scf.for %scan3A_243 = %scan3A_116 to %scan3A_118 step %scan3A_119  : i32 {
      %mul3A_244 = arith.constant 16 : i32
      %mul3A_245 = arith.muli %scan3A_243, %mul3A_244 : i32
      %get3A = arith.index_cast %mul3A_245 : i32 to index
      %get3A_246 = tpu.vector_load %arg17[%get3A] {strides = array<i32>} : memref<2048xf32, #tpu.memory_space<vmem>>, vector<16xf32>,
      %mul3A_247 = arith.constant 16 : i32
      %mul3A_248 = arith.muli %scan3A_243, %mul3A_247 : i32
      %get3A_249 = arith.index_cast %mul3A_248 : i32 to index
      %get3A_250 = tpu.vector_load %arg16[%get3A_249] {strides = array<i32>} : memref<32768xf32, #tpu.memory_space<vmem>>, vector<16xf32>,
      %add3A_251 = arith.addf %get3A_246, %get3A_250 : vector<16xf32>
      %mul3A_252 = arith.constant 16 : i32
      %mul3A_253 = arith.muli %scan3A_243, %mul3A_252 : i32
      %swap3A = arith.index_cast %mul3A_253 : i32 to index
      %swap3A_254 = tpu.vector_load %arg17[%swap3A] {strides = array<i32>} : memref<2048xf32, #tpu.memory_space<vmem>>, vector<16xf32>,
      tpu.vector_store %arg17[%swap3A], %add3A_251 {strides = array<i32>} : memref<2048xf32, #tpu.memory_space<vmem>>, vector<16xf32>,
    }
    %scan3A_120 = arith.constant 128 : i32
    %mul3A_121 = arith.constant 2048 : i32
    %mul3A_122 = arith.muli %arg1, %mul3A_121 : i32
    %run_scoped3A_123 = arith.constant 3 : i32
    "tpu.region"() ({
      %run_scoped3A_243 = tpu.sem_alloc : memref<!tpu.dma_semaphore, #tpu.memory_space<semaphore_mem>>
      %dma_start3A = arith.constant 0 : i32
      %dma_start3A_244 = tpu.memref_slice %arg16[%dma_start3A] : memref<32768xf32, #tpu.memory_space<vmem>> -> memref<2048xf32, #tpu.memory_space<vmem>>
      %dma_start3A_245 = tpu.memref_slice %arg20[%run_scoped3A_123, %mul3A_122] : memref<16x32768xf32, #tpu.memory_space<vmem_shared>> -> memref<1x2048xf32, #tpu.memory_space<vmem_shared>>
      %dma_start3A_246 = tpu.memref_squeeze %dma_start3A_245 : memref<1x2048xf32, #tpu.memory_space<vmem_shared>> -> memref<2048xf32, #tpu.memory_space<vmem_shared>>
      %dma_start3A_247 = arith.constant 0 : i32
      %dma_start3A_248 = tpu.memref_slice %arg16[%dma_start3A_247] : memref<32768xf32, #tpu.memory_space<vmem>> -> memref<2048xf32, #tpu.memory_space<vmem>>
      %dma_start3A_249 = tpu.memref_slice %arg20[%run_scoped3A_123, %mul3A_122] : memref<16x32768xf32, #tpu.memory_space<vmem_shared>> -> memref<1x2048xf32, #tpu.memory_space<vmem_shared>>
      %dma_start3A_250 = tpu.memref_squeeze %dma_start3A_249 : memref<1x2048xf32, #tpu.memory_space<vmem_shared>> -> memref<2048xf32, #tpu.memory_space<vmem_shared>>
      tpu.enqueue_dma source(%dma_start3A_250 : memref<2048xf32, #tpu.memory_space<vmem_shared>>) target(%dma_start3A_248 : memref<2048xf32, #tpu.memory_space<vmem>>) target_semaphore(%run_scoped3A_243 : memref<!tpu.dma_semaphore, #tpu.memory_space<semaphore_mem>>)
      %dma_wait3A = arith.constant 0 : i32
      %dma_wait3A_251 = tpu.memref_slice %arg16[%dma_wait3A] : memref<32768xf32, #tpu.memory_space<vmem>> -> memref<2048xf32, #tpu.memory_space<vmem>>
      %dma_wait3A_252 = tpu.memref_slice %arg20[%run_scoped3A_123, %mul3A_122] : memref<16x32768xf32, #tpu.memory_space<vmem_shared>> -> memref<1x2048xf32, #tpu.memory_space<vmem_shared>>
      %dma_wait3A_253 = tpu.memref_squeeze %dma_wait3A_252 : memref<1x2048xf32, #tpu.memory_space<vmem_shared>> -> memref<2048xf32, #tpu.memory_space<vmem_shared>>
      %dma_wait3A_254 = arith.constant 0 : i32
      %dma_wait3A_255 = tpu.memref_slice %arg16[%dma_wait3A_254] : memref<32768xf32, #tpu.memory_space<vmem>> -> memref<2048xf32, #tpu.memory_space<vmem>>
      %dma_wait3A_256 = tpu.memref_slice %arg20[%run_scoped3A_123, %mul3A_122] : memref<16x32768xf32, #tpu.memory_space<vmem_shared>> -> memref<1x2048xf32, #tpu.memory_space<vmem_shared>>
      %dma_wait3A_257 = tpu.memref_squeeze %dma_wait3A_256 : memref<1x2048xf32, #tpu.memory_space<vmem_shared>> -> memref<2048xf32, #tpu.memory_space<vmem_shared>>
      tpu.wait_dma2 semaphore(%run_scoped3A_243 : memref<!tpu.dma_semaphore, #tpu.memory_space<semaphore_mem>>) src(%dma_wait3A_257 : memref<2048xf32, #tpu.memory_space<vmem_shared>>) dst(%dma_wait3A_255 : memref<2048xf32, #tpu.memory_space<vmem>>)
      tpu.yield
    }) : () -> ()
    %scan3A_124 = arith.constant 0 : i32
    %scan3A_125 = arith.constant 0 : i32
    %scan3A_126 = arith.constant 128 : i32
    %scan3A_127 = arith.addi %scan3A_125, %scan3A_126 : i32
    %scan3A_128 = arith.constant 1 : i32
    scf.for %scan3A_243 = %scan3A_125 to %scan3A_127 step %scan3A_128  : i32 {
      %mul3A_244 = arith.constant 16 : i32
      %mul3A_245 = arith.muli %scan3A_243, %mul3A_244 : i32
      %get3A = arith.index_cast %mul3A_245 : i32 to index
      %get3A_246 = tpu.vector_load %arg17[%get3A] {strides = array<i32>} : memref<2048xf32, #tpu.memory_space<vmem>>, vector<16xf32>,
      %mul3A_247 = arith.constant 16 : i32
      %mul3A_248 = arith.muli %scan3A_243, %mul3A_247 : i32
      %get3A_249 = arith.index_cast %mul3A_248 : i32 to index
      %get3A_250 = tpu.vector_load %arg16[%get3A_249] {strides = array<i32>} : memref<32768xf32, #tpu.memory_space<vmem>>, vector<16xf32>,
      %add3A_251 = arith.addf %get3A_246, %get3A_250 : vector<16xf32>
      %mul3A_252 = arith.constant 16 : i32
      %mul3A_253 = arith.muli %scan3A_243, %mul3A_252 : i32
      %swap3A = arith.index_cast %mul3A_253 : i32 to index
      %swap3A_254 = tpu.vector_load %arg17[%swap3A] {strides = array<i32>} : memref<2048xf32, #tpu.memory_space<vmem>>, vector<16xf32>,
      tpu.vector_store %arg17[%swap3A], %add3A_251 {strides = array<i32>} : memref<2048xf32, #tpu.memory_space<vmem>>, vector<16xf32>,
    }
    %scan3A_129 = arith.constant 128 : i32
    %mul3A_130 = arith.constant 2048 : i32
    %mul3A_131 = arith.muli %arg1, %mul3A_130 : i32
    %run_scoped3A_132 = arith.constant 4 : i32
    "tpu.region"() ({
      %run_scoped3A_243 = tpu.sem_alloc : memref<!tpu.dma_semaphore, #tpu.memory_space<semaphore_mem>>
      %dma_start3A = arith.constant 0 : i32
      %dma_start3A_244 = tpu.memref_slice %arg16[%dma_start3A] : memref<32768xf32, #tpu.memory_space<vmem>> -> memref<2048xf32, #tpu.memory_space<vmem>>
      %dma_start3A_245 = tpu.memref_slice %arg20[%run_scoped3A_132, %mul3A_131] : memref<16x32768xf32, #tpu.memory_space<vmem_shared>> -> memref<1x2048xf32, #tpu.memory_space<vmem_shared>>
      %dma_start3A_246 = tpu.memref_squeeze %dma_start3A_245 : memref<1x2048xf32, #tpu.memory_space<vmem_shared>> -> memref<2048xf32, #tpu.memory_space<vmem_shared>>
      %dma_start3A_247 = arith.constant 0 : i32
      %dma_start3A_248 = tpu.memref_slice %arg16[%dma_start3A_247] : memref<32768xf32, #tpu.memory_space<vmem>> -> memref<2048xf32, #tpu.memory_space<vmem>>
      %dma_start3A_249 = tpu.memref_slice %arg20[%run_scoped3A_132, %mul3A_131] : memref<16x32768xf32, #tpu.memory_space<vmem_shared>> -> memref<1x2048xf32, #tpu.memory_space<vmem_shared>>
      %dma_start3A_250 = tpu.memref_squeeze %dma_start3A_249 : memref<1x2048xf32, #tpu.memory_space<vmem_shared>> -> memref<2048xf32, #tpu.memory_space<vmem_shared>>
      tpu.enqueue_dma source(%dma_start3A_250 : memref<2048xf32, #tpu.memory_space<vmem_shared>>) target(%dma_start3A_248 : memref<2048xf32, #tpu.memory_space<vmem>>) target_semaphore(%run_scoped3A_243 : memref<!tpu.dma_semaphore, #tpu.memory_space<semaphore_mem>>)
      %dma_wait3A = arith.constant 0 : i32
      %dma_wait3A_251 = tpu.memref_slice %arg16[%dma_wait3A] : memref<32768xf32, #tpu.memory_space<vmem>> -> memref<2048xf32, #tpu.memory_space<vmem>>
      %dma_wait3A_252 = tpu.memref_slice %arg20[%run_scoped3A_132, %mul3A_131] : memref<16x32768xf32, #tpu.memory_space<vmem_shared>> -> memref<1x2048xf32, #tpu.memory_space<vmem_shared>>
      %dma_wait3A_253 = tpu.memref_squeeze %dma_wait3A_252 : memref<1x2048xf32, #tpu.memory_space<vmem_shared>> -> memref<2048xf32, #tpu.memory_space<vmem_shared>>
      %dma_wait3A_254 = arith.constant 0 : i32
      %dma_wait3A_255 = tpu.memref_slice %arg16[%dma_wait3A_254] : memref<32768xf32, #tpu.memory_space<vmem>> -> memref<2048xf32, #tpu.memory_space<vmem>>
      %dma_wait3A_256 = tpu.memref_slice %arg20[%run_scoped3A_132, %mul3A_131] : memref<16x32768xf32, #tpu.memory_space<vmem_shared>> -> memref<1x2048xf32, #tpu.memory_space<vmem_shared>>
      %dma_wait3A_257 = tpu.memref_squeeze %dma_wait3A_256 : memref<1x2048xf32, #tpu.memory_space<vmem_shared>> -> memref<2048xf32, #tpu.memory_space<vmem_shared>>
      tpu.wait_dma2 semaphore(%run_scoped3A_243 : memref<!tpu.dma_semaphore, #tpu.memory_space<semaphore_mem>>) src(%dma_wait3A_257 : memref<2048xf32, #tpu.memory_space<vmem_shared>>) dst(%dma_wait3A_255 : memref<2048xf32, #tpu.memory_space<vmem>>)
      tpu.yield
    }) : () -> ()
    %scan3A_133 = arith.constant 0 : i32
    %scan3A_134 = arith.constant 0 : i32
    %scan3A_135 = arith.constant 128 : i32
    %scan3A_136 = arith.addi %scan3A_134, %scan3A_135 : i32
    %scan3A_137 = arith.constant 1 : i32
    scf.for %scan3A_243 = %scan3A_134 to %scan3A_136 step %scan3A_137  : i32 {
      %mul3A_244 = arith.constant 16 : i32
      %mul3A_245 = arith.muli %scan3A_243, %mul3A_244 : i32
      %get3A = arith.index_cast %mul3A_245 : i32 to index
      %get3A_246 = tpu.vector_load %arg17[%get3A] {strides = array<i32>} : memref<2048xf32, #tpu.memory_space<vmem>>, vector<16xf32>,
      %mul3A_247 = arith.constant 16 : i32
      %mul3A_248 = arith.muli %scan3A_243, %mul3A_247 : i32
      %get3A_249 = arith.index_cast %mul3A_248 : i32 to index
      %get3A_250 = tpu.vector_load %arg16[%get3A_249] {strides = array<i32>} : memref<32768xf32, #tpu.memory_space<vmem>>, vector<16xf32>,
      %add3A_251 = arith.addf %get3A_246, %get3A_250 : vector<16xf32>
      %mul3A_252 = arith.constant 16 : i32
      %mul3A_253 = arith.muli %scan3A_243, %mul3A_252 : i32
      %swap3A = arith.index_cast %mul3A_253 : i32 to index
      %swap3A_254 = tpu.vector_load %arg17[%swap3A] {strides = array<i32>} : memref<2048xf32, #tpu.memory_space<vmem>>, vector<16xf32>,
      tpu.vector_store %arg17[%swap3A], %add3A_251 {strides = array<i32>} : memref<2048xf32, #tpu.memory_space<vmem>>, vector<16xf32>,
    }
    %scan3A_138 = arith.constant 128 : i32
    %mul3A_139 = arith.constant 2048 : i32
    %mul3A_140 = arith.muli %arg1, %mul3A_139 : i32
    %run_scoped3A_141 = arith.constant 5 : i32
    "tpu.region"() ({
      %run_scoped3A_243 = tpu.sem_alloc : memref<!tpu.dma_semaphore, #tpu.memory_space<semaphore_mem>>
      %dma_start3A = arith.constant 0 : i32
      %dma_start3A_244 = tpu.memref_slice %arg16[%dma_start3A] : memref<32768xf32, #tpu.memory_space<vmem>> -> memref<2048xf32, #tpu.memory_space<vmem>>
      %dma_start3A_245 = tpu.memref_slice %arg20[%run_scoped3A_141, %mul3A_140] : memref<16x32768xf32, #tpu.memory_space<vmem_shared>> -> memref<1x2048xf32, #tpu.memory_space<vmem_shared>>
      %dma_start3A_246 = tpu.memref_squeeze %dma_start3A_245 : memref<1x2048xf32, #tpu.memory_space<vmem_shared>> -> memref<2048xf32, #tpu.memory_space<vmem_shared>>
      %dma_start3A_247 = arith.constant 0 : i32
      %dma_start3A_248 = tpu.memref_slice %arg16[%dma_start3A_247] : memref<32768xf32, #tpu.memory_space<vmem>> -> memref<2048xf32, #tpu.memory_space<vmem>>
      %dma_start3A_249 = tpu.memref_slice %arg20[%run_scoped3A_141, %mul3A_140] : memref<16x32768xf32, #tpu.memory_space<vmem_shared>> -> memref<1x2048xf32, #tpu.memory_space<vmem_shared>>
      %dma_start3A_250 = tpu.memref_squeeze %dma_start3A_249 : memref<1x2048xf32, #tpu.memory_space<vmem_shared>> -> memref<2048xf32, #tpu.memory_space<vmem_shared>>
      tpu.enqueue_dma source(%dma_start3A_250 : memref<2048xf32, #tpu.memory_space<vmem_shared>>) target(%dma_start3A_248 : memref<2048xf32, #tpu.memory_space<vmem>>) target_semaphore(%run_scoped3A_243 : memref<!tpu.dma_semaphore, #tpu.memory_space<semaphore_mem>>)
      %dma_wait3A = arith.constant 0 : i32
      %dma_wait3A_251 = tpu.memref_slice %arg16[%dma_wait3A] : memref<32768xf32, #tpu.memory_space<vmem>> -> memref<2048xf32, #tpu.memory_space<vmem>>
      %dma_wait3A_252 = tpu.memref_slice %arg20[%run_scoped3A_141, %mul3A_140] : memref<16x32768xf32, #tpu.memory_space<vmem_shared>> -> memref<1x2048xf32, #tpu.memory_space<vmem_shared>>
      %dma_wait3A_253 = tpu.memref_squeeze %dma_wait3A_252 : memref<1x2048xf32, #tpu.memory_space<vmem_shared>> -> memref<2048xf32, #tpu.memory_space<vmem_shared>>
      %dma_wait3A_254 = arith.constant 0 : i32
      %dma_wait3A_255 = tpu.memref_slice %arg16[%dma_wait3A_254] : memref<32768xf32, #tpu.memory_space<vmem>> -> memref<2048xf32, #tpu.memory_space<vmem>>
      %dma_wait3A_256 = tpu.memref_slice %arg20[%run_scoped3A_141, %mul3A_140] : memref<16x32768xf32, #tpu.memory_space<vmem_shared>> -> memref<1x2048xf32, #tpu.memory_space<vmem_shared>>
      %dma_wait3A_257 = tpu.memref_squeeze %dma_wait3A_256 : memref<1x2048xf32, #tpu.memory_space<vmem_shared>> -> memref<2048xf32, #tpu.memory_space<vmem_shared>>
      tpu.wait_dma2 semaphore(%run_scoped3A_243 : memref<!tpu.dma_semaphore, #tpu.memory_space<semaphore_mem>>) src(%dma_wait3A_257 : memref<2048xf32, #tpu.memory_space<vmem_shared>>) dst(%dma_wait3A_255 : memref<2048xf32, #tpu.memory_space<vmem>>)
      tpu.yield
    }) : () -> ()
    %scan3A_142 = arith.constant 0 : i32
    %scan3A_143 = arith.constant 0 : i32
    %scan3A_144 = arith.constant 128 : i32
    %scan3A_145 = arith.addi %scan3A_143, %scan3A_144 : i32
    %scan3A_146 = arith.constant 1 : i32
    scf.for %scan3A_243 = %scan3A_143 to %scan3A_145 step %scan3A_146  : i32 {
      %mul3A_244 = arith.constant 16 : i32
      %mul3A_245 = arith.muli %scan3A_243, %mul3A_244 : i32
      %get3A = arith.index_cast %mul3A_245 : i32 to index
      %get3A_246 = tpu.vector_load %arg17[%get3A] {strides = array<i32>} : memref<2048xf32, #tpu.memory_space<vmem>>, vector<16xf32>,
      %mul3A_247 = arith.constant 16 : i32
      %mul3A_248 = arith.muli %scan3A_243, %mul3A_247 : i32
      %get3A_249 = arith.index_cast %mul3A_248 : i32 to index
      %get3A_250 = tpu.vector_load %arg16[%get3A_249] {strides = array<i32>} : memref<32768xf32, #tpu.memory_space<vmem>>, vector<16xf32>,
      %add3A_251 = arith.addf %get3A_246, %get3A_250 : vector<16xf32>
      %mul3A_252 = arith.constant 16 : i32
      %mul3A_253 = arith.muli %scan3A_243, %mul3A_252 : i32
      %swap3A = arith.index_cast %mul3A_253 : i32 to index
      %swap3A_254 = tpu.vector_load %arg17[%swap3A] {strides = array<i32>} : memref<2048xf32, #tpu.memory_space<vmem>>, vector<16xf32>,
      tpu.vector_store %arg17[%swap3A], %add3A_251 {strides = array<i32>} : memref<2048xf32, #tpu.memory_space<vmem>>, vector<16xf32>,
    }
    %scan3A_147 = arith.constant 128 : i32
    %mul3A_148 = arith.constant 2048 : i32
    %mul3A_149 = arith.muli %arg1, %mul3A_148 : i32
    %run_scoped3A_150 = arith.constant 6 : i32
    "tpu.region"() ({
      %run_scoped3A_243 = tpu.sem_alloc : memref<!tpu.dma_semaphore, #tpu.memory_space<semaphore_mem>>
      %dma_start3A = arith.constant 0 : i32
      %dma_start3A_244 = tpu.memref_slice %arg16[%dma_start3A] : memref<32768xf32, #tpu.memory_space<vmem>> -> memref<2048xf32, #tpu.memory_space<vmem>>
      %dma_start3A_245 = tpu.memref_slice %arg20[%run_scoped3A_150, %mul3A_149] : memref<16x32768xf32, #tpu.memory_space<vmem_shared>> -> memref<1x2048xf32, #tpu.memory_space<vmem_shared>>
      %dma_start3A_246 = tpu.memref_squeeze %dma_start3A_245 : memref<1x2048xf32, #tpu.memory_space<vmem_shared>> -> memref<2048xf32, #tpu.memory_space<vmem_shared>>
      %dma_start3A_247 = arith.constant 0 : i32
      %dma_start3A_248 = tpu.memref_slice %arg16[%dma_start3A_247] : memref<32768xf32, #tpu.memory_space<vmem>> -> memref<2048xf32, #tpu.memory_space<vmem>>
      %dma_start3A_249 = tpu.memref_slice %arg20[%run_scoped3A_150, %mul3A_149] : memref<16x32768xf32, #tpu.memory_space<vmem_shared>> -> memref<1x2048xf32, #tpu.memory_space<vmem_shared>>
      %dma_start3A_250 = tpu.memref_squeeze %dma_start3A_249 : memref<1x2048xf32, #tpu.memory_space<vmem_shared>> -> memref<2048xf32, #tpu.memory_space<vmem_shared>>
      tpu.enqueue_dma source(%dma_start3A_250 : memref<2048xf32, #tpu.memory_space<vmem_shared>>) target(%dma_start3A_248 : memref<2048xf32, #tpu.memory_space<vmem>>) target_semaphore(%run_scoped3A_243 : memref<!tpu.dma_semaphore, #tpu.memory_space<semaphore_mem>>)
      %dma_wait3A = arith.constant 0 : i32
      %dma_wait3A_251 = tpu.memref_slice %arg16[%dma_wait3A] : memref<32768xf32, #tpu.memory_space<vmem>> -> memref<2048xf32, #tpu.memory_space<vmem>>
      %dma_wait3A_252 = tpu.memref_slice %arg20[%run_scoped3A_150, %mul3A_149] : memref<16x32768xf32, #tpu.memory_space<vmem_shared>> -> memref<1x2048xf32, #tpu.memory_space<vmem_shared>>
      %dma_wait3A_253 = tpu.memref_squeeze %dma_wait3A_252 : memref<1x2048xf32, #tpu.memory_space<vmem_shared>> -> memref<2048xf32, #tpu.memory_space<vmem_shared>>
      %dma_wait3A_254 = arith.constant 0 : i32
      %dma_wait3A_255 = tpu.memref_slice %arg16[%dma_wait3A_254] : memref<32768xf32, #tpu.memory_space<vmem>> -> memref<2048xf32, #tpu.memory_space<vmem>>
      %dma_wait3A_256 = tpu.memref_slice %arg20[%run_scoped3A_150, %mul3A_149] : memref<16x32768xf32, #tpu.memory_space<vmem_shared>> -> memref<1x2048xf32, #tpu.memory_space<vmem_shared>>
      %dma_wait3A_257 = tpu.memref_squeeze %dma_wait3A_256 : memref<1x2048xf32, #tpu.memory_space<vmem_shared>> -> memref<2048xf32, #tpu.memory_space<vmem_shared>>
      tpu.wait_dma2 semaphore(%run_scoped3A_243 : memref<!tpu.dma_semaphore, #tpu.memory_space<semaphore_mem>>) src(%dma_wait3A_257 : memref<2048xf32, #tpu.memory_space<vmem_shared>>) dst(%dma_wait3A_255 : memref<2048xf32, #tpu.memory_space<vmem>>)
      tpu.yield
    }) : () -> ()
    %scan3A_151 = arith.constant 0 : i32
    %scan3A_152 = arith.constant 0 : i32
    %scan3A_153 = arith.constant 128 : i32
    %scan3A_154 = arith.addi %scan3A_152, %scan3A_153 : i32
    %scan3A_155 = arith.constant 1 : i32
    scf.for %scan3A_243 = %scan3A_152 to %scan3A_154 step %scan3A_155  : i32 {
      %mul3A_244 = arith.constant 16 : i32
      %mul3A_245 = arith.muli %scan3A_243, %mul3A_244 : i32
      %get3A = arith.index_cast %mul3A_245 : i32 to index
      %get3A_246 = tpu.vector_load %arg17[%get3A] {strides = array<i32>} : memref<2048xf32, #tpu.memory_space<vmem>>, vector<16xf32>,
      %mul3A_247 = arith.constant 16 : i32
      %mul3A_248 = arith.muli %scan3A_243, %mul3A_247 : i32
      %get3A_249 = arith.index_cast %mul3A_248 : i32 to index
      %get3A_250 = tpu.vector_load %arg16[%get3A_249] {strides = array<i32>} : memref<32768xf32, #tpu.memory_space<vmem>>, vector<16xf32>,
      %add3A_251 = arith.addf %get3A_246, %get3A_250 : vector<16xf32>
      %mul3A_252 = arith.constant 16 : i32
      %mul3A_253 = arith.muli %scan3A_243, %mul3A_252 : i32
      %swap3A = arith.index_cast %mul3A_253 : i32 to index
      %swap3A_254 = tpu.vector_load %arg17[%swap3A] {strides = array<i32>} : memref<2048xf32, #tpu.memory_space<vmem>>, vector<16xf32>,
      tpu.vector_store %arg17[%swap3A], %add3A_251 {strides = array<i32>} : memref<2048xf32, #tpu.memory_space<vmem>>, vector<16xf32>,
    }
    %scan3A_156 = arith.constant 128 : i32
    %mul3A_157 = arith.constant 2048 : i32
    %mul3A_158 = arith.muli %arg1, %mul3A_157 : i32
    %run_scoped3A_159 = arith.constant 7 : i32
    "tpu.region"() ({
      %run_scoped3A_243 = tpu.sem_alloc : memref<!tpu.dma_semaphore, #tpu.memory_space<semaphore_mem>>
      %dma_start3A = arith.constant 0 : i32
      %dma_start3A_244 = tpu.memref_slice %arg16[%dma_start3A] : memref<32768xf32, #tpu.memory_space<vmem>> -> memref<2048xf32, #tpu.memory_space<vmem>>
      %dma_start3A_245 = tpu.memref_slice %arg20[%run_scoped3A_159, %mul3A_158] : memref<16x32768xf32, #tpu.memory_space<vmem_shared>> -> memref<1x2048xf32, #tpu.memory_space<vmem_shared>>
      %dma_start3A_246 = tpu.memref_squeeze %dma_start3A_245 : memref<1x2048xf32, #tpu.memory_space<vmem_shared>> -> memref<2048xf32, #tpu.memory_space<vmem_shared>>
      %dma_start3A_247 = arith.constant 0 : i32
      %dma_start3A_248 = tpu.memref_slice %arg16[%dma_start3A_247] : memref<32768xf32, #tpu.memory_space<vmem>> -> memref<2048xf32, #tpu.memory_space<vmem>>
      %dma_start3A_249 = tpu.memref_slice %arg20[%run_scoped3A_159, %mul3A_158] : memref<16x32768xf32, #tpu.memory_space<vmem_shared>> -> memref<1x2048xf32, #tpu.memory_space<vmem_shared>>
      %dma_start3A_250 = tpu.memref_squeeze %dma_start3A_249 : memref<1x2048xf32, #tpu.memory_space<vmem_shared>> -> memref<2048xf32, #tpu.memory_space<vmem_shared>>
      tpu.enqueue_dma source(%dma_start3A_250 : memref<2048xf32, #tpu.memory_space<vmem_shared>>) target(%dma_start3A_248 : memref<2048xf32, #tpu.memory_space<vmem>>) target_semaphore(%run_scoped3A_243 : memref<!tpu.dma_semaphore, #tpu.memory_space<semaphore_mem>>)
      %dma_wait3A = arith.constant 0 : i32
      %dma_wait3A_251 = tpu.memref_slice %arg16[%dma_wait3A] : memref<32768xf32, #tpu.memory_space<vmem>> -> memref<2048xf32, #tpu.memory_space<vmem>>
      %dma_wait3A_252 = tpu.memref_slice %arg20[%run_scoped3A_159, %mul3A_158] : memref<16x32768xf32, #tpu.memory_space<vmem_shared>> -> memref<1x2048xf32, #tpu.memory_space<vmem_shared>>
      %dma_wait3A_253 = tpu.memref_squeeze %dma_wait3A_252 : memref<1x2048xf32, #tpu.memory_space<vmem_shared>> -> memref<2048xf32, #tpu.memory_space<vmem_shared>>
      %dma_wait3A_254 = arith.constant 0 : i32
      %dma_wait3A_255 = tpu.memref_slice %arg16[%dma_wait3A_254] : memref<32768xf32, #tpu.memory_space<vmem>> -> memref<2048xf32, #tpu.memory_space<vmem>>
      %dma_wait3A_256 = tpu.memref_slice %arg20[%run_scoped3A_159, %mul3A_158] : memref<16x32768xf32, #tpu.memory_space<vmem_shared>> -> memref<1x2048xf32, #tpu.memory_space<vmem_shared>>
      %dma_wait3A_257 = tpu.memref_squeeze %dma_wait3A_256 : memref<1x2048xf32, #tpu.memory_space<vmem_shared>> -> memref<2048xf32, #tpu.memory_space<vmem_shared>>
      tpu.wait_dma2 semaphore(%run_scoped3A_243 : memref<!tpu.dma_semaphore, #tpu.memory_space<semaphore_mem>>) src(%dma_wait3A_257 : memref<2048xf32, #tpu.memory_space<vmem_shared>>) dst(%dma_wait3A_255 : memref<2048xf32, #tpu.memory_space<vmem>>)
      tpu.yield
    }) : () -> ()
    %scan3A_160 = arith.constant 0 : i32
    %scan3A_161 = arith.constant 0 : i32
    %scan3A_162 = arith.constant 128 : i32
    %scan3A_163 = arith.addi %scan3A_161, %scan3A_162 : i32
    %scan3A_164 = arith.constant 1 : i32
    scf.for %scan3A_243 = %scan3A_161 to %scan3A_163 step %scan3A_164  : i32 {
      %mul3A_244 = arith.constant 16 : i32
      %mul3A_245 = arith.muli %scan3A_243, %mul3A_244 : i32
      %get3A = arith.index_cast %mul3A_245 : i32 to index
      %get3A_246 = tpu.vector_load %arg17[%get3A] {strides = array<i32>} : memref<2048xf32, #tpu.memory_space<vmem>>, vector<16xf32>,
      %mul3A_247 = arith.constant 16 : i32
      %mul3A_248 = arith.muli %scan3A_243, %mul3A_247 : i32
      %get3A_249 = arith.index_cast %mul3A_248 : i32 to index
      %get3A_250 = tpu.vector_load %arg16[%get3A_249] {strides = array<i32>} : memref<32768xf32, #tpu.memory_space<vmem>>, vector<16xf32>,
      %add3A_251 = arith.addf %get3A_246, %get3A_250 : vector<16xf32>
      %mul3A_252 = arith.constant 16 : i32
      %mul3A_253 = arith.muli %scan3A_243, %mul3A_252 : i32
      %swap3A = arith.index_cast %mul3A_253 : i32 to index
      %swap3A_254 = tpu.vector_load %arg17[%swap3A] {strides = array<i32>} : memref<2048xf32, #tpu.memory_space<vmem>>, vector<16xf32>,
      tpu.vector_store %arg17[%swap3A], %add3A_251 {strides = array<i32>} : memref<2048xf32, #tpu.memory_space<vmem>>, vector<16xf32>,
    }
    %scan3A_165 = arith.constant 128 : i32
    %mul3A_166 = arith.constant 2048 : i32
    %mul3A_167 = arith.muli %arg1, %mul3A_166 : i32
    %run_scoped3A_168 = arith.constant 8 : i32
    "tpu.region"() ({
      %run_scoped3A_243 = tpu.sem_alloc : memref<!tpu.dma_semaphore, #tpu.memory_space<semaphore_mem>>
      %dma_start3A = arith.constant 0 : i32
      %dma_start3A_244 = tpu.memref_slice %arg16[%dma_start3A] : memref<32768xf32, #tpu.memory_space<vmem>> -> memref<2048xf32, #tpu.memory_space<vmem>>
      %dma_start3A_245 = tpu.memref_slice %arg20[%run_scoped3A_168, %mul3A_167] : memref<16x32768xf32, #tpu.memory_space<vmem_shared>> -> memref<1x2048xf32, #tpu.memory_space<vmem_shared>>
      %dma_start3A_246 = tpu.memref_squeeze %dma_start3A_245 : memref<1x2048xf32, #tpu.memory_space<vmem_shared>> -> memref<2048xf32, #tpu.memory_space<vmem_shared>>
      %dma_start3A_247 = arith.constant 0 : i32
      %dma_start3A_248 = tpu.memref_slice %arg16[%dma_start3A_247] : memref<32768xf32, #tpu.memory_space<vmem>> -> memref<2048xf32, #tpu.memory_space<vmem>>
      %dma_start3A_249 = tpu.memref_slice %arg20[%run_scoped3A_168, %mul3A_167] : memref<16x32768xf32, #tpu.memory_space<vmem_shared>> -> memref<1x2048xf32, #tpu.memory_space<vmem_shared>>
      %dma_start3A_250 = tpu.memref_squeeze %dma_start3A_249 : memref<1x2048xf32, #tpu.memory_space<vmem_shared>> -> memref<2048xf32, #tpu.memory_space<vmem_shared>>
      tpu.enqueue_dma source(%dma_start3A_250 : memref<2048xf32, #tpu.memory_space<vmem_shared>>) target(%dma_start3A_248 : memref<2048xf32, #tpu.memory_space<vmem>>) target_semaphore(%run_scoped3A_243 : memref<!tpu.dma_semaphore, #tpu.memory_space<semaphore_mem>>)
      %dma_wait3A = arith.constant 0 : i32
      %dma_wait3A_251 = tpu.memref_slice %arg16[%dma_wait3A] : memref<32768xf32, #tpu.memory_space<vmem>> -> memref<2048xf32, #tpu.memory_space<vmem>>
      %dma_wait3A_252 = tpu.memref_slice %arg20[%run_scoped3A_168, %mul3A_167] : memref<16x32768xf32, #tpu.memory_space<vmem_shared>> -> memref<1x2048xf32, #tpu.memory_space<vmem_shared>>
      %dma_wait3A_253 = tpu.memref_squeeze %dma_wait3A_252 : memref<1x2048xf32, #tpu.memory_space<vmem_shared>> -> memref<2048xf32, #tpu.memory_space<vmem_shared>>
      %dma_wait3A_254 = arith.constant 0 : i32
      %dma_wait3A_255 = tpu.memref_slice %arg16[%dma_wait3A_254] : memref<32768xf32, #tpu.memory_space<vmem>> -> memref<2048xf32, #tpu.memory_space<vmem>>
      %dma_wait3A_256 = tpu.memref_slice %arg20[%run_scoped3A_168, %mul3A_167] : memref<16x32768xf32, #tpu.memory_space<vmem_shared>> -> memref<1x2048xf32, #tpu.memory_space<vmem_shared>>
      %dma_wait3A_257 = tpu.memref_squeeze %dma_wait3A_256 : memref<1x2048xf32, #tpu.memory_space<vmem_shared>> -> memref<2048xf32, #tpu.memory_space<vmem_shared>>
      tpu.wait_dma2 semaphore(%run_scoped3A_243 : memref<!tpu.dma_semaphore, #tpu.memory_space<semaphore_mem>>) src(%dma_wait3A_257 : memref<2048xf32, #tpu.memory_space<vmem_shared>>) dst(%dma_wait3A_255 : memref<2048xf32, #tpu.memory_space<vmem>>)
      tpu.yield
    }) : () -> ()
    %scan3A_169 = arith.constant 0 : i32
    %scan3A_170 = arith.constant 0 : i32
    %scan3A_171 = arith.constant 128 : i32
    %scan3A_172 = arith.addi %scan3A_170, %scan3A_171 : i32
    %scan3A_173 = arith.constant 1 : i32
    scf.for %scan3A_243 = %scan3A_170 to %scan3A_172 step %scan3A_173  : i32 {
      %mul3A_244 = arith.constant 16 : i32
      %mul3A_245 = arith.muli %scan3A_243, %mul3A_244 : i32
      %get3A = arith.index_cast %mul3A_245 : i32 to index
      %get3A_246 = tpu.vector_load %arg17[%get3A] {strides = array<i32>} : memref<2048xf32, #tpu.memory_space<vmem>>, vector<16xf32>,
      %mul3A_247 = arith.constant 16 : i32
      %mul3A_248 = arith.muli %scan3A_243, %mul3A_247 : i32
      %get3A_249 = arith.index_cast %mul3A_248 : i32 to index
      %get3A_250 = tpu.vector_load %arg16[%get3A_249] {strides = array<i32>} : memref<32768xf32, #tpu.memory_space<vmem>>, vector<16xf32>,
      %add3A_251 = arith.addf %get3A_246, %get3A_250 : vector<16xf32>
      %mul3A_252 = arith.constant 16 : i32
      %mul3A_253 = arith.muli %scan3A_243, %mul3A_252 : i32
      %swap3A = arith.index_cast %mul3A_253 : i32 to index
      %swap3A_254 = tpu.vector_load %arg17[%swap3A] {strides = array<i32>} : memref<2048xf32, #tpu.memory_space<vmem>>, vector<16xf32>,
      tpu.vector_store %arg17[%swap3A], %add3A_251 {strides = array<i32>} : memref<2048xf32, #tpu.memory_space<vmem>>, vector<16xf32>,
    }
    %scan3A_174 = arith.constant 128 : i32
    %mul3A_175 = arith.constant 2048 : i32
    %mul3A_176 = arith.muli %arg1, %mul3A_175 : i32
    %run_scoped3A_177 = arith.constant 9 : i32
    "tpu.region"() ({
      %run_scoped3A_243 = tpu.sem_alloc : memref<!tpu.dma_semaphore, #tpu.memory_space<semaphore_mem>>
      %dma_start3A = arith.constant 0 : i32
      %dma_start3A_244 = tpu.memref_slice %arg16[%dma_start3A] : memref<32768xf32, #tpu.memory_space<vmem>> -> memref<2048xf32, #tpu.memory_space<vmem>>
      %dma_start3A_245 = tpu.memref_slice %arg20[%run_scoped3A_177, %mul3A_176] : memref<16x32768xf32, #tpu.memory_space<vmem_shared>> -> memref<1x2048xf32, #tpu.memory_space<vmem_shared>>
      %dma_start3A_246 = tpu.memref_squeeze %dma_start3A_245 : memref<1x2048xf32, #tpu.memory_space<vmem_shared>> -> memref<2048xf32, #tpu.memory_space<vmem_shared>>
      %dma_start3A_247 = arith.constant 0 : i32
      %dma_start3A_248 = tpu.memref_slice %arg16[%dma_start3A_247] : memref<32768xf32, #tpu.memory_space<vmem>> -> memref<2048xf32, #tpu.memory_space<vmem>>
      %dma_start3A_249 = tpu.memref_slice %arg20[%run_scoped3A_177, %mul3A_176] : memref<16x32768xf32, #tpu.memory_space<vmem_shared>> -> memref<1x2048xf32, #tpu.memory_space<vmem_shared>>
      %dma_start3A_250 = tpu.memref_squeeze %dma_start3A_249 : memref<1x2048xf32, #tpu.memory_space<vmem_shared>> -> memref<2048xf32, #tpu.memory_space<vmem_shared>>
      tpu.enqueue_dma source(%dma_start3A_250 : memref<2048xf32, #tpu.memory_space<vmem_shared>>) target(%dma_start3A_248 : memref<2048xf32, #tpu.memory_space<vmem>>) target_semaphore(%run_scoped3A_243 : memref<!tpu.dma_semaphore, #tpu.memory_space<semaphore_mem>>)
      %dma_wait3A = arith.constant 0 : i32
      %dma_wait3A_251 = tpu.memref_slice %arg16[%dma_wait3A] : memref<32768xf32, #tpu.memory_space<vmem>> -> memref<2048xf32, #tpu.memory_space<vmem>>
      %dma_wait3A_252 = tpu.memref_slice %arg20[%run_scoped3A_177, %mul3A_176] : memref<16x32768xf32, #tpu.memory_space<vmem_shared>> -> memref<1x2048xf32, #tpu.memory_space<vmem_shared>>
      %dma_wait3A_253 = tpu.memref_squeeze %dma_wait3A_252 : memref<1x2048xf32, #tpu.memory_space<vmem_shared>> -> memref<2048xf32, #tpu.memory_space<vmem_shared>>
      %dma_wait3A_254 = arith.constant 0 : i32
      %dma_wait3A_255 = tpu.memref_slice %arg16[%dma_wait3A_254] : memref<32768xf32, #tpu.memory_space<vmem>> -> memref<2048xf32, #tpu.memory_space<vmem>>
      %dma_wait3A_256 = tpu.memref_slice %arg20[%run_scoped3A_177, %mul3A_176] : memref<16x32768xf32, #tpu.memory_space<vmem_shared>> -> memref<1x2048xf32, #tpu.memory_space<vmem_shared>>
      %dma_wait3A_257 = tpu.memref_squeeze %dma_wait3A_256 : memref<1x2048xf32, #tpu.memory_space<vmem_shared>> -> memref<2048xf32, #tpu.memory_space<vmem_shared>>
      tpu.wait_dma2 semaphore(%run_scoped3A_243 : memref<!tpu.dma_semaphore, #tpu.memory_space<semaphore_mem>>) src(%dma_wait3A_257 : memref<2048xf32, #tpu.memory_space<vmem_shared>>) dst(%dma_wait3A_255 : memref<2048xf32, #tpu.memory_space<vmem>>)
      tpu.yield
    }) : () -> ()
    %scan3A_178 = arith.constant 0 : i32
    %scan3A_179 = arith.constant 0 : i32
    %scan3A_180 = arith.constant 128 : i32
    %scan3A_181 = arith.addi %scan3A_179, %scan3A_180 : i32
    %scan3A_182 = arith.constant 1 : i32
    scf.for %scan3A_243 = %scan3A_179 to %scan3A_181 step %scan3A_182  : i32 {
      %mul3A_244 = arith.constant 16 : i32
      %mul3A_245 = arith.muli %scan3A_243, %mul3A_244 : i32
      %get3A = arith.index_cast %mul3A_245 : i32 to index
      %get3A_246 = tpu.vector_load %arg17[%get3A] {strides = array<i32>} : memref<2048xf32, #tpu.memory_space<vmem>>, vector<16xf32>,
      %mul3A_247 = arith.constant 16 : i32
      %mul3A_248 = arith.muli %scan3A_243, %mul3A_247 : i32
      %get3A_249 = arith.index_cast %mul3A_248 : i32 to index
      %get3A_250 = tpu.vector_load %arg16[%get3A_249] {strides = array<i32>} : memref<32768xf32, #tpu.memory_space<vmem>>, vector<16xf32>,
      %add3A_251 = arith.addf %get3A_246, %get3A_250 : vector<16xf32>
      %mul3A_252 = arith.constant 16 : i32
      %mul3A_253 = arith.muli %scan3A_243, %mul3A_252 : i32
      %swap3A = arith.index_cast %mul3A_253 : i32 to index
      %swap3A_254 = tpu.vector_load %arg17[%swap3A] {strides = array<i32>} : memref<2048xf32, #tpu.memory_space<vmem>>, vector<16xf32>,
      tpu.vector_store %arg17[%swap3A], %add3A_251 {strides = array<i32>} : memref<2048xf32, #tpu.memory_space<vmem>>, vector<16xf32>,
    }
    %scan3A_183 = arith.constant 128 : i32
    %mul3A_184 = arith.constant 2048 : i32
    %mul3A_185 = arith.muli %arg1, %mul3A_184 : i32
    %run_scoped3A_186 = arith.constant 10 : i32
    "tpu.region"() ({
      %run_scoped3A_243 = tpu.sem_alloc : memref<!tpu.dma_semaphore, #tpu.memory_space<semaphore_mem>>
      %dma_start3A = arith.constant 0 : i32
      %dma_start3A_244 = tpu.memref_slice %arg16[%dma_start3A] : memref<32768xf32, #tpu.memory_space<vmem>> -> memref<2048xf32, #tpu.memory_space<vmem>>
      %dma_start3A_245 = tpu.memref_slice %arg20[%run_scoped3A_186, %mul3A_185] : memref<16x32768xf32, #tpu.memory_space<vmem_shared>> -> memref<1x2048xf32, #tpu.memory_space<vmem_shared>>
      %dma_start3A_246 = tpu.memref_squeeze %dma_start3A_245 : memref<1x2048xf32, #tpu.memory_space<vmem_shared>> -> memref<2048xf32, #tpu.memory_space<vmem_shared>>
      %dma_start3A_247 = arith.constant 0 : i32
      %dma_start3A_248 = tpu.memref_slice %arg16[%dma_start3A_247] : memref<32768xf32, #tpu.memory_space<vmem>> -> memref<2048xf32, #tpu.memory_space<vmem>>
      %dma_start3A_249 = tpu.memref_slice %arg20[%run_scoped3A_186, %mul3A_185] : memref<16x32768xf32, #tpu.memory_space<vmem_shared>> -> memref<1x2048xf32, #tpu.memory_space<vmem_shared>>
      %dma_start3A_250 = tpu.memref_squeeze %dma_start3A_249 : memref<1x2048xf32, #tpu.memory_space<vmem_shared>> -> memref<2048xf32, #tpu.memory_space<vmem_shared>>
      tpu.enqueue_dma source(%dma_start3A_250 : memref<2048xf32, #tpu.memory_space<vmem_shared>>) target(%dma_start3A_248 : memref<2048xf32, #tpu.memory_space<vmem>>) target_semaphore(%run_scoped3A_243 : memref<!tpu.dma_semaphore, #tpu.memory_space<semaphore_mem>>)
      %dma_wait3A = arith.constant 0 : i32
      %dma_wait3A_251 = tpu.memref_slice %arg16[%dma_wait3A] : memref<32768xf32, #tpu.memory_space<vmem>> -> memref<2048xf32, #tpu.memory_space<vmem>>
      %dma_wait3A_252 = tpu.memref_slice %arg20[%run_scoped3A_186, %mul3A_185] : memref<16x32768xf32, #tpu.memory_space<vmem_shared>> -> memref<1x2048xf32, #tpu.memory_space<vmem_shared>>
      %dma_wait3A_253 = tpu.memref_squeeze %dma_wait3A_252 : memref<1x2048xf32, #tpu.memory_space<vmem_shared>> -> memref<2048xf32, #tpu.memory_space<vmem_shared>>
      %dma_wait3A_254 = arith.constant 0 : i32
      %dma_wait3A_255 = tpu.memref_slice %arg16[%dma_wait3A_254] : memref<32768xf32, #tpu.memory_space<vmem>> -> memref<2048xf32, #tpu.memory_space<vmem>>
      %dma_wait3A_256 = tpu.memref_slice %arg20[%run_scoped3A_186, %mul3A_185] : memref<16x32768xf32, #tpu.memory_space<vmem_shared>> -> memref<1x2048xf32, #tpu.memory_space<vmem_shared>>
      %dma_wait3A_257 = tpu.memref_squeeze %dma_wait3A_256 : memref<1x2048xf32, #tpu.memory_space<vmem_shared>> -> memref<2048xf32, #tpu.memory_space<vmem_shared>>
      tpu.wait_dma2 semaphore(%run_scoped3A_243 : memref<!tpu.dma_semaphore, #tpu.memory_space<semaphore_mem>>) src(%dma_wait3A_257 : memref<2048xf32, #tpu.memory_space<vmem_shared>>) dst(%dma_wait3A_255 : memref<2048xf32, #tpu.memory_space<vmem>>)
      tpu.yield
    }) : () -> ()
    %scan3A_187 = arith.constant 0 : i32
    %scan3A_188 = arith.constant 0 : i32
    %scan3A_189 = arith.constant 128 : i32
    %scan3A_190 = arith.addi %scan3A_188, %scan3A_189 : i32
    %scan3A_191 = arith.constant 1 : i32
    scf.for %scan3A_243 = %scan3A_188 to %scan3A_190 step %scan3A_191  : i32 {
      %mul3A_244 = arith.constant 16 : i32
      %mul3A_245 = arith.muli %scan3A_243, %mul3A_244 : i32
      %get3A = arith.index_cast %mul3A_245 : i32 to index
      %get3A_246 = tpu.vector_load %arg17[%get3A] {strides = array<i32>} : memref<2048xf32, #tpu.memory_space<vmem>>, vector<16xf32>,
      %mul3A_247 = arith.constant 16 : i32
      %mul3A_248 = arith.muli %scan3A_243, %mul3A_247 : i32
      %get3A_249 = arith.index_cast %mul3A_248 : i32 to index
      %get3A_250 = tpu.vector_load %arg16[%get3A_249] {strides = array<i32>} : memref<32768xf32, #tpu.memory_space<vmem>>, vector<16xf32>,
      %add3A_251 = arith.addf %get3A_246, %get3A_250 : vector<16xf32>
      %mul3A_252 = arith.constant 16 : i32
      %mul3A_253 = arith.muli %scan3A_243, %mul3A_252 : i32
      %swap3A = arith.index_cast %mul3A_253 : i32 to index
      %swap3A_254 = tpu.vector_load %arg17[%swap3A] {strides = array<i32>} : memref<2048xf32, #tpu.memory_space<vmem>>, vector<16xf32>,
      tpu.vector_store %arg17[%swap3A], %add3A_251 {strides = array<i32>} : memref<2048xf32, #tpu.memory_space<vmem>>, vector<16xf32>,
    }
    %scan3A_192 = arith.constant 128 : i32
    %mul3A_193 = arith.constant 2048 : i32
    %mul3A_194 = arith.muli %arg1, %mul3A_193 : i32
    %run_scoped3A_195 = arith.constant 11 : i32
    "tpu.region"() ({
      %run_scoped3A_243 = tpu.sem_alloc : memref<!tpu.dma_semaphore, #tpu.memory_space<semaphore_mem>>
      %dma_start3A = arith.constant 0 : i32
      %dma_start3A_244 = tpu.memref_slice %arg16[%dma_start3A] : memref<32768xf32, #tpu.memory_space<vmem>> -> memref<2048xf32, #tpu.memory_space<vmem>>
      %dma_start3A_245 = tpu.memref_slice %arg20[%run_scoped3A_195, %mul3A_194] : memref<16x32768xf32, #tpu.memory_space<vmem_shared>> -> memref<1x2048xf32, #tpu.memory_space<vmem_shared>>
      %dma_start3A_246 = tpu.memref_squeeze %dma_start3A_245 : memref<1x2048xf32, #tpu.memory_space<vmem_shared>> -> memref<2048xf32, #tpu.memory_space<vmem_shared>>
      %dma_start3A_247 = arith.constant 0 : i32
      %dma_start3A_248 = tpu.memref_slice %arg16[%dma_start3A_247] : memref<32768xf32, #tpu.memory_space<vmem>> -> memref<2048xf32, #tpu.memory_space<vmem>>
      %dma_start3A_249 = tpu.memref_slice %arg20[%run_scoped3A_195, %mul3A_194] : memref<16x32768xf32, #tpu.memory_space<vmem_shared>> -> memref<1x2048xf32, #tpu.memory_space<vmem_shared>>
      %dma_start3A_250 = tpu.memref_squeeze %dma_start3A_249 : memref<1x2048xf32, #tpu.memory_space<vmem_shared>> -> memref<2048xf32, #tpu.memory_space<vmem_shared>>
      tpu.enqueue_dma source(%dma_start3A_250 : memref<2048xf32, #tpu.memory_space<vmem_shared>>) target(%dma_start3A_248 : memref<2048xf32, #tpu.memory_space<vmem>>) target_semaphore(%run_scoped3A_243 : memref<!tpu.dma_semaphore, #tpu.memory_space<semaphore_mem>>)
      %dma_wait3A = arith.constant 0 : i32
      %dma_wait3A_251 = tpu.memref_slice %arg16[%dma_wait3A] : memref<32768xf32, #tpu.memory_space<vmem>> -> memref<2048xf32, #tpu.memory_space<vmem>>
      %dma_wait3A_252 = tpu.memref_slice %arg20[%run_scoped3A_195, %mul3A_194] : memref<16x32768xf32, #tpu.memory_space<vmem_shared>> -> memref<1x2048xf32, #tpu.memory_space<vmem_shared>>
      %dma_wait3A_253 = tpu.memref_squeeze %dma_wait3A_252 : memref<1x2048xf32, #tpu.memory_space<vmem_shared>> -> memref<2048xf32, #tpu.memory_space<vmem_shared>>
      %dma_wait3A_254 = arith.constant 0 : i32
      %dma_wait3A_255 = tpu.memref_slice %arg16[%dma_wait3A_254] : memref<32768xf32, #tpu.memory_space<vmem>> -> memref<2048xf32, #tpu.memory_space<vmem>>
      %dma_wait3A_256 = tpu.memref_slice %arg20[%run_scoped3A_195, %mul3A_194] : memref<16x32768xf32, #tpu.memory_space<vmem_shared>> -> memref<1x2048xf32, #tpu.memory_space<vmem_shared>>
      %dma_wait3A_257 = tpu.memref_squeeze %dma_wait3A_256 : memref<1x2048xf32, #tpu.memory_space<vmem_shared>> -> memref<2048xf32, #tpu.memory_space<vmem_shared>>
      tpu.wait_dma2 semaphore(%run_scoped3A_243 : memref<!tpu.dma_semaphore, #tpu.memory_space<semaphore_mem>>) src(%dma_wait3A_257 : memref<2048xf32, #tpu.memory_space<vmem_shared>>) dst(%dma_wait3A_255 : memref<2048xf32, #tpu.memory_space<vmem>>)
      tpu.yield
    }) : () -> ()
    %scan3A_196 = arith.constant 0 : i32
    %scan3A_197 = arith.constant 0 : i32
    %scan3A_198 = arith.constant 128 : i32
    %scan3A_199 = arith.addi %scan3A_197, %scan3A_198 : i32
    %scan3A_200 = arith.constant 1 : i32
    scf.for %scan3A_243 = %scan3A_197 to %scan3A_199 step %scan3A_200  : i32 {
      %mul3A_244 = arith.constant 16 : i32
      %mul3A_245 = arith.muli %scan3A_243, %mul3A_244 : i32
      %get3A = arith.index_cast %mul3A_245 : i32 to index
      %get3A_246 = tpu.vector_load %arg17[%get3A] {strides = array<i32>} : memref<2048xf32, #tpu.memory_space<vmem>>, vector<16xf32>,
      %mul3A_247 = arith.constant 16 : i32
      %mul3A_248 = arith.muli %scan3A_243, %mul3A_247 : i32
      %get3A_249 = arith.index_cast %mul3A_248 : i32 to index
      %get3A_250 = tpu.vector_load %arg16[%get3A_249] {strides = array<i32>} : memref<32768xf32, #tpu.memory_space<vmem>>, vector<16xf32>,
      %add3A_251 = arith.addf %get3A_246, %get3A_250 : vector<16xf32>
      %mul3A_252 = arith.constant 16 : i32
      %mul3A_253 = arith.muli %scan3A_243, %mul3A_252 : i32
      %swap3A = arith.index_cast %mul3A_253 : i32 to index
      %swap3A_254 = tpu.vector_load %arg17[%swap3A] {strides = array<i32>} : memref<2048xf32, #tpu.memory_space<vmem>>, vector<16xf32>,
      tpu.vector_store %arg17[%swap3A], %add3A_251 {strides = array<i32>} : memref<2048xf32, #tpu.memory_space<vmem>>, vector<16xf32>,
    }
    %scan3A_201 = arith.constant 128 : i32
    %mul3A_202 = arith.constant 2048 : i32
    %mul3A_203 = arith.muli %arg1, %mul3A_202 : i32
    %run_scoped3A_204 = arith.constant 12 : i32
    "tpu.region"() ({
      %run_scoped3A_243 = tpu.sem_alloc : memref<!tpu.dma_semaphore, #tpu.memory_space<semaphore_mem>>
      %dma_start3A = arith.constant 0 : i32
      %dma_start3A_244 = tpu.memref_slice %arg16[%dma_start3A] : memref<32768xf32, #tpu.memory_space<vmem>> -> memref<2048xf32, #tpu.memory_space<vmem>>
      %dma_start3A_245 = tpu.memref_slice %arg20[%run_scoped3A_204, %mul3A_203] : memref<16x32768xf32, #tpu.memory_space<vmem_shared>> -> memref<1x2048xf32, #tpu.memory_space<vmem_shared>>
      %dma_start3A_246 = tpu.memref_squeeze %dma_start3A_245 : memref<1x2048xf32, #tpu.memory_space<vmem_shared>> -> memref<2048xf32, #tpu.memory_space<vmem_shared>>
      %dma_start3A_247 = arith.constant 0 : i32
      %dma_start3A_248 = tpu.memref_slice %arg16[%dma_start3A_247] : memref<32768xf32, #tpu.memory_space<vmem>> -> memref<2048xf32, #tpu.memory_space<vmem>>
      %dma_start3A_249 = tpu.memref_slice %arg20[%run_scoped3A_204, %mul3A_203] : memref<16x32768xf32, #tpu.memory_space<vmem_shared>> -> memref<1x2048xf32, #tpu.memory_space<vmem_shared>>
      %dma_start3A_250 = tpu.memref_squeeze %dma_start3A_249 : memref<1x2048xf32, #tpu.memory_space<vmem_shared>> -> memref<2048xf32, #tpu.memory_space<vmem_shared>>
      tpu.enqueue_dma source(%dma_start3A_250 : memref<2048xf32, #tpu.memory_space<vmem_shared>>) target(%dma_start3A_248 : memref<2048xf32, #tpu.memory_space<vmem>>) target_semaphore(%run_scoped3A_243 : memref<!tpu.dma_semaphore, #tpu.memory_space<semaphore_mem>>)
      %dma_wait3A = arith.constant 0 : i32
      %dma_wait3A_251 = tpu.memref_slice %arg16[%dma_wait3A] : memref<32768xf32, #tpu.memory_space<vmem>> -> memref<2048xf32, #tpu.memory_space<vmem>>
      %dma_wait3A_252 = tpu.memref_slice %arg20[%run_scoped3A_204, %mul3A_203] : memref<16x32768xf32, #tpu.memory_space<vmem_shared>> -> memref<1x2048xf32, #tpu.memory_space<vmem_shared>>
      %dma_wait3A_253 = tpu.memref_squeeze %dma_wait3A_252 : memref<1x2048xf32, #tpu.memory_space<vmem_shared>> -> memref<2048xf32, #tpu.memory_space<vmem_shared>>
      %dma_wait3A_254 = arith.constant 0 : i32
      %dma_wait3A_255 = tpu.memref_slice %arg16[%dma_wait3A_254] : memref<32768xf32, #tpu.memory_space<vmem>> -> memref<2048xf32, #tpu.memory_space<vmem>>
      %dma_wait3A_256 = tpu.memref_slice %arg20[%run_scoped3A_204, %mul3A_203] : memref<16x32768xf32, #tpu.memory_space<vmem_shared>> -> memref<1x2048xf32, #tpu.memory_space<vmem_shared>>
      %dma_wait3A_257 = tpu.memref_squeeze %dma_wait3A_256 : memref<1x2048xf32, #tpu.memory_space<vmem_shared>> -> memref<2048xf32, #tpu.memory_space<vmem_shared>>
      tpu.wait_dma2 semaphore(%run_scoped3A_243 : memref<!tpu.dma_semaphore, #tpu.memory_space<semaphore_mem>>) src(%dma_wait3A_257 : memref<2048xf32, #tpu.memory_space<vmem_shared>>) dst(%dma_wait3A_255 : memref<2048xf32, #tpu.memory_space<vmem>>)
      tpu.yield
    }) : () -> ()
    %scan3A_205 = arith.constant 0 : i32
    %scan3A_206 = arith.constant 0 : i32
    %scan3A_207 = arith.constant 128 : i32
    %scan3A_208 = arith.addi %scan3A_206, %scan3A_207 : i32
    %scan3A_209 = arith.constant 1 : i32
    scf.for %scan3A_243 = %scan3A_206 to %scan3A_208 step %scan3A_209  : i32 {
      %mul3A_244 = arith.constant 16 : i32
      %mul3A_245 = arith.muli %scan3A_243, %mul3A_244 : i32
      %get3A = arith.index_cast %mul3A_245 : i32 to index
      %get3A_246 = tpu.vector_load %arg17[%get3A] {strides = array<i32>} : memref<2048xf32, #tpu.memory_space<vmem>>, vector<16xf32>,
      %mul3A_247 = arith.constant 16 : i32
      %mul3A_248 = arith.muli %scan3A_243, %mul3A_247 : i32
      %get3A_249 = arith.index_cast %mul3A_248 : i32 to index
      %get3A_250 = tpu.vector_load %arg16[%get3A_249] {strides = array<i32>} : memref<32768xf32, #tpu.memory_space<vmem>>, vector<16xf32>,
      %add3A_251 = arith.addf %get3A_246, %get3A_250 : vector<16xf32>
      %mul3A_252 = arith.constant 16 : i32
      %mul3A_253 = arith.muli %scan3A_243, %mul3A_252 : i32
      %swap3A = arith.index_cast %mul3A_253 : i32 to index
      %swap3A_254 = tpu.vector_load %arg17[%swap3A] {strides = array<i32>} : memref<2048xf32, #tpu.memory_space<vmem>>, vector<16xf32>,
      tpu.vector_store %arg17[%swap3A], %add3A_251 {strides = array<i32>} : memref<2048xf32, #tpu.memory_space<vmem>>, vector<16xf32>,
    }
    %scan3A_210 = arith.constant 128 : i32
    %mul3A_211 = arith.constant 2048 : i32
    %mul3A_212 = arith.muli %arg1, %mul3A_211 : i32
    %run_scoped3A_213 = arith.constant 13 : i32
    "tpu.region"() ({
      %run_scoped3A_243 = tpu.sem_alloc : memref<!tpu.dma_semaphore, #tpu.memory_space<semaphore_mem>>
      %dma_start3A = arith.constant 0 : i32
      %dma_start3A_244 = tpu.memref_slice %arg16[%dma_start3A] : memref<32768xf32, #tpu.memory_space<vmem>> -> memref<2048xf32, #tpu.memory_space<vmem>>
      %dma_start3A_245 = tpu.memref_slice %arg20[%run_scoped3A_213, %mul3A_212] : memref<16x32768xf32, #tpu.memory_space<vmem_shared>> -> memref<1x2048xf32, #tpu.memory_space<vmem_shared>>
      %dma_start3A_246 = tpu.memref_squeeze %dma_start3A_245 : memref<1x2048xf32, #tpu.memory_space<vmem_shared>> -> memref<2048xf32, #tpu.memory_space<vmem_shared>>
      %dma_start3A_247 = arith.constant 0 : i32
      %dma_start3A_248 = tpu.memref_slice %arg16[%dma_start3A_247] : memref<32768xf32, #tpu.memory_space<vmem>> -> memref<2048xf32, #tpu.memory_space<vmem>>
      %dma_start3A_249 = tpu.memref_slice %arg20[%run_scoped3A_213, %mul3A_212] : memref<16x32768xf32, #tpu.memory_space<vmem_shared>> -> memref<1x2048xf32, #tpu.memory_space<vmem_shared>>
      %dma_start3A_250 = tpu.memref_squeeze %dma_start3A_249 : memref<1x2048xf32, #tpu.memory_space<vmem_shared>> -> memref<2048xf32, #tpu.memory_space<vmem_shared>>
      tpu.enqueue_dma source(%dma_start3A_250 : memref<2048xf32, #tpu.memory_space<vmem_shared>>) target(%dma_start3A_248 : memref<2048xf32, #tpu.memory_space<vmem>>) target_semaphore(%run_scoped3A_243 : memref<!tpu.dma_semaphore, #tpu.memory_space<semaphore_mem>>)
      %dma_wait3A = arith.constant 0 : i32
      %dma_wait3A_251 = tpu.memref_slice %arg16[%dma_wait3A] : memref<32768xf32, #tpu.memory_space<vmem>> -> memref<2048xf32, #tpu.memory_space<vmem>>
      %dma_wait3A_252 = tpu.memref_slice %arg20[%run_scoped3A_213, %mul3A_212] : memref<16x32768xf32, #tpu.memory_space<vmem_shared>> -> memref<1x2048xf32, #tpu.memory_space<vmem_shared>>
      %dma_wait3A_253 = tpu.memref_squeeze %dma_wait3A_252 : memref<1x2048xf32, #tpu.memory_space<vmem_shared>> -> memref<2048xf32, #tpu.memory_space<vmem_shared>>
      %dma_wait3A_254 = arith.constant 0 : i32
      %dma_wait3A_255 = tpu.memref_slice %arg16[%dma_wait3A_254] : memref<32768xf32, #tpu.memory_space<vmem>> -> memref<2048xf32, #tpu.memory_space<vmem>>
      %dma_wait3A_256 = tpu.memref_slice %arg20[%run_scoped3A_213, %mul3A_212] : memref<16x32768xf32, #tpu.memory_space<vmem_shared>> -> memref<1x2048xf32, #tpu.memory_space<vmem_shared>>
      %dma_wait3A_257 = tpu.memref_squeeze %dma_wait3A_256 : memref<1x2048xf32, #tpu.memory_space<vmem_shared>> -> memref<2048xf32, #tpu.memory_space<vmem_shared>>
      tpu.wait_dma2 semaphore(%run_scoped3A_243 : memref<!tpu.dma_semaphore, #tpu.memory_space<semaphore_mem>>) src(%dma_wait3A_257 : memref<2048xf32, #tpu.memory_space<vmem_shared>>) dst(%dma_wait3A_255 : memref<2048xf32, #tpu.memory_space<vmem>>)
      tpu.yield
    }) : () -> ()
    %scan3A_214 = arith.constant 0 : i32
    %scan3A_215 = arith.constant 0 : i32
    %scan3A_216 = arith.constant 128 : i32
    %scan3A_217 = arith.addi %scan3A_215, %scan3A_216 : i32
    %scan3A_218 = arith.constant 1 : i32
    scf.for %scan3A_243 = %scan3A_215 to %scan3A_217 step %scan3A_218  : i32 {
      %mul3A_244 = arith.constant 16 : i32
      %mul3A_245 = arith.muli %scan3A_243, %mul3A_244 : i32
      %get3A = arith.index_cast %mul3A_245 : i32 to index
      %get3A_246 = tpu.vector_load %arg17[%get3A] {strides = array<i32>} : memref<2048xf32, #tpu.memory_space<vmem>>, vector<16xf32>,
      %mul3A_247 = arith.constant 16 : i32
      %mul3A_248 = arith.muli %scan3A_243, %mul3A_247 : i32
      %get3A_249 = arith.index_cast %mul3A_248 : i32 to index
      %get3A_250 = tpu.vector_load %arg16[%get3A_249] {strides = array<i32>} : memref<32768xf32, #tpu.memory_space<vmem>>, vector<16xf32>,
      %add3A_251 = arith.addf %get3A_246, %get3A_250 : vector<16xf32>
      %mul3A_252 = arith.constant 16 : i32
      %mul3A_253 = arith.muli %scan3A_243, %mul3A_252 : i32
      %swap3A = arith.index_cast %mul3A_253 : i32 to index
      %swap3A_254 = tpu.vector_load %arg17[%swap3A] {strides = array<i32>} : memref<2048xf32, #tpu.memory_space<vmem>>, vector<16xf32>,
      tpu.vector_store %arg17[%swap3A], %add3A_251 {strides = array<i32>} : memref<2048xf32, #tpu.memory_space<vmem>>, vector<16xf32>,
    }
    %scan3A_219 = arith.constant 128 : i32
    %mul3A_220 = arith.constant 2048 : i32
    %mul3A_221 = arith.muli %arg1, %mul3A_220 : i32
    %run_scoped3A_222 = arith.constant 14 : i32
    "tpu.region"() ({
      %run_scoped3A_243 = tpu.sem_alloc : memref<!tpu.dma_semaphore, #tpu.memory_space<semaphore_mem>>
      %dma_start3A = arith.constant 0 : i32
      %dma_start3A_244 = tpu.memref_slice %arg16[%dma_start3A] : memref<32768xf32, #tpu.memory_space<vmem>> -> memref<2048xf32, #tpu.memory_space<vmem>>
      %dma_start3A_245 = tpu.memref_slice %arg20[%run_scoped3A_222, %mul3A_221] : memref<16x32768xf32, #tpu.memory_space<vmem_shared>> -> memref<1x2048xf32, #tpu.memory_space<vmem_shared>>
      %dma_start3A_246 = tpu.memref_squeeze %dma_start3A_245 : memref<1x2048xf32, #tpu.memory_space<vmem_shared>> -> memref<2048xf32, #tpu.memory_space<vmem_shared>>
      %dma_start3A_247 = arith.constant 0 : i32
      %dma_start3A_248 = tpu.memref_slice %arg16[%dma_start3A_247] : memref<32768xf32, #tpu.memory_space<vmem>> -> memref<2048xf32, #tpu.memory_space<vmem>>
      %dma_start3A_249 = tpu.memref_slice %arg20[%run_scoped3A_222, %mul3A_221] : memref<16x32768xf32, #tpu.memory_space<vmem_shared>> -> memref<1x2048xf32, #tpu.memory_space<vmem_shared>>
      %dma_start3A_250 = tpu.memref_squeeze %dma_start3A_249 : memref<1x2048xf32, #tpu.memory_space<vmem_shared>> -> memref<2048xf32, #tpu.memory_space<vmem_shared>>
      tpu.enqueue_dma source(%dma_start3A_250 : memref<2048xf32, #tpu.memory_space<vmem_shared>>) target(%dma_start3A_248 : memref<2048xf32, #tpu.memory_space<vmem>>) target_semaphore(%run_scoped3A_243 : memref<!tpu.dma_semaphore, #tpu.memory_space<semaphore_mem>>)
      %dma_wait3A = arith.constant 0 : i32
      %dma_wait3A_251 = tpu.memref_slice %arg16[%dma_wait3A] : memref<32768xf32, #tpu.memory_space<vmem>> -> memref<2048xf32, #tpu.memory_space<vmem>>
      %dma_wait3A_252 = tpu.memref_slice %arg20[%run_scoped3A_222, %mul3A_221] : memref<16x32768xf32, #tpu.memory_space<vmem_shared>> -> memref<1x2048xf32, #tpu.memory_space<vmem_shared>>
      %dma_wait3A_253 = tpu.memref_squeeze %dma_wait3A_252 : memref<1x2048xf32, #tpu.memory_space<vmem_shared>> -> memref<2048xf32, #tpu.memory_space<vmem_shared>>
      %dma_wait3A_254 = arith.constant 0 : i32
      %dma_wait3A_255 = tpu.memref_slice %arg16[%dma_wait3A_254] : memref<32768xf32, #tpu.memory_space<vmem>> -> memref<2048xf32, #tpu.memory_space<vmem>>
      %dma_wait3A_256 = tpu.memref_slice %arg20[%run_scoped3A_222, %mul3A_221] : memref<16x32768xf32, #tpu.memory_space<vmem_shared>> -> memref<1x2048xf32, #tpu.memory_space<vmem_shared>>
      %dma_wait3A_257 = tpu.memref_squeeze %dma_wait3A_256 : memref<1x2048xf32, #tpu.memory_space<vmem_shared>> -> memref<2048xf32, #tpu.memory_space<vmem_shared>>
      tpu.wait_dma2 semaphore(%run_scoped3A_243 : memref<!tpu.dma_semaphore, #tpu.memory_space<semaphore_mem>>) src(%dma_wait3A_257 : memref<2048xf32, #tpu.memory_space<vmem_shared>>) dst(%dma_wait3A_255 : memref<2048xf32, #tpu.memory_space<vmem>>)
      tpu.yield
    }) : () -> ()
    %scan3A_223 = arith.constant 0 : i32
    %scan3A_224 = arith.constant 0 : i32
    %scan3A_225 = arith.constant 128 : i32
    %scan3A_226 = arith.addi %scan3A_224, %scan3A_225 : i32
    %scan3A_227 = arith.constant 1 : i32
    scf.for %scan3A_243 = %scan3A_224 to %scan3A_226 step %scan3A_227  : i32 {
      %mul3A_244 = arith.constant 16 : i32
      %mul3A_245 = arith.muli %scan3A_243, %mul3A_244 : i32
      %get3A = arith.index_cast %mul3A_245 : i32 to index
      %get3A_246 = tpu.vector_load %arg17[%get3A] {strides = array<i32>} : memref<2048xf32, #tpu.memory_space<vmem>>, vector<16xf32>,
      %mul3A_247 = arith.constant 16 : i32
      %mul3A_248 = arith.muli %scan3A_243, %mul3A_247 : i32
      %get3A_249 = arith.index_cast %mul3A_248 : i32 to index
      %get3A_250 = tpu.vector_load %arg16[%get3A_249] {strides = array<i32>} : memref<32768xf32, #tpu.memory_space<vmem>>, vector<16xf32>,
      %add3A_251 = arith.addf %get3A_246, %get3A_250 : vector<16xf32>
      %mul3A_252 = arith.constant 16 : i32
      %mul3A_253 = arith.muli %scan3A_243, %mul3A_252 : i32
      %swap3A = arith.index_cast %mul3A_253 : i32 to index
      %swap3A_254 = tpu.vector_load %arg17[%swap3A] {strides = array<i32>} : memref<2048xf32, #tpu.memory_space<vmem>>, vector<16xf32>,
      tpu.vector_store %arg17[%swap3A], %add3A_251 {strides = array<i32>} : memref<2048xf32, #tpu.memory_space<vmem>>, vector<16xf32>,
    }
    %scan3A_228 = arith.constant 128 : i32
    %mul3A_229 = arith.constant 2048 : i32
    %mul3A_230 = arith.muli %arg1, %mul3A_229 : i32
    %run_scoped3A_231 = arith.constant 15 : i32
    "tpu.region"() ({
      %run_scoped3A_243 = tpu.sem_alloc : memref<!tpu.dma_semaphore, #tpu.memory_space<semaphore_mem>>
      %dma_start3A = arith.constant 0 : i32
      %dma_start3A_244 = tpu.memref_slice %arg16[%dma_start3A] : memref<32768xf32, #tpu.memory_space<vmem>> -> memref<2048xf32, #tpu.memory_space<vmem>>
      %dma_start3A_245 = tpu.memref_slice %arg20[%run_scoped3A_231, %mul3A_230] : memref<16x32768xf32, #tpu.memory_space<vmem_shared>> -> memref<1x2048xf32, #tpu.memory_space<vmem_shared>>
      %dma_start3A_246 = tpu.memref_squeeze %dma_start3A_245 : memref<1x2048xf32, #tpu.memory_space<vmem_shared>> -> memref<2048xf32, #tpu.memory_space<vmem_shared>>
      %dma_start3A_247 = arith.constant 0 : i32
      %dma_start3A_248 = tpu.memref_slice %arg16[%dma_start3A_247] : memref<32768xf32, #tpu.memory_space<vmem>> -> memref<2048xf32, #tpu.memory_space<vmem>>
      %dma_start3A_249 = tpu.memref_slice %arg20[%run_scoped3A_231, %mul3A_230] : memref<16x32768xf32, #tpu.memory_space<vmem_shared>> -> memref<1x2048xf32, #tpu.memory_space<vmem_shared>>
      %dma_start3A_250 = tpu.memref_squeeze %dma_start3A_249 : memref<1x2048xf32, #tpu.memory_space<vmem_shared>> -> memref<2048xf32, #tpu.memory_space<vmem_shared>>
      tpu.enqueue_dma source(%dma_start3A_250 : memref<2048xf32, #tpu.memory_space<vmem_shared>>) target(%dma_start3A_248 : memref<2048xf32, #tpu.memory_space<vmem>>) target_semaphore(%run_scoped3A_243 : memref<!tpu.dma_semaphore, #tpu.memory_space<semaphore_mem>>)
      %dma_wait3A = arith.constant 0 : i32
      %dma_wait3A_251 = tpu.memref_slice %arg16[%dma_wait3A] : memref<32768xf32, #tpu.memory_space<vmem>> -> memref<2048xf32, #tpu.memory_space<vmem>>
      %dma_wait3A_252 = tpu.memref_slice %arg20[%run_scoped3A_231, %mul3A_230] : memref<16x32768xf32, #tpu.memory_space<vmem_shared>> -> memref<1x2048xf32, #tpu.memory_space<vmem_shared>>
      %dma_wait3A_253 = tpu.memref_squeeze %dma_wait3A_252 : memref<1x2048xf32, #tpu.memory_space<vmem_shared>> -> memref<2048xf32, #tpu.memory_space<vmem_shared>>
      %dma_wait3A_254 = arith.constant 0 : i32
      %dma_wait3A_255 = tpu.memref_slice %arg16[%dma_wait3A_254] : memref<32768xf32, #tpu.memory_space<vmem>> -> memref<2048xf32, #tpu.memory_space<vmem>>
      %dma_wait3A_256 = tpu.memref_slice %arg20[%run_scoped3A_231, %mul3A_230] : memref<16x32768xf32, #tpu.memory_space<vmem_shared>> -> memref<1x2048xf32, #tpu.memory_space<vmem_shared>>
      %dma_wait3A_257 = tpu.memref_squeeze %dma_wait3A_256 : memref<1x2048xf32, #tpu.memory_space<vmem_shared>> -> memref<2048xf32, #tpu.memory_space<vmem_shared>>
      tpu.wait_dma2 semaphore(%run_scoped3A_243 : memref<!tpu.dma_semaphore, #tpu.memory_space<semaphore_mem>>) src(%dma_wait3A_257 : memref<2048xf32, #tpu.memory_space<vmem_shared>>) dst(%dma_wait3A_255 : memref<2048xf32, #tpu.memory_space<vmem>>)
      tpu.yield
    }) : () -> ()
    %scan3A_232 = arith.constant 0 : i32
    %scan3A_233 = arith.constant 0 : i32
    %scan3A_234 = arith.constant 128 : i32
    %scan3A_235 = arith.addi %scan3A_233, %scan3A_234 : i32
    %scan3A_236 = arith.constant 1 : i32
    scf.for %scan3A_243 = %scan3A_233 to %scan3A_235 step %scan3A_236  : i32 {
      %mul3A_244 = arith.constant 16 : i32
      %mul3A_245 = arith.muli %scan3A_243, %mul3A_244 : i32
      %get3A = arith.index_cast %mul3A_245 : i32 to index
      %get3A_246 = tpu.vector_load %arg17[%get3A] {strides = array<i32>} : memref<2048xf32, #tpu.memory_space<vmem>>, vector<16xf32>,
      %mul3A_247 = arith.constant 16 : i32
      %mul3A_248 = arith.muli %scan3A_243, %mul3A_247 : i32
      %get3A_249 = arith.index_cast %mul3A_248 : i32 to index
      %get3A_250 = tpu.vector_load %arg16[%get3A_249] {strides = array<i32>} : memref<32768xf32, #tpu.memory_space<vmem>>, vector<16xf32>,
      %add3A_251 = arith.addf %get3A_246, %get3A_250 : vector<16xf32>
      %mul3A_252 = arith.constant 16 : i32
      %mul3A_253 = arith.muli %scan3A_243, %mul3A_252 : i32
      %swap3A = arith.index_cast %mul3A_253 : i32 to index
      %swap3A_254 = tpu.vector_load %arg17[%swap3A] {strides = array<i32>} : memref<2048xf32, #tpu.memory_space<vmem>>, vector<16xf32>,
      tpu.vector_store %arg17[%swap3A], %add3A_251 {strides = array<i32>} : memref<2048xf32, #tpu.memory_space<vmem>>, vector<16xf32>,
    }
    %scan3A_237 = arith.constant 128 : i32
    %mul3A_238 = arith.constant 32768 : i32
    %mul3A_239 = arith.muli %arg0, %mul3A_238 : i32
    %mul3A_240 = arith.constant 2048 : i32
    %mul3A_241 = arith.muli %arg1, %mul3A_240 : i32
    %add3A_242 = arith.addi %mul3A_239, %mul3A_241 : i32
    "tpu.region"() ({
      %run_scoped3A_243 = tpu.sem_alloc : memref<!tpu.dma_semaphore, #tpu.memory_space<semaphore_mem>>
      %dma_start3A = tpu.memref_slice %arg8[%add3A_242] : memref<65536xf32, #tpu.memory_space<hbm>> -> memref<2048xf32, #tpu.memory_space<hbm>>
      %dma_start3A_244 = tpu.memref_slice %arg8[%add3A_242] : memref<65536xf32, #tpu.memory_space<hbm>> -> memref<2048xf32, #tpu.memory_space<hbm>>
      tpu.enqueue_dma source(%arg17 : memref<2048xf32, #tpu.memory_space<vmem>>) target(%dma_start3A_244 : memref<2048xf32, #tpu.memory_space<hbm>>) target_semaphore(%run_scoped3A_243 : memref<!tpu.dma_semaphore, #tpu.memory_space<semaphore_mem>>)
      %dma_wait3A = tpu.memref_slice %arg8[%add3A_242] : memref<65536xf32, #tpu.memory_space<hbm>> -> memref<2048xf32, #tpu.memory_space<hbm>>
      %dma_wait3A_245 = tpu.memref_slice %arg8[%add3A_242] : memref<65536xf32, #tpu.memory_space<hbm>> -> memref<2048xf32, #tpu.memory_space<hbm>>
      tpu.wait_dma2 semaphore(%run_scoped3A_243 : memref<!tpu.dma_semaphore, #tpu.memory_space<semaphore_mem>>) src(%arg17 : memref<2048xf32, #tpu.memory_space<vmem>>) dst(%dma_wait3A_245 : memref<2048xf32, #tpu.memory_space<hbm>>)
      tpu.yield
    }) : () -> ()
    return
  }
}

#map = affine_map<(d0, d1) -> (0)>
#map1 = affine_map<(d0, d1) -> (0, 0)>
module attributes {stable_mosaic.version = 14 : i64} {
  func.func @_sc_scatter_body(%arg0: i32, %arg1: i32, %arg2: memref<32768xi32, #tpu.memory_space<hbm>>, %arg3: memref<65536xf32, #tpu.memory_space<hbm>>, %arg4: memref<32768x768xf32, #tpu.memory_space<hbm>>, %arg5: memref<32768x768xf32, #tpu.memory_space<hbm>>, %arg6: memref<32768xi32, #tpu.memory_space<vmem>>, %arg7: memref<32784xi32, #tpu.memory_space<vmem>>, %arg8: memref<16xi32, #tpu.memory_space<vmem>>, %arg9: memref<64xf32, #tpu.memory_space<vmem>>, %arg10: memref<64xf32, #tpu.memory_space<vmem>>, %arg11: memref<80xf32, #tpu.memory_space<vmem>>, %arg12: memref<65x768xf32, #tpu.memory_space<vmem>>, %arg13: memref<8x768xf32, #tpu.memory_space<vmem>>, %arg14: memref<!tpu.dma_semaphore, #tpu.memory_space<semaphore_mem>>) attributes {dimension_semantics = [#tpu.dimension_semantics<core_parallel>, #tpu.dimension_semantics<subcore_parallel>], iteration_bounds = array<i64: 2, 16>, scalar_prefetch = 0 : i64, scratch_operands = 9 : i64, tpu.core_type = #tpu.core_type<sc_vector_subcore>, window_params = [{transform_indices = #map}, {transform_indices = #map}, {transform_indices = #map1}, {transform_indices = #map1}]} {
    %mul3A = arith.constant 2 : i32
    %mul3A_0 = arith.muli %arg1, %mul3A : i32
    %add3A = arith.addi %mul3A_0, %arg0 : i32
    %iota3A = tpu.iota {dimensions = array<i32: 0>} : vector<16xi32>
    %broadcast_in_dim3A = arith.constant 0.000000e+00 : f32
    %broadcast_in_dim3A_1 = vector.broadcast %broadcast_in_dim3A : f32 to vector<16xf32>
    "tpu.region"() ({
      %run_scoped3A = tpu.sem_alloc : memref<!tpu.dma_semaphore, #tpu.memory_space<semaphore_mem>>
      tpu.enqueue_dma source(%arg2 : memref<32768xi32, #tpu.memory_space<hbm>>) target(%arg6 : memref<32768xi32, #tpu.memory_space<vmem>>) target_semaphore(%run_scoped3A : memref<!tpu.dma_semaphore, #tpu.memory_space<semaphore_mem>>)
      tpu.wait_dma2 semaphore(%run_scoped3A : memref<!tpu.dma_semaphore, #tpu.memory_space<semaphore_mem>>) src(%arg2 : memref<32768xi32, #tpu.memory_space<hbm>>) dst(%arg6 : memref<32768xi32, #tpu.memory_space<vmem>>)
      tpu.yield
    }) : () -> ()
    %scan3A = arith.constant 0 : i32
    %scan3A_2 = arith.constant 0 : i32
    %scan3A_3 = arith.constant 16 : i32
    %scan3A_4 = arith.addi %scan3A_2, %scan3A_3 : i32
    %scan3A_5 = arith.constant 1 : i32
    scf.for %scan3A_7 = %scan3A_2 to %scan3A_4 step %scan3A_5  : i32 {
      %mul3A_8 = arith.constant 32 : i32
      %mul3A_9 = arith.muli %scan3A_7, %mul3A_8 : i32
      %add3A_10 = arith.addi %mul3A_9, %add3A : i32
      %mul3A_11 = arith.constant 64 : i32
      %mul3A_12 = arith.muli %add3A_10, %mul3A_11 : i32
      %scan3A_13 = arith.constant 0 : i32
      %scan3A_14 = arith.constant 0 : i32
      %scan3A_15 = arith.constant 64 : i32
      %scan3A_16 = arith.addi %scan3A_14, %scan3A_15 : i32
      %scan3A_17 = arith.constant 1 : i32
      scf.for %scan3A_64 = %scan3A_14 to %scan3A_16 step %scan3A_17  : i32 {
        %swap3A = arith.index_cast %scan3A_64 : i32 to index
        %swap3A_65 = arith.constant 0 : index
        %swap3A_66 = tpu.vector_load %arg12[%swap3A, %swap3A_65] {strides = array<i32>} : memref<65x768xf32, #tpu.memory_space<vmem>>, vector<16xf32>,
        tpu.vector_store %arg12[%swap3A, %swap3A_65], %broadcast_in_dim3A_1 {strides = array<i32>} : memref<65x768xf32, #tpu.memory_space<vmem>>, vector<16xf32>,
        %swap3A_67 = arith.index_cast %scan3A_64 : i32 to index
        %swap3A_68 = arith.constant 16 : index
        %swap3A_69 = tpu.vector_load %arg12[%swap3A_67, %swap3A_68] {strides = array<i32>} : memref<65x768xf32, #tpu.memory_space<vmem>>, vector<16xf32>,
        tpu.vector_store %arg12[%swap3A_67, %swap3A_68], %broadcast_in_dim3A_1 {strides = array<i32>} : memref<65x768xf32, #tpu.memory_space<vmem>>, vector<16xf32>,
        %swap3A_70 = arith.index_cast %scan3A_64 : i32 to index
        %swap3A_71 = arith.constant 32 : index
        %swap3A_72 = tpu.vector_load %arg12[%swap3A_70, %swap3A_71] {strides = array<i32>} : memref<65x768xf32, #tpu.memory_space<vmem>>, vector<16xf32>,
        tpu.vector_store %arg12[%swap3A_70, %swap3A_71], %broadcast_in_dim3A_1 {strides = array<i32>} : memref<65x768xf32, #tpu.memory_space<vmem>>, vector<16xf32>,
        %swap3A_73 = arith.index_cast %scan3A_64 : i32 to index
        %swap3A_74 = arith.constant 48 : index
        %swap3A_75 = tpu.vector_load %arg12[%swap3A_73, %swap3A_74] {strides = array<i32>} : memref<65x768xf32, #tpu.memory_space<vmem>>, vector<16xf32>,
        tpu.vector_store %arg12[%swap3A_73, %swap3A_74], %broadcast_in_dim3A_1 {strides = array<i32>} : memref<65x768xf32, #tpu.memory_space<vmem>>, vector<16xf32>,
        %swap3A_76 = arith.index_cast %scan3A_64 : i32 to index
        %swap3A_77 = arith.constant 64 : index
        %swap3A_78 = tpu.vector_load %arg12[%swap3A_76, %swap3A_77] {strides = array<i32>} : memref<65x768xf32, #tpu.memory_space<vmem>>, vector<16xf32>,
        tpu.vector_store %arg12[%swap3A_76, %swap3A_77], %broadcast_in_dim3A_1 {strides = array<i32>} : memref<65x768xf32, #tpu.memory_space<vmem>>, vector<16xf32>,
        %swap3A_79 = arith.index_cast %scan3A_64 : i32 to index
        %swap3A_80 = arith.constant 80 : index
        %swap3A_81 = tpu.vector_load %arg12[%swap3A_79, %swap3A_80] {strides = array<i32>} : memref<65x768xf32, #tpu.memory_space<vmem>>, vector<16xf32>,
        tpu.vector_store %arg12[%swap3A_79, %swap3A_80], %broadcast_in_dim3A_1 {strides = array<i32>} : memref<65x768xf32, #tpu.memory_space<vmem>>, vector<16xf32>,
        %swap3A_82 = arith.index_cast %scan3A_64 : i32 to index
        %swap3A_83 = arith.constant 96 : index
        %swap3A_84 = tpu.vector_load %arg12[%swap3A_82, %swap3A_83] {strides = array<i32>} : memref<65x768xf32, #tpu.memory_space<vmem>>, vector<16xf32>,
        tpu.vector_store %arg12[%swap3A_82, %swap3A_83], %broadcast_in_dim3A_1 {strides = array<i32>} : memref<65x768xf32, #tpu.memory_space<vmem>>, vector<16xf32>,
        %swap3A_85 = arith.index_cast %scan3A_64 : i32 to index
        %swap3A_86 = arith.constant 112 : index
        %swap3A_87 = tpu.vector_load %arg12[%swap3A_85, %swap3A_86] {strides = array<i32>} : memref<65x768xf32, #tpu.memory_space<vmem>>, vector<16xf32>,
        tpu.vector_store %arg12[%swap3A_85, %swap3A_86], %broadcast_in_dim3A_1 {strides = array<i32>} : memref<65x768xf32, #tpu.memory_space<vmem>>, vector<16xf32>,
        %swap3A_88 = arith.index_cast %scan3A_64 : i32 to index
        %swap3A_89 = arith.constant 128 : index
        %swap3A_90 = tpu.vector_load %arg12[%swap3A_88, %swap3A_89] {strides = array<i32>} : memref<65x768xf32, #tpu.memory_space<vmem>>, vector<16xf32>,
        tpu.vector_store %arg12[%swap3A_88, %swap3A_89], %broadcast_in_dim3A_1 {strides = array<i32>} : memref<65x768xf32, #tpu.memory_space<vmem>>, vector<16xf32>,
        %swap3A_91 = arith.index_cast %scan3A_64 : i32 to index
        %swap3A_92 = arith.constant 144 : index
        %swap3A_93 = tpu.vector_load %arg12[%swap3A_91, %swap3A_92] {strides = array<i32>} : memref<65x768xf32, #tpu.memory_space<vmem>>, vector<16xf32>,
        tpu.vector_store %arg12[%swap3A_91, %swap3A_92], %broadcast_in_dim3A_1 {strides = array<i32>} : memref<65x768xf32, #tpu.memory_space<vmem>>, vector<16xf32>,
        %swap3A_94 = arith.index_cast %scan3A_64 : i32 to index
        %swap3A_95 = arith.constant 160 : index
        %swap3A_96 = tpu.vector_load %arg12[%swap3A_94, %swap3A_95] {strides = array<i32>} : memref<65x768xf32, #tpu.memory_space<vmem>>, vector<16xf32>,
        tpu.vector_store %arg12[%swap3A_94, %swap3A_95], %broadcast_in_dim3A_1 {strides = array<i32>} : memref<65x768xf32, #tpu.memory_space<vmem>>, vector<16xf32>,
        %swap3A_97 = arith.index_cast %scan3A_64 : i32 to index
        %swap3A_98 = arith.constant 176 : index
        %swap3A_99 = tpu.vector_load %arg12[%swap3A_97, %swap3A_98] {strides = array<i32>} : memref<65x768xf32, #tpu.memory_space<vmem>>, vector<16xf32>,
        tpu.vector_store %arg12[%swap3A_97, %swap3A_98], %broadcast_in_dim3A_1 {strides = array<i32>} : memref<65x768xf32, #tpu.memory_space<vmem>>, vector<16xf32>,
        %swap3A_100 = arith.index_cast %scan3A_64 : i32 to index
        %swap3A_101 = arith.constant 192 : index
        %swap3A_102 = tpu.vector_load %arg12[%swap3A_100, %swap3A_101] {strides = array<i32>} : memref<65x768xf32, #tpu.memory_space<vmem>>, vector<16xf32>,
        tpu.vector_store %arg12[%swap3A_100, %swap3A_101], %broadcast_in_dim3A_1 {strides = array<i32>} : memref<65x768xf32, #tpu.memory_space<vmem>>, vector<16xf32>,
        %swap3A_103 = arith.index_cast %scan3A_64 : i32 to index
        %swap3A_104 = arith.constant 208 : index
        %swap3A_105 = tpu.vector_load %arg12[%swap3A_103, %swap3A_104] {strides = array<i32>} : memref<65x768xf32, #tpu.memory_space<vmem>>, vector<16xf32>,
        tpu.vector_store %arg12[%swap3A_103, %swap3A_104], %broadcast_in_dim3A_1 {strides = array<i32>} : memref<65x768xf32, #tpu.memory_space<vmem>>, vector<16xf32>,
        %swap3A_106 = arith.index_cast %scan3A_64 : i32 to index
        %swap3A_107 = arith.constant 224 : index
        %swap3A_108 = tpu.vector_load %arg12[%swap3A_106, %swap3A_107] {strides = array<i32>} : memref<65x768xf32, #tpu.memory_space<vmem>>, vector<16xf32>,
        tpu.vector_store %arg12[%swap3A_106, %swap3A_107], %broadcast_in_dim3A_1 {strides = array<i32>} : memref<65x768xf32, #tpu.memory_space<vmem>>, vector<16xf32>,
        %swap3A_109 = arith.index_cast %scan3A_64 : i32 to index
        %swap3A_110 = arith.constant 240 : index
        %swap3A_111 = tpu.vector_load %arg12[%swap3A_109, %swap3A_110] {strides = array<i32>} : memref<65x768xf32, #tpu.memory_space<vmem>>, vector<16xf32>,
        tpu.vector_store %arg12[%swap3A_109, %swap3A_110], %broadcast_in_dim3A_1 {strides = array<i32>} : memref<65x768xf32, #tpu.memory_space<vmem>>, vector<16xf32>,
        %swap3A_112 = arith.index_cast %scan3A_64 : i32 to index
        %swap3A_113 = arith.constant 256 : index
        %swap3A_114 = tpu.vector_load %arg12[%swap3A_112, %swap3A_113] {strides = array<i32>} : memref<65x768xf32, #tpu.memory_space<vmem>>, vector<16xf32>,
        tpu.vector_store %arg12[%swap3A_112, %swap3A_113], %broadcast_in_dim3A_1 {strides = array<i32>} : memref<65x768xf32, #tpu.memory_space<vmem>>, vector<16xf32>,
        %swap3A_115 = arith.index_cast %scan3A_64 : i32 to index
        %swap3A_116 = arith.constant 272 : index
        %swap3A_117 = tpu.vector_load %arg12[%swap3A_115, %swap3A_116] {strides = array<i32>} : memref<65x768xf32, #tpu.memory_space<vmem>>, vector<16xf32>,
        tpu.vector_store %arg12[%swap3A_115, %swap3A_116], %broadcast_in_dim3A_1 {strides = array<i32>} : memref<65x768xf32, #tpu.memory_space<vmem>>, vector<16xf32>,
        %swap3A_118 = arith.index_cast %scan3A_64 : i32 to index
        %swap3A_119 = arith.constant 288 : index
        %swap3A_120 = tpu.vector_load %arg12[%swap3A_118, %swap3A_119] {strides = array<i32>} : memref<65x768xf32, #tpu.memory_space<vmem>>, vector<16xf32>,
        tpu.vector_store %arg12[%swap3A_118, %swap3A_119], %broadcast_in_dim3A_1 {strides = array<i32>} : memref<65x768xf32, #tpu.memory_space<vmem>>, vector<16xf32>,
        %swap3A_121 = arith.index_cast %scan3A_64 : i32 to index
        %swap3A_122 = arith.constant 304 : index
        %swap3A_123 = tpu.vector_load %arg12[%swap3A_121, %swap3A_122] {strides = array<i32>} : memref<65x768xf32, #tpu.memory_space<vmem>>, vector<16xf32>,
        tpu.vector_store %arg12[%swap3A_121, %swap3A_122], %broadcast_in_dim3A_1 {strides = array<i32>} : memref<65x768xf32, #tpu.memory_space<vmem>>, vector<16xf32>,
        %swap3A_124 = arith.index_cast %scan3A_64 : i32 to index
        %swap3A_125 = arith.constant 320 : index
        %swap3A_126 = tpu.vector_load %arg12[%swap3A_124, %swap3A_125] {strides = array<i32>} : memref<65x768xf32, #tpu.memory_space<vmem>>, vector<16xf32>,
        tpu.vector_store %arg12[%swap3A_124, %swap3A_125], %broadcast_in_dim3A_1 {strides = array<i32>} : memref<65x768xf32, #tpu.memory_space<vmem>>, vector<16xf32>,
        %swap3A_127 = arith.index_cast %scan3A_64 : i32 to index
        %swap3A_128 = arith.constant 336 : index
        %swap3A_129 = tpu.vector_load %arg12[%swap3A_127, %swap3A_128] {strides = array<i32>} : memref<65x768xf32, #tpu.memory_space<vmem>>, vector<16xf32>,
        tpu.vector_store %arg12[%swap3A_127, %swap3A_128], %broadcast_in_dim3A_1 {strides = array<i32>} : memref<65x768xf32, #tpu.memory_space<vmem>>, vector<16xf32>,
        %swap3A_130 = arith.index_cast %scan3A_64 : i32 to index
        %swap3A_131 = arith.constant 352 : index
        %swap3A_132 = tpu.vector_load %arg12[%swap3A_130, %swap3A_131] {strides = array<i32>} : memref<65x768xf32, #tpu.memory_space<vmem>>, vector<16xf32>,
        tpu.vector_store %arg12[%swap3A_130, %swap3A_131], %broadcast_in_dim3A_1 {strides = array<i32>} : memref<65x768xf32, #tpu.memory_space<vmem>>, vector<16xf32>,
        %swap3A_133 = arith.index_cast %scan3A_64 : i32 to index
        %swap3A_134 = arith.constant 368 : index
        %swap3A_135 = tpu.vector_load %arg12[%swap3A_133, %swap3A_134] {strides = array<i32>} : memref<65x768xf32, #tpu.memory_space<vmem>>, vector<16xf32>,
        tpu.vector_store %arg12[%swap3A_133, %swap3A_134], %broadcast_in_dim3A_1 {strides = array<i32>} : memref<65x768xf32, #tpu.memory_space<vmem>>, vector<16xf32>,
        %swap3A_136 = arith.index_cast %scan3A_64 : i32 to index
        %swap3A_137 = arith.constant 384 : index
        %swap3A_138 = tpu.vector_load %arg12[%swap3A_136, %swap3A_137] {strides = array<i32>} : memref<65x768xf32, #tpu.memory_space<vmem>>, vector<16xf32>,
        tpu.vector_store %arg12[%swap3A_136, %swap3A_137], %broadcast_in_dim3A_1 {strides = array<i32>} : memref<65x768xf32, #tpu.memory_space<vmem>>, vector<16xf32>,
        %swap3A_139 = arith.index_cast %scan3A_64 : i32 to index
        %swap3A_140 = arith.constant 400 : index
        %swap3A_141 = tpu.vector_load %arg12[%swap3A_139, %swap3A_140] {strides = array<i32>} : memref<65x768xf32, #tpu.memory_space<vmem>>, vector<16xf32>,
        tpu.vector_store %arg12[%swap3A_139, %swap3A_140], %broadcast_in_dim3A_1 {strides = array<i32>} : memref<65x768xf32, #tpu.memory_space<vmem>>, vector<16xf32>,
        %swap3A_142 = arith.index_cast %scan3A_64 : i32 to index
        %swap3A_143 = arith.constant 416 : index
        %swap3A_144 = tpu.vector_load %arg12[%swap3A_142, %swap3A_143] {strides = array<i32>} : memref<65x768xf32, #tpu.memory_space<vmem>>, vector<16xf32>,
        tpu.vector_store %arg12[%swap3A_142, %swap3A_143], %broadcast_in_dim3A_1 {strides = array<i32>} : memref<65x768xf32, #tpu.memory_space<vmem>>, vector<16xf32>,
        %swap3A_145 = arith.index_cast %scan3A_64 : i32 to index
        %swap3A_146 = arith.constant 432 : index
        %swap3A_147 = tpu.vector_load %arg12[%swap3A_145, %swap3A_146] {strides = array<i32>} : memref<65x768xf32, #tpu.memory_space<vmem>>, vector<16xf32>,
        tpu.vector_store %arg12[%swap3A_145, %swap3A_146], %broadcast_in_dim3A_1 {strides = array<i32>} : memref<65x768xf32, #tpu.memory_space<vmem>>, vector<16xf32>,
        %swap3A_148 = arith.index_cast %scan3A_64 : i32 to index
        %swap3A_149 = arith.constant 448 : index
        %swap3A_150 = tpu.vector_load %arg12[%swap3A_148, %swap3A_149] {strides = array<i32>} : memref<65x768xf32, #tpu.memory_space<vmem>>, vector<16xf32>,
        tpu.vector_store %arg12[%swap3A_148, %swap3A_149], %broadcast_in_dim3A_1 {strides = array<i32>} : memref<65x768xf32, #tpu.memory_space<vmem>>, vector<16xf32>,
        %swap3A_151 = arith.index_cast %scan3A_64 : i32 to index
        %swap3A_152 = arith.constant 464 : index
        %swap3A_153 = tpu.vector_load %arg12[%swap3A_151, %swap3A_152] {strides = array<i32>} : memref<65x768xf32, #tpu.memory_space<vmem>>, vector<16xf32>,
        tpu.vector_store %arg12[%swap3A_151, %swap3A_152], %broadcast_in_dim3A_1 {strides = array<i32>} : memref<65x768xf32, #tpu.memory_space<vmem>>, vector<16xf32>,
        %swap3A_154 = arith.index_cast %scan3A_64 : i32 to index
        %swap3A_155 = arith.constant 480 : index
        %swap3A_156 = tpu.vector_load %arg12[%swap3A_154, %swap3A_155] {strides = array<i32>} : memref<65x768xf32, #tpu.memory_space<vmem>>, vector<16xf32>,
        tpu.vector_store %arg12[%swap3A_154, %swap3A_155], %broadcast_in_dim3A_1 {strides = array<i32>} : memref<65x768xf32, #tpu.memory_space<vmem>>, vector<16xf32>,
        %swap3A_157 = arith.index_cast %scan3A_64 : i32 to index
        %swap3A_158 = arith.constant 496 : index
        %swap3A_159 = tpu.vector_load %arg12[%swap3A_157, %swap3A_158] {strides = array<i32>} : memref<65x768xf32, #tpu.memory_space<vmem>>, vector<16xf32>,
        tpu.vector_store %arg12[%swap3A_157, %swap3A_158], %broadcast_in_dim3A_1 {strides = array<i32>} : memref<65x768xf32, #tpu.memory_space<vmem>>, vector<16xf32>,
        %swap3A_160 = arith.index_cast %scan3A_64 : i32 to index
        %swap3A_161 = arith.constant 512 : index
        %swap3A_162 = tpu.vector_load %arg12[%swap3A_160, %swap3A_161] {strides = array<i32>} : memref<65x768xf32, #tpu.memory_space<vmem>>, vector<16xf32>,
        tpu.vector_store %arg12[%swap3A_160, %swap3A_161], %broadcast_in_dim3A_1 {strides = array<i32>} : memref<65x768xf32, #tpu.memory_space<vmem>>, vector<16xf32>,
        %swap3A_163 = arith.index_cast %scan3A_64 : i32 to index
        %swap3A_164 = arith.constant 528 : index
        %swap3A_165 = tpu.vector_load %arg12[%swap3A_163, %swap3A_164] {strides = array<i32>} : memref<65x768xf32, #tpu.memory_space<vmem>>, vector<16xf32>,
        tpu.vector_store %arg12[%swap3A_163, %swap3A_164], %broadcast_in_dim3A_1 {strides = array<i32>} : memref<65x768xf32, #tpu.memory_space<vmem>>, vector<16xf32>,
        %swap3A_166 = arith.index_cast %scan3A_64 : i32 to index
        %swap3A_167 = arith.constant 544 : index
        %swap3A_168 = tpu.vector_load %arg12[%swap3A_166, %swap3A_167] {strides = array<i32>} : memref<65x768xf32, #tpu.memory_space<vmem>>, vector<16xf32>,
        tpu.vector_store %arg12[%swap3A_166, %swap3A_167], %broadcast_in_dim3A_1 {strides = array<i32>} : memref<65x768xf32, #tpu.memory_space<vmem>>, vector<16xf32>,
        %swap3A_169 = arith.index_cast %scan3A_64 : i32 to index
        %swap3A_170 = arith.constant 560 : index
        %swap3A_171 = tpu.vector_load %arg12[%swap3A_169, %swap3A_170] {strides = array<i32>} : memref<65x768xf32, #tpu.memory_space<vmem>>, vector<16xf32>,
        tpu.vector_store %arg12[%swap3A_169, %swap3A_170], %broadcast_in_dim3A_1 {strides = array<i32>} : memref<65x768xf32, #tpu.memory_space<vmem>>, vector<16xf32>,
        %swap3A_172 = arith.index_cast %scan3A_64 : i32 to index
        %swap3A_173 = arith.constant 576 : index
        %swap3A_174 = tpu.vector_load %arg12[%swap3A_172, %swap3A_173] {strides = array<i32>} : memref<65x768xf32, #tpu.memory_space<vmem>>, vector<16xf32>,
        tpu.vector_store %arg12[%swap3A_172, %swap3A_173], %broadcast_in_dim3A_1 {strides = array<i32>} : memref<65x768xf32, #tpu.memory_space<vmem>>, vector<16xf32>,
        %swap3A_175 = arith.index_cast %scan3A_64 : i32 to index
        %swap3A_176 = arith.constant 592 : index
        %swap3A_177 = tpu.vector_load %arg12[%swap3A_175, %swap3A_176] {strides = array<i32>} : memref<65x768xf32, #tpu.memory_space<vmem>>, vector<16xf32>,
        tpu.vector_store %arg12[%swap3A_175, %swap3A_176], %broadcast_in_dim3A_1 {strides = array<i32>} : memref<65x768xf32, #tpu.memory_space<vmem>>, vector<16xf32>,
        %swap3A_178 = arith.index_cast %scan3A_64 : i32 to index
        %swap3A_179 = arith.constant 608 : index
        %swap3A_180 = tpu.vector_load %arg12[%swap3A_178, %swap3A_179] {strides = array<i32>} : memref<65x768xf32, #tpu.memory_space<vmem>>, vector<16xf32>,
        tpu.vector_store %arg12[%swap3A_178, %swap3A_179], %broadcast_in_dim3A_1 {strides = array<i32>} : memref<65x768xf32, #tpu.memory_space<vmem>>, vector<16xf32>,
        %swap3A_181 = arith.index_cast %scan3A_64 : i32 to index
        %swap3A_182 = arith.constant 624 : index
        %swap3A_183 = tpu.vector_load %arg12[%swap3A_181, %swap3A_182] {strides = array<i32>} : memref<65x768xf32, #tpu.memory_space<vmem>>, vector<16xf32>,
        tpu.vector_store %arg12[%swap3A_181, %swap3A_182], %broadcast_in_dim3A_1 {strides = array<i32>} : memref<65x768xf32, #tpu.memory_space<vmem>>, vector<16xf32>,
        %swap3A_184 = arith.index_cast %scan3A_64 : i32 to index
        %swap3A_185 = arith.constant 640 : index
        %swap3A_186 = tpu.vector_load %arg12[%swap3A_184, %swap3A_185] {strides = array<i32>} : memref<65x768xf32, #tpu.memory_space<vmem>>, vector<16xf32>,
        tpu.vector_store %arg12[%swap3A_184, %swap3A_185], %broadcast_in_dim3A_1 {strides = array<i32>} : memref<65x768xf32, #tpu.memory_space<vmem>>, vector<16xf32>,
        %swap3A_187 = arith.index_cast %scan3A_64 : i32 to index
        %swap3A_188 = arith.constant 656 : index
        %swap3A_189 = tpu.vector_load %arg12[%swap3A_187, %swap3A_188] {strides = array<i32>} : memref<65x768xf32, #tpu.memory_space<vmem>>, vector<16xf32>,
        tpu.vector_store %arg12[%swap3A_187, %swap3A_188], %broadcast_in_dim3A_1 {strides = array<i32>} : memref<65x768xf32, #tpu.memory_space<vmem>>, vector<16xf32>,
        %swap3A_190 = arith.index_cast %scan3A_64 : i32 to index
        %swap3A_191 = arith.constant 672 : index
        %swap3A_192 = tpu.vector_load %arg12[%swap3A_190, %swap3A_191] {strides = array<i32>} : memref<65x768xf32, #tpu.memory_space<vmem>>, vector<16xf32>,
        tpu.vector_store %arg12[%swap3A_190, %swap3A_191], %broadcast_in_dim3A_1 {strides = array<i32>} : memref<65x768xf32, #tpu.memory_space<vmem>>, vector<16xf32>,
        %swap3A_193 = arith.index_cast %scan3A_64 : i32 to index
        %swap3A_194 = arith.constant 688 : index
        %swap3A_195 = tpu.vector_load %arg12[%swap3A_193, %swap3A_194] {strides = array<i32>} : memref<65x768xf32, #tpu.memory_space<vmem>>, vector<16xf32>,
        tpu.vector_store %arg12[%swap3A_193, %swap3A_194], %broadcast_in_dim3A_1 {strides = array<i32>} : memref<65x768xf32, #tpu.memory_space<vmem>>, vector<16xf32>,
        %swap3A_196 = arith.index_cast %scan3A_64 : i32 to index
        %swap3A_197 = arith.constant 704 : index
        %swap3A_198 = tpu.vector_load %arg12[%swap3A_196, %swap3A_197] {strides = array<i32>} : memref<65x768xf32, #tpu.memory_space<vmem>>, vector<16xf32>,
        tpu.vector_store %arg12[%swap3A_196, %swap3A_197], %broadcast_in_dim3A_1 {strides = array<i32>} : memref<65x768xf32, #tpu.memory_space<vmem>>, vector<16xf32>,
        %swap3A_199 = arith.index_cast %scan3A_64 : i32 to index
        %swap3A_200 = arith.constant 720 : index
        %swap3A_201 = tpu.vector_load %arg12[%swap3A_199, %swap3A_200] {strides = array<i32>} : memref<65x768xf32, #tpu.memory_space<vmem>>, vector<16xf32>,
        tpu.vector_store %arg12[%swap3A_199, %swap3A_200], %broadcast_in_dim3A_1 {strides = array<i32>} : memref<65x768xf32, #tpu.memory_space<vmem>>, vector<16xf32>,
        %swap3A_202 = arith.index_cast %scan3A_64 : i32 to index
        %swap3A_203 = arith.constant 736 : index
        %swap3A_204 = tpu.vector_load %arg12[%swap3A_202, %swap3A_203] {strides = array<i32>} : memref<65x768xf32, #tpu.memory_space<vmem>>, vector<16xf32>,
        tpu.vector_store %arg12[%swap3A_202, %swap3A_203], %broadcast_in_dim3A_1 {strides = array<i32>} : memref<65x768xf32, #tpu.memory_space<vmem>>, vector<16xf32>,
        %swap3A_205 = arith.index_cast %scan3A_64 : i32 to index
        %swap3A_206 = arith.constant 752 : index
        %swap3A_207 = tpu.vector_load %arg12[%swap3A_205, %swap3A_206] {strides = array<i32>} : memref<65x768xf32, #tpu.memory_space<vmem>>, vector<16xf32>,
        tpu.vector_store %arg12[%swap3A_205, %swap3A_206], %broadcast_in_dim3A_1 {strides = array<i32>} : memref<65x768xf32, #tpu.memory_space<vmem>>, vector<16xf32>,
      }
      %scan3A_18 = arith.constant 64 : i32
      %broadcast_in_dim3A_19 = arith.constant 0 : i32
      %broadcast_in_dim3A_20 = vector.broadcast %broadcast_in_dim3A_19 : i32 to vector<16xi32>
      %scan3A_21 = arith.constant 0 : i32
      %scan3A_22 = arith.constant 2048 : i32
      %scan3A_23 = arith.addi %scan3A_21, %scan3A_22 : i32
      %scan3A_24 = arith.constant 1 : i32
      %scan3A_25 = scf.for %scan3A_64 = %scan3A_21 to %scan3A_23 step %scan3A_24 iter_args(%scan3A_65 = %broadcast_in_dim3A_20) -> (vector<16xi32>)  : i32 {
        %mul3A_66 = arith.constant 16 : i32
        %mul3A_67 = arith.muli %scan3A_64, %mul3A_66 : i32
        %get3A = arith.index_cast %mul3A_67 : i32 to index
        %get3A_68 = tpu.vector_load %arg6[%get3A] {strides = array<i32>} : memref<32768xi32, #tpu.memory_space<vmem>>, vector<16xi32>,
        %sub3A_69 = vector.broadcast %mul3A_12 : i32 to vector<16xi32>
        %sub3A_70 = arith.subi %get3A_68, %sub3A_69 : vector<16xi32>
        %ge3A = arith.constant 0 : i32
        %ge3A_71 = vector.broadcast %ge3A : i32 to vector<16xi32>
        %ge3A_72 = arith.cmpi sge, %sub3A_70, %ge3A_71 : vector<16xi32>
        %lt3A = arith.constant 64 : i32
        %lt3A_73 = vector.broadcast %lt3A : i32 to vector<16xi32>
        %lt3A_74 = arith.cmpi slt, %sub3A_70, %lt3A_73 : vector<16xi32>
        %and3A = arith.andi %ge3A_72, %lt3A_74 : vector<16xi1>
        %jit3A = arith.constant 1 : i32
        %jit3A_75 = arith.constant 0 : i32
        %broadcast_in_dim3A_76 = vector.broadcast %jit3A : i32 to vector<16xi32>
        %broadcast_in_dim3A_77 = vector.broadcast %jit3A_75 : i32 to vector<16xi32>
        %select_n3A = arith.select %and3A, %broadcast_in_dim3A_76, %broadcast_in_dim3A_77 : vector<16xi1>, vector<16xi32>
        %broadcast_in_dim3A_78 = arith.constant true
        %broadcast_in_dim3A_79 = vector.broadcast %broadcast_in_dim3A_78 : i1 to vector<16xi1>
        %masked_cumsum3A = tpu.scan <sum>, %select_n3A masked %broadcast_in_dim3A_79 : vector<16xi32>, vector<16xi1> -> vector<16xi32>
        %add3A_80 = arith.addi %scan3A_65, %masked_cumsum3A : vector<16xi32>
        %sub3A_81 = arith.constant 1 : i32
        %sub3A_82 = vector.broadcast %sub3A_81 : i32 to vector<16xi32>
        %sub3A_83 = arith.subi %add3A_80, %sub3A_82 : vector<16xi32>
        %mul3A_84 = arith.constant 16 : i32
        %mul3A_85 = arith.muli %scan3A_64, %mul3A_84 : i32
        %add3A_86 = vector.broadcast %mul3A_85 : i32 to vector<16xi32>
        %add3A_87 = arith.addi %add3A_86, %iota3A : vector<16xi32>
        %shift_left3A = arith.constant 20 : i32
        %shift_left3A_88 = vector.broadcast %shift_left3A : i32 to vector<16xi32>
        %shift_left3A_89 = arith.shli %sub3A_70, %shift_left3A_88 : vector<16xi32>
        %or3A = arith.ori %add3A_87, %shift_left3A_89 : vector<16xi32>
        tpu.vector_store_idx %arg7[%sub3A_83], %or3A masked %and3A : memref<32784xi32, #tpu.memory_space<vmem>>[vector<16xi32>], vector<16xi32>, vector<16xi1>
        %all_reduce_population_count3A = tpu.all_reduce %and3A {dim = 0 : i64, kind = #tpu.reduction_kind<sum>} : vector<16xi1> -> vector<16xi32>
        %add3A_90 = arith.addi %scan3A_65, %all_reduce_population_count3A : vector<16xi32>
        scf.yield %add3A_90 : vector<16xi32>
      }
      %scan3A_26 = arith.constant 2048 : i32
      %add3A_27 = arith.addi %scan3A_25, %iota3A : vector<16xi32>
      %broadcast_in_dim3A_28 = arith.constant 67108864 : i32
      %broadcast_in_dim3A_29 = vector.broadcast %broadcast_in_dim3A_28 : i32 to vector<16xi32>
      tpu.vector_store_idx %arg7[%add3A_27], %broadcast_in_dim3A_29 : memref<32784xi32, #tpu.memory_space<vmem>>[vector<16xi32>], vector<16xi32>,
      %reduce_max3A = arith.constant true
      %reduce_max3A_30 = vector.broadcast %reduce_max3A : i1 to vector<16xi1>
      %reduce_max3A_31 = arith.constant -2147483648 : i32
      %reduce_max3A_32 = vector.broadcast %reduce_max3A_31 : i32 to vector<16xi32>
      %reduce_max3A_33 = arith.xori %scan3A_25, %reduce_max3A_32 : vector<16xi32>
      %reduce_max3A_34 = tpu.scan <max>, %reduce_max3A_33 masked %reduce_max3A_30 : vector<16xi32>, vector<16xi1> -> vector<16xi32>
      %reduce_max3A_35 = arith.xori %reduce_max3A_34, %reduce_max3A_32 : vector<16xi32>
      %reduce_max3A_36 = vector.extract %reduce_max3A_35[15] : i32 from vector<16xi32>
      %add3A_37 = arith.constant 8 : i32
      %add3A_38 = arith.addi %reduce_max3A_36, %add3A_37 : i32
      %sub3A = arith.constant 1 : i32
      %sub3A_39 = arith.subi %add3A_38, %sub3A : i32
      %shift_right_arithmetic3A = arith.constant 3 : i32
      %shift_right_arithmetic3A_40 = arith.shrsi %sub3A_39, %shift_right_arithmetic3A : i32
      %while3A = arith.constant 0 : i32
      %while3A_41 = arith.constant 0 : i32
      %while3A_42 = arith.subi %shift_right_arithmetic3A_40, %while3A_41 : i32
      %while3A_43 = arith.addi %while3A_41, %while3A_42 : i32
      %while3A_44 = arith.constant 1 : i32
      %while3A_45 = arith.divsi %while3A_42, %while3A_44 : i32
      %while3A_46 = arith.muli %while3A_45, %while3A_44 : i32
      %while3A_47 = arith.addi %while3A_41, %while3A_46 : i32
      %while3A_48 = arith.constant 1 : i32
      scf.for %while3A_64 = %while3A_41 to %while3A_47 step %while3A_48  : i32 {
        %mul3A_65 = arith.constant 8 : i32
        %mul3A_66 = arith.muli %while3A_64, %mul3A_65 : i32
        %get3A = arith.index_cast %mul3A_66 : i32 to index
        %get3A_67 = tpu.vector_load %arg7[%get3A] {strides = array<i32>} : memref<32784xi32, #tpu.memory_space<vmem>>, vector<16xi32>,
        %and3A = arith.constant 1048575 : i32
        %and3A_68 = vector.broadcast %and3A : i32 to vector<16xi32>
        %and3A_69 = arith.andi %get3A_67, %and3A_68 : vector<16xi32>
        %swap3A = arith.constant 0 : index
        %swap3A_70 = tpu.vector_load %arg8[%swap3A] {strides = array<i32>} : memref<16xi32, #tpu.memory_space<vmem>>, vector<16xi32>,
        tpu.vector_store %arg8[%swap3A], %and3A_69 {strides = array<i32>} : memref<16xi32, #tpu.memory_space<vmem>>, vector<16xi32>,
        %dma_start3A = arith.constant 0 : i32
        %dma_start3A_71 = tpu.memref_slice %arg8[%dma_start3A] : memref<16xi32, #tpu.memory_space<vmem>> -> memref<8xi32, #tpu.memory_space<vmem>>
        %dma_start3A_72 = arith.constant 0 : i32
        %dma_start3A_73 = arith.constant 0 : i32
        %dma_start3A_74 = tpu.memref_slice %arg4[%dma_start3A_72, %dma_start3A_73] : memref<32768x768xf32, #tpu.memory_space<hbm>> -> memref<32768x768xf32, #tpu.memory_space<hbm>>
        tpu.enqueue_indirect_dma source(%dma_start3A_74 : memref<32768x768xf32, #tpu.memory_space<hbm>>) target(%arg13 : memref<8x768xf32, #tpu.memory_space<vmem>>) offsets(%dma_start3A_71 : memref<8xi32, #tpu.memory_space<vmem>>) semaphore(%arg14 : memref<!tpu.dma_semaphore, #tpu.memory_space<semaphore_mem>>)
        %dma_wait3A = arith.constant 0 : i32
        %dma_wait3A_75 = tpu.memref_slice %arg8[%dma_wait3A] : memref<16xi32, #tpu.memory_space<vmem>> -> memref<8xi32, #tpu.memory_space<vmem>>
        %dma_wait3A_76 = arith.constant 0 : i32
        %dma_wait3A_77 = arith.constant 0 : i32
        %dma_wait3A_78 = tpu.memref_slice %arg4[%dma_wait3A_76, %dma_wait3A_77] : memref<32768x768xf32, #tpu.memory_space<hbm>> -> memref<32768x768xf32, #tpu.memory_space<hbm>>
        tpu.wait_indirect_dma semaphore(%arg14 : memref<!tpu.dma_semaphore, #tpu.memory_space<semaphore_mem>>) src(%dma_wait3A_78 : memref<32768x768xf32, #tpu.memory_space<hbm>>) dst(%arg13 : memref<8x768xf32, #tpu.memory_space<vmem>>)
        %shift_right_arithmetic3A_79 = arith.constant 20 : i32
        %shift_right_arithmetic3A_80 = vector.broadcast %shift_right_arithmetic3A_79 : i32 to vector<16xi32>
        %shift_right_arithmetic3A_81 = arith.shrsi %get3A_67, %shift_right_arithmetic3A_80 : vector<16xi32>
        %scan3A_82 = arith.constant 0 : i32
        %scan3A_83 = arith.constant 0 : i32
        %scan3A_84 = arith.constant 8 : i32
        %scan3A_85 = arith.addi %scan3A_83, %scan3A_84 : i32
        %scan3A_86 = arith.constant 1 : i32
        scf.for %scan3A_88 = %scan3A_83 to %scan3A_85 step %scan3A_86  : i32 {
          %eq3A = vector.broadcast %scan3A_88 : i32 to vector<16xi32>
          %eq3A_89 = arith.cmpi eq, %iota3A, %eq3A : vector<16xi32>
          %jit3A = arith.constant 0 : i32
          %broadcast_in_dim3A_90 = vector.broadcast %jit3A : i32 to vector<16xi32>
          %select_n3A = arith.select %eq3A_89, %shift_right_arithmetic3A_81, %broadcast_in_dim3A_90 : vector<16xi1>, vector<16xi32>
          %reduce_max3A_91 = arith.constant true
          %reduce_max3A_92 = vector.broadcast %reduce_max3A_91 : i1 to vector<16xi1>
          %reduce_max3A_93 = arith.constant -2147483648 : i32
          %reduce_max3A_94 = vector.broadcast %reduce_max3A_93 : i32 to vector<16xi32>
          %reduce_max3A_95 = arith.xori %select_n3A, %reduce_max3A_94 : vector<16xi32>
          %reduce_max3A_96 = tpu.scan <max>, %reduce_max3A_95 masked %reduce_max3A_92 : vector<16xi32>, vector<16xi1> -> vector<16xi32>
          %reduce_max3A_97 = arith.xori %reduce_max3A_96, %reduce_max3A_94 : vector<16xi32>
          %reduce_max3A_98 = vector.extract %reduce_max3A_97[15] : i32 from vector<16xi32>
          %get3A_99 = arith.index_cast %reduce_max3A_98 : i32 to index
          %get3A_100 = arith.constant 0 : index
          %get3A_101 = tpu.vector_load %arg12[%get3A_99, %get3A_100] {strides = array<i32>} : memref<65x768xf32, #tpu.memory_space<vmem>>, vector<16xf32>,
          %get3A_102 = arith.index_cast %scan3A_88 : i32 to index
          %get3A_103 = arith.constant 0 : index
          %get3A_104 = tpu.vector_load %arg13[%get3A_102, %get3A_103] {strides = array<i32>} : memref<8x768xf32, #tpu.memory_space<vmem>>, vector<16xf32>,
          %add3A_105 = arith.addf %get3A_101, %get3A_104 : vector<16xf32>
          %swap3A_106 = arith.index_cast %reduce_max3A_98 : i32 to index
          %swap3A_107 = arith.constant 0 : index
          %swap3A_108 = tpu.vector_load %arg12[%swap3A_106, %swap3A_107] {strides = array<i32>} : memref<65x768xf32, #tpu.memory_space<vmem>>, vector<16xf32>,
          tpu.vector_store %arg12[%swap3A_106, %swap3A_107], %add3A_105 {strides = array<i32>} : memref<65x768xf32, #tpu.memory_space<vmem>>, vector<16xf32>,
          %get3A_109 = arith.index_cast %reduce_max3A_98 : i32 to index
          %get3A_110 = arith.constant 16 : index
          %get3A_111 = tpu.vector_load %arg12[%get3A_109, %get3A_110] {strides = array<i32>} : memref<65x768xf32, #tpu.memory_space<vmem>>, vector<16xf32>,
          %get3A_112 = arith.index_cast %scan3A_88 : i32 to index
          %get3A_113 = arith.constant 16 : index
          %get3A_114 = tpu.vector_load %arg13[%get3A_112, %get3A_113] {strides = array<i32>} : memref<8x768xf32, #tpu.memory_space<vmem>>, vector<16xf32>,
          %add3A_115 = arith.addf %get3A_111, %get3A_114 : vector<16xf32>
          %swap3A_116 = arith.index_cast %reduce_max3A_98 : i32 to index
          %swap3A_117 = arith.constant 16 : index
          %swap3A_118 = tpu.vector_load %arg12[%swap3A_116, %swap3A_117] {strides = array<i32>} : memref<65x768xf32, #tpu.memory_space<vmem>>, vector<16xf32>,
          tpu.vector_store %arg12[%swap3A_116, %swap3A_117], %add3A_115 {strides = array<i32>} : memref<65x768xf32, #tpu.memory_space<vmem>>, vector<16xf32>,
          %get3A_119 = arith.index_cast %reduce_max3A_98 : i32 to index
          %get3A_120 = arith.constant 32 : index
          %get3A_121 = tpu.vector_load %arg12[%get3A_119, %get3A_120] {strides = array<i32>} : memref<65x768xf32, #tpu.memory_space<vmem>>, vector<16xf32>,
          %get3A_122 = arith.index_cast %scan3A_88 : i32 to index
          %get3A_123 = arith.constant 32 : index
          %get3A_124 = tpu.vector_load %arg13[%get3A_122, %get3A_123] {strides = array<i32>} : memref<8x768xf32, #tpu.memory_space<vmem>>, vector<16xf32>,
          %add3A_125 = arith.addf %get3A_121, %get3A_124 : vector<16xf32>
          %swap3A_126 = arith.index_cast %reduce_max3A_98 : i32 to index
          %swap3A_127 = arith.constant 32 : index
          %swap3A_128 = tpu.vector_load %arg12[%swap3A_126, %swap3A_127] {strides = array<i32>} : memref<65x768xf32, #tpu.memory_space<vmem>>, vector<16xf32>,
          tpu.vector_store %arg12[%swap3A_126, %swap3A_127], %add3A_125 {strides = array<i32>} : memref<65x768xf32, #tpu.memory_space<vmem>>, vector<16xf32>,
          %get3A_129 = arith.index_cast %reduce_max3A_98 : i32 to index
          %get3A_130 = arith.constant 48 : index
          %get3A_131 = tpu.vector_load %arg12[%get3A_129, %get3A_130] {strides = array<i32>} : memref<65x768xf32, #tpu.memory_space<vmem>>, vector<16xf32>,
          %get3A_132 = arith.index_cast %scan3A_88 : i32 to index
          %get3A_133 = arith.constant 48 : index
          %get3A_134 = tpu.vector_load %arg13[%get3A_132, %get3A_133] {strides = array<i32>} : memref<8x768xf32, #tpu.memory_space<vmem>>, vector<16xf32>,
          %add3A_135 = arith.addf %get3A_131, %get3A_134 : vector<16xf32>
          %swap3A_136 = arith.index_cast %reduce_max3A_98 : i32 to index
          %swap3A_137 = arith.constant 48 : index
          %swap3A_138 = tpu.vector_load %arg12[%swap3A_136, %swap3A_137] {strides = array<i32>} : memref<65x768xf32, #tpu.memory_space<vmem>>, vector<16xf32>,
          tpu.vector_store %arg12[%swap3A_136, %swap3A_137], %add3A_135 {strides = array<i32>} : memref<65x768xf32, #tpu.memory_space<vmem>>, vector<16xf32>,
          %get3A_139 = arith.index_cast %reduce_max3A_98 : i32 to index
          %get3A_140 = arith.constant 64 : index
          %get3A_141 = tpu.vector_load %arg12[%get3A_139, %get3A_140] {strides = array<i32>} : memref<65x768xf32, #tpu.memory_space<vmem>>, vector<16xf32>,
          %get3A_142 = arith.index_cast %scan3A_88 : i32 to index
          %get3A_143 = arith.constant 64 : index
          %get3A_144 = tpu.vector_load %arg13[%get3A_142, %get3A_143] {strides = array<i32>} : memref<8x768xf32, #tpu.memory_space<vmem>>, vector<16xf32>,
          %add3A_145 = arith.addf %get3A_141, %get3A_144 : vector<16xf32>
          %swap3A_146 = arith.index_cast %reduce_max3A_98 : i32 to index
          %swap3A_147 = arith.constant 64 : index
          %swap3A_148 = tpu.vector_load %arg12[%swap3A_146, %swap3A_147] {strides = array<i32>} : memref<65x768xf32, #tpu.memory_space<vmem>>, vector<16xf32>,
          tpu.vector_store %arg12[%swap3A_146, %swap3A_147], %add3A_145 {strides = array<i32>} : memref<65x768xf32, #tpu.memory_space<vmem>>, vector<16xf32>,
          %get3A_149 = arith.index_cast %reduce_max3A_98 : i32 to index
          %get3A_150 = arith.constant 80 : index
          %get3A_151 = tpu.vector_load %arg12[%get3A_149, %get3A_150] {strides = array<i32>} : memref<65x768xf32, #tpu.memory_space<vmem>>, vector<16xf32>,
          %get3A_152 = arith.index_cast %scan3A_88 : i32 to index
          %get3A_153 = arith.constant 80 : index
          %get3A_154 = tpu.vector_load %arg13[%get3A_152, %get3A_153] {strides = array<i32>} : memref<8x768xf32, #tpu.memory_space<vmem>>, vector<16xf32>,
          %add3A_155 = arith.addf %get3A_151, %get3A_154 : vector<16xf32>
          %swap3A_156 = arith.index_cast %reduce_max3A_98 : i32 to index
          %swap3A_157 = arith.constant 80 : index
          %swap3A_158 = tpu.vector_load %arg12[%swap3A_156, %swap3A_157] {strides = array<i32>} : memref<65x768xf32, #tpu.memory_space<vmem>>, vector<16xf32>,
          tpu.vector_store %arg12[%swap3A_156, %swap3A_157], %add3A_155 {strides = array<i32>} : memref<65x768xf32, #tpu.memory_space<vmem>>, vector<16xf32>,
          %get3A_159 = arith.index_cast %reduce_max3A_98 : i32 to index
          %get3A_160 = arith.constant 96 : index
          %get3A_161 = tpu.vector_load %arg12[%get3A_159, %get3A_160] {strides = array<i32>} : memref<65x768xf32, #tpu.memory_space<vmem>>, vector<16xf32>,
          %get3A_162 = arith.index_cast %scan3A_88 : i32 to index
          %get3A_163 = arith.constant 96 : index
          %get3A_164 = tpu.vector_load %arg13[%get3A_162, %get3A_163] {strides = array<i32>} : memref<8x768xf32, #tpu.memory_space<vmem>>, vector<16xf32>,
          %add3A_165 = arith.addf %get3A_161, %get3A_164 : vector<16xf32>
          %swap3A_166 = arith.index_cast %reduce_max3A_98 : i32 to index
          %swap3A_167 = arith.constant 96 : index
          %swap3A_168 = tpu.vector_load %arg12[%swap3A_166, %swap3A_167] {strides = array<i32>} : memref<65x768xf32, #tpu.memory_space<vmem>>, vector<16xf32>,
          tpu.vector_store %arg12[%swap3A_166, %swap3A_167], %add3A_165 {strides = array<i32>} : memref<65x768xf32, #tpu.memory_space<vmem>>, vector<16xf32>,
          %get3A_169 = arith.index_cast %reduce_max3A_98 : i32 to index
          %get3A_170 = arith.constant 112 : index
          %get3A_171 = tpu.vector_load %arg12[%get3A_169, %get3A_170] {strides = array<i32>} : memref<65x768xf32, #tpu.memory_space<vmem>>, vector<16xf32>,
          %get3A_172 = arith.index_cast %scan3A_88 : i32 to index
          %get3A_173 = arith.constant 112 : index
          %get3A_174 = tpu.vector_load %arg13[%get3A_172, %get3A_173] {strides = array<i32>} : memref<8x768xf32, #tpu.memory_space<vmem>>, vector<16xf32>,
          %add3A_175 = arith.addf %get3A_171, %get3A_174 : vector<16xf32>
          %swap3A_176 = arith.index_cast %reduce_max3A_98 : i32 to index
          %swap3A_177 = arith.constant 112 : index
          %swap3A_178 = tpu.vector_load %arg12[%swap3A_176, %swap3A_177] {strides = array<i32>} : memref<65x768xf32, #tpu.memory_space<vmem>>, vector<16xf32>,
          tpu.vector_store %arg12[%swap3A_176, %swap3A_177], %add3A_175 {strides = array<i32>} : memref<65x768xf32, #tpu.memory_space<vmem>>, vector<16xf32>,
          %get3A_179 = arith.index_cast %reduce_max3A_98 : i32 to index
          %get3A_180 = arith.constant 128 : index
          %get3A_181 = tpu.vector_load %arg12[%get3A_179, %get3A_180] {strides = array<i32>} : memref<65x768xf32, #tpu.memory_space<vmem>>, vector<16xf32>,
          %get3A_182 = arith.index_cast %scan3A_88 : i32 to index
          %get3A_183 = arith.constant 128 : index
          %get3A_184 = tpu.vector_load %arg13[%get3A_182, %get3A_183] {strides = array<i32>} : memref<8x768xf32, #tpu.memory_space<vmem>>, vector<16xf32>,
          %add3A_185 = arith.addf %get3A_181, %get3A_184 : vector<16xf32>
          %swap3A_186 = arith.index_cast %reduce_max3A_98 : i32 to index
          %swap3A_187 = arith.constant 128 : index
          %swap3A_188 = tpu.vector_load %arg12[%swap3A_186, %swap3A_187] {strides = array<i32>} : memref<65x768xf32, #tpu.memory_space<vmem>>, vector<16xf32>,
          tpu.vector_store %arg12[%swap3A_186, %swap3A_187], %add3A_185 {strides = array<i32>} : memref<65x768xf32, #tpu.memory_space<vmem>>, vector<16xf32>,
          %get3A_189 = arith.index_cast %reduce_max3A_98 : i32 to index
          %get3A_190 = arith.constant 144 : index
          %get3A_191 = tpu.vector_load %arg12[%get3A_189, %get3A_190] {strides = array<i32>} : memref<65x768xf32, #tpu.memory_space<vmem>>, vector<16xf32>,
          %get3A_192 = arith.index_cast %scan3A_88 : i32 to index
          %get3A_193 = arith.constant 144 : index
          %get3A_194 = tpu.vector_load %arg13[%get3A_192, %get3A_193] {strides = array<i32>} : memref<8x768xf32, #tpu.memory_space<vmem>>, vector<16xf32>,
          %add3A_195 = arith.addf %get3A_191, %get3A_194 : vector<16xf32>
          %swap3A_196 = arith.index_cast %reduce_max3A_98 : i32 to index
          %swap3A_197 = arith.constant 144 : index
          %swap3A_198 = tpu.vector_load %arg12[%swap3A_196, %swap3A_197] {strides = array<i32>} : memref<65x768xf32, #tpu.memory_space<vmem>>, vector<16xf32>,
          tpu.vector_store %arg12[%swap3A_196, %swap3A_197], %add3A_195 {strides = array<i32>} : memref<65x768xf32, #tpu.memory_space<vmem>>, vector<16xf32>,
          %get3A_199 = arith.index_cast %reduce_max3A_98 : i32 to index
          %get3A_200 = arith.constant 160 : index
          %get3A_201 = tpu.vector_load %arg12[%get3A_199, %get3A_200] {strides = array<i32>} : memref<65x768xf32, #tpu.memory_space<vmem>>, vector<16xf32>,
          %get3A_202 = arith.index_cast %scan3A_88 : i32 to index
          %get3A_203 = arith.constant 160 : index
          %get3A_204 = tpu.vector_load %arg13[%get3A_202, %get3A_203] {strides = array<i32>} : memref<8x768xf32, #tpu.memory_space<vmem>>, vector<16xf32>,
          %add3A_205 = arith.addf %get3A_201, %get3A_204 : vector<16xf32>
          %swap3A_206 = arith.index_cast %reduce_max3A_98 : i32 to index
          %swap3A_207 = arith.constant 160 : index
          %swap3A_208 = tpu.vector_load %arg12[%swap3A_206, %swap3A_207] {strides = array<i32>} : memref<65x768xf32, #tpu.memory_space<vmem>>, vector<16xf32>,
          tpu.vector_store %arg12[%swap3A_206, %swap3A_207], %add3A_205 {strides = array<i32>} : memref<65x768xf32, #tpu.memory_space<vmem>>, vector<16xf32>,
          %get3A_209 = arith.index_cast %reduce_max3A_98 : i32 to index
          %get3A_210 = arith.constant 176 : index
          %get3A_211 = tpu.vector_load %arg12[%get3A_209, %get3A_210] {strides = array<i32>} : memref<65x768xf32, #tpu.memory_space<vmem>>, vector<16xf32>,
          %get3A_212 = arith.index_cast %scan3A_88 : i32 to index
          %get3A_213 = arith.constant 176 : index
          %get3A_214 = tpu.vector_load %arg13[%get3A_212, %get3A_213] {strides = array<i32>} : memref<8x768xf32, #tpu.memory_space<vmem>>, vector<16xf32>,
          %add3A_215 = arith.addf %get3A_211, %get3A_214 : vector<16xf32>
          %swap3A_216 = arith.index_cast %reduce_max3A_98 : i32 to index
          %swap3A_217 = arith.constant 176 : index
          %swap3A_218 = tpu.vector_load %arg12[%swap3A_216, %swap3A_217] {strides = array<i32>} : memref<65x768xf32, #tpu.memory_space<vmem>>, vector<16xf32>,
          tpu.vector_store %arg12[%swap3A_216, %swap3A_217], %add3A_215 {strides = array<i32>} : memref<65x768xf32, #tpu.memory_space<vmem>>, vector<16xf32>,
          %get3A_219 = arith.index_cast %reduce_max3A_98 : i32 to index
          %get3A_220 = arith.constant 192 : index
          %get3A_221 = tpu.vector_load %arg12[%get3A_219, %get3A_220] {strides = array<i32>} : memref<65x768xf32, #tpu.memory_space<vmem>>, vector<16xf32>,
          %get3A_222 = arith.index_cast %scan3A_88 : i32 to index
          %get3A_223 = arith.constant 192 : index
          %get3A_224 = tpu.vector_load %arg13[%get3A_222, %get3A_223] {strides = array<i32>} : memref<8x768xf32, #tpu.memory_space<vmem>>, vector<16xf32>,
          %add3A_225 = arith.addf %get3A_221, %get3A_224 : vector<16xf32>
          %swap3A_226 = arith.index_cast %reduce_max3A_98 : i32 to index
          %swap3A_227 = arith.constant 192 : index
          %swap3A_228 = tpu.vector_load %arg12[%swap3A_226, %swap3A_227] {strides = array<i32>} : memref<65x768xf32, #tpu.memory_space<vmem>>, vector<16xf32>,
          tpu.vector_store %arg12[%swap3A_226, %swap3A_227], %add3A_225 {strides = array<i32>} : memref<65x768xf32, #tpu.memory_space<vmem>>, vector<16xf32>,
          %get3A_229 = arith.index_cast %reduce_max3A_98 : i32 to index
          %get3A_230 = arith.constant 208 : index
          %get3A_231 = tpu.vector_load %arg12[%get3A_229, %get3A_230] {strides = array<i32>} : memref<65x768xf32, #tpu.memory_space<vmem>>, vector<16xf32>,
          %get3A_232 = arith.index_cast %scan3A_88 : i32 to index
          %get3A_233 = arith.constant 208 : index
          %get3A_234 = tpu.vector_load %arg13[%get3A_232, %get3A_233] {strides = array<i32>} : memref<8x768xf32, #tpu.memory_space<vmem>>, vector<16xf32>,
          %add3A_235 = arith.addf %get3A_231, %get3A_234 : vector<16xf32>
          %swap3A_236 = arith.index_cast %reduce_max3A_98 : i32 to index
          %swap3A_237 = arith.constant 208 : index
          %swap3A_238 = tpu.vector_load %arg12[%swap3A_236, %swap3A_237] {strides = array<i32>} : memref<65x768xf32, #tpu.memory_space<vmem>>, vector<16xf32>,
          tpu.vector_store %arg12[%swap3A_236, %swap3A_237], %add3A_235 {strides = array<i32>} : memref<65x768xf32, #tpu.memory_space<vmem>>, vector<16xf32>,
          %get3A_239 = arith.index_cast %reduce_max3A_98 : i32 to index
          %get3A_240 = arith.constant 224 : index
          %get3A_241 = tpu.vector_load %arg12[%get3A_239, %get3A_240] {strides = array<i32>} : memref<65x768xf32, #tpu.memory_space<vmem>>, vector<16xf32>,
          %get3A_242 = arith.index_cast %scan3A_88 : i32 to index
          %get3A_243 = arith.constant 224 : index
          %get3A_244 = tpu.vector_load %arg13[%get3A_242, %get3A_243] {strides = array<i32>} : memref<8x768xf32, #tpu.memory_space<vmem>>, vector<16xf32>,
          %add3A_245 = arith.addf %get3A_241, %get3A_244 : vector<16xf32>
          %swap3A_246 = arith.index_cast %reduce_max3A_98 : i32 to index
          %swap3A_247 = arith.constant 224 : index
          %swap3A_248 = tpu.vector_load %arg12[%swap3A_246, %swap3A_247] {strides = array<i32>} : memref<65x768xf32, #tpu.memory_space<vmem>>, vector<16xf32>,
          tpu.vector_store %arg12[%swap3A_246, %swap3A_247], %add3A_245 {strides = array<i32>} : memref<65x768xf32, #tpu.memory_space<vmem>>, vector<16xf32>,
          %get3A_249 = arith.index_cast %reduce_max3A_98 : i32 to index
          %get3A_250 = arith.constant 240 : index
          %get3A_251 = tpu.vector_load %arg12[%get3A_249, %get3A_250] {strides = array<i32>} : memref<65x768xf32, #tpu.memory_space<vmem>>, vector<16xf32>,
          %get3A_252 = arith.index_cast %scan3A_88 : i32 to index
          %get3A_253 = arith.constant 240 : index
          %get3A_254 = tpu.vector_load %arg13[%get3A_252, %get3A_253] {strides = array<i32>} : memref<8x768xf32, #tpu.memory_space<vmem>>, vector<16xf32>,
          %add3A_255 = arith.addf %get3A_251, %get3A_254 : vector<16xf32>
          %swap3A_256 = arith.index_cast %reduce_max3A_98 : i32 to index
          %swap3A_257 = arith.constant 240 : index
          %swap3A_258 = tpu.vector_load %arg12[%swap3A_256, %swap3A_257] {strides = array<i32>} : memref<65x768xf32, #tpu.memory_space<vmem>>, vector<16xf32>,
          tpu.vector_store %arg12[%swap3A_256, %swap3A_257], %add3A_255 {strides = array<i32>} : memref<65x768xf32, #tpu.memory_space<vmem>>, vector<16xf32>,
          %get3A_259 = arith.index_cast %reduce_max3A_98 : i32 to index
          %get3A_260 = arith.constant 256 : index
          %get3A_261 = tpu.vector_load %arg12[%get3A_259, %get3A_260] {strides = array<i32>} : memref<65x768xf32, #tpu.memory_space<vmem>>, vector<16xf32>,
          %get3A_262 = arith.index_cast %scan3A_88 : i32 to index
          %get3A_263 = arith.constant 256 : index
          %get3A_264 = tpu.vector_load %arg13[%get3A_262, %get3A_263] {strides = array<i32>} : memref<8x768xf32, #tpu.memory_space<vmem>>, vector<16xf32>,
          %add3A_265 = arith.addf %get3A_261, %get3A_264 : vector<16xf32>
          %swap3A_266 = arith.index_cast %reduce_max3A_98 : i32 to index
          %swap3A_267 = arith.constant 256 : index
          %swap3A_268 = tpu.vector_load %arg12[%swap3A_266, %swap3A_267] {strides = array<i32>} : memref<65x768xf32, #tpu.memory_space<vmem>>, vector<16xf32>,
          tpu.vector_store %arg12[%swap3A_266, %swap3A_267], %add3A_265 {strides = array<i32>} : memref<65x768xf32, #tpu.memory_space<vmem>>, vector<16xf32>,
          %get3A_269 = arith.index_cast %reduce_max3A_98 : i32 to index
          %get3A_270 = arith.constant 272 : index
          %get3A_271 = tpu.vector_load %arg12[%get3A_269, %get3A_270] {strides = array<i32>} : memref<65x768xf32, #tpu.memory_space<vmem>>, vector<16xf32>,
          %get3A_272 = arith.index_cast %scan3A_88 : i32 to index
          %get3A_273 = arith.constant 272 : index
          %get3A_274 = tpu.vector_load %arg13[%get3A_272, %get3A_273] {strides = array<i32>} : memref<8x768xf32, #tpu.memory_space<vmem>>, vector<16xf32>,
          %add3A_275 = arith.addf %get3A_271, %get3A_274 : vector<16xf32>
          %swap3A_276 = arith.index_cast %reduce_max3A_98 : i32 to index
          %swap3A_277 = arith.constant 272 : index
          %swap3A_278 = tpu.vector_load %arg12[%swap3A_276, %swap3A_277] {strides = array<i32>} : memref<65x768xf32, #tpu.memory_space<vmem>>, vector<16xf32>,
          tpu.vector_store %arg12[%swap3A_276, %swap3A_277], %add3A_275 {strides = array<i32>} : memref<65x768xf32, #tpu.memory_space<vmem>>, vector<16xf32>,
          %get3A_279 = arith.index_cast %reduce_max3A_98 : i32 to index
          %get3A_280 = arith.constant 288 : index
          %get3A_281 = tpu.vector_load %arg12[%get3A_279, %get3A_280] {strides = array<i32>} : memref<65x768xf32, #tpu.memory_space<vmem>>, vector<16xf32>,
          %get3A_282 = arith.index_cast %scan3A_88 : i32 to index
          %get3A_283 = arith.constant 288 : index
          %get3A_284 = tpu.vector_load %arg13[%get3A_282, %get3A_283] {strides = array<i32>} : memref<8x768xf32, #tpu.memory_space<vmem>>, vector<16xf32>,
          %add3A_285 = arith.addf %get3A_281, %get3A_284 : vector<16xf32>
          %swap3A_286 = arith.index_cast %reduce_max3A_98 : i32 to index
          %swap3A_287 = arith.constant 288 : index
          %swap3A_288 = tpu.vector_load %arg12[%swap3A_286, %swap3A_287] {strides = array<i32>} : memref<65x768xf32, #tpu.memory_space<vmem>>, vector<16xf32>,
          tpu.vector_store %arg12[%swap3A_286, %swap3A_287], %add3A_285 {strides = array<i32>} : memref<65x768xf32, #tpu.memory_space<vmem>>, vector<16xf32>,
          %get3A_289 = arith.index_cast %reduce_max3A_98 : i32 to index
          %get3A_290 = arith.constant 304 : index
          %get3A_291 = tpu.vector_load %arg12[%get3A_289, %get3A_290] {strides = array<i32>} : memref<65x768xf32, #tpu.memory_space<vmem>>, vector<16xf32>,
          %get3A_292 = arith.index_cast %scan3A_88 : i32 to index
          %get3A_293 = arith.constant 304 : index
          %get3A_294 = tpu.vector_load %arg13[%get3A_292, %get3A_293] {strides = array<i32>} : memref<8x768xf32, #tpu.memory_space<vmem>>, vector<16xf32>,
          %add3A_295 = arith.addf %get3A_291, %get3A_294 : vector<16xf32>
          %swap3A_296 = arith.index_cast %reduce_max3A_98 : i32 to index
          %swap3A_297 = arith.constant 304 : index
          %swap3A_298 = tpu.vector_load %arg12[%swap3A_296, %swap3A_297] {strides = array<i32>} : memref<65x768xf32, #tpu.memory_space<vmem>>, vector<16xf32>,
          tpu.vector_store %arg12[%swap3A_296, %swap3A_297], %add3A_295 {strides = array<i32>} : memref<65x768xf32, #tpu.memory_space<vmem>>, vector<16xf32>,
          %get3A_299 = arith.index_cast %reduce_max3A_98 : i32 to index
          %get3A_300 = arith.constant 320 : index
          %get3A_301 = tpu.vector_load %arg12[%get3A_299, %get3A_300] {strides = array<i32>} : memref<65x768xf32, #tpu.memory_space<vmem>>, vector<16xf32>,
          %get3A_302 = arith.index_cast %scan3A_88 : i32 to index
          %get3A_303 = arith.constant 320 : index
          %get3A_304 = tpu.vector_load %arg13[%get3A_302, %get3A_303] {strides = array<i32>} : memref<8x768xf32, #tpu.memory_space<vmem>>, vector<16xf32>,
          %add3A_305 = arith.addf %get3A_301, %get3A_304 : vector<16xf32>
          %swap3A_306 = arith.index_cast %reduce_max3A_98 : i32 to index
          %swap3A_307 = arith.constant 320 : index
          %swap3A_308 = tpu.vector_load %arg12[%swap3A_306, %swap3A_307] {strides = array<i32>} : memref<65x768xf32, #tpu.memory_space<vmem>>, vector<16xf32>,
          tpu.vector_store %arg12[%swap3A_306, %swap3A_307], %add3A_305 {strides = array<i32>} : memref<65x768xf32, #tpu.memory_space<vmem>>, vector<16xf32>,
          %get3A_309 = arith.index_cast %reduce_max3A_98 : i32 to index
          %get3A_310 = arith.constant 336 : index
          %get3A_311 = tpu.vector_load %arg12[%get3A_309, %get3A_310] {strides = array<i32>} : memref<65x768xf32, #tpu.memory_space<vmem>>, vector<16xf32>,
          %get3A_312 = arith.index_cast %scan3A_88 : i32 to index
          %get3A_313 = arith.constant 336 : index
          %get3A_314 = tpu.vector_load %arg13[%get3A_312, %get3A_313] {strides = array<i32>} : memref<8x768xf32, #tpu.memory_space<vmem>>, vector<16xf32>,
          %add3A_315 = arith.addf %get3A_311, %get3A_314 : vector<16xf32>
          %swap3A_316 = arith.index_cast %reduce_max3A_98 : i32 to index
          %swap3A_317 = arith.constant 336 : index
          %swap3A_318 = tpu.vector_load %arg12[%swap3A_316, %swap3A_317] {strides = array<i32>} : memref<65x768xf32, #tpu.memory_space<vmem>>, vector<16xf32>,
          tpu.vector_store %arg12[%swap3A_316, %swap3A_317], %add3A_315 {strides = array<i32>} : memref<65x768xf32, #tpu.memory_space<vmem>>, vector<16xf32>,
          %get3A_319 = arith.index_cast %reduce_max3A_98 : i32 to index
          %get3A_320 = arith.constant 352 : index
          %get3A_321 = tpu.vector_load %arg12[%get3A_319, %get3A_320] {strides = array<i32>} : memref<65x768xf32, #tpu.memory_space<vmem>>, vector<16xf32>,
          %get3A_322 = arith.index_cast %scan3A_88 : i32 to index
          %get3A_323 = arith.constant 352 : index
          %get3A_324 = tpu.vector_load %arg13[%get3A_322, %get3A_323] {strides = array<i32>} : memref<8x768xf32, #tpu.memory_space<vmem>>, vector<16xf32>,
          %add3A_325 = arith.addf %get3A_321, %get3A_324 : vector<16xf32>
          %swap3A_326 = arith.index_cast %reduce_max3A_98 : i32 to index
          %swap3A_327 = arith.constant 352 : index
          %swap3A_328 = tpu.vector_load %arg12[%swap3A_326, %swap3A_327] {strides = array<i32>} : memref<65x768xf32, #tpu.memory_space<vmem>>, vector<16xf32>,
          tpu.vector_store %arg12[%swap3A_326, %swap3A_327], %add3A_325 {strides = array<i32>} : memref<65x768xf32, #tpu.memory_space<vmem>>, vector<16xf32>,
          %get3A_329 = arith.index_cast %reduce_max3A_98 : i32 to index
          %get3A_330 = arith.constant 368 : index
          %get3A_331 = tpu.vector_load %arg12[%get3A_329, %get3A_330] {strides = array<i32>} : memref<65x768xf32, #tpu.memory_space<vmem>>, vector<16xf32>,
          %get3A_332 = arith.index_cast %scan3A_88 : i32 to index
          %get3A_333 = arith.constant 368 : index
          %get3A_334 = tpu.vector_load %arg13[%get3A_332, %get3A_333] {strides = array<i32>} : memref<8x768xf32, #tpu.memory_space<vmem>>, vector<16xf32>,
          %add3A_335 = arith.addf %get3A_331, %get3A_334 : vector<16xf32>
          %swap3A_336 = arith.index_cast %reduce_max3A_98 : i32 to index
          %swap3A_337 = arith.constant 368 : index
          %swap3A_338 = tpu.vector_load %arg12[%swap3A_336, %swap3A_337] {strides = array<i32>} : memref<65x768xf32, #tpu.memory_space<vmem>>, vector<16xf32>,
          tpu.vector_store %arg12[%swap3A_336, %swap3A_337], %add3A_335 {strides = array<i32>} : memref<65x768xf32, #tpu.memory_space<vmem>>, vector<16xf32>,
          %get3A_339 = arith.index_cast %reduce_max3A_98 : i32 to index
          %get3A_340 = arith.constant 384 : index
          %get3A_341 = tpu.vector_load %arg12[%get3A_339, %get3A_340] {strides = array<i32>} : memref<65x768xf32, #tpu.memory_space<vmem>>, vector<16xf32>,
          %get3A_342 = arith.index_cast %scan3A_88 : i32 to index
          %get3A_343 = arith.constant 384 : index
          %get3A_344 = tpu.vector_load %arg13[%get3A_342, %get3A_343] {strides = array<i32>} : memref<8x768xf32, #tpu.memory_space<vmem>>, vector<16xf32>,
          %add3A_345 = arith.addf %get3A_341, %get3A_344 : vector<16xf32>
          %swap3A_346 = arith.index_cast %reduce_max3A_98 : i32 to index
          %swap3A_347 = arith.constant 384 : index
          %swap3A_348 = tpu.vector_load %arg12[%swap3A_346, %swap3A_347] {strides = array<i32>} : memref<65x768xf32, #tpu.memory_space<vmem>>, vector<16xf32>,
          tpu.vector_store %arg12[%swap3A_346, %swap3A_347], %add3A_345 {strides = array<i32>} : memref<65x768xf32, #tpu.memory_space<vmem>>, vector<16xf32>,
          %get3A_349 = arith.index_cast %reduce_max3A_98 : i32 to index
          %get3A_350 = arith.constant 400 : index
          %get3A_351 = tpu.vector_load %arg12[%get3A_349, %get3A_350] {strides = array<i32>} : memref<65x768xf32, #tpu.memory_space<vmem>>, vector<16xf32>,
          %get3A_352 = arith.index_cast %scan3A_88 : i32 to index
          %get3A_353 = arith.constant 400 : index
          %get3A_354 = tpu.vector_load %arg13[%get3A_352, %get3A_353] {strides = array<i32>} : memref<8x768xf32, #tpu.memory_space<vmem>>, vector<16xf32>,
          %add3A_355 = arith.addf %get3A_351, %get3A_354 : vector<16xf32>
          %swap3A_356 = arith.index_cast %reduce_max3A_98 : i32 to index
          %swap3A_357 = arith.constant 400 : index
          %swap3A_358 = tpu.vector_load %arg12[%swap3A_356, %swap3A_357] {strides = array<i32>} : memref<65x768xf32, #tpu.memory_space<vmem>>, vector<16xf32>,
          tpu.vector_store %arg12[%swap3A_356, %swap3A_357], %add3A_355 {strides = array<i32>} : memref<65x768xf32, #tpu.memory_space<vmem>>, vector<16xf32>,
          %get3A_359 = arith.index_cast %reduce_max3A_98 : i32 to index
          %get3A_360 = arith.constant 416 : index
          %get3A_361 = tpu.vector_load %arg12[%get3A_359, %get3A_360] {strides = array<i32>} : memref<65x768xf32, #tpu.memory_space<vmem>>, vector<16xf32>,
          %get3A_362 = arith.index_cast %scan3A_88 : i32 to index
          %get3A_363 = arith.constant 416 : index
          %get3A_364 = tpu.vector_load %arg13[%get3A_362, %get3A_363] {strides = array<i32>} : memref<8x768xf32, #tpu.memory_space<vmem>>, vector<16xf32>,
          %add3A_365 = arith.addf %get3A_361, %get3A_364 : vector<16xf32>
          %swap3A_366 = arith.index_cast %reduce_max3A_98 : i32 to index
          %swap3A_367 = arith.constant 416 : index
          %swap3A_368 = tpu.vector_load %arg12[%swap3A_366, %swap3A_367] {strides = array<i32>} : memref<65x768xf32, #tpu.memory_space<vmem>>, vector<16xf32>,
          tpu.vector_store %arg12[%swap3A_366, %swap3A_367], %add3A_365 {strides = array<i32>} : memref<65x768xf32, #tpu.memory_space<vmem>>, vector<16xf32>,
          %get3A_369 = arith.index_cast %reduce_max3A_98 : i32 to index
          %get3A_370 = arith.constant 432 : index
          %get3A_371 = tpu.vector_load %arg12[%get3A_369, %get3A_370] {strides = array<i32>} : memref<65x768xf32, #tpu.memory_space<vmem>>, vector<16xf32>,
          %get3A_372 = arith.index_cast %scan3A_88 : i32 to index
          %get3A_373 = arith.constant 432 : index
          %get3A_374 = tpu.vector_load %arg13[%get3A_372, %get3A_373] {strides = array<i32>} : memref<8x768xf32, #tpu.memory_space<vmem>>, vector<16xf32>,
          %add3A_375 = arith.addf %get3A_371, %get3A_374 : vector<16xf32>
          %swap3A_376 = arith.index_cast %reduce_max3A_98 : i32 to index
          %swap3A_377 = arith.constant 432 : index
          %swap3A_378 = tpu.vector_load %arg12[%swap3A_376, %swap3A_377] {strides = array<i32>} : memref<65x768xf32, #tpu.memory_space<vmem>>, vector<16xf32>,
          tpu.vector_store %arg12[%swap3A_376, %swap3A_377], %add3A_375 {strides = array<i32>} : memref<65x768xf32, #tpu.memory_space<vmem>>, vector<16xf32>,
          %get3A_379 = arith.index_cast %reduce_max3A_98 : i32 to index
          %get3A_380 = arith.constant 448 : index
          %get3A_381 = tpu.vector_load %arg12[%get3A_379, %get3A_380] {strides = array<i32>} : memref<65x768xf32, #tpu.memory_space<vmem>>, vector<16xf32>,
          %get3A_382 = arith.index_cast %scan3A_88 : i32 to index
          %get3A_383 = arith.constant 448 : index
          %get3A_384 = tpu.vector_load %arg13[%get3A_382, %get3A_383] {strides = array<i32>} : memref<8x768xf32, #tpu.memory_space<vmem>>, vector<16xf32>,
          %add3A_385 = arith.addf %get3A_381, %get3A_384 : vector<16xf32>
          %swap3A_386 = arith.index_cast %reduce_max3A_98 : i32 to index
          %swap3A_387 = arith.constant 448 : index
          %swap3A_388 = tpu.vector_load %arg12[%swap3A_386, %swap3A_387] {strides = array<i32>} : memref<65x768xf32, #tpu.memory_space<vmem>>, vector<16xf32>,
          tpu.vector_store %arg12[%swap3A_386, %swap3A_387], %add3A_385 {strides = array<i32>} : memref<65x768xf32, #tpu.memory_space<vmem>>, vector<16xf32>,
          %get3A_389 = arith.index_cast %reduce_max3A_98 : i32 to index
          %get3A_390 = arith.constant 464 : index
          %get3A_391 = tpu.vector_load %arg12[%get3A_389, %get3A_390] {strides = array<i32>} : memref<65x768xf32, #tpu.memory_space<vmem>>, vector<16xf32>,
          %get3A_392 = arith.index_cast %scan3A_88 : i32 to index
          %get3A_393 = arith.constant 464 : index
          %get3A_394 = tpu.vector_load %arg13[%get3A_392, %get3A_393] {strides = array<i32>} : memref<8x768xf32, #tpu.memory_space<vmem>>, vector<16xf32>,
          %add3A_395 = arith.addf %get3A_391, %get3A_394 : vector<16xf32>
          %swap3A_396 = arith.index_cast %reduce_max3A_98 : i32 to index
          %swap3A_397 = arith.constant 464 : index
          %swap3A_398 = tpu.vector_load %arg12[%swap3A_396, %swap3A_397] {strides = array<i32>} : memref<65x768xf32, #tpu.memory_space<vmem>>, vector<16xf32>,
          tpu.vector_store %arg12[%swap3A_396, %swap3A_397], %add3A_395 {strides = array<i32>} : memref<65x768xf32, #tpu.memory_space<vmem>>, vector<16xf32>,
          %get3A_399 = arith.index_cast %reduce_max3A_98 : i32 to index
          %get3A_400 = arith.constant 480 : index
          %get3A_401 = tpu.vector_load %arg12[%get3A_399, %get3A_400] {strides = array<i32>} : memref<65x768xf32, #tpu.memory_space<vmem>>, vector<16xf32>,
          %get3A_402 = arith.index_cast %scan3A_88 : i32 to index
          %get3A_403 = arith.constant 480 : index
          %get3A_404 = tpu.vector_load %arg13[%get3A_402, %get3A_403] {strides = array<i32>} : memref<8x768xf32, #tpu.memory_space<vmem>>, vector<16xf32>,
          %add3A_405 = arith.addf %get3A_401, %get3A_404 : vector<16xf32>
          %swap3A_406 = arith.index_cast %reduce_max3A_98 : i32 to index
          %swap3A_407 = arith.constant 480 : index
          %swap3A_408 = tpu.vector_load %arg12[%swap3A_406, %swap3A_407] {strides = array<i32>} : memref<65x768xf32, #tpu.memory_space<vmem>>, vector<16xf32>,
          tpu.vector_store %arg12[%swap3A_406, %swap3A_407], %add3A_405 {strides = array<i32>} : memref<65x768xf32, #tpu.memory_space<vmem>>, vector<16xf32>,
          %get3A_409 = arith.index_cast %reduce_max3A_98 : i32 to index
          %get3A_410 = arith.constant 496 : index
          %get3A_411 = tpu.vector_load %arg12[%get3A_409, %get3A_410] {strides = array<i32>} : memref<65x768xf32, #tpu.memory_space<vmem>>, vector<16xf32>,
          %get3A_412 = arith.index_cast %scan3A_88 : i32 to index
          %get3A_413 = arith.constant 496 : index
          %get3A_414 = tpu.vector_load %arg13[%get3A_412, %get3A_413] {strides = array<i32>} : memref<8x768xf32, #tpu.memory_space<vmem>>, vector<16xf32>,
          %add3A_415 = arith.addf %get3A_411, %get3A_414 : vector<16xf32>
          %swap3A_416 = arith.index_cast %reduce_max3A_98 : i32 to index
          %swap3A_417 = arith.constant 496 : index
          %swap3A_418 = tpu.vector_load %arg12[%swap3A_416, %swap3A_417] {strides = array<i32>} : memref<65x768xf32, #tpu.memory_space<vmem>>, vector<16xf32>,
          tpu.vector_store %arg12[%swap3A_416, %swap3A_417], %add3A_415 {strides = array<i32>} : memref<65x768xf32, #tpu.memory_space<vmem>>, vector<16xf32>,
          %get3A_419 = arith.index_cast %reduce_max3A_98 : i32 to index
          %get3A_420 = arith.constant 512 : index
          %get3A_421 = tpu.vector_load %arg12[%get3A_419, %get3A_420] {strides = array<i32>} : memref<65x768xf32, #tpu.memory_space<vmem>>, vector<16xf32>,
          %get3A_422 = arith.index_cast %scan3A_88 : i32 to index
          %get3A_423 = arith.constant 512 : index
          %get3A_424 = tpu.vector_load %arg13[%get3A_422, %get3A_423] {strides = array<i32>} : memref<8x768xf32, #tpu.memory_space<vmem>>, vector<16xf32>,
          %add3A_425 = arith.addf %get3A_421, %get3A_424 : vector<16xf32>
          %swap3A_426 = arith.index_cast %reduce_max3A_98 : i32 to index
          %swap3A_427 = arith.constant 512 : index
          %swap3A_428 = tpu.vector_load %arg12[%swap3A_426, %swap3A_427] {strides = array<i32>} : memref<65x768xf32, #tpu.memory_space<vmem>>, vector<16xf32>,
          tpu.vector_store %arg12[%swap3A_426, %swap3A_427], %add3A_425 {strides = array<i32>} : memref<65x768xf32, #tpu.memory_space<vmem>>, vector<16xf32>,
          %get3A_429 = arith.index_cast %reduce_max3A_98 : i32 to index
          %get3A_430 = arith.constant 528 : index
          %get3A_431 = tpu.vector_load %arg12[%get3A_429, %get3A_430] {strides = array<i32>} : memref<65x768xf32, #tpu.memory_space<vmem>>, vector<16xf32>,
          %get3A_432 = arith.index_cast %scan3A_88 : i32 to index
          %get3A_433 = arith.constant 528 : index
          %get3A_434 = tpu.vector_load %arg13[%get3A_432, %get3A_433] {strides = array<i32>} : memref<8x768xf32, #tpu.memory_space<vmem>>, vector<16xf32>,
          %add3A_435 = arith.addf %get3A_431, %get3A_434 : vector<16xf32>
          %swap3A_436 = arith.index_cast %reduce_max3A_98 : i32 to index
          %swap3A_437 = arith.constant 528 : index
          %swap3A_438 = tpu.vector_load %arg12[%swap3A_436, %swap3A_437] {strides = array<i32>} : memref<65x768xf32, #tpu.memory_space<vmem>>, vector<16xf32>,
          tpu.vector_store %arg12[%swap3A_436, %swap3A_437], %add3A_435 {strides = array<i32>} : memref<65x768xf32, #tpu.memory_space<vmem>>, vector<16xf32>,
          %get3A_439 = arith.index_cast %reduce_max3A_98 : i32 to index
          %get3A_440 = arith.constant 544 : index
          %get3A_441 = tpu.vector_load %arg12[%get3A_439, %get3A_440] {strides = array<i32>} : memref<65x768xf32, #tpu.memory_space<vmem>>, vector<16xf32>,
          %get3A_442 = arith.index_cast %scan3A_88 : i32 to index
          %get3A_443 = arith.constant 544 : index
          %get3A_444 = tpu.vector_load %arg13[%get3A_442, %get3A_443] {strides = array<i32>} : memref<8x768xf32, #tpu.memory_space<vmem>>, vector<16xf32>,
          %add3A_445 = arith.addf %get3A_441, %get3A_444 : vector<16xf32>
          %swap3A_446 = arith.index_cast %reduce_max3A_98 : i32 to index
          %swap3A_447 = arith.constant 544 : index
          %swap3A_448 = tpu.vector_load %arg12[%swap3A_446, %swap3A_447] {strides = array<i32>} : memref<65x768xf32, #tpu.memory_space<vmem>>, vector<16xf32>,
          tpu.vector_store %arg12[%swap3A_446, %swap3A_447], %add3A_445 {strides = array<i32>} : memref<65x768xf32, #tpu.memory_space<vmem>>, vector<16xf32>,
          %get3A_449 = arith.index_cast %reduce_max3A_98 : i32 to index
          %get3A_450 = arith.constant 560 : index
          %get3A_451 = tpu.vector_load %arg12[%get3A_449, %get3A_450] {strides = array<i32>} : memref<65x768xf32, #tpu.memory_space<vmem>>, vector<16xf32>,
          %get3A_452 = arith.index_cast %scan3A_88 : i32 to index
          %get3A_453 = arith.constant 560 : index
          %get3A_454 = tpu.vector_load %arg13[%get3A_452, %get3A_453] {strides = array<i32>} : memref<8x768xf32, #tpu.memory_space<vmem>>, vector<16xf32>,
          %add3A_455 = arith.addf %get3A_451, %get3A_454 : vector<16xf32>
          %swap3A_456 = arith.index_cast %reduce_max3A_98 : i32 to index
          %swap3A_457 = arith.constant 560 : index
          %swap3A_458 = tpu.vector_load %arg12[%swap3A_456, %swap3A_457] {strides = array<i32>} : memref<65x768xf32, #tpu.memory_space<vmem>>, vector<16xf32>,
          tpu.vector_store %arg12[%swap3A_456, %swap3A_457], %add3A_455 {strides = array<i32>} : memref<65x768xf32, #tpu.memory_space<vmem>>, vector<16xf32>,
          %get3A_459 = arith.index_cast %reduce_max3A_98 : i32 to index
          %get3A_460 = arith.constant 576 : index
          %get3A_461 = tpu.vector_load %arg12[%get3A_459, %get3A_460] {strides = array<i32>} : memref<65x768xf32, #tpu.memory_space<vmem>>, vector<16xf32>,
          %get3A_462 = arith.index_cast %scan3A_88 : i32 to index
          %get3A_463 = arith.constant 576 : index
          %get3A_464 = tpu.vector_load %arg13[%get3A_462, %get3A_463] {strides = array<i32>} : memref<8x768xf32, #tpu.memory_space<vmem>>, vector<16xf32>,
          %add3A_465 = arith.addf %get3A_461, %get3A_464 : vector<16xf32>
          %swap3A_466 = arith.index_cast %reduce_max3A_98 : i32 to index
          %swap3A_467 = arith.constant 576 : index
          %swap3A_468 = tpu.vector_load %arg12[%swap3A_466, %swap3A_467] {strides = array<i32>} : memref<65x768xf32, #tpu.memory_space<vmem>>, vector<16xf32>,
          tpu.vector_store %arg12[%swap3A_466, %swap3A_467], %add3A_465 {strides = array<i32>} : memref<65x768xf32, #tpu.memory_space<vmem>>, vector<16xf32>,
          %get3A_469 = arith.index_cast %reduce_max3A_98 : i32 to index
          %get3A_470 = arith.constant 592 : index
          %get3A_471 = tpu.vector_load %arg12[%get3A_469, %get3A_470] {strides = array<i32>} : memref<65x768xf32, #tpu.memory_space<vmem>>, vector<16xf32>,
          %get3A_472 = arith.index_cast %scan3A_88 : i32 to index
          %get3A_473 = arith.constant 592 : index
          %get3A_474 = tpu.vector_load %arg13[%get3A_472, %get3A_473] {strides = array<i32>} : memref<8x768xf32, #tpu.memory_space<vmem>>, vector<16xf32>,
          %add3A_475 = arith.addf %get3A_471, %get3A_474 : vector<16xf32>
          %swap3A_476 = arith.index_cast %reduce_max3A_98 : i32 to index
          %swap3A_477 = arith.constant 592 : index
          %swap3A_478 = tpu.vector_load %arg12[%swap3A_476, %swap3A_477] {strides = array<i32>} : memref<65x768xf32, #tpu.memory_space<vmem>>, vector<16xf32>,
          tpu.vector_store %arg12[%swap3A_476, %swap3A_477], %add3A_475 {strides = array<i32>} : memref<65x768xf32, #tpu.memory_space<vmem>>, vector<16xf32>,
          %get3A_479 = arith.index_cast %reduce_max3A_98 : i32 to index
          %get3A_480 = arith.constant 608 : index
          %get3A_481 = tpu.vector_load %arg12[%get3A_479, %get3A_480] {strides = array<i32>} : memref<65x768xf32, #tpu.memory_space<vmem>>, vector<16xf32>,
          %get3A_482 = arith.index_cast %scan3A_88 : i32 to index
          %get3A_483 = arith.constant 608 : index
          %get3A_484 = tpu.vector_load %arg13[%get3A_482, %get3A_483] {strides = array<i32>} : memref<8x768xf32, #tpu.memory_space<vmem>>, vector<16xf32>,
          %add3A_485 = arith.addf %get3A_481, %get3A_484 : vector<16xf32>
          %swap3A_486 = arith.index_cast %reduce_max3A_98 : i32 to index
          %swap3A_487 = arith.constant 608 : index
          %swap3A_488 = tpu.vector_load %arg12[%swap3A_486, %swap3A_487] {strides = array<i32>} : memref<65x768xf32, #tpu.memory_space<vmem>>, vector<16xf32>,
          tpu.vector_store %arg12[%swap3A_486, %swap3A_487], %add3A_485 {strides = array<i32>} : memref<65x768xf32, #tpu.memory_space<vmem>>, vector<16xf32>,
          %get3A_489 = arith.index_cast %reduce_max3A_98 : i32 to index
          %get3A_490 = arith.constant 624 : index
          %get3A_491 = tpu.vector_load %arg12[%get3A_489, %get3A_490] {strides = array<i32>} : memref<65x768xf32, #tpu.memory_space<vmem>>, vector<16xf32>,
          %get3A_492 = arith.index_cast %scan3A_88 : i32 to index
          %get3A_493 = arith.constant 624 : index
          %get3A_494 = tpu.vector_load %arg13[%get3A_492, %get3A_493] {strides = array<i32>} : memref<8x768xf32, #tpu.memory_space<vmem>>, vector<16xf32>,
          %add3A_495 = arith.addf %get3A_491, %get3A_494 : vector<16xf32>
          %swap3A_496 = arith.index_cast %reduce_max3A_98 : i32 to index
          %swap3A_497 = arith.constant 624 : index
          %swap3A_498 = tpu.vector_load %arg12[%swap3A_496, %swap3A_497] {strides = array<i32>} : memref<65x768xf32, #tpu.memory_space<vmem>>, vector<16xf32>,
          tpu.vector_store %arg12[%swap3A_496, %swap3A_497], %add3A_495 {strides = array<i32>} : memref<65x768xf32, #tpu.memory_space<vmem>>, vector<16xf32>,
          %get3A_499 = arith.index_cast %reduce_max3A_98 : i32 to index
          %get3A_500 = arith.constant 640 : index
          %get3A_501 = tpu.vector_load %arg12[%get3A_499, %get3A_500] {strides = array<i32>} : memref<65x768xf32, #tpu.memory_space<vmem>>, vector<16xf32>,
          %get3A_502 = arith.index_cast %scan3A_88 : i32 to index
          %get3A_503 = arith.constant 640 : index
          %get3A_504 = tpu.vector_load %arg13[%get3A_502, %get3A_503] {strides = array<i32>} : memref<8x768xf32, #tpu.memory_space<vmem>>, vector<16xf32>,
          %add3A_505 = arith.addf %get3A_501, %get3A_504 : vector<16xf32>
          %swap3A_506 = arith.index_cast %reduce_max3A_98 : i32 to index
          %swap3A_507 = arith.constant 640 : index
          %swap3A_508 = tpu.vector_load %arg12[%swap3A_506, %swap3A_507] {strides = array<i32>} : memref<65x768xf32, #tpu.memory_space<vmem>>, vector<16xf32>,
          tpu.vector_store %arg12[%swap3A_506, %swap3A_507], %add3A_505 {strides = array<i32>} : memref<65x768xf32, #tpu.memory_space<vmem>>, vector<16xf32>,
          %get3A_509 = arith.index_cast %reduce_max3A_98 : i32 to index
          %get3A_510 = arith.constant 656 : index
          %get3A_511 = tpu.vector_load %arg12[%get3A_509, %get3A_510] {strides = array<i32>} : memref<65x768xf32, #tpu.memory_space<vmem>>, vector<16xf32>,
          %get3A_512 = arith.index_cast %scan3A_88 : i32 to index
          %get3A_513 = arith.constant 656 : index
          %get3A_514 = tpu.vector_load %arg13[%get3A_512, %get3A_513] {strides = array<i32>} : memref<8x768xf32, #tpu.memory_space<vmem>>, vector<16xf32>,
          %add3A_515 = arith.addf %get3A_511, %get3A_514 : vector<16xf32>
          %swap3A_516 = arith.index_cast %reduce_max3A_98 : i32 to index
          %swap3A_517 = arith.constant 656 : index
          %swap3A_518 = tpu.vector_load %arg12[%swap3A_516, %swap3A_517] {strides = array<i32>} : memref<65x768xf32, #tpu.memory_space<vmem>>, vector<16xf32>,
          tpu.vector_store %arg12[%swap3A_516, %swap3A_517], %add3A_515 {strides = array<i32>} : memref<65x768xf32, #tpu.memory_space<vmem>>, vector<16xf32>,
          %get3A_519 = arith.index_cast %reduce_max3A_98 : i32 to index
          %get3A_520 = arith.constant 672 : index
          %get3A_521 = tpu.vector_load %arg12[%get3A_519, %get3A_520] {strides = array<i32>} : memref<65x768xf32, #tpu.memory_space<vmem>>, vector<16xf32>,
          %get3A_522 = arith.index_cast %scan3A_88 : i32 to index
          %get3A_523 = arith.constant 672 : index
          %get3A_524 = tpu.vector_load %arg13[%get3A_522, %get3A_523] {strides = array<i32>} : memref<8x768xf32, #tpu.memory_space<vmem>>, vector<16xf32>,
          %add3A_525 = arith.addf %get3A_521, %get3A_524 : vector<16xf32>
          %swap3A_526 = arith.index_cast %reduce_max3A_98 : i32 to index
          %swap3A_527 = arith.constant 672 : index
          %swap3A_528 = tpu.vector_load %arg12[%swap3A_526, %swap3A_527] {strides = array<i32>} : memref<65x768xf32, #tpu.memory_space<vmem>>, vector<16xf32>,
          tpu.vector_store %arg12[%swap3A_526, %swap3A_527], %add3A_525 {strides = array<i32>} : memref<65x768xf32, #tpu.memory_space<vmem>>, vector<16xf32>,
          %get3A_529 = arith.index_cast %reduce_max3A_98 : i32 to index
          %get3A_530 = arith.constant 688 : index
          %get3A_531 = tpu.vector_load %arg12[%get3A_529, %get3A_530] {strides = array<i32>} : memref<65x768xf32, #tpu.memory_space<vmem>>, vector<16xf32>,
          %get3A_532 = arith.index_cast %scan3A_88 : i32 to index
          %get3A_533 = arith.constant 688 : index
          %get3A_534 = tpu.vector_load %arg13[%get3A_532, %get3A_533] {strides = array<i32>} : memref<8x768xf32, #tpu.memory_space<vmem>>, vector<16xf32>,
          %add3A_535 = arith.addf %get3A_531, %get3A_534 : vector<16xf32>
          %swap3A_536 = arith.index_cast %reduce_max3A_98 : i32 to index
          %swap3A_537 = arith.constant 688 : index
          %swap3A_538 = tpu.vector_load %arg12[%swap3A_536, %swap3A_537] {strides = array<i32>} : memref<65x768xf32, #tpu.memory_space<vmem>>, vector<16xf32>,
          tpu.vector_store %arg12[%swap3A_536, %swap3A_537], %add3A_535 {strides = array<i32>} : memref<65x768xf32, #tpu.memory_space<vmem>>, vector<16xf32>,
          %get3A_539 = arith.index_cast %reduce_max3A_98 : i32 to index
          %get3A_540 = arith.constant 704 : index
          %get3A_541 = tpu.vector_load %arg12[%get3A_539, %get3A_540] {strides = array<i32>} : memref<65x768xf32, #tpu.memory_space<vmem>>, vector<16xf32>,
          %get3A_542 = arith.index_cast %scan3A_88 : i32 to index
          %get3A_543 = arith.constant 704 : index
          %get3A_544 = tpu.vector_load %arg13[%get3A_542, %get3A_543] {strides = array<i32>} : memref<8x768xf32, #tpu.memory_space<vmem>>, vector<16xf32>,
          %add3A_545 = arith.addf %get3A_541, %get3A_544 : vector<16xf32>
          %swap3A_546 = arith.index_cast %reduce_max3A_98 : i32 to index
          %swap3A_547 = arith.constant 704 : index
          %swap3A_548 = tpu.vector_load %arg12[%swap3A_546, %swap3A_547] {strides = array<i32>} : memref<65x768xf32, #tpu.memory_space<vmem>>, vector<16xf32>,
          tpu.vector_store %arg12[%swap3A_546, %swap3A_547], %add3A_545 {strides = array<i32>} : memref<65x768xf32, #tpu.memory_space<vmem>>, vector<16xf32>,
          %get3A_549 = arith.index_cast %reduce_max3A_98 : i32 to index
          %get3A_550 = arith.constant 720 : index
          %get3A_551 = tpu.vector_load %arg12[%get3A_549, %get3A_550] {strides = array<i32>} : memref<65x768xf32, #tpu.memory_space<vmem>>, vector<16xf32>,
          %get3A_552 = arith.index_cast %scan3A_88 : i32 to index
          %get3A_553 = arith.constant 720 : index
          %get3A_554 = tpu.vector_load %arg13[%get3A_552, %get3A_553] {strides = array<i32>} : memref<8x768xf32, #tpu.memory_space<vmem>>, vector<16xf32>,
          %add3A_555 = arith.addf %get3A_551, %get3A_554 : vector<16xf32>
          %swap3A_556 = arith.index_cast %reduce_max3A_98 : i32 to index
          %swap3A_557 = arith.constant 720 : index
          %swap3A_558 = tpu.vector_load %arg12[%swap3A_556, %swap3A_557] {strides = array<i32>} : memref<65x768xf32, #tpu.memory_space<vmem>>, vector<16xf32>,
          tpu.vector_store %arg12[%swap3A_556, %swap3A_557], %add3A_555 {strides = array<i32>} : memref<65x768xf32, #tpu.memory_space<vmem>>, vector<16xf32>,
          %get3A_559 = arith.index_cast %reduce_max3A_98 : i32 to index
          %get3A_560 = arith.constant 736 : index
          %get3A_561 = tpu.vector_load %arg12[%get3A_559, %get3A_560] {strides = array<i32>} : memref<65x768xf32, #tpu.memory_space<vmem>>, vector<16xf32>,
          %get3A_562 = arith.index_cast %scan3A_88 : i32 to index
          %get3A_563 = arith.constant 736 : index
          %get3A_564 = tpu.vector_load %arg13[%get3A_562, %get3A_563] {strides = array<i32>} : memref<8x768xf32, #tpu.memory_space<vmem>>, vector<16xf32>,
          %add3A_565 = arith.addf %get3A_561, %get3A_564 : vector<16xf32>
          %swap3A_566 = arith.index_cast %reduce_max3A_98 : i32 to index
          %swap3A_567 = arith.constant 736 : index
          %swap3A_568 = tpu.vector_load %arg12[%swap3A_566, %swap3A_567] {strides = array<i32>} : memref<65x768xf32, #tpu.memory_space<vmem>>, vector<16xf32>,
          tpu.vector_store %arg12[%swap3A_566, %swap3A_567], %add3A_565 {strides = array<i32>} : memref<65x768xf32, #tpu.memory_space<vmem>>, vector<16xf32>,
          %get3A_569 = arith.index_cast %reduce_max3A_98 : i32 to index
          %get3A_570 = arith.constant 752 : index
          %get3A_571 = tpu.vector_load %arg12[%get3A_569, %get3A_570] {strides = array<i32>} : memref<65x768xf32, #tpu.memory_space<vmem>>, vector<16xf32>,
          %get3A_572 = arith.index_cast %scan3A_88 : i32 to index
          %get3A_573 = arith.constant 752 : index
          %get3A_574 = tpu.vector_load %arg13[%get3A_572, %get3A_573] {strides = array<i32>} : memref<8x768xf32, #tpu.memory_space<vmem>>, vector<16xf32>,
          %add3A_575 = arith.addf %get3A_571, %get3A_574 : vector<16xf32>
          %swap3A_576 = arith.index_cast %reduce_max3A_98 : i32 to index
          %swap3A_577 = arith.constant 752 : index
          %swap3A_578 = tpu.vector_load %arg12[%swap3A_576, %swap3A_577] {strides = array<i32>} : memref<65x768xf32, #tpu.memory_space<vmem>>, vector<16xf32>,
          tpu.vector_store %arg12[%swap3A_576, %swap3A_577], %add3A_575 {strides = array<i32>} : memref<65x768xf32, #tpu.memory_space<vmem>>, vector<16xf32>,
        }
        %scan3A_87 = arith.constant 8 : i32
      }
      %while3A_49 = arith.constant 1 : i32
      scf.for %while3A_64 = %while3A_47 to %while3A_43 step %while3A_49  : i32 {
        %mul3A_65 = arith.constant 8 : i32
        %mul3A_66 = arith.muli %while3A_64, %mul3A_65 : i32
        %get3A = arith.index_cast %mul3A_66 : i32 to index
        %get3A_67 = tpu.vector_load %arg7[%get3A] {strides = array<i32>} : memref<32784xi32, #tpu.memory_space<vmem>>, vector<16xi32>,
        %and3A = arith.constant 1048575 : i32
        %and3A_68 = vector.broadcast %and3A : i32 to vector<16xi32>
        %and3A_69 = arith.andi %get3A_67, %and3A_68 : vector<16xi32>
        %swap3A = arith.constant 0 : index
        %swap3A_70 = tpu.vector_load %arg8[%swap3A] {strides = array<i32>} : memref<16xi32, #tpu.memory_space<vmem>>, vector<16xi32>,
        tpu.vector_store %arg8[%swap3A], %and3A_69 {strides = array<i32>} : memref<16xi32, #tpu.memory_space<vmem>>, vector<16xi32>,
        %dma_start3A = arith.constant 0 : i32
        %dma_start3A_71 = tpu.memref_slice %arg8[%dma_start3A] : memref<16xi32, #tpu.memory_space<vmem>> -> memref<8xi32, #tpu.memory_space<vmem>>
        %dma_start3A_72 = arith.constant 0 : i32
        %dma_start3A_73 = arith.constant 0 : i32
        %dma_start3A_74 = tpu.memref_slice %arg4[%dma_start3A_72, %dma_start3A_73] : memref<32768x768xf32, #tpu.memory_space<hbm>> -> memref<32768x768xf32, #tpu.memory_space<hbm>>
        tpu.enqueue_indirect_dma source(%dma_start3A_74 : memref<32768x768xf32, #tpu.memory_space<hbm>>) target(%arg13 : memref<8x768xf32, #tpu.memory_space<vmem>>) offsets(%dma_start3A_71 : memref<8xi32, #tpu.memory_space<vmem>>) semaphore(%arg14 : memref<!tpu.dma_semaphore, #tpu.memory_space<semaphore_mem>>)
        %dma_wait3A = arith.constant 0 : i32
        %dma_wait3A_75 = tpu.memref_slice %arg8[%dma_wait3A] : memref<16xi32, #tpu.memory_space<vmem>> -> memref<8xi32, #tpu.memory_space<vmem>>
        %dma_wait3A_76 = arith.constant 0 : i32
        %dma_wait3A_77 = arith.constant 0 : i32
        %dma_wait3A_78 = tpu.memref_slice %arg4[%dma_wait3A_76, %dma_wait3A_77] : memref<32768x768xf32, #tpu.memory_space<hbm>> -> memref<32768x768xf32, #tpu.memory_space<hbm>>
        tpu.wait_indirect_dma semaphore(%arg14 : memref<!tpu.dma_semaphore, #tpu.memory_space<semaphore_mem>>) src(%dma_wait3A_78 : memref<32768x768xf32, #tpu.memory_space<hbm>>) dst(%arg13 : memref<8x768xf32, #tpu.memory_space<vmem>>)
        %shift_right_arithmetic3A_79 = arith.constant 20 : i32
        %shift_right_arithmetic3A_80 = vector.broadcast %shift_right_arithmetic3A_79 : i32 to vector<16xi32>
        %shift_right_arithmetic3A_81 = arith.shrsi %get3A_67, %shift_right_arithmetic3A_80 : vector<16xi32>
        %scan3A_82 = arith.constant 0 : i32
        %scan3A_83 = arith.constant 0 : i32
        %scan3A_84 = arith.constant 8 : i32
        %scan3A_85 = arith.addi %scan3A_83, %scan3A_84 : i32
        %scan3A_86 = arith.constant 1 : i32
        scf.for %scan3A_88 = %scan3A_83 to %scan3A_85 step %scan3A_86  : i32 {
          %eq3A = vector.broadcast %scan3A_88 : i32 to vector<16xi32>
          %eq3A_89 = arith.cmpi eq, %iota3A, %eq3A : vector<16xi32>
          %jit3A = arith.constant 0 : i32
          %broadcast_in_dim3A_90 = vector.broadcast %jit3A : i32 to vector<16xi32>
          %select_n3A = arith.select %eq3A_89, %shift_right_arithmetic3A_81, %broadcast_in_dim3A_90 : vector<16xi1>, vector<16xi32>
          %reduce_max3A_91 = arith.constant true
          %reduce_max3A_92 = vector.broadcast %reduce_max3A_91 : i1 to vector<16xi1>
          %reduce_max3A_93 = arith.constant -2147483648 : i32
          %reduce_max3A_94 = vector.broadcast %reduce_max3A_93 : i32 to vector<16xi32>
          %reduce_max3A_95 = arith.xori %select_n3A, %reduce_max3A_94 : vector<16xi32>
          %reduce_max3A_96 = tpu.scan <max>, %reduce_max3A_95 masked %reduce_max3A_92 : vector<16xi32>, vector<16xi1> -> vector<16xi32>
          %reduce_max3A_97 = arith.xori %reduce_max3A_96, %reduce_max3A_94 : vector<16xi32>
          %reduce_max3A_98 = vector.extract %reduce_max3A_97[15] : i32 from vector<16xi32>
          %get3A_99 = arith.index_cast %reduce_max3A_98 : i32 to index
          %get3A_100 = arith.constant 0 : index
          %get3A_101 = tpu.vector_load %arg12[%get3A_99, %get3A_100] {strides = array<i32>} : memref<65x768xf32, #tpu.memory_space<vmem>>, vector<16xf32>,
          %get3A_102 = arith.index_cast %scan3A_88 : i32 to index
          %get3A_103 = arith.constant 0 : index
          %get3A_104 = tpu.vector_load %arg13[%get3A_102, %get3A_103] {strides = array<i32>} : memref<8x768xf32, #tpu.memory_space<vmem>>, vector<16xf32>,
          %add3A_105 = arith.addf %get3A_101, %get3A_104 : vector<16xf32>
          %swap3A_106 = arith.index_cast %reduce_max3A_98 : i32 to index
          %swap3A_107 = arith.constant 0 : index
          %swap3A_108 = tpu.vector_load %arg12[%swap3A_106, %swap3A_107] {strides = array<i32>} : memref<65x768xf32, #tpu.memory_space<vmem>>, vector<16xf32>,
          tpu.vector_store %arg12[%swap3A_106, %swap3A_107], %add3A_105 {strides = array<i32>} : memref<65x768xf32, #tpu.memory_space<vmem>>, vector<16xf32>,
          %get3A_109 = arith.index_cast %reduce_max3A_98 : i32 to index
          %get3A_110 = arith.constant 16 : index
          %get3A_111 = tpu.vector_load %arg12[%get3A_109, %get3A_110] {strides = array<i32>} : memref<65x768xf32, #tpu.memory_space<vmem>>, vector<16xf32>,
          %get3A_112 = arith.index_cast %scan3A_88 : i32 to index
          %get3A_113 = arith.constant 16 : index
          %get3A_114 = tpu.vector_load %arg13[%get3A_112, %get3A_113] {strides = array<i32>} : memref<8x768xf32, #tpu.memory_space<vmem>>, vector<16xf32>,
          %add3A_115 = arith.addf %get3A_111, %get3A_114 : vector<16xf32>
          %swap3A_116 = arith.index_cast %reduce_max3A_98 : i32 to index
          %swap3A_117 = arith.constant 16 : index
          %swap3A_118 = tpu.vector_load %arg12[%swap3A_116, %swap3A_117] {strides = array<i32>} : memref<65x768xf32, #tpu.memory_space<vmem>>, vector<16xf32>,
          tpu.vector_store %arg12[%swap3A_116, %swap3A_117], %add3A_115 {strides = array<i32>} : memref<65x768xf32, #tpu.memory_space<vmem>>, vector<16xf32>,
          %get3A_119 = arith.index_cast %reduce_max3A_98 : i32 to index
          %get3A_120 = arith.constant 32 : index
          %get3A_121 = tpu.vector_load %arg12[%get3A_119, %get3A_120] {strides = array<i32>} : memref<65x768xf32, #tpu.memory_space<vmem>>, vector<16xf32>,
          %get3A_122 = arith.index_cast %scan3A_88 : i32 to index
          %get3A_123 = arith.constant 32 : index
          %get3A_124 = tpu.vector_load %arg13[%get3A_122, %get3A_123] {strides = array<i32>} : memref<8x768xf32, #tpu.memory_space<vmem>>, vector<16xf32>,
          %add3A_125 = arith.addf %get3A_121, %get3A_124 : vector<16xf32>
          %swap3A_126 = arith.index_cast %reduce_max3A_98 : i32 to index
          %swap3A_127 = arith.constant 32 : index
          %swap3A_128 = tpu.vector_load %arg12[%swap3A_126, %swap3A_127] {strides = array<i32>} : memref<65x768xf32, #tpu.memory_space<vmem>>, vector<16xf32>,
          tpu.vector_store %arg12[%swap3A_126, %swap3A_127], %add3A_125 {strides = array<i32>} : memref<65x768xf32, #tpu.memory_space<vmem>>, vector<16xf32>,
          %get3A_129 = arith.index_cast %reduce_max3A_98 : i32 to index
          %get3A_130 = arith.constant 48 : index
          %get3A_131 = tpu.vector_load %arg12[%get3A_129, %get3A_130] {strides = array<i32>} : memref<65x768xf32, #tpu.memory_space<vmem>>, vector<16xf32>,
          %get3A_132 = arith.index_cast %scan3A_88 : i32 to index
          %get3A_133 = arith.constant 48 : index
          %get3A_134 = tpu.vector_load %arg13[%get3A_132, %get3A_133] {strides = array<i32>} : memref<8x768xf32, #tpu.memory_space<vmem>>, vector<16xf32>,
          %add3A_135 = arith.addf %get3A_131, %get3A_134 : vector<16xf32>
          %swap3A_136 = arith.index_cast %reduce_max3A_98 : i32 to index
          %swap3A_137 = arith.constant 48 : index
          %swap3A_138 = tpu.vector_load %arg12[%swap3A_136, %swap3A_137] {strides = array<i32>} : memref<65x768xf32, #tpu.memory_space<vmem>>, vector<16xf32>,
          tpu.vector_store %arg12[%swap3A_136, %swap3A_137], %add3A_135 {strides = array<i32>} : memref<65x768xf32, #tpu.memory_space<vmem>>, vector<16xf32>,
          %get3A_139 = arith.index_cast %reduce_max3A_98 : i32 to index
          %get3A_140 = arith.constant 64 : index
          %get3A_141 = tpu.vector_load %arg12[%get3A_139, %get3A_140] {strides = array<i32>} : memref<65x768xf32, #tpu.memory_space<vmem>>, vector<16xf32>,
          %get3A_142 = arith.index_cast %scan3A_88 : i32 to index
          %get3A_143 = arith.constant 64 : index
          %get3A_144 = tpu.vector_load %arg13[%get3A_142, %get3A_143] {strides = array<i32>} : memref<8x768xf32, #tpu.memory_space<vmem>>, vector<16xf32>,
          %add3A_145 = arith.addf %get3A_141, %get3A_144 : vector<16xf32>
          %swap3A_146 = arith.index_cast %reduce_max3A_98 : i32 to index
          %swap3A_147 = arith.constant 64 : index
          %swap3A_148 = tpu.vector_load %arg12[%swap3A_146, %swap3A_147] {strides = array<i32>} : memref<65x768xf32, #tpu.memory_space<vmem>>, vector<16xf32>,
          tpu.vector_store %arg12[%swap3A_146, %swap3A_147], %add3A_145 {strides = array<i32>} : memref<65x768xf32, #tpu.memory_space<vmem>>, vector<16xf32>,
          %get3A_149 = arith.index_cast %reduce_max3A_98 : i32 to index
          %get3A_150 = arith.constant 80 : index
          %get3A_151 = tpu.vector_load %arg12[%get3A_149, %get3A_150] {strides = array<i32>} : memref<65x768xf32, #tpu.memory_space<vmem>>, vector<16xf32>,
          %get3A_152 = arith.index_cast %scan3A_88 : i32 to index
          %get3A_153 = arith.constant 80 : index
          %get3A_154 = tpu.vector_load %arg13[%get3A_152, %get3A_153] {strides = array<i32>} : memref<8x768xf32, #tpu.memory_space<vmem>>, vector<16xf32>,
          %add3A_155 = arith.addf %get3A_151, %get3A_154 : vector<16xf32>
          %swap3A_156 = arith.index_cast %reduce_max3A_98 : i32 to index
          %swap3A_157 = arith.constant 80 : index
          %swap3A_158 = tpu.vector_load %arg12[%swap3A_156, %swap3A_157] {strides = array<i32>} : memref<65x768xf32, #tpu.memory_space<vmem>>, vector<16xf32>,
          tpu.vector_store %arg12[%swap3A_156, %swap3A_157], %add3A_155 {strides = array<i32>} : memref<65x768xf32, #tpu.memory_space<vmem>>, vector<16xf32>,
          %get3A_159 = arith.index_cast %reduce_max3A_98 : i32 to index
          %get3A_160 = arith.constant 96 : index
          %get3A_161 = tpu.vector_load %arg12[%get3A_159, %get3A_160] {strides = array<i32>} : memref<65x768xf32, #tpu.memory_space<vmem>>, vector<16xf32>,
          %get3A_162 = arith.index_cast %scan3A_88 : i32 to index
          %get3A_163 = arith.constant 96 : index
          %get3A_164 = tpu.vector_load %arg13[%get3A_162, %get3A_163] {strides = array<i32>} : memref<8x768xf32, #tpu.memory_space<vmem>>, vector<16xf32>,
          %add3A_165 = arith.addf %get3A_161, %get3A_164 : vector<16xf32>
          %swap3A_166 = arith.index_cast %reduce_max3A_98 : i32 to index
          %swap3A_167 = arith.constant 96 : index
          %swap3A_168 = tpu.vector_load %arg12[%swap3A_166, %swap3A_167] {strides = array<i32>} : memref<65x768xf32, #tpu.memory_space<vmem>>, vector<16xf32>,
          tpu.vector_store %arg12[%swap3A_166, %swap3A_167], %add3A_165 {strides = array<i32>} : memref<65x768xf32, #tpu.memory_space<vmem>>, vector<16xf32>,
          %get3A_169 = arith.index_cast %reduce_max3A_98 : i32 to index
          %get3A_170 = arith.constant 112 : index
          %get3A_171 = tpu.vector_load %arg12[%get3A_169, %get3A_170] {strides = array<i32>} : memref<65x768xf32, #tpu.memory_space<vmem>>, vector<16xf32>,
          %get3A_172 = arith.index_cast %scan3A_88 : i32 to index
          %get3A_173 = arith.constant 112 : index
          %get3A_174 = tpu.vector_load %arg13[%get3A_172, %get3A_173] {strides = array<i32>} : memref<8x768xf32, #tpu.memory_space<vmem>>, vector<16xf32>,
          %add3A_175 = arith.addf %get3A_171, %get3A_174 : vector<16xf32>
          %swap3A_176 = arith.index_cast %reduce_max3A_98 : i32 to index
          %swap3A_177 = arith.constant 112 : index
          %swap3A_178 = tpu.vector_load %arg12[%swap3A_176, %swap3A_177] {strides = array<i32>} : memref<65x768xf32, #tpu.memory_space<vmem>>, vector<16xf32>,
          tpu.vector_store %arg12[%swap3A_176, %swap3A_177], %add3A_175 {strides = array<i32>} : memref<65x768xf32, #tpu.memory_space<vmem>>, vector<16xf32>,
          %get3A_179 = arith.index_cast %reduce_max3A_98 : i32 to index
          %get3A_180 = arith.constant 128 : index
          %get3A_181 = tpu.vector_load %arg12[%get3A_179, %get3A_180] {strides = array<i32>} : memref<65x768xf32, #tpu.memory_space<vmem>>, vector<16xf32>,
          %get3A_182 = arith.index_cast %scan3A_88 : i32 to index
          %get3A_183 = arith.constant 128 : index
          %get3A_184 = tpu.vector_load %arg13[%get3A_182, %get3A_183] {strides = array<i32>} : memref<8x768xf32, #tpu.memory_space<vmem>>, vector<16xf32>,
          %add3A_185 = arith.addf %get3A_181, %get3A_184 : vector<16xf32>
          %swap3A_186 = arith.index_cast %reduce_max3A_98 : i32 to index
          %swap3A_187 = arith.constant 128 : index
          %swap3A_188 = tpu.vector_load %arg12[%swap3A_186, %swap3A_187] {strides = array<i32>} : memref<65x768xf32, #tpu.memory_space<vmem>>, vector<16xf32>,
          tpu.vector_store %arg12[%swap3A_186, %swap3A_187], %add3A_185 {strides = array<i32>} : memref<65x768xf32, #tpu.memory_space<vmem>>, vector<16xf32>,
          %get3A_189 = arith.index_cast %reduce_max3A_98 : i32 to index
          %get3A_190 = arith.constant 144 : index
          %get3A_191 = tpu.vector_load %arg12[%get3A_189, %get3A_190] {strides = array<i32>} : memref<65x768xf32, #tpu.memory_space<vmem>>, vector<16xf32>,
          %get3A_192 = arith.index_cast %scan3A_88 : i32 to index
          %get3A_193 = arith.constant 144 : index
          %get3A_194 = tpu.vector_load %arg13[%get3A_192, %get3A_193] {strides = array<i32>} : memref<8x768xf32, #tpu.memory_space<vmem>>, vector<16xf32>,
          %add3A_195 = arith.addf %get3A_191, %get3A_194 : vector<16xf32>
          %swap3A_196 = arith.index_cast %reduce_max3A_98 : i32 to index
          %swap3A_197 = arith.constant 144 : index
          %swap3A_198 = tpu.vector_load %arg12[%swap3A_196, %swap3A_197] {strides = array<i32>} : memref<65x768xf32, #tpu.memory_space<vmem>>, vector<16xf32>,
          tpu.vector_store %arg12[%swap3A_196, %swap3A_197], %add3A_195 {strides = array<i32>} : memref<65x768xf32, #tpu.memory_space<vmem>>, vector<16xf32>,
          %get3A_199 = arith.index_cast %reduce_max3A_98 : i32 to index
          %get3A_200 = arith.constant 160 : index
          %get3A_201 = tpu.vector_load %arg12[%get3A_199, %get3A_200] {strides = array<i32>} : memref<65x768xf32, #tpu.memory_space<vmem>>, vector<16xf32>,
          %get3A_202 = arith.index_cast %scan3A_88 : i32 to index
          %get3A_203 = arith.constant 160 : index
          %get3A_204 = tpu.vector_load %arg13[%get3A_202, %get3A_203] {strides = array<i32>} : memref<8x768xf32, #tpu.memory_space<vmem>>, vector<16xf32>,
          %add3A_205 = arith.addf %get3A_201, %get3A_204 : vector<16xf32>
          %swap3A_206 = arith.index_cast %reduce_max3A_98 : i32 to index
          %swap3A_207 = arith.constant 160 : index
          %swap3A_208 = tpu.vector_load %arg12[%swap3A_206, %swap3A_207] {strides = array<i32>} : memref<65x768xf32, #tpu.memory_space<vmem>>, vector<16xf32>,
          tpu.vector_store %arg12[%swap3A_206, %swap3A_207], %add3A_205 {strides = array<i32>} : memref<65x768xf32, #tpu.memory_space<vmem>>, vector<16xf32>,
          %get3A_209 = arith.index_cast %reduce_max3A_98 : i32 to index
          %get3A_210 = arith.constant 176 : index
          %get3A_211 = tpu.vector_load %arg12[%get3A_209, %get3A_210] {strides = array<i32>} : memref<65x768xf32, #tpu.memory_space<vmem>>, vector<16xf32>,
          %get3A_212 = arith.index_cast %scan3A_88 : i32 to index
          %get3A_213 = arith.constant 176 : index
          %get3A_214 = tpu.vector_load %arg13[%get3A_212, %get3A_213] {strides = array<i32>} : memref<8x768xf32, #tpu.memory_space<vmem>>, vector<16xf32>,
          %add3A_215 = arith.addf %get3A_211, %get3A_214 : vector<16xf32>
          %swap3A_216 = arith.index_cast %reduce_max3A_98 : i32 to index
          %swap3A_217 = arith.constant 176 : index
          %swap3A_218 = tpu.vector_load %arg12[%swap3A_216, %swap3A_217] {strides = array<i32>} : memref<65x768xf32, #tpu.memory_space<vmem>>, vector<16xf32>,
          tpu.vector_store %arg12[%swap3A_216, %swap3A_217], %add3A_215 {strides = array<i32>} : memref<65x768xf32, #tpu.memory_space<vmem>>, vector<16xf32>,
          %get3A_219 = arith.index_cast %reduce_max3A_98 : i32 to index
          %get3A_220 = arith.constant 192 : index
          %get3A_221 = tpu.vector_load %arg12[%get3A_219, %get3A_220] {strides = array<i32>} : memref<65x768xf32, #tpu.memory_space<vmem>>, vector<16xf32>,
          %get3A_222 = arith.index_cast %scan3A_88 : i32 to index
          %get3A_223 = arith.constant 192 : index
          %get3A_224 = tpu.vector_load %arg13[%get3A_222, %get3A_223] {strides = array<i32>} : memref<8x768xf32, #tpu.memory_space<vmem>>, vector<16xf32>,
          %add3A_225 = arith.addf %get3A_221, %get3A_224 : vector<16xf32>
          %swap3A_226 = arith.index_cast %reduce_max3A_98 : i32 to index
          %swap3A_227 = arith.constant 192 : index
          %swap3A_228 = tpu.vector_load %arg12[%swap3A_226, %swap3A_227] {strides = array<i32>} : memref<65x768xf32, #tpu.memory_space<vmem>>, vector<16xf32>,
          tpu.vector_store %arg12[%swap3A_226, %swap3A_227], %add3A_225 {strides = array<i32>} : memref<65x768xf32, #tpu.memory_space<vmem>>, vector<16xf32>,
          %get3A_229 = arith.index_cast %reduce_max3A_98 : i32 to index
          %get3A_230 = arith.constant 208 : index
          %get3A_231 = tpu.vector_load %arg12[%get3A_229, %get3A_230] {strides = array<i32>} : memref<65x768xf32, #tpu.memory_space<vmem>>, vector<16xf32>,
          %get3A_232 = arith.index_cast %scan3A_88 : i32 to index
          %get3A_233 = arith.constant 208 : index
          %get3A_234 = tpu.vector_load %arg13[%get3A_232, %get3A_233] {strides = array<i32>} : memref<8x768xf32, #tpu.memory_space<vmem>>, vector<16xf32>,
          %add3A_235 = arith.addf %get3A_231, %get3A_234 : vector<16xf32>
          %swap3A_236 = arith.index_cast %reduce_max3A_98 : i32 to index
          %swap3A_237 = arith.constant 208 : index
          %swap3A_238 = tpu.vector_load %arg12[%swap3A_236, %swap3A_237] {strides = array<i32>} : memref<65x768xf32, #tpu.memory_space<vmem>>, vector<16xf32>,
          tpu.vector_store %arg12[%swap3A_236, %swap3A_237], %add3A_235 {strides = array<i32>} : memref<65x768xf32, #tpu.memory_space<vmem>>, vector<16xf32>,
          %get3A_239 = arith.index_cast %reduce_max3A_98 : i32 to index
          %get3A_240 = arith.constant 224 : index
          %get3A_241 = tpu.vector_load %arg12[%get3A_239, %get3A_240] {strides = array<i32>} : memref<65x768xf32, #tpu.memory_space<vmem>>, vector<16xf32>,
          %get3A_242 = arith.index_cast %scan3A_88 : i32 to index
          %get3A_243 = arith.constant 224 : index
          %get3A_244 = tpu.vector_load %arg13[%get3A_242, %get3A_243] {strides = array<i32>} : memref<8x768xf32, #tpu.memory_space<vmem>>, vector<16xf32>,
          %add3A_245 = arith.addf %get3A_241, %get3A_244 : vector<16xf32>
          %swap3A_246 = arith.index_cast %reduce_max3A_98 : i32 to index
          %swap3A_247 = arith.constant 224 : index
          %swap3A_248 = tpu.vector_load %arg12[%swap3A_246, %swap3A_247] {strides = array<i32>} : memref<65x768xf32, #tpu.memory_space<vmem>>, vector<16xf32>,
          tpu.vector_store %arg12[%swap3A_246, %swap3A_247], %add3A_245 {strides = array<i32>} : memref<65x768xf32, #tpu.memory_space<vmem>>, vector<16xf32>,
          %get3A_249 = arith.index_cast %reduce_max3A_98 : i32 to index
          %get3A_250 = arith.constant 240 : index
          %get3A_251 = tpu.vector_load %arg12[%get3A_249, %get3A_250] {strides = array<i32>} : memref<65x768xf32, #tpu.memory_space<vmem>>, vector<16xf32>,
          %get3A_252 = arith.index_cast %scan3A_88 : i32 to index
          %get3A_253 = arith.constant 240 : index
          %get3A_254 = tpu.vector_load %arg13[%get3A_252, %get3A_253] {strides = array<i32>} : memref<8x768xf32, #tpu.memory_space<vmem>>, vector<16xf32>,
          %add3A_255 = arith.addf %get3A_251, %get3A_254 : vector<16xf32>
          %swap3A_256 = arith.index_cast %reduce_max3A_98 : i32 to index
          %swap3A_257 = arith.constant 240 : index
          %swap3A_258 = tpu.vector_load %arg12[%swap3A_256, %swap3A_257] {strides = array<i32>} : memref<65x768xf32, #tpu.memory_space<vmem>>, vector<16xf32>,
          tpu.vector_store %arg12[%swap3A_256, %swap3A_257], %add3A_255 {strides = array<i32>} : memref<65x768xf32, #tpu.memory_space<vmem>>, vector<16xf32>,
          %get3A_259 = arith.index_cast %reduce_max3A_98 : i32 to index
          %get3A_260 = arith.constant 256 : index
          %get3A_261 = tpu.vector_load %arg12[%get3A_259, %get3A_260] {strides = array<i32>} : memref<65x768xf32, #tpu.memory_space<vmem>>, vector<16xf32>,
          %get3A_262 = arith.index_cast %scan3A_88 : i32 to index
          %get3A_263 = arith.constant 256 : index
          %get3A_264 = tpu.vector_load %arg13[%get3A_262, %get3A_263] {strides = array<i32>} : memref<8x768xf32, #tpu.memory_space<vmem>>, vector<16xf32>,
          %add3A_265 = arith.addf %get3A_261, %get3A_264 : vector<16xf32>
          %swap3A_266 = arith.index_cast %reduce_max3A_98 : i32 to index
          %swap3A_267 = arith.constant 256 : index
          %swap3A_268 = tpu.vector_load %arg12[%swap3A_266, %swap3A_267] {strides = array<i32>} : memref<65x768xf32, #tpu.memory_space<vmem>>, vector<16xf32>,
          tpu.vector_store %arg12[%swap3A_266, %swap3A_267], %add3A_265 {strides = array<i32>} : memref<65x768xf32, #tpu.memory_space<vmem>>, vector<16xf32>,
          %get3A_269 = arith.index_cast %reduce_max3A_98 : i32 to index
          %get3A_270 = arith.constant 272 : index
          %get3A_271 = tpu.vector_load %arg12[%get3A_269, %get3A_270] {strides = array<i32>} : memref<65x768xf32, #tpu.memory_space<vmem>>, vector<16xf32>,
          %get3A_272 = arith.index_cast %scan3A_88 : i32 to index
          %get3A_273 = arith.constant 272 : index
          %get3A_274 = tpu.vector_load %arg13[%get3A_272, %get3A_273] {strides = array<i32>} : memref<8x768xf32, #tpu.memory_space<vmem>>, vector<16xf32>,
          %add3A_275 = arith.addf %get3A_271, %get3A_274 : vector<16xf32>
          %swap3A_276 = arith.index_cast %reduce_max3A_98 : i32 to index
          %swap3A_277 = arith.constant 272 : index
          %swap3A_278 = tpu.vector_load %arg12[%swap3A_276, %swap3A_277] {strides = array<i32>} : memref<65x768xf32, #tpu.memory_space<vmem>>, vector<16xf32>,
          tpu.vector_store %arg12[%swap3A_276, %swap3A_277], %add3A_275 {strides = array<i32>} : memref<65x768xf32, #tpu.memory_space<vmem>>, vector<16xf32>,
          %get3A_279 = arith.index_cast %reduce_max3A_98 : i32 to index
          %get3A_280 = arith.constant 288 : index
          %get3A_281 = tpu.vector_load %arg12[%get3A_279, %get3A_280] {strides = array<i32>} : memref<65x768xf32, #tpu.memory_space<vmem>>, vector<16xf32>,
          %get3A_282 = arith.index_cast %scan3A_88 : i32 to index
          %get3A_283 = arith.constant 288 : index
          %get3A_284 = tpu.vector_load %arg13[%get3A_282, %get3A_283] {strides = array<i32>} : memref<8x768xf32, #tpu.memory_space<vmem>>, vector<16xf32>,
          %add3A_285 = arith.addf %get3A_281, %get3A_284 : vector<16xf32>
          %swap3A_286 = arith.index_cast %reduce_max3A_98 : i32 to index
          %swap3A_287 = arith.constant 288 : index
          %swap3A_288 = tpu.vector_load %arg12[%swap3A_286, %swap3A_287] {strides = array<i32>} : memref<65x768xf32, #tpu.memory_space<vmem>>, vector<16xf32>,
          tpu.vector_store %arg12[%swap3A_286, %swap3A_287], %add3A_285 {strides = array<i32>} : memref<65x768xf32, #tpu.memory_space<vmem>>, vector<16xf32>,
          %get3A_289 = arith.index_cast %reduce_max3A_98 : i32 to index
          %get3A_290 = arith.constant 304 : index
          %get3A_291 = tpu.vector_load %arg12[%get3A_289, %get3A_290] {strides = array<i32>} : memref<65x768xf32, #tpu.memory_space<vmem>>, vector<16xf32>,
          %get3A_292 = arith.index_cast %scan3A_88 : i32 to index
          %get3A_293 = arith.constant 304 : index
          %get3A_294 = tpu.vector_load %arg13[%get3A_292, %get3A_293] {strides = array<i32>} : memref<8x768xf32, #tpu.memory_space<vmem>>, vector<16xf32>,
          %add3A_295 = arith.addf %get3A_291, %get3A_294 : vector<16xf32>
          %swap3A_296 = arith.index_cast %reduce_max3A_98 : i32 to index
          %swap3A_297 = arith.constant 304 : index
          %swap3A_298 = tpu.vector_load %arg12[%swap3A_296, %swap3A_297] {strides = array<i32>} : memref<65x768xf32, #tpu.memory_space<vmem>>, vector<16xf32>,
          tpu.vector_store %arg12[%swap3A_296, %swap3A_297], %add3A_295 {strides = array<i32>} : memref<65x768xf32, #tpu.memory_space<vmem>>, vector<16xf32>,
          %get3A_299 = arith.index_cast %reduce_max3A_98 : i32 to index
          %get3A_300 = arith.constant 320 : index
          %get3A_301 = tpu.vector_load %arg12[%get3A_299, %get3A_300] {strides = array<i32>} : memref<65x768xf32, #tpu.memory_space<vmem>>, vector<16xf32>,
          %get3A_302 = arith.index_cast %scan3A_88 : i32 to index
          %get3A_303 = arith.constant 320 : index
          %get3A_304 = tpu.vector_load %arg13[%get3A_302, %get3A_303] {strides = array<i32>} : memref<8x768xf32, #tpu.memory_space<vmem>>, vector<16xf32>,
          %add3A_305 = arith.addf %get3A_301, %get3A_304 : vector<16xf32>
          %swap3A_306 = arith.index_cast %reduce_max3A_98 : i32 to index
          %swap3A_307 = arith.constant 320 : index
          %swap3A_308 = tpu.vector_load %arg12[%swap3A_306, %swap3A_307] {strides = array<i32>} : memref<65x768xf32, #tpu.memory_space<vmem>>, vector<16xf32>,
          tpu.vector_store %arg12[%swap3A_306, %swap3A_307], %add3A_305 {strides = array<i32>} : memref<65x768xf32, #tpu.memory_space<vmem>>, vector<16xf32>,
          %get3A_309 = arith.index_cast %reduce_max3A_98 : i32 to index
          %get3A_310 = arith.constant 336 : index
          %get3A_311 = tpu.vector_load %arg12[%get3A_309, %get3A_310] {strides = array<i32>} : memref<65x768xf32, #tpu.memory_space<vmem>>, vector<16xf32>,
          %get3A_312 = arith.index_cast %scan3A_88 : i32 to index
          %get3A_313 = arith.constant 336 : index
          %get3A_314 = tpu.vector_load %arg13[%get3A_312, %get3A_313] {strides = array<i32>} : memref<8x768xf32, #tpu.memory_space<vmem>>, vector<16xf32>,
          %add3A_315 = arith.addf %get3A_311, %get3A_314 : vector<16xf32>
          %swap3A_316 = arith.index_cast %reduce_max3A_98 : i32 to index
          %swap3A_317 = arith.constant 336 : index
          %swap3A_318 = tpu.vector_load %arg12[%swap3A_316, %swap3A_317] {strides = array<i32>} : memref<65x768xf32, #tpu.memory_space<vmem>>, vector<16xf32>,
          tpu.vector_store %arg12[%swap3A_316, %swap3A_317], %add3A_315 {strides = array<i32>} : memref<65x768xf32, #tpu.memory_space<vmem>>, vector<16xf32>,
          %get3A_319 = arith.index_cast %reduce_max3A_98 : i32 to index
          %get3A_320 = arith.constant 352 : index
          %get3A_321 = tpu.vector_load %arg12[%get3A_319, %get3A_320] {strides = array<i32>} : memref<65x768xf32, #tpu.memory_space<vmem>>, vector<16xf32>,
          %get3A_322 = arith.index_cast %scan3A_88 : i32 to index
          %get3A_323 = arith.constant 352 : index
          %get3A_324 = tpu.vector_load %arg13[%get3A_322, %get3A_323] {strides = array<i32>} : memref<8x768xf32, #tpu.memory_space<vmem>>, vector<16xf32>,
          %add3A_325 = arith.addf %get3A_321, %get3A_324 : vector<16xf32>
          %swap3A_326 = arith.index_cast %reduce_max3A_98 : i32 to index
          %swap3A_327 = arith.constant 352 : index
          %swap3A_328 = tpu.vector_load %arg12[%swap3A_326, %swap3A_327] {strides = array<i32>} : memref<65x768xf32, #tpu.memory_space<vmem>>, vector<16xf32>,
          tpu.vector_store %arg12[%swap3A_326, %swap3A_327], %add3A_325 {strides = array<i32>} : memref<65x768xf32, #tpu.memory_space<vmem>>, vector<16xf32>,
          %get3A_329 = arith.index_cast %reduce_max3A_98 : i32 to index
          %get3A_330 = arith.constant 368 : index
          %get3A_331 = tpu.vector_load %arg12[%get3A_329, %get3A_330] {strides = array<i32>} : memref<65x768xf32, #tpu.memory_space<vmem>>, vector<16xf32>,
          %get3A_332 = arith.index_cast %scan3A_88 : i32 to index
          %get3A_333 = arith.constant 368 : index
          %get3A_334 = tpu.vector_load %arg13[%get3A_332, %get3A_333] {strides = array<i32>} : memref<8x768xf32, #tpu.memory_space<vmem>>, vector<16xf32>,
          %add3A_335 = arith.addf %get3A_331, %get3A_334 : vector<16xf32>
          %swap3A_336 = arith.index_cast %reduce_max3A_98 : i32 to index
          %swap3A_337 = arith.constant 368 : index
          %swap3A_338 = tpu.vector_load %arg12[%swap3A_336, %swap3A_337] {strides = array<i32>} : memref<65x768xf32, #tpu.memory_space<vmem>>, vector<16xf32>,
          tpu.vector_store %arg12[%swap3A_336, %swap3A_337], %add3A_335 {strides = array<i32>} : memref<65x768xf32, #tpu.memory_space<vmem>>, vector<16xf32>,
          %get3A_339 = arith.index_cast %reduce_max3A_98 : i32 to index
          %get3A_340 = arith.constant 384 : index
          %get3A_341 = tpu.vector_load %arg12[%get3A_339, %get3A_340] {strides = array<i32>} : memref<65x768xf32, #tpu.memory_space<vmem>>, vector<16xf32>,
          %get3A_342 = arith.index_cast %scan3A_88 : i32 to index
          %get3A_343 = arith.constant 384 : index
          %get3A_344 = tpu.vector_load %arg13[%get3A_342, %get3A_343] {strides = array<i32>} : memref<8x768xf32, #tpu.memory_space<vmem>>, vector<16xf32>,
          %add3A_345 = arith.addf %get3A_341, %get3A_344 : vector<16xf32>
          %swap3A_346 = arith.index_cast %reduce_max3A_98 : i32 to index
          %swap3A_347 = arith.constant 384 : index
          %swap3A_348 = tpu.vector_load %arg12[%swap3A_346, %swap3A_347] {strides = array<i32>} : memref<65x768xf32, #tpu.memory_space<vmem>>, vector<16xf32>,
          tpu.vector_store %arg12[%swap3A_346, %swap3A_347], %add3A_345 {strides = array<i32>} : memref<65x768xf32, #tpu.memory_space<vmem>>, vector<16xf32>,
          %get3A_349 = arith.index_cast %reduce_max3A_98 : i32 to index
          %get3A_350 = arith.constant 400 : index
          %get3A_351 = tpu.vector_load %arg12[%get3A_349, %get3A_350] {strides = array<i32>} : memref<65x768xf32, #tpu.memory_space<vmem>>, vector<16xf32>,
          %get3A_352 = arith.index_cast %scan3A_88 : i32 to index
          %get3A_353 = arith.constant 400 : index
          %get3A_354 = tpu.vector_load %arg13[%get3A_352, %get3A_353] {strides = array<i32>} : memref<8x768xf32, #tpu.memory_space<vmem>>, vector<16xf32>,
          %add3A_355 = arith.addf %get3A_351, %get3A_354 : vector<16xf32>
          %swap3A_356 = arith.index_cast %reduce_max3A_98 : i32 to index
          %swap3A_357 = arith.constant 400 : index
          %swap3A_358 = tpu.vector_load %arg12[%swap3A_356, %swap3A_357] {strides = array<i32>} : memref<65x768xf32, #tpu.memory_space<vmem>>, vector<16xf32>,
          tpu.vector_store %arg12[%swap3A_356, %swap3A_357], %add3A_355 {strides = array<i32>} : memref<65x768xf32, #tpu.memory_space<vmem>>, vector<16xf32>,
          %get3A_359 = arith.index_cast %reduce_max3A_98 : i32 to index
          %get3A_360 = arith.constant 416 : index
          %get3A_361 = tpu.vector_load %arg12[%get3A_359, %get3A_360] {strides = array<i32>} : memref<65x768xf32, #tpu.memory_space<vmem>>, vector<16xf32>,
          %get3A_362 = arith.index_cast %scan3A_88 : i32 to index
          %get3A_363 = arith.constant 416 : index
          %get3A_364 = tpu.vector_load %arg13[%get3A_362, %get3A_363] {strides = array<i32>} : memref<8x768xf32, #tpu.memory_space<vmem>>, vector<16xf32>,
          %add3A_365 = arith.addf %get3A_361, %get3A_364 : vector<16xf32>
          %swap3A_366 = arith.index_cast %reduce_max3A_98 : i32 to index
          %swap3A_367 = arith.constant 416 : index
          %swap3A_368 = tpu.vector_load %arg12[%swap3A_366, %swap3A_367] {strides = array<i32>} : memref<65x768xf32, #tpu.memory_space<vmem>>, vector<16xf32>,
          tpu.vector_store %arg12[%swap3A_366, %swap3A_367], %add3A_365 {strides = array<i32>} : memref<65x768xf32, #tpu.memory_space<vmem>>, vector<16xf32>,
          %get3A_369 = arith.index_cast %reduce_max3A_98 : i32 to index
          %get3A_370 = arith.constant 432 : index
          %get3A_371 = tpu.vector_load %arg12[%get3A_369, %get3A_370] {strides = array<i32>} : memref<65x768xf32, #tpu.memory_space<vmem>>, vector<16xf32>,
          %get3A_372 = arith.index_cast %scan3A_88 : i32 to index
          %get3A_373 = arith.constant 432 : index
          %get3A_374 = tpu.vector_load %arg13[%get3A_372, %get3A_373] {strides = array<i32>} : memref<8x768xf32, #tpu.memory_space<vmem>>, vector<16xf32>,
          %add3A_375 = arith.addf %get3A_371, %get3A_374 : vector<16xf32>
          %swap3A_376 = arith.index_cast %reduce_max3A_98 : i32 to index
          %swap3A_377 = arith.constant 432 : index
          %swap3A_378 = tpu.vector_load %arg12[%swap3A_376, %swap3A_377] {strides = array<i32>} : memref<65x768xf32, #tpu.memory_space<vmem>>, vector<16xf32>,
          tpu.vector_store %arg12[%swap3A_376, %swap3A_377], %add3A_375 {strides = array<i32>} : memref<65x768xf32, #tpu.memory_space<vmem>>, vector<16xf32>,
          %get3A_379 = arith.index_cast %reduce_max3A_98 : i32 to index
          %get3A_380 = arith.constant 448 : index
          %get3A_381 = tpu.vector_load %arg12[%get3A_379, %get3A_380] {strides = array<i32>} : memref<65x768xf32, #tpu.memory_space<vmem>>, vector<16xf32>,
          %get3A_382 = arith.index_cast %scan3A_88 : i32 to index
          %get3A_383 = arith.constant 448 : index
          %get3A_384 = tpu.vector_load %arg13[%get3A_382, %get3A_383] {strides = array<i32>} : memref<8x768xf32, #tpu.memory_space<vmem>>, vector<16xf32>,
          %add3A_385 = arith.addf %get3A_381, %get3A_384 : vector<16xf32>
          %swap3A_386 = arith.index_cast %reduce_max3A_98 : i32 to index
          %swap3A_387 = arith.constant 448 : index
          %swap3A_388 = tpu.vector_load %arg12[%swap3A_386, %swap3A_387] {strides = array<i32>} : memref<65x768xf32, #tpu.memory_space<vmem>>, vector<16xf32>,
          tpu.vector_store %arg12[%swap3A_386, %swap3A_387], %add3A_385 {strides = array<i32>} : memref<65x768xf32, #tpu.memory_space<vmem>>, vector<16xf32>,
          %get3A_389 = arith.index_cast %reduce_max3A_98 : i32 to index
          %get3A_390 = arith.constant 464 : index
          %get3A_391 = tpu.vector_load %arg12[%get3A_389, %get3A_390] {strides = array<i32>} : memref<65x768xf32, #tpu.memory_space<vmem>>, vector<16xf32>,
          %get3A_392 = arith.index_cast %scan3A_88 : i32 to index
          %get3A_393 = arith.constant 464 : index
          %get3A_394 = tpu.vector_load %arg13[%get3A_392, %get3A_393] {strides = array<i32>} : memref<8x768xf32, #tpu.memory_space<vmem>>, vector<16xf32>,
          %add3A_395 = arith.addf %get3A_391, %get3A_394 : vector<16xf32>
          %swap3A_396 = arith.index_cast %reduce_max3A_98 : i32 to index
          %swap3A_397 = arith.constant 464 : index
          %swap3A_398 = tpu.vector_load %arg12[%swap3A_396, %swap3A_397] {strides = array<i32>} : memref<65x768xf32, #tpu.memory_space<vmem>>, vector<16xf32>,
          tpu.vector_store %arg12[%swap3A_396, %swap3A_397], %add3A_395 {strides = array<i32>} : memref<65x768xf32, #tpu.memory_space<vmem>>, vector<16xf32>,
          %get3A_399 = arith.index_cast %reduce_max3A_98 : i32 to index
          %get3A_400 = arith.constant 480 : index
          %get3A_401 = tpu.vector_load %arg12[%get3A_399, %get3A_400] {strides = array<i32>} : memref<65x768xf32, #tpu.memory_space<vmem>>, vector<16xf32>,
          %get3A_402 = arith.index_cast %scan3A_88 : i32 to index
          %get3A_403 = arith.constant 480 : index
          %get3A_404 = tpu.vector_load %arg13[%get3A_402, %get3A_403] {strides = array<i32>} : memref<8x768xf32, #tpu.memory_space<vmem>>, vector<16xf32>,
          %add3A_405 = arith.addf %get3A_401, %get3A_404 : vector<16xf32>
          %swap3A_406 = arith.index_cast %reduce_max3A_98 : i32 to index
          %swap3A_407 = arith.constant 480 : index
          %swap3A_408 = tpu.vector_load %arg12[%swap3A_406, %swap3A_407] {strides = array<i32>} : memref<65x768xf32, #tpu.memory_space<vmem>>, vector<16xf32>,
          tpu.vector_store %arg12[%swap3A_406, %swap3A_407], %add3A_405 {strides = array<i32>} : memref<65x768xf32, #tpu.memory_space<vmem>>, vector<16xf32>,
          %get3A_409 = arith.index_cast %reduce_max3A_98 : i32 to index
          %get3A_410 = arith.constant 496 : index
          %get3A_411 = tpu.vector_load %arg12[%get3A_409, %get3A_410] {strides = array<i32>} : memref<65x768xf32, #tpu.memory_space<vmem>>, vector<16xf32>,
          %get3A_412 = arith.index_cast %scan3A_88 : i32 to index
          %get3A_413 = arith.constant 496 : index
          %get3A_414 = tpu.vector_load %arg13[%get3A_412, %get3A_413] {strides = array<i32>} : memref<8x768xf32, #tpu.memory_space<vmem>>, vector<16xf32>,
          %add3A_415 = arith.addf %get3A_411, %get3A_414 : vector<16xf32>
          %swap3A_416 = arith.index_cast %reduce_max3A_98 : i32 to index
          %swap3A_417 = arith.constant 496 : index
          %swap3A_418 = tpu.vector_load %arg12[%swap3A_416, %swap3A_417] {strides = array<i32>} : memref<65x768xf32, #tpu.memory_space<vmem>>, vector<16xf32>,
          tpu.vector_store %arg12[%swap3A_416, %swap3A_417], %add3A_415 {strides = array<i32>} : memref<65x768xf32, #tpu.memory_space<vmem>>, vector<16xf32>,
          %get3A_419 = arith.index_cast %reduce_max3A_98 : i32 to index
          %get3A_420 = arith.constant 512 : index
          %get3A_421 = tpu.vector_load %arg12[%get3A_419, %get3A_420] {strides = array<i32>} : memref<65x768xf32, #tpu.memory_space<vmem>>, vector<16xf32>,
          %get3A_422 = arith.index_cast %scan3A_88 : i32 to index
          %get3A_423 = arith.constant 512 : index
          %get3A_424 = tpu.vector_load %arg13[%get3A_422, %get3A_423] {strides = array<i32>} : memref<8x768xf32, #tpu.memory_space<vmem>>, vector<16xf32>,
          %add3A_425 = arith.addf %get3A_421, %get3A_424 : vector<16xf32>
          %swap3A_426 = arith.index_cast %reduce_max3A_98 : i32 to index
          %swap3A_427 = arith.constant 512 : index
          %swap3A_428 = tpu.vector_load %arg12[%swap3A_426, %swap3A_427] {strides = array<i32>} : memref<65x768xf32, #tpu.memory_space<vmem>>, vector<16xf32>,
          tpu.vector_store %arg12[%swap3A_426, %swap3A_427], %add3A_425 {strides = array<i32>} : memref<65x768xf32, #tpu.memory_space<vmem>>, vector<16xf32>,
          %get3A_429 = arith.index_cast %reduce_max3A_98 : i32 to index
          %get3A_430 = arith.constant 528 : index
          %get3A_431 = tpu.vector_load %arg12[%get3A_429, %get3A_430] {strides = array<i32>} : memref<65x768xf32, #tpu.memory_space<vmem>>, vector<16xf32>,
          %get3A_432 = arith.index_cast %scan3A_88 : i32 to index
          %get3A_433 = arith.constant 528 : index
          %get3A_434 = tpu.vector_load %arg13[%get3A_432, %get3A_433] {strides = array<i32>} : memref<8x768xf32, #tpu.memory_space<vmem>>, vector<16xf32>,
          %add3A_435 = arith.addf %get3A_431, %get3A_434 : vector<16xf32>
          %swap3A_436 = arith.index_cast %reduce_max3A_98 : i32 to index
          %swap3A_437 = arith.constant 528 : index
          %swap3A_438 = tpu.vector_load %arg12[%swap3A_436, %swap3A_437] {strides = array<i32>} : memref<65x768xf32, #tpu.memory_space<vmem>>, vector<16xf32>,
          tpu.vector_store %arg12[%swap3A_436, %swap3A_437], %add3A_435 {strides = array<i32>} : memref<65x768xf32, #tpu.memory_space<vmem>>, vector<16xf32>,
          %get3A_439 = arith.index_cast %reduce_max3A_98 : i32 to index
          %get3A_440 = arith.constant 544 : index
          %get3A_441 = tpu.vector_load %arg12[%get3A_439, %get3A_440] {strides = array<i32>} : memref<65x768xf32, #tpu.memory_space<vmem>>, vector<16xf32>,
          %get3A_442 = arith.index_cast %scan3A_88 : i32 to index
          %get3A_443 = arith.constant 544 : index
          %get3A_444 = tpu.vector_load %arg13[%get3A_442, %get3A_443] {strides = array<i32>} : memref<8x768xf32, #tpu.memory_space<vmem>>, vector<16xf32>,
          %add3A_445 = arith.addf %get3A_441, %get3A_444 : vector<16xf32>
          %swap3A_446 = arith.index_cast %reduce_max3A_98 : i32 to index
          %swap3A_447 = arith.constant 544 : index
          %swap3A_448 = tpu.vector_load %arg12[%swap3A_446, %swap3A_447] {strides = array<i32>} : memref<65x768xf32, #tpu.memory_space<vmem>>, vector<16xf32>,
          tpu.vector_store %arg12[%swap3A_446, %swap3A_447], %add3A_445 {strides = array<i32>} : memref<65x768xf32, #tpu.memory_space<vmem>>, vector<16xf32>,
          %get3A_449 = arith.index_cast %reduce_max3A_98 : i32 to index
          %get3A_450 = arith.constant 560 : index
          %get3A_451 = tpu.vector_load %arg12[%get3A_449, %get3A_450] {strides = array<i32>} : memref<65x768xf32, #tpu.memory_space<vmem>>, vector<16xf32>,
          %get3A_452 = arith.index_cast %scan3A_88 : i32 to index
          %get3A_453 = arith.constant 560 : index
          %get3A_454 = tpu.vector_load %arg13[%get3A_452, %get3A_453] {strides = array<i32>} : memref<8x768xf32, #tpu.memory_space<vmem>>, vector<16xf32>,
          %add3A_455 = arith.addf %get3A_451, %get3A_454 : vector<16xf32>
          %swap3A_456 = arith.index_cast %reduce_max3A_98 : i32 to index
          %swap3A_457 = arith.constant 560 : index
          %swap3A_458 = tpu.vector_load %arg12[%swap3A_456, %swap3A_457] {strides = array<i32>} : memref<65x768xf32, #tpu.memory_space<vmem>>, vector<16xf32>,
          tpu.vector_store %arg12[%swap3A_456, %swap3A_457], %add3A_455 {strides = array<i32>} : memref<65x768xf32, #tpu.memory_space<vmem>>, vector<16xf32>,
          %get3A_459 = arith.index_cast %reduce_max3A_98 : i32 to index
          %get3A_460 = arith.constant 576 : index
          %get3A_461 = tpu.vector_load %arg12[%get3A_459, %get3A_460] {strides = array<i32>} : memref<65x768xf32, #tpu.memory_space<vmem>>, vector<16xf32>,
          %get3A_462 = arith.index_cast %scan3A_88 : i32 to index
          %get3A_463 = arith.constant 576 : index
          %get3A_464 = tpu.vector_load %arg13[%get3A_462, %get3A_463] {strides = array<i32>} : memref<8x768xf32, #tpu.memory_space<vmem>>, vector<16xf32>,
          %add3A_465 = arith.addf %get3A_461, %get3A_464 : vector<16xf32>
          %swap3A_466 = arith.index_cast %reduce_max3A_98 : i32 to index
          %swap3A_467 = arith.constant 576 : index
          %swap3A_468 = tpu.vector_load %arg12[%swap3A_466, %swap3A_467] {strides = array<i32>} : memref<65x768xf32, #tpu.memory_space<vmem>>, vector<16xf32>,
          tpu.vector_store %arg12[%swap3A_466, %swap3A_467], %add3A_465 {strides = array<i32>} : memref<65x768xf32, #tpu.memory_space<vmem>>, vector<16xf32>,
          %get3A_469 = arith.index_cast %reduce_max3A_98 : i32 to index
          %get3A_470 = arith.constant 592 : index
          %get3A_471 = tpu.vector_load %arg12[%get3A_469, %get3A_470] {strides = array<i32>} : memref<65x768xf32, #tpu.memory_space<vmem>>, vector<16xf32>,
          %get3A_472 = arith.index_cast %scan3A_88 : i32 to index
          %get3A_473 = arith.constant 592 : index
          %get3A_474 = tpu.vector_load %arg13[%get3A_472, %get3A_473] {strides = array<i32>} : memref<8x768xf32, #tpu.memory_space<vmem>>, vector<16xf32>,
          %add3A_475 = arith.addf %get3A_471, %get3A_474 : vector<16xf32>
          %swap3A_476 = arith.index_cast %reduce_max3A_98 : i32 to index
          %swap3A_477 = arith.constant 592 : index
          %swap3A_478 = tpu.vector_load %arg12[%swap3A_476, %swap3A_477] {strides = array<i32>} : memref<65x768xf32, #tpu.memory_space<vmem>>, vector<16xf32>,
          tpu.vector_store %arg12[%swap3A_476, %swap3A_477], %add3A_475 {strides = array<i32>} : memref<65x768xf32, #tpu.memory_space<vmem>>, vector<16xf32>,
          %get3A_479 = arith.index_cast %reduce_max3A_98 : i32 to index
          %get3A_480 = arith.constant 608 : index
          %get3A_481 = tpu.vector_load %arg12[%get3A_479, %get3A_480] {strides = array<i32>} : memref<65x768xf32, #tpu.memory_space<vmem>>, vector<16xf32>,
          %get3A_482 = arith.index_cast %scan3A_88 : i32 to index
          %get3A_483 = arith.constant 608 : index
          %get3A_484 = tpu.vector_load %arg13[%get3A_482, %get3A_483] {strides = array<i32>} : memref<8x768xf32, #tpu.memory_space<vmem>>, vector<16xf32>,
          %add3A_485 = arith.addf %get3A_481, %get3A_484 : vector<16xf32>
          %swap3A_486 = arith.index_cast %reduce_max3A_98 : i32 to index
          %swap3A_487 = arith.constant 608 : index
          %swap3A_488 = tpu.vector_load %arg12[%swap3A_486, %swap3A_487] {strides = array<i32>} : memref<65x768xf32, #tpu.memory_space<vmem>>, vector<16xf32>,
          tpu.vector_store %arg12[%swap3A_486, %swap3A_487], %add3A_485 {strides = array<i32>} : memref<65x768xf32, #tpu.memory_space<vmem>>, vector<16xf32>,
          %get3A_489 = arith.index_cast %reduce_max3A_98 : i32 to index
          %get3A_490 = arith.constant 624 : index
          %get3A_491 = tpu.vector_load %arg12[%get3A_489, %get3A_490] {strides = array<i32>} : memref<65x768xf32, #tpu.memory_space<vmem>>, vector<16xf32>,
          %get3A_492 = arith.index_cast %scan3A_88 : i32 to index
          %get3A_493 = arith.constant 624 : index
          %get3A_494 = tpu.vector_load %arg13[%get3A_492, %get3A_493] {strides = array<i32>} : memref<8x768xf32, #tpu.memory_space<vmem>>, vector<16xf32>,
          %add3A_495 = arith.addf %get3A_491, %get3A_494 : vector<16xf32>
          %swap3A_496 = arith.index_cast %reduce_max3A_98 : i32 to index
          %swap3A_497 = arith.constant 624 : index
          %swap3A_498 = tpu.vector_load %arg12[%swap3A_496, %swap3A_497] {strides = array<i32>} : memref<65x768xf32, #tpu.memory_space<vmem>>, vector<16xf32>,
          tpu.vector_store %arg12[%swap3A_496, %swap3A_497], %add3A_495 {strides = array<i32>} : memref<65x768xf32, #tpu.memory_space<vmem>>, vector<16xf32>,
          %get3A_499 = arith.index_cast %reduce_max3A_98 : i32 to index
          %get3A_500 = arith.constant 640 : index
          %get3A_501 = tpu.vector_load %arg12[%get3A_499, %get3A_500] {strides = array<i32>} : memref<65x768xf32, #tpu.memory_space<vmem>>, vector<16xf32>,
          %get3A_502 = arith.index_cast %scan3A_88 : i32 to index
          %get3A_503 = arith.constant 640 : index
          %get3A_504 = tpu.vector_load %arg13[%get3A_502, %get3A_503] {strides = array<i32>} : memref<8x768xf32, #tpu.memory_space<vmem>>, vector<16xf32>,
          %add3A_505 = arith.addf %get3A_501, %get3A_504 : vector<16xf32>
          %swap3A_506 = arith.index_cast %reduce_max3A_98 : i32 to index
          %swap3A_507 = arith.constant 640 : index
          %swap3A_508 = tpu.vector_load %arg12[%swap3A_506, %swap3A_507] {strides = array<i32>} : memref<65x768xf32, #tpu.memory_space<vmem>>, vector<16xf32>,
          tpu.vector_store %arg12[%swap3A_506, %swap3A_507], %add3A_505 {strides = array<i32>} : memref<65x768xf32, #tpu.memory_space<vmem>>, vector<16xf32>,
          %get3A_509 = arith.index_cast %reduce_max3A_98 : i32 to index
          %get3A_510 = arith.constant 656 : index
          %get3A_511 = tpu.vector_load %arg12[%get3A_509, %get3A_510] {strides = array<i32>} : memref<65x768xf32, #tpu.memory_space<vmem>>, vector<16xf32>,
          %get3A_512 = arith.index_cast %scan3A_88 : i32 to index
          %get3A_513 = arith.constant 656 : index
          %get3A_514 = tpu.vector_load %arg13[%get3A_512, %get3A_513] {strides = array<i32>} : memref<8x768xf32, #tpu.memory_space<vmem>>, vector<16xf32>,
          %add3A_515 = arith.addf %get3A_511, %get3A_514 : vector<16xf32>
          %swap3A_516 = arith.index_cast %reduce_max3A_98 : i32 to index
          %swap3A_517 = arith.constant 656 : index
          %swap3A_518 = tpu.vector_load %arg12[%swap3A_516, %swap3A_517] {strides = array<i32>} : memref<65x768xf32, #tpu.memory_space<vmem>>, vector<16xf32>,
          tpu.vector_store %arg12[%swap3A_516, %swap3A_517], %add3A_515 {strides = array<i32>} : memref<65x768xf32, #tpu.memory_space<vmem>>, vector<16xf32>,
          %get3A_519 = arith.index_cast %reduce_max3A_98 : i32 to index
          %get3A_520 = arith.constant 672 : index
          %get3A_521 = tpu.vector_load %arg12[%get3A_519, %get3A_520] {strides = array<i32>} : memref<65x768xf32, #tpu.memory_space<vmem>>, vector<16xf32>,
          %get3A_522 = arith.index_cast %scan3A_88 : i32 to index
          %get3A_523 = arith.constant 672 : index
          %get3A_524 = tpu.vector_load %arg13[%get3A_522, %get3A_523] {strides = array<i32>} : memref<8x768xf32, #tpu.memory_space<vmem>>, vector<16xf32>,
          %add3A_525 = arith.addf %get3A_521, %get3A_524 : vector<16xf32>
          %swap3A_526 = arith.index_cast %reduce_max3A_98 : i32 to index
          %swap3A_527 = arith.constant 672 : index
          %swap3A_528 = tpu.vector_load %arg12[%swap3A_526, %swap3A_527] {strides = array<i32>} : memref<65x768xf32, #tpu.memory_space<vmem>>, vector<16xf32>,
          tpu.vector_store %arg12[%swap3A_526, %swap3A_527], %add3A_525 {strides = array<i32>} : memref<65x768xf32, #tpu.memory_space<vmem>>, vector<16xf32>,
          %get3A_529 = arith.index_cast %reduce_max3A_98 : i32 to index
          %get3A_530 = arith.constant 688 : index
          %get3A_531 = tpu.vector_load %arg12[%get3A_529, %get3A_530] {strides = array<i32>} : memref<65x768xf32, #tpu.memory_space<vmem>>, vector<16xf32>,
          %get3A_532 = arith.index_cast %scan3A_88 : i32 to index
          %get3A_533 = arith.constant 688 : index
          %get3A_534 = tpu.vector_load %arg13[%get3A_532, %get3A_533] {strides = array<i32>} : memref<8x768xf32, #tpu.memory_space<vmem>>, vector<16xf32>,
          %add3A_535 = arith.addf %get3A_531, %get3A_534 : vector<16xf32>
          %swap3A_536 = arith.index_cast %reduce_max3A_98 : i32 to index
          %swap3A_537 = arith.constant 688 : index
          %swap3A_538 = tpu.vector_load %arg12[%swap3A_536, %swap3A_537] {strides = array<i32>} : memref<65x768xf32, #tpu.memory_space<vmem>>, vector<16xf32>,
          tpu.vector_store %arg12[%swap3A_536, %swap3A_537], %add3A_535 {strides = array<i32>} : memref<65x768xf32, #tpu.memory_space<vmem>>, vector<16xf32>,
          %get3A_539 = arith.index_cast %reduce_max3A_98 : i32 to index
          %get3A_540 = arith.constant 704 : index
          %get3A_541 = tpu.vector_load %arg12[%get3A_539, %get3A_540] {strides = array<i32>} : memref<65x768xf32, #tpu.memory_space<vmem>>, vector<16xf32>,
          %get3A_542 = arith.index_cast %scan3A_88 : i32 to index
          %get3A_543 = arith.constant 704 : index
          %get3A_544 = tpu.vector_load %arg13[%get3A_542, %get3A_543] {strides = array<i32>} : memref<8x768xf32, #tpu.memory_space<vmem>>, vector<16xf32>,
          %add3A_545 = arith.addf %get3A_541, %get3A_544 : vector<16xf32>
          %swap3A_546 = arith.index_cast %reduce_max3A_98 : i32 to index
          %swap3A_547 = arith.constant 704 : index
          %swap3A_548 = tpu.vector_load %arg12[%swap3A_546, %swap3A_547] {strides = array<i32>} : memref<65x768xf32, #tpu.memory_space<vmem>>, vector<16xf32>,
          tpu.vector_store %arg12[%swap3A_546, %swap3A_547], %add3A_545 {strides = array<i32>} : memref<65x768xf32, #tpu.memory_space<vmem>>, vector<16xf32>,
          %get3A_549 = arith.index_cast %reduce_max3A_98 : i32 to index
          %get3A_550 = arith.constant 720 : index
          %get3A_551 = tpu.vector_load %arg12[%get3A_549, %get3A_550] {strides = array<i32>} : memref<65x768xf32, #tpu.memory_space<vmem>>, vector<16xf32>,
          %get3A_552 = arith.index_cast %scan3A_88 : i32 to index
          %get3A_553 = arith.constant 720 : index
          %get3A_554 = tpu.vector_load %arg13[%get3A_552, %get3A_553] {strides = array<i32>} : memref<8x768xf32, #tpu.memory_space<vmem>>, vector<16xf32>,
          %add3A_555 = arith.addf %get3A_551, %get3A_554 : vector<16xf32>
          %swap3A_556 = arith.index_cast %reduce_max3A_98 : i32 to index
          %swap3A_557 = arith.constant 720 : index
          %swap3A_558 = tpu.vector_load %arg12[%swap3A_556, %swap3A_557] {strides = array<i32>} : memref<65x768xf32, #tpu.memory_space<vmem>>, vector<16xf32>,
          tpu.vector_store %arg12[%swap3A_556, %swap3A_557], %add3A_555 {strides = array<i32>} : memref<65x768xf32, #tpu.memory_space<vmem>>, vector<16xf32>,
          %get3A_559 = arith.index_cast %reduce_max3A_98 : i32 to index
          %get3A_560 = arith.constant 736 : index
          %get3A_561 = tpu.vector_load %arg12[%get3A_559, %get3A_560] {strides = array<i32>} : memref<65x768xf32, #tpu.memory_space<vmem>>, vector<16xf32>,
          %get3A_562 = arith.index_cast %scan3A_88 : i32 to index
          %get3A_563 = arith.constant 736 : index
          %get3A_564 = tpu.vector_load %arg13[%get3A_562, %get3A_563] {strides = array<i32>} : memref<8x768xf32, #tpu.memory_space<vmem>>, vector<16xf32>,
          %add3A_565 = arith.addf %get3A_561, %get3A_564 : vector<16xf32>
          %swap3A_566 = arith.index_cast %reduce_max3A_98 : i32 to index
          %swap3A_567 = arith.constant 736 : index
          %swap3A_568 = tpu.vector_load %arg12[%swap3A_566, %swap3A_567] {strides = array<i32>} : memref<65x768xf32, #tpu.memory_space<vmem>>, vector<16xf32>,
          tpu.vector_store %arg12[%swap3A_566, %swap3A_567], %add3A_565 {strides = array<i32>} : memref<65x768xf32, #tpu.memory_space<vmem>>, vector<16xf32>,
          %get3A_569 = arith.index_cast %reduce_max3A_98 : i32 to index
          %get3A_570 = arith.constant 752 : index
          %get3A_571 = tpu.vector_load %arg12[%get3A_569, %get3A_570] {strides = array<i32>} : memref<65x768xf32, #tpu.memory_space<vmem>>, vector<16xf32>,
          %get3A_572 = arith.index_cast %scan3A_88 : i32 to index
          %get3A_573 = arith.constant 752 : index
          %get3A_574 = tpu.vector_load %arg13[%get3A_572, %get3A_573] {strides = array<i32>} : memref<8x768xf32, #tpu.memory_space<vmem>>, vector<16xf32>,
          %add3A_575 = arith.addf %get3A_571, %get3A_574 : vector<16xf32>
          %swap3A_576 = arith.index_cast %reduce_max3A_98 : i32 to index
          %swap3A_577 = arith.constant 752 : index
          %swap3A_578 = tpu.vector_load %arg12[%swap3A_576, %swap3A_577] {strides = array<i32>} : memref<65x768xf32, #tpu.memory_space<vmem>>, vector<16xf32>,
          tpu.vector_store %arg12[%swap3A_576, %swap3A_577], %add3A_575 {strides = array<i32>} : memref<65x768xf32, #tpu.memory_space<vmem>>, vector<16xf32>,
        }
        %scan3A_87 = arith.constant 8 : i32
      }
      "tpu.region"() ({
        %run_scoped3A = tpu.sem_alloc : memref<!tpu.dma_semaphore, #tpu.memory_space<semaphore_mem>>
        %dma_start3A = tpu.memref_slice %arg3[%mul3A_12] : memref<65536xf32, #tpu.memory_space<hbm>> -> memref<64xf32, #tpu.memory_space<hbm>>
        %dma_start3A_64 = tpu.memref_slice %arg3[%mul3A_12] : memref<65536xf32, #tpu.memory_space<hbm>> -> memref<64xf32, #tpu.memory_space<hbm>>
        tpu.enqueue_dma source(%dma_start3A_64 : memref<64xf32, #tpu.memory_space<hbm>>) target(%arg9 : memref<64xf32, #tpu.memory_space<vmem>>) target_semaphore(%run_scoped3A : memref<!tpu.dma_semaphore, #tpu.memory_space<semaphore_mem>>)
        %dma_wait3A = tpu.memref_slice %arg3[%mul3A_12] : memref<65536xf32, #tpu.memory_space<hbm>> -> memref<64xf32, #tpu.memory_space<hbm>>
        %dma_wait3A_65 = tpu.memref_slice %arg3[%mul3A_12] : memref<65536xf32, #tpu.memory_space<hbm>> -> memref<64xf32, #tpu.memory_space<hbm>>
        tpu.wait_dma2 semaphore(%run_scoped3A : memref<!tpu.dma_semaphore, #tpu.memory_space<semaphore_mem>>) src(%dma_wait3A_65 : memref<64xf32, #tpu.memory_space<hbm>>) dst(%arg9 : memref<64xf32, #tpu.memory_space<vmem>>)
        tpu.yield
      }) : () -> ()
      %add3A_50 = arith.constant 32768 : i32
      %add3A_51 = arith.addi %add3A_50, %mul3A_12 : i32
      "tpu.region"() ({
        %run_scoped3A = tpu.sem_alloc : memref<!tpu.dma_semaphore, #tpu.memory_space<semaphore_mem>>
        %dma_start3A = tpu.memref_slice %arg3[%add3A_51] : memref<65536xf32, #tpu.memory_space<hbm>> -> memref<64xf32, #tpu.memory_space<hbm>>
        %dma_start3A_64 = tpu.memref_slice %arg3[%add3A_51] : memref<65536xf32, #tpu.memory_space<hbm>> -> memref<64xf32, #tpu.memory_space<hbm>>
        tpu.enqueue_dma source(%dma_start3A_64 : memref<64xf32, #tpu.memory_space<hbm>>) target(%arg10 : memref<64xf32, #tpu.memory_space<vmem>>) target_semaphore(%run_scoped3A : memref<!tpu.dma_semaphore, #tpu.memory_space<semaphore_mem>>)
        %dma_wait3A = tpu.memref_slice %arg3[%add3A_51] : memref<65536xf32, #tpu.memory_space<hbm>> -> memref<64xf32, #tpu.memory_space<hbm>>
        %dma_wait3A_65 = tpu.memref_slice %arg3[%add3A_51] : memref<65536xf32, #tpu.memory_space<hbm>> -> memref<64xf32, #tpu.memory_space<hbm>>
        tpu.wait_dma2 semaphore(%run_scoped3A : memref<!tpu.dma_semaphore, #tpu.memory_space<semaphore_mem>>) src(%dma_wait3A_65 : memref<64xf32, #tpu.memory_space<hbm>>) dst(%arg10 : memref<64xf32, #tpu.memory_space<vmem>>)
        tpu.yield
      }) : () -> ()
      %scan3A_52 = arith.constant 0 : i32
      %scan3A_53 = arith.constant 0 : i32
      %scan3A_54 = arith.constant 4 : i32
      %scan3A_55 = arith.addi %scan3A_53, %scan3A_54 : i32
      %scan3A_56 = arith.constant 1 : i32
      scf.for %scan3A_64 = %scan3A_53 to %scan3A_55 step %scan3A_56  : i32 {
        %mul3A_65 = arith.constant 16 : i32
        %mul3A_66 = arith.muli %scan3A_64, %mul3A_65 : i32
        %get3A = arith.index_cast %mul3A_66 : i32 to index
        %get3A_67 = tpu.vector_load %arg9[%get3A] {strides = array<i32>} : memref<64xf32, #tpu.memory_space<vmem>>, vector<16xf32>,
        %mul3A_68 = arith.constant 16 : i32
        %mul3A_69 = arith.muli %scan3A_64, %mul3A_68 : i32
        %get3A_70 = arith.index_cast %mul3A_69 : i32 to index
        %get3A_71 = tpu.vector_load %arg10[%get3A_70] {strides = array<i32>} : memref<64xf32, #tpu.memory_space<vmem>>, vector<16xf32>,
        %add3A_72 = arith.addf %get3A_67, %get3A_71 : vector<16xf32>
        %max3A = arith.constant 9.99999971E-10 : f32
        %max3A_73 = vector.broadcast %max3A : f32 to vector<16xf32>
        %max3A_74 = arith.maximumf %add3A_72, %max3A_73 : vector<16xf32>
        %div3A = arith.constant 1.000000e+00 : f32
        %div3A_75 = vector.broadcast %div3A : f32 to vector<16xf32>
        %div3A_76 = arith.divf %div3A_75, %max3A_74 : vector<16xf32>
        %mul3A_77 = arith.constant 16 : i32
        %mul3A_78 = arith.muli %scan3A_64, %mul3A_77 : i32
        %add3A_79 = arith.constant 16 : i32
        %add3A_80 = arith.addi %add3A_79, %mul3A_78 : i32
        %swap3A = arith.index_cast %add3A_80 : i32 to index
        %swap3A_81 = tpu.vector_load %arg11[%swap3A] {strides = array<i32>} : memref<80xf32, #tpu.memory_space<vmem>>, vector<16xf32>,
        tpu.vector_store %arg11[%swap3A], %div3A_76 {strides = array<i32>} : memref<80xf32, #tpu.memory_space<vmem>>, vector<16xf32>,
      }
      %scan3A_57 = arith.constant 4 : i32
      %scan3A_58 = arith.constant 0 : i32
      %scan3A_59 = arith.constant 0 : i32
      %scan3A_60 = arith.constant 8 : i32
      %scan3A_61 = arith.addi %scan3A_59, %scan3A_60 : i32
      %scan3A_62 = arith.constant 1 : i32
      scf.for %scan3A_64 = %scan3A_59 to %scan3A_61 step %scan3A_62  : i32 {
        %mul3A_65 = arith.constant 8 : i32
        %mul3A_66 = arith.muli %scan3A_64, %mul3A_65 : i32
        %add3A_67 = arith.constant 16 : i32
        %add3A_68 = arith.addi %add3A_67, %mul3A_66 : i32
        %get3A = arith.index_cast %add3A_68 : i32 to index
        %get3A_69 = tpu.vector_load %arg11[%get3A] {strides = array<i32>} : memref<80xf32, #tpu.memory_space<vmem>>, vector<16xf32>,
        %scan3A_70 = arith.constant 0 : i32
        %scan3A_71 = arith.constant 0 : i32
        %scan3A_72 = arith.constant 8 : i32
        %scan3A_73 = arith.addi %scan3A_71, %scan3A_72 : i32
        %scan3A_74 = arith.constant 1 : i32
        scf.for %scan3A_79 = %scan3A_71 to %scan3A_73 step %scan3A_74  : i32 {
          %mul3A_80 = arith.constant 8 : i32
          %mul3A_81 = arith.muli %scan3A_64, %mul3A_80 : i32
          %add3A_82 = arith.addi %mul3A_81, %scan3A_79 : i32
          %eq3A = vector.broadcast %scan3A_79 : i32 to vector<16xi32>
          %eq3A_83 = arith.cmpi eq, %iota3A, %eq3A : vector<16xi32>
          %jit3A = arith.constant 0.000000e+00 : f32
          %broadcast_in_dim3A_84 = vector.broadcast %jit3A : f32 to vector<16xf32>
          %select_n3A = arith.select %eq3A_83, %get3A_69, %broadcast_in_dim3A_84 : vector<16xi1>, vector<16xf32>
          %reduce_max3A_85 = arith.constant true
          %reduce_max3A_86 = vector.broadcast %reduce_max3A_85 : i1 to vector<16xi1>
          %reduce_max3A_87 = tpu.scan <max>, %select_n3A masked %reduce_max3A_86 : vector<16xf32>, vector<16xi1> -> vector<16xf32>
          %reduce_max3A_88 = vector.extract %reduce_max3A_87[15] : f32 from vector<16xf32>
          %get3A_89 = arith.index_cast %add3A_82 : i32 to index
          %get3A_90 = arith.constant 0 : index
          %get3A_91 = tpu.vector_load %arg12[%get3A_89, %get3A_90] {strides = array<i32>} : memref<65x768xf32, #tpu.memory_space<vmem>>, vector<16xf32>,
          %mul3A_92 = vector.broadcast %reduce_max3A_88 : f32 to vector<16xf32>
          %mul3A_93 = arith.mulf %get3A_91, %mul3A_92 : vector<16xf32>
          %swap3A = arith.index_cast %scan3A_79 : i32 to index
          %swap3A_94 = arith.constant 0 : index
          %swap3A_95 = tpu.vector_load %arg13[%swap3A, %swap3A_94] {strides = array<i32>} : memref<8x768xf32, #tpu.memory_space<vmem>>, vector<16xf32>,
          tpu.vector_store %arg13[%swap3A, %swap3A_94], %mul3A_93 {strides = array<i32>} : memref<8x768xf32, #tpu.memory_space<vmem>>, vector<16xf32>,
          %get3A_96 = arith.index_cast %add3A_82 : i32 to index
          %get3A_97 = arith.constant 16 : index
          %get3A_98 = tpu.vector_load %arg12[%get3A_96, %get3A_97] {strides = array<i32>} : memref<65x768xf32, #tpu.memory_space<vmem>>, vector<16xf32>,
          %mul3A_99 = vector.broadcast %reduce_max3A_88 : f32 to vector<16xf32>
          %mul3A_100 = arith.mulf %get3A_98, %mul3A_99 : vector<16xf32>
          %swap3A_101 = arith.index_cast %scan3A_79 : i32 to index
          %swap3A_102 = arith.constant 16 : index
          %swap3A_103 = tpu.vector_load %arg13[%swap3A_101, %swap3A_102] {strides = array<i32>} : memref<8x768xf32, #tpu.memory_space<vmem>>, vector<16xf32>,
          tpu.vector_store %arg13[%swap3A_101, %swap3A_102], %mul3A_100 {strides = array<i32>} : memref<8x768xf32, #tpu.memory_space<vmem>>, vector<16xf32>,
          %get3A_104 = arith.index_cast %add3A_82 : i32 to index
          %get3A_105 = arith.constant 32 : index
          %get3A_106 = tpu.vector_load %arg12[%get3A_104, %get3A_105] {strides = array<i32>} : memref<65x768xf32, #tpu.memory_space<vmem>>, vector<16xf32>,
          %mul3A_107 = vector.broadcast %reduce_max3A_88 : f32 to vector<16xf32>
          %mul3A_108 = arith.mulf %get3A_106, %mul3A_107 : vector<16xf32>
          %swap3A_109 = arith.index_cast %scan3A_79 : i32 to index
          %swap3A_110 = arith.constant 32 : index
          %swap3A_111 = tpu.vector_load %arg13[%swap3A_109, %swap3A_110] {strides = array<i32>} : memref<8x768xf32, #tpu.memory_space<vmem>>, vector<16xf32>,
          tpu.vector_store %arg13[%swap3A_109, %swap3A_110], %mul3A_108 {strides = array<i32>} : memref<8x768xf32, #tpu.memory_space<vmem>>, vector<16xf32>,
          %get3A_112 = arith.index_cast %add3A_82 : i32 to index
          %get3A_113 = arith.constant 48 : index
          %get3A_114 = tpu.vector_load %arg12[%get3A_112, %get3A_113] {strides = array<i32>} : memref<65x768xf32, #tpu.memory_space<vmem>>, vector<16xf32>,
          %mul3A_115 = vector.broadcast %reduce_max3A_88 : f32 to vector<16xf32>
          %mul3A_116 = arith.mulf %get3A_114, %mul3A_115 : vector<16xf32>
          %swap3A_117 = arith.index_cast %scan3A_79 : i32 to index
          %swap3A_118 = arith.constant 48 : index
          %swap3A_119 = tpu.vector_load %arg13[%swap3A_117, %swap3A_118] {strides = array<i32>} : memref<8x768xf32, #tpu.memory_space<vmem>>, vector<16xf32>,
          tpu.vector_store %arg13[%swap3A_117, %swap3A_118], %mul3A_116 {strides = array<i32>} : memref<8x768xf32, #tpu.memory_space<vmem>>, vector<16xf32>,
          %get3A_120 = arith.index_cast %add3A_82 : i32 to index
          %get3A_121 = arith.constant 64 : index
          %get3A_122 = tpu.vector_load %arg12[%get3A_120, %get3A_121] {strides = array<i32>} : memref<65x768xf32, #tpu.memory_space<vmem>>, vector<16xf32>,
          %mul3A_123 = vector.broadcast %reduce_max3A_88 : f32 to vector<16xf32>
          %mul3A_124 = arith.mulf %get3A_122, %mul3A_123 : vector<16xf32>
          %swap3A_125 = arith.index_cast %scan3A_79 : i32 to index
          %swap3A_126 = arith.constant 64 : index
          %swap3A_127 = tpu.vector_load %arg13[%swap3A_125, %swap3A_126] {strides = array<i32>} : memref<8x768xf32, #tpu.memory_space<vmem>>, vector<16xf32>,
          tpu.vector_store %arg13[%swap3A_125, %swap3A_126], %mul3A_124 {strides = array<i32>} : memref<8x768xf32, #tpu.memory_space<vmem>>, vector<16xf32>,
          %get3A_128 = arith.index_cast %add3A_82 : i32 to index
          %get3A_129 = arith.constant 80 : index
          %get3A_130 = tpu.vector_load %arg12[%get3A_128, %get3A_129] {strides = array<i32>} : memref<65x768xf32, #tpu.memory_space<vmem>>, vector<16xf32>,
          %mul3A_131 = vector.broadcast %reduce_max3A_88 : f32 to vector<16xf32>
          %mul3A_132 = arith.mulf %get3A_130, %mul3A_131 : vector<16xf32>
          %swap3A_133 = arith.index_cast %scan3A_79 : i32 to index
          %swap3A_134 = arith.constant 80 : index
          %swap3A_135 = tpu.vector_load %arg13[%swap3A_133, %swap3A_134] {strides = array<i32>} : memref<8x768xf32, #tpu.memory_space<vmem>>, vector<16xf32>,
          tpu.vector_store %arg13[%swap3A_133, %swap3A_134], %mul3A_132 {strides = array<i32>} : memref<8x768xf32, #tpu.memory_space<vmem>>, vector<16xf32>,
          %get3A_136 = arith.index_cast %add3A_82 : i32 to index
          %get3A_137 = arith.constant 96 : index
          %get3A_138 = tpu.vector_load %arg12[%get3A_136, %get3A_137] {strides = array<i32>} : memref<65x768xf32, #tpu.memory_space<vmem>>, vector<16xf32>,
          %mul3A_139 = vector.broadcast %reduce_max3A_88 : f32 to vector<16xf32>
          %mul3A_140 = arith.mulf %get3A_138, %mul3A_139 : vector<16xf32>
          %swap3A_141 = arith.index_cast %scan3A_79 : i32 to index
          %swap3A_142 = arith.constant 96 : index
          %swap3A_143 = tpu.vector_load %arg13[%swap3A_141, %swap3A_142] {strides = array<i32>} : memref<8x768xf32, #tpu.memory_space<vmem>>, vector<16xf32>,
          tpu.vector_store %arg13[%swap3A_141, %swap3A_142], %mul3A_140 {strides = array<i32>} : memref<8x768xf32, #tpu.memory_space<vmem>>, vector<16xf32>,
          %get3A_144 = arith.index_cast %add3A_82 : i32 to index
          %get3A_145 = arith.constant 112 : index
          %get3A_146 = tpu.vector_load %arg12[%get3A_144, %get3A_145] {strides = array<i32>} : memref<65x768xf32, #tpu.memory_space<vmem>>, vector<16xf32>,
          %mul3A_147 = vector.broadcast %reduce_max3A_88 : f32 to vector<16xf32>
          %mul3A_148 = arith.mulf %get3A_146, %mul3A_147 : vector<16xf32>
          %swap3A_149 = arith.index_cast %scan3A_79 : i32 to index
          %swap3A_150 = arith.constant 112 : index
          %swap3A_151 = tpu.vector_load %arg13[%swap3A_149, %swap3A_150] {strides = array<i32>} : memref<8x768xf32, #tpu.memory_space<vmem>>, vector<16xf32>,
          tpu.vector_store %arg13[%swap3A_149, %swap3A_150], %mul3A_148 {strides = array<i32>} : memref<8x768xf32, #tpu.memory_space<vmem>>, vector<16xf32>,
          %get3A_152 = arith.index_cast %add3A_82 : i32 to index
          %get3A_153 = arith.constant 128 : index
          %get3A_154 = tpu.vector_load %arg12[%get3A_152, %get3A_153] {strides = array<i32>} : memref<65x768xf32, #tpu.memory_space<vmem>>, vector<16xf32>,
          %mul3A_155 = vector.broadcast %reduce_max3A_88 : f32 to vector<16xf32>
          %mul3A_156 = arith.mulf %get3A_154, %mul3A_155 : vector<16xf32>
          %swap3A_157 = arith.index_cast %scan3A_79 : i32 to index
          %swap3A_158 = arith.constant 128 : index
          %swap3A_159 = tpu.vector_load %arg13[%swap3A_157, %swap3A_158] {strides = array<i32>} : memref<8x768xf32, #tpu.memory_space<vmem>>, vector<16xf32>,
          tpu.vector_store %arg13[%swap3A_157, %swap3A_158], %mul3A_156 {strides = array<i32>} : memref<8x768xf32, #tpu.memory_space<vmem>>, vector<16xf32>,
          %get3A_160 = arith.index_cast %add3A_82 : i32 to index
          %get3A_161 = arith.constant 144 : index
          %get3A_162 = tpu.vector_load %arg12[%get3A_160, %get3A_161] {strides = array<i32>} : memref<65x768xf32, #tpu.memory_space<vmem>>, vector<16xf32>,
          %mul3A_163 = vector.broadcast %reduce_max3A_88 : f32 to vector<16xf32>
          %mul3A_164 = arith.mulf %get3A_162, %mul3A_163 : vector<16xf32>
          %swap3A_165 = arith.index_cast %scan3A_79 : i32 to index
          %swap3A_166 = arith.constant 144 : index
          %swap3A_167 = tpu.vector_load %arg13[%swap3A_165, %swap3A_166] {strides = array<i32>} : memref<8x768xf32, #tpu.memory_space<vmem>>, vector<16xf32>,
          tpu.vector_store %arg13[%swap3A_165, %swap3A_166], %mul3A_164 {strides = array<i32>} : memref<8x768xf32, #tpu.memory_space<vmem>>, vector<16xf32>,
          %get3A_168 = arith.index_cast %add3A_82 : i32 to index
          %get3A_169 = arith.constant 160 : index
          %get3A_170 = tpu.vector_load %arg12[%get3A_168, %get3A_169] {strides = array<i32>} : memref<65x768xf32, #tpu.memory_space<vmem>>, vector<16xf32>,
          %mul3A_171 = vector.broadcast %reduce_max3A_88 : f32 to vector<16xf32>
          %mul3A_172 = arith.mulf %get3A_170, %mul3A_171 : vector<16xf32>
          %swap3A_173 = arith.index_cast %scan3A_79 : i32 to index
          %swap3A_174 = arith.constant 160 : index
          %swap3A_175 = tpu.vector_load %arg13[%swap3A_173, %swap3A_174] {strides = array<i32>} : memref<8x768xf32, #tpu.memory_space<vmem>>, vector<16xf32>,
          tpu.vector_store %arg13[%swap3A_173, %swap3A_174], %mul3A_172 {strides = array<i32>} : memref<8x768xf32, #tpu.memory_space<vmem>>, vector<16xf32>,
          %get3A_176 = arith.index_cast %add3A_82 : i32 to index
          %get3A_177 = arith.constant 176 : index
          %get3A_178 = tpu.vector_load %arg12[%get3A_176, %get3A_177] {strides = array<i32>} : memref<65x768xf32, #tpu.memory_space<vmem>>, vector<16xf32>,
          %mul3A_179 = vector.broadcast %reduce_max3A_88 : f32 to vector<16xf32>
          %mul3A_180 = arith.mulf %get3A_178, %mul3A_179 : vector<16xf32>
          %swap3A_181 = arith.index_cast %scan3A_79 : i32 to index
          %swap3A_182 = arith.constant 176 : index
          %swap3A_183 = tpu.vector_load %arg13[%swap3A_181, %swap3A_182] {strides = array<i32>} : memref<8x768xf32, #tpu.memory_space<vmem>>, vector<16xf32>,
          tpu.vector_store %arg13[%swap3A_181, %swap3A_182], %mul3A_180 {strides = array<i32>} : memref<8x768xf32, #tpu.memory_space<vmem>>, vector<16xf32>,
          %get3A_184 = arith.index_cast %add3A_82 : i32 to index
          %get3A_185 = arith.constant 192 : index
          %get3A_186 = tpu.vector_load %arg12[%get3A_184, %get3A_185] {strides = array<i32>} : memref<65x768xf32, #tpu.memory_space<vmem>>, vector<16xf32>,
          %mul3A_187 = vector.broadcast %reduce_max3A_88 : f32 to vector<16xf32>
          %mul3A_188 = arith.mulf %get3A_186, %mul3A_187 : vector<16xf32>
          %swap3A_189 = arith.index_cast %scan3A_79 : i32 to index
          %swap3A_190 = arith.constant 192 : index
          %swap3A_191 = tpu.vector_load %arg13[%swap3A_189, %swap3A_190] {strides = array<i32>} : memref<8x768xf32, #tpu.memory_space<vmem>>, vector<16xf32>,
          tpu.vector_store %arg13[%swap3A_189, %swap3A_190], %mul3A_188 {strides = array<i32>} : memref<8x768xf32, #tpu.memory_space<vmem>>, vector<16xf32>,
          %get3A_192 = arith.index_cast %add3A_82 : i32 to index
          %get3A_193 = arith.constant 208 : index
          %get3A_194 = tpu.vector_load %arg12[%get3A_192, %get3A_193] {strides = array<i32>} : memref<65x768xf32, #tpu.memory_space<vmem>>, vector<16xf32>,
          %mul3A_195 = vector.broadcast %reduce_max3A_88 : f32 to vector<16xf32>
          %mul3A_196 = arith.mulf %get3A_194, %mul3A_195 : vector<16xf32>
          %swap3A_197 = arith.index_cast %scan3A_79 : i32 to index
          %swap3A_198 = arith.constant 208 : index
          %swap3A_199 = tpu.vector_load %arg13[%swap3A_197, %swap3A_198] {strides = array<i32>} : memref<8x768xf32, #tpu.memory_space<vmem>>, vector<16xf32>,
          tpu.vector_store %arg13[%swap3A_197, %swap3A_198], %mul3A_196 {strides = array<i32>} : memref<8x768xf32, #tpu.memory_space<vmem>>, vector<16xf32>,
          %get3A_200 = arith.index_cast %add3A_82 : i32 to index
          %get3A_201 = arith.constant 224 : index
          %get3A_202 = tpu.vector_load %arg12[%get3A_200, %get3A_201] {strides = array<i32>} : memref<65x768xf32, #tpu.memory_space<vmem>>, vector<16xf32>,
          %mul3A_203 = vector.broadcast %reduce_max3A_88 : f32 to vector<16xf32>
          %mul3A_204 = arith.mulf %get3A_202, %mul3A_203 : vector<16xf32>
          %swap3A_205 = arith.index_cast %scan3A_79 : i32 to index
          %swap3A_206 = arith.constant 224 : index
          %swap3A_207 = tpu.vector_load %arg13[%swap3A_205, %swap3A_206] {strides = array<i32>} : memref<8x768xf32, #tpu.memory_space<vmem>>, vector<16xf32>,
          tpu.vector_store %arg13[%swap3A_205, %swap3A_206], %mul3A_204 {strides = array<i32>} : memref<8x768xf32, #tpu.memory_space<vmem>>, vector<16xf32>,
          %get3A_208 = arith.index_cast %add3A_82 : i32 to index
          %get3A_209 = arith.constant 240 : index
          %get3A_210 = tpu.vector_load %arg12[%get3A_208, %get3A_209] {strides = array<i32>} : memref<65x768xf32, #tpu.memory_space<vmem>>, vector<16xf32>,
          %mul3A_211 = vector.broadcast %reduce_max3A_88 : f32 to vector<16xf32>
          %mul3A_212 = arith.mulf %get3A_210, %mul3A_211 : vector<16xf32>
          %swap3A_213 = arith.index_cast %scan3A_79 : i32 to index
          %swap3A_214 = arith.constant 240 : index
          %swap3A_215 = tpu.vector_load %arg13[%swap3A_213, %swap3A_214] {strides = array<i32>} : memref<8x768xf32, #tpu.memory_space<vmem>>, vector<16xf32>,
          tpu.vector_store %arg13[%swap3A_213, %swap3A_214], %mul3A_212 {strides = array<i32>} : memref<8x768xf32, #tpu.memory_space<vmem>>, vector<16xf32>,
          %get3A_216 = arith.index_cast %add3A_82 : i32 to index
          %get3A_217 = arith.constant 256 : index
          %get3A_218 = tpu.vector_load %arg12[%get3A_216, %get3A_217] {strides = array<i32>} : memref<65x768xf32, #tpu.memory_space<vmem>>, vector<16xf32>,
          %mul3A_219 = vector.broadcast %reduce_max3A_88 : f32 to vector<16xf32>
          %mul3A_220 = arith.mulf %get3A_218, %mul3A_219 : vector<16xf32>
          %swap3A_221 = arith.index_cast %scan3A_79 : i32 to index
          %swap3A_222 = arith.constant 256 : index
          %swap3A_223 = tpu.vector_load %arg13[%swap3A_221, %swap3A_222] {strides = array<i32>} : memref<8x768xf32, #tpu.memory_space<vmem>>, vector<16xf32>,
          tpu.vector_store %arg13[%swap3A_221, %swap3A_222], %mul3A_220 {strides = array<i32>} : memref<8x768xf32, #tpu.memory_space<vmem>>, vector<16xf32>,
          %get3A_224 = arith.index_cast %add3A_82 : i32 to index
          %get3A_225 = arith.constant 272 : index
          %get3A_226 = tpu.vector_load %arg12[%get3A_224, %get3A_225] {strides = array<i32>} : memref<65x768xf32, #tpu.memory_space<vmem>>, vector<16xf32>,
          %mul3A_227 = vector.broadcast %reduce_max3A_88 : f32 to vector<16xf32>
          %mul3A_228 = arith.mulf %get3A_226, %mul3A_227 : vector<16xf32>
          %swap3A_229 = arith.index_cast %scan3A_79 : i32 to index
          %swap3A_230 = arith.constant 272 : index
          %swap3A_231 = tpu.vector_load %arg13[%swap3A_229, %swap3A_230] {strides = array<i32>} : memref<8x768xf32, #tpu.memory_space<vmem>>, vector<16xf32>,
          tpu.vector_store %arg13[%swap3A_229, %swap3A_230], %mul3A_228 {strides = array<i32>} : memref<8x768xf32, #tpu.memory_space<vmem>>, vector<16xf32>,
          %get3A_232 = arith.index_cast %add3A_82 : i32 to index
          %get3A_233 = arith.constant 288 : index
          %get3A_234 = tpu.vector_load %arg12[%get3A_232, %get3A_233] {strides = array<i32>} : memref<65x768xf32, #tpu.memory_space<vmem>>, vector<16xf32>,
          %mul3A_235 = vector.broadcast %reduce_max3A_88 : f32 to vector<16xf32>
          %mul3A_236 = arith.mulf %get3A_234, %mul3A_235 : vector<16xf32>
          %swap3A_237 = arith.index_cast %scan3A_79 : i32 to index
          %swap3A_238 = arith.constant 288 : index
          %swap3A_239 = tpu.vector_load %arg13[%swap3A_237, %swap3A_238] {strides = array<i32>} : memref<8x768xf32, #tpu.memory_space<vmem>>, vector<16xf32>,
          tpu.vector_store %arg13[%swap3A_237, %swap3A_238], %mul3A_236 {strides = array<i32>} : memref<8x768xf32, #tpu.memory_space<vmem>>, vector<16xf32>,
          %get3A_240 = arith.index_cast %add3A_82 : i32 to index
          %get3A_241 = arith.constant 304 : index
          %get3A_242 = tpu.vector_load %arg12[%get3A_240, %get3A_241] {strides = array<i32>} : memref<65x768xf32, #tpu.memory_space<vmem>>, vector<16xf32>,
          %mul3A_243 = vector.broadcast %reduce_max3A_88 : f32 to vector<16xf32>
          %mul3A_244 = arith.mulf %get3A_242, %mul3A_243 : vector<16xf32>
          %swap3A_245 = arith.index_cast %scan3A_79 : i32 to index
          %swap3A_246 = arith.constant 304 : index
          %swap3A_247 = tpu.vector_load %arg13[%swap3A_245, %swap3A_246] {strides = array<i32>} : memref<8x768xf32, #tpu.memory_space<vmem>>, vector<16xf32>,
          tpu.vector_store %arg13[%swap3A_245, %swap3A_246], %mul3A_244 {strides = array<i32>} : memref<8x768xf32, #tpu.memory_space<vmem>>, vector<16xf32>,
          %get3A_248 = arith.index_cast %add3A_82 : i32 to index
          %get3A_249 = arith.constant 320 : index
          %get3A_250 = tpu.vector_load %arg12[%get3A_248, %get3A_249] {strides = array<i32>} : memref<65x768xf32, #tpu.memory_space<vmem>>, vector<16xf32>,
          %mul3A_251 = vector.broadcast %reduce_max3A_88 : f32 to vector<16xf32>
          %mul3A_252 = arith.mulf %get3A_250, %mul3A_251 : vector<16xf32>
          %swap3A_253 = arith.index_cast %scan3A_79 : i32 to index
          %swap3A_254 = arith.constant 320 : index
          %swap3A_255 = tpu.vector_load %arg13[%swap3A_253, %swap3A_254] {strides = array<i32>} : memref<8x768xf32, #tpu.memory_space<vmem>>, vector<16xf32>,
          tpu.vector_store %arg13[%swap3A_253, %swap3A_254], %mul3A_252 {strides = array<i32>} : memref<8x768xf32, #tpu.memory_space<vmem>>, vector<16xf32>,
          %get3A_256 = arith.index_cast %add3A_82 : i32 to index
          %get3A_257 = arith.constant 336 : index
          %get3A_258 = tpu.vector_load %arg12[%get3A_256, %get3A_257] {strides = array<i32>} : memref<65x768xf32, #tpu.memory_space<vmem>>, vector<16xf32>,
          %mul3A_259 = vector.broadcast %reduce_max3A_88 : f32 to vector<16xf32>
          %mul3A_260 = arith.mulf %get3A_258, %mul3A_259 : vector<16xf32>
          %swap3A_261 = arith.index_cast %scan3A_79 : i32 to index
          %swap3A_262 = arith.constant 336 : index
          %swap3A_263 = tpu.vector_load %arg13[%swap3A_261, %swap3A_262] {strides = array<i32>} : memref<8x768xf32, #tpu.memory_space<vmem>>, vector<16xf32>,
          tpu.vector_store %arg13[%swap3A_261, %swap3A_262], %mul3A_260 {strides = array<i32>} : memref<8x768xf32, #tpu.memory_space<vmem>>, vector<16xf32>,
          %get3A_264 = arith.index_cast %add3A_82 : i32 to index
          %get3A_265 = arith.constant 352 : index
          %get3A_266 = tpu.vector_load %arg12[%get3A_264, %get3A_265] {strides = array<i32>} : memref<65x768xf32, #tpu.memory_space<vmem>>, vector<16xf32>,
          %mul3A_267 = vector.broadcast %reduce_max3A_88 : f32 to vector<16xf32>
          %mul3A_268 = arith.mulf %get3A_266, %mul3A_267 : vector<16xf32>
          %swap3A_269 = arith.index_cast %scan3A_79 : i32 to index
          %swap3A_270 = arith.constant 352 : index
          %swap3A_271 = tpu.vector_load %arg13[%swap3A_269, %swap3A_270] {strides = array<i32>} : memref<8x768xf32, #tpu.memory_space<vmem>>, vector<16xf32>,
          tpu.vector_store %arg13[%swap3A_269, %swap3A_270], %mul3A_268 {strides = array<i32>} : memref<8x768xf32, #tpu.memory_space<vmem>>, vector<16xf32>,
          %get3A_272 = arith.index_cast %add3A_82 : i32 to index
          %get3A_273 = arith.constant 368 : index
          %get3A_274 = tpu.vector_load %arg12[%get3A_272, %get3A_273] {strides = array<i32>} : memref<65x768xf32, #tpu.memory_space<vmem>>, vector<16xf32>,
          %mul3A_275 = vector.broadcast %reduce_max3A_88 : f32 to vector<16xf32>
          %mul3A_276 = arith.mulf %get3A_274, %mul3A_275 : vector<16xf32>
          %swap3A_277 = arith.index_cast %scan3A_79 : i32 to index
          %swap3A_278 = arith.constant 368 : index
          %swap3A_279 = tpu.vector_load %arg13[%swap3A_277, %swap3A_278] {strides = array<i32>} : memref<8x768xf32, #tpu.memory_space<vmem>>, vector<16xf32>,
          tpu.vector_store %arg13[%swap3A_277, %swap3A_278], %mul3A_276 {strides = array<i32>} : memref<8x768xf32, #tpu.memory_space<vmem>>, vector<16xf32>,
          %get3A_280 = arith.index_cast %add3A_82 : i32 to index
          %get3A_281 = arith.constant 384 : index
          %get3A_282 = tpu.vector_load %arg12[%get3A_280, %get3A_281] {strides = array<i32>} : memref<65x768xf32, #tpu.memory_space<vmem>>, vector<16xf32>,
          %mul3A_283 = vector.broadcast %reduce_max3A_88 : f32 to vector<16xf32>
          %mul3A_284 = arith.mulf %get3A_282, %mul3A_283 : vector<16xf32>
          %swap3A_285 = arith.index_cast %scan3A_79 : i32 to index
          %swap3A_286 = arith.constant 384 : index
          %swap3A_287 = tpu.vector_load %arg13[%swap3A_285, %swap3A_286] {strides = array<i32>} : memref<8x768xf32, #tpu.memory_space<vmem>>, vector<16xf32>,
          tpu.vector_store %arg13[%swap3A_285, %swap3A_286], %mul3A_284 {strides = array<i32>} : memref<8x768xf32, #tpu.memory_space<vmem>>, vector<16xf32>,
          %get3A_288 = arith.index_cast %add3A_82 : i32 to index
          %get3A_289 = arith.constant 400 : index
          %get3A_290 = tpu.vector_load %arg12[%get3A_288, %get3A_289] {strides = array<i32>} : memref<65x768xf32, #tpu.memory_space<vmem>>, vector<16xf32>,
          %mul3A_291 = vector.broadcast %reduce_max3A_88 : f32 to vector<16xf32>
          %mul3A_292 = arith.mulf %get3A_290, %mul3A_291 : vector<16xf32>
          %swap3A_293 = arith.index_cast %scan3A_79 : i32 to index
          %swap3A_294 = arith.constant 400 : index
          %swap3A_295 = tpu.vector_load %arg13[%swap3A_293, %swap3A_294] {strides = array<i32>} : memref<8x768xf32, #tpu.memory_space<vmem>>, vector<16xf32>,
          tpu.vector_store %arg13[%swap3A_293, %swap3A_294], %mul3A_292 {strides = array<i32>} : memref<8x768xf32, #tpu.memory_space<vmem>>, vector<16xf32>,
          %get3A_296 = arith.index_cast %add3A_82 : i32 to index
          %get3A_297 = arith.constant 416 : index
          %get3A_298 = tpu.vector_load %arg12[%get3A_296, %get3A_297] {strides = array<i32>} : memref<65x768xf32, #tpu.memory_space<vmem>>, vector<16xf32>,
          %mul3A_299 = vector.broadcast %reduce_max3A_88 : f32 to vector<16xf32>
          %mul3A_300 = arith.mulf %get3A_298, %mul3A_299 : vector<16xf32>
          %swap3A_301 = arith.index_cast %scan3A_79 : i32 to index
          %swap3A_302 = arith.constant 416 : index
          %swap3A_303 = tpu.vector_load %arg13[%swap3A_301, %swap3A_302] {strides = array<i32>} : memref<8x768xf32, #tpu.memory_space<vmem>>, vector<16xf32>,
          tpu.vector_store %arg13[%swap3A_301, %swap3A_302], %mul3A_300 {strides = array<i32>} : memref<8x768xf32, #tpu.memory_space<vmem>>, vector<16xf32>,
          %get3A_304 = arith.index_cast %add3A_82 : i32 to index
          %get3A_305 = arith.constant 432 : index
          %get3A_306 = tpu.vector_load %arg12[%get3A_304, %get3A_305] {strides = array<i32>} : memref<65x768xf32, #tpu.memory_space<vmem>>, vector<16xf32>,
          %mul3A_307 = vector.broadcast %reduce_max3A_88 : f32 to vector<16xf32>
          %mul3A_308 = arith.mulf %get3A_306, %mul3A_307 : vector<16xf32>
          %swap3A_309 = arith.index_cast %scan3A_79 : i32 to index
          %swap3A_310 = arith.constant 432 : index
          %swap3A_311 = tpu.vector_load %arg13[%swap3A_309, %swap3A_310] {strides = array<i32>} : memref<8x768xf32, #tpu.memory_space<vmem>>, vector<16xf32>,
          tpu.vector_store %arg13[%swap3A_309, %swap3A_310], %mul3A_308 {strides = array<i32>} : memref<8x768xf32, #tpu.memory_space<vmem>>, vector<16xf32>,
          %get3A_312 = arith.index_cast %add3A_82 : i32 to index
          %get3A_313 = arith.constant 448 : index
          %get3A_314 = tpu.vector_load %arg12[%get3A_312, %get3A_313] {strides = array<i32>} : memref<65x768xf32, #tpu.memory_space<vmem>>, vector<16xf32>,
          %mul3A_315 = vector.broadcast %reduce_max3A_88 : f32 to vector<16xf32>
          %mul3A_316 = arith.mulf %get3A_314, %mul3A_315 : vector<16xf32>
          %swap3A_317 = arith.index_cast %scan3A_79 : i32 to index
          %swap3A_318 = arith.constant 448 : index
          %swap3A_319 = tpu.vector_load %arg13[%swap3A_317, %swap3A_318] {strides = array<i32>} : memref<8x768xf32, #tpu.memory_space<vmem>>, vector<16xf32>,
          tpu.vector_store %arg13[%swap3A_317, %swap3A_318], %mul3A_316 {strides = array<i32>} : memref<8x768xf32, #tpu.memory_space<vmem>>, vector<16xf32>,
          %get3A_320 = arith.index_cast %add3A_82 : i32 to index
          %get3A_321 = arith.constant 464 : index
          %get3A_322 = tpu.vector_load %arg12[%get3A_320, %get3A_321] {strides = array<i32>} : memref<65x768xf32, #tpu.memory_space<vmem>>, vector<16xf32>,
          %mul3A_323 = vector.broadcast %reduce_max3A_88 : f32 to vector<16xf32>
          %mul3A_324 = arith.mulf %get3A_322, %mul3A_323 : vector<16xf32>
          %swap3A_325 = arith.index_cast %scan3A_79 : i32 to index
          %swap3A_326 = arith.constant 464 : index
          %swap3A_327 = tpu.vector_load %arg13[%swap3A_325, %swap3A_326] {strides = array<i32>} : memref<8x768xf32, #tpu.memory_space<vmem>>, vector<16xf32>,
          tpu.vector_store %arg13[%swap3A_325, %swap3A_326], %mul3A_324 {strides = array<i32>} : memref<8x768xf32, #tpu.memory_space<vmem>>, vector<16xf32>,
          %get3A_328 = arith.index_cast %add3A_82 : i32 to index
          %get3A_329 = arith.constant 480 : index
          %get3A_330 = tpu.vector_load %arg12[%get3A_328, %get3A_329] {strides = array<i32>} : memref<65x768xf32, #tpu.memory_space<vmem>>, vector<16xf32>,
          %mul3A_331 = vector.broadcast %reduce_max3A_88 : f32 to vector<16xf32>
          %mul3A_332 = arith.mulf %get3A_330, %mul3A_331 : vector<16xf32>
          %swap3A_333 = arith.index_cast %scan3A_79 : i32 to index
          %swap3A_334 = arith.constant 480 : index
          %swap3A_335 = tpu.vector_load %arg13[%swap3A_333, %swap3A_334] {strides = array<i32>} : memref<8x768xf32, #tpu.memory_space<vmem>>, vector<16xf32>,
          tpu.vector_store %arg13[%swap3A_333, %swap3A_334], %mul3A_332 {strides = array<i32>} : memref<8x768xf32, #tpu.memory_space<vmem>>, vector<16xf32>,
          %get3A_336 = arith.index_cast %add3A_82 : i32 to index
          %get3A_337 = arith.constant 496 : index
          %get3A_338 = tpu.vector_load %arg12[%get3A_336, %get3A_337] {strides = array<i32>} : memref<65x768xf32, #tpu.memory_space<vmem>>, vector<16xf32>,
          %mul3A_339 = vector.broadcast %reduce_max3A_88 : f32 to vector<16xf32>
          %mul3A_340 = arith.mulf %get3A_338, %mul3A_339 : vector<16xf32>
          %swap3A_341 = arith.index_cast %scan3A_79 : i32 to index
          %swap3A_342 = arith.constant 496 : index
          %swap3A_343 = tpu.vector_load %arg13[%swap3A_341, %swap3A_342] {strides = array<i32>} : memref<8x768xf32, #tpu.memory_space<vmem>>, vector<16xf32>,
          tpu.vector_store %arg13[%swap3A_341, %swap3A_342], %mul3A_340 {strides = array<i32>} : memref<8x768xf32, #tpu.memory_space<vmem>>, vector<16xf32>,
          %get3A_344 = arith.index_cast %add3A_82 : i32 to index
          %get3A_345 = arith.constant 512 : index
          %get3A_346 = tpu.vector_load %arg12[%get3A_344, %get3A_345] {strides = array<i32>} : memref<65x768xf32, #tpu.memory_space<vmem>>, vector<16xf32>,
          %mul3A_347 = vector.broadcast %reduce_max3A_88 : f32 to vector<16xf32>
          %mul3A_348 = arith.mulf %get3A_346, %mul3A_347 : vector<16xf32>
          %swap3A_349 = arith.index_cast %scan3A_79 : i32 to index
          %swap3A_350 = arith.constant 512 : index
          %swap3A_351 = tpu.vector_load %arg13[%swap3A_349, %swap3A_350] {strides = array<i32>} : memref<8x768xf32, #tpu.memory_space<vmem>>, vector<16xf32>,
          tpu.vector_store %arg13[%swap3A_349, %swap3A_350], %mul3A_348 {strides = array<i32>} : memref<8x768xf32, #tpu.memory_space<vmem>>, vector<16xf32>,
          %get3A_352 = arith.index_cast %add3A_82 : i32 to index
          %get3A_353 = arith.constant 528 : index
          %get3A_354 = tpu.vector_load %arg12[%get3A_352, %get3A_353] {strides = array<i32>} : memref<65x768xf32, #tpu.memory_space<vmem>>, vector<16xf32>,
          %mul3A_355 = vector.broadcast %reduce_max3A_88 : f32 to vector<16xf32>
          %mul3A_356 = arith.mulf %get3A_354, %mul3A_355 : vector<16xf32>
          %swap3A_357 = arith.index_cast %scan3A_79 : i32 to index
          %swap3A_358 = arith.constant 528 : index
          %swap3A_359 = tpu.vector_load %arg13[%swap3A_357, %swap3A_358] {strides = array<i32>} : memref<8x768xf32, #tpu.memory_space<vmem>>, vector<16xf32>,
          tpu.vector_store %arg13[%swap3A_357, %swap3A_358], %mul3A_356 {strides = array<i32>} : memref<8x768xf32, #tpu.memory_space<vmem>>, vector<16xf32>,
          %get3A_360 = arith.index_cast %add3A_82 : i32 to index
          %get3A_361 = arith.constant 544 : index
          %get3A_362 = tpu.vector_load %arg12[%get3A_360, %get3A_361] {strides = array<i32>} : memref<65x768xf32, #tpu.memory_space<vmem>>, vector<16xf32>,
          %mul3A_363 = vector.broadcast %reduce_max3A_88 : f32 to vector<16xf32>
          %mul3A_364 = arith.mulf %get3A_362, %mul3A_363 : vector<16xf32>
          %swap3A_365 = arith.index_cast %scan3A_79 : i32 to index
          %swap3A_366 = arith.constant 544 : index
          %swap3A_367 = tpu.vector_load %arg13[%swap3A_365, %swap3A_366] {strides = array<i32>} : memref<8x768xf32, #tpu.memory_space<vmem>>, vector<16xf32>,
          tpu.vector_store %arg13[%swap3A_365, %swap3A_366], %mul3A_364 {strides = array<i32>} : memref<8x768xf32, #tpu.memory_space<vmem>>, vector<16xf32>,
          %get3A_368 = arith.index_cast %add3A_82 : i32 to index
          %get3A_369 = arith.constant 560 : index
          %get3A_370 = tpu.vector_load %arg12[%get3A_368, %get3A_369] {strides = array<i32>} : memref<65x768xf32, #tpu.memory_space<vmem>>, vector<16xf32>,
          %mul3A_371 = vector.broadcast %reduce_max3A_88 : f32 to vector<16xf32>
          %mul3A_372 = arith.mulf %get3A_370, %mul3A_371 : vector<16xf32>
          %swap3A_373 = arith.index_cast %scan3A_79 : i32 to index
          %swap3A_374 = arith.constant 560 : index
          %swap3A_375 = tpu.vector_load %arg13[%swap3A_373, %swap3A_374] {strides = array<i32>} : memref<8x768xf32, #tpu.memory_space<vmem>>, vector<16xf32>,
          tpu.vector_store %arg13[%swap3A_373, %swap3A_374], %mul3A_372 {strides = array<i32>} : memref<8x768xf32, #tpu.memory_space<vmem>>, vector<16xf32>,
          %get3A_376 = arith.index_cast %add3A_82 : i32 to index
          %get3A_377 = arith.constant 576 : index
          %get3A_378 = tpu.vector_load %arg12[%get3A_376, %get3A_377] {strides = array<i32>} : memref<65x768xf32, #tpu.memory_space<vmem>>, vector<16xf32>,
          %mul3A_379 = vector.broadcast %reduce_max3A_88 : f32 to vector<16xf32>
          %mul3A_380 = arith.mulf %get3A_378, %mul3A_379 : vector<16xf32>
          %swap3A_381 = arith.index_cast %scan3A_79 : i32 to index
          %swap3A_382 = arith.constant 576 : index
          %swap3A_383 = tpu.vector_load %arg13[%swap3A_381, %swap3A_382] {strides = array<i32>} : memref<8x768xf32, #tpu.memory_space<vmem>>, vector<16xf32>,
          tpu.vector_store %arg13[%swap3A_381, %swap3A_382], %mul3A_380 {strides = array<i32>} : memref<8x768xf32, #tpu.memory_space<vmem>>, vector<16xf32>,
          %get3A_384 = arith.index_cast %add3A_82 : i32 to index
          %get3A_385 = arith.constant 592 : index
          %get3A_386 = tpu.vector_load %arg12[%get3A_384, %get3A_385] {strides = array<i32>} : memref<65x768xf32, #tpu.memory_space<vmem>>, vector<16xf32>,
          %mul3A_387 = vector.broadcast %reduce_max3A_88 : f32 to vector<16xf32>
          %mul3A_388 = arith.mulf %get3A_386, %mul3A_387 : vector<16xf32>
          %swap3A_389 = arith.index_cast %scan3A_79 : i32 to index
          %swap3A_390 = arith.constant 592 : index
          %swap3A_391 = tpu.vector_load %arg13[%swap3A_389, %swap3A_390] {strides = array<i32>} : memref<8x768xf32, #tpu.memory_space<vmem>>, vector<16xf32>,
          tpu.vector_store %arg13[%swap3A_389, %swap3A_390], %mul3A_388 {strides = array<i32>} : memref<8x768xf32, #tpu.memory_space<vmem>>, vector<16xf32>,
          %get3A_392 = arith.index_cast %add3A_82 : i32 to index
          %get3A_393 = arith.constant 608 : index
          %get3A_394 = tpu.vector_load %arg12[%get3A_392, %get3A_393] {strides = array<i32>} : memref<65x768xf32, #tpu.memory_space<vmem>>, vector<16xf32>,
          %mul3A_395 = vector.broadcast %reduce_max3A_88 : f32 to vector<16xf32>
          %mul3A_396 = arith.mulf %get3A_394, %mul3A_395 : vector<16xf32>
          %swap3A_397 = arith.index_cast %scan3A_79 : i32 to index
          %swap3A_398 = arith.constant 608 : index
          %swap3A_399 = tpu.vector_load %arg13[%swap3A_397, %swap3A_398] {strides = array<i32>} : memref<8x768xf32, #tpu.memory_space<vmem>>, vector<16xf32>,
          tpu.vector_store %arg13[%swap3A_397, %swap3A_398], %mul3A_396 {strides = array<i32>} : memref<8x768xf32, #tpu.memory_space<vmem>>, vector<16xf32>,
          %get3A_400 = arith.index_cast %add3A_82 : i32 to index
          %get3A_401 = arith.constant 624 : index
          %get3A_402 = tpu.vector_load %arg12[%get3A_400, %get3A_401] {strides = array<i32>} : memref<65x768xf32, #tpu.memory_space<vmem>>, vector<16xf32>,
          %mul3A_403 = vector.broadcast %reduce_max3A_88 : f32 to vector<16xf32>
          %mul3A_404 = arith.mulf %get3A_402, %mul3A_403 : vector<16xf32>
          %swap3A_405 = arith.index_cast %scan3A_79 : i32 to index
          %swap3A_406 = arith.constant 624 : index
          %swap3A_407 = tpu.vector_load %arg13[%swap3A_405, %swap3A_406] {strides = array<i32>} : memref<8x768xf32, #tpu.memory_space<vmem>>, vector<16xf32>,
          tpu.vector_store %arg13[%swap3A_405, %swap3A_406], %mul3A_404 {strides = array<i32>} : memref<8x768xf32, #tpu.memory_space<vmem>>, vector<16xf32>,
          %get3A_408 = arith.index_cast %add3A_82 : i32 to index
          %get3A_409 = arith.constant 640 : index
          %get3A_410 = tpu.vector_load %arg12[%get3A_408, %get3A_409] {strides = array<i32>} : memref<65x768xf32, #tpu.memory_space<vmem>>, vector<16xf32>,
          %mul3A_411 = vector.broadcast %reduce_max3A_88 : f32 to vector<16xf32>
          %mul3A_412 = arith.mulf %get3A_410, %mul3A_411 : vector<16xf32>
          %swap3A_413 = arith.index_cast %scan3A_79 : i32 to index
          %swap3A_414 = arith.constant 640 : index
          %swap3A_415 = tpu.vector_load %arg13[%swap3A_413, %swap3A_414] {strides = array<i32>} : memref<8x768xf32, #tpu.memory_space<vmem>>, vector<16xf32>,
          tpu.vector_store %arg13[%swap3A_413, %swap3A_414], %mul3A_412 {strides = array<i32>} : memref<8x768xf32, #tpu.memory_space<vmem>>, vector<16xf32>,
          %get3A_416 = arith.index_cast %add3A_82 : i32 to index
          %get3A_417 = arith.constant 656 : index
          %get3A_418 = tpu.vector_load %arg12[%get3A_416, %get3A_417] {strides = array<i32>} : memref<65x768xf32, #tpu.memory_space<vmem>>, vector<16xf32>,
          %mul3A_419 = vector.broadcast %reduce_max3A_88 : f32 to vector<16xf32>
          %mul3A_420 = arith.mulf %get3A_418, %mul3A_419 : vector<16xf32>
          %swap3A_421 = arith.index_cast %scan3A_79 : i32 to index
          %swap3A_422 = arith.constant 656 : index
          %swap3A_423 = tpu.vector_load %arg13[%swap3A_421, %swap3A_422] {strides = array<i32>} : memref<8x768xf32, #tpu.memory_space<vmem>>, vector<16xf32>,
          tpu.vector_store %arg13[%swap3A_421, %swap3A_422], %mul3A_420 {strides = array<i32>} : memref<8x768xf32, #tpu.memory_space<vmem>>, vector<16xf32>,
          %get3A_424 = arith.index_cast %add3A_82 : i32 to index
          %get3A_425 = arith.constant 672 : index
          %get3A_426 = tpu.vector_load %arg12[%get3A_424, %get3A_425] {strides = array<i32>} : memref<65x768xf32, #tpu.memory_space<vmem>>, vector<16xf32>,
          %mul3A_427 = vector.broadcast %reduce_max3A_88 : f32 to vector<16xf32>
          %mul3A_428 = arith.mulf %get3A_426, %mul3A_427 : vector<16xf32>
          %swap3A_429 = arith.index_cast %scan3A_79 : i32 to index
          %swap3A_430 = arith.constant 672 : index
          %swap3A_431 = tpu.vector_load %arg13[%swap3A_429, %swap3A_430] {strides = array<i32>} : memref<8x768xf32, #tpu.memory_space<vmem>>, vector<16xf32>,
          tpu.vector_store %arg13[%swap3A_429, %swap3A_430], %mul3A_428 {strides = array<i32>} : memref<8x768xf32, #tpu.memory_space<vmem>>, vector<16xf32>,
          %get3A_432 = arith.index_cast %add3A_82 : i32 to index
          %get3A_433 = arith.constant 688 : index
          %get3A_434 = tpu.vector_load %arg12[%get3A_432, %get3A_433] {strides = array<i32>} : memref<65x768xf32, #tpu.memory_space<vmem>>, vector<16xf32>,
          %mul3A_435 = vector.broadcast %reduce_max3A_88 : f32 to vector<16xf32>
          %mul3A_436 = arith.mulf %get3A_434, %mul3A_435 : vector<16xf32>
          %swap3A_437 = arith.index_cast %scan3A_79 : i32 to index
          %swap3A_438 = arith.constant 688 : index
          %swap3A_439 = tpu.vector_load %arg13[%swap3A_437, %swap3A_438] {strides = array<i32>} : memref<8x768xf32, #tpu.memory_space<vmem>>, vector<16xf32>,
          tpu.vector_store %arg13[%swap3A_437, %swap3A_438], %mul3A_436 {strides = array<i32>} : memref<8x768xf32, #tpu.memory_space<vmem>>, vector<16xf32>,
          %get3A_440 = arith.index_cast %add3A_82 : i32 to index
          %get3A_441 = arith.constant 704 : index
          %get3A_442 = tpu.vector_load %arg12[%get3A_440, %get3A_441] {strides = array<i32>} : memref<65x768xf32, #tpu.memory_space<vmem>>, vector<16xf32>,
          %mul3A_443 = vector.broadcast %reduce_max3A_88 : f32 to vector<16xf32>
          %mul3A_444 = arith.mulf %get3A_442, %mul3A_443 : vector<16xf32>
          %swap3A_445 = arith.index_cast %scan3A_79 : i32 to index
          %swap3A_446 = arith.constant 704 : index
          %swap3A_447 = tpu.vector_load %arg13[%swap3A_445, %swap3A_446] {strides = array<i32>} : memref<8x768xf32, #tpu.memory_space<vmem>>, vector<16xf32>,
          tpu.vector_store %arg13[%swap3A_445, %swap3A_446], %mul3A_444 {strides = array<i32>} : memref<8x768xf32, #tpu.memory_space<vmem>>, vector<16xf32>,
          %get3A_448 = arith.index_cast %add3A_82 : i32 to index
          %get3A_449 = arith.constant 720 : index
          %get3A_450 = tpu.vector_load %arg12[%get3A_448, %get3A_449] {strides = array<i32>} : memref<65x768xf32, #tpu.memory_space<vmem>>, vector<16xf32>,
          %mul3A_451 = vector.broadcast %reduce_max3A_88 : f32 to vector<16xf32>
          %mul3A_452 = arith.mulf %get3A_450, %mul3A_451 : vector<16xf32>
          %swap3A_453 = arith.index_cast %scan3A_79 : i32 to index
          %swap3A_454 = arith.constant 720 : index
          %swap3A_455 = tpu.vector_load %arg13[%swap3A_453, %swap3A_454] {strides = array<i32>} : memref<8x768xf32, #tpu.memory_space<vmem>>, vector<16xf32>,
          tpu.vector_store %arg13[%swap3A_453, %swap3A_454], %mul3A_452 {strides = array<i32>} : memref<8x768xf32, #tpu.memory_space<vmem>>, vector<16xf32>,
          %get3A_456 = arith.index_cast %add3A_82 : i32 to index
          %get3A_457 = arith.constant 736 : index
          %get3A_458 = tpu.vector_load %arg12[%get3A_456, %get3A_457] {strides = array<i32>} : memref<65x768xf32, #tpu.memory_space<vmem>>, vector<16xf32>,
          %mul3A_459 = vector.broadcast %reduce_max3A_88 : f32 to vector<16xf32>
          %mul3A_460 = arith.mulf %get3A_458, %mul3A_459 : vector<16xf32>
          %swap3A_461 = arith.index_cast %scan3A_79 : i32 to index
          %swap3A_462 = arith.constant 736 : index
          %swap3A_463 = tpu.vector_load %arg13[%swap3A_461, %swap3A_462] {strides = array<i32>} : memref<8x768xf32, #tpu.memory_space<vmem>>, vector<16xf32>,
          tpu.vector_store %arg13[%swap3A_461, %swap3A_462], %mul3A_460 {strides = array<i32>} : memref<8x768xf32, #tpu.memory_space<vmem>>, vector<16xf32>,
          %get3A_464 = arith.index_cast %add3A_82 : i32 to index
          %get3A_465 = arith.constant 752 : index
          %get3A_466 = tpu.vector_load %arg12[%get3A_464, %get3A_465] {strides = array<i32>} : memref<65x768xf32, #tpu.memory_space<vmem>>, vector<16xf32>,
          %mul3A_467 = vector.broadcast %reduce_max3A_88 : f32 to vector<16xf32>
          %mul3A_468 = arith.mulf %get3A_466, %mul3A_467 : vector<16xf32>
          %swap3A_469 = arith.index_cast %scan3A_79 : i32 to index
          %swap3A_470 = arith.constant 752 : index
          %swap3A_471 = tpu.vector_load %arg13[%swap3A_469, %swap3A_470] {strides = array<i32>} : memref<8x768xf32, #tpu.memory_space<vmem>>, vector<16xf32>,
          tpu.vector_store %arg13[%swap3A_469, %swap3A_470], %mul3A_468 {strides = array<i32>} : memref<8x768xf32, #tpu.memory_space<vmem>>, vector<16xf32>,
        }
        %scan3A_75 = arith.constant 8 : i32
        %mul3A_76 = arith.constant 8 : i32
        %mul3A_77 = arith.muli %scan3A_64, %mul3A_76 : i32
        %add3A_78 = arith.addi %mul3A_12, %mul3A_77 : i32
        "tpu.region"() ({
          %run_scoped3A = tpu.sem_alloc : memref<!tpu.dma_semaphore, #tpu.memory_space<semaphore_mem>>
          %dma_start3A = arith.constant 0 : i32
          %dma_start3A_79 = tpu.memref_slice %arg5[%add3A_78, %dma_start3A] : memref<32768x768xf32, #tpu.memory_space<hbm>> -> memref<8x768xf32, #tpu.memory_space<hbm>>
          %dma_start3A_80 = arith.constant 0 : i32
          %dma_start3A_81 = tpu.memref_slice %arg5[%add3A_78, %dma_start3A_80] : memref<32768x768xf32, #tpu.memory_space<hbm>> -> memref<8x768xf32, #tpu.memory_space<hbm>>
          tpu.enqueue_dma source(%arg13 : memref<8x768xf32, #tpu.memory_space<vmem>>) target(%dma_start3A_81 : memref<8x768xf32, #tpu.memory_space<hbm>>) target_semaphore(%run_scoped3A : memref<!tpu.dma_semaphore, #tpu.memory_space<semaphore_mem>>)
          %dma_wait3A = arith.constant 0 : i32
          %dma_wait3A_82 = tpu.memref_slice %arg5[%add3A_78, %dma_wait3A] : memref<32768x768xf32, #tpu.memory_space<hbm>> -> memref<8x768xf32, #tpu.memory_space<hbm>>
          %dma_wait3A_83 = arith.constant 0 : i32
          %dma_wait3A_84 = tpu.memref_slice %arg5[%add3A_78, %dma_wait3A_83] : memref<32768x768xf32, #tpu.memory_space<hbm>> -> memref<8x768xf32, #tpu.memory_space<hbm>>
          tpu.wait_dma2 semaphore(%run_scoped3A : memref<!tpu.dma_semaphore, #tpu.memory_space<semaphore_mem>>) src(%arg13 : memref<8x768xf32, #tpu.memory_space<vmem>>) dst(%dma_wait3A_84 : memref<8x768xf32, #tpu.memory_space<hbm>>)
          tpu.yield
        }) : () -> ()
      }
      %scan3A_63 = arith.constant 8 : i32
    }
    %scan3A_6 = arith.constant 16 : i32
    return
  }
}

module attributes {stable_mosaic.version = 14 : i64} {
  func.func @_bisect_body(%arg0: i32, %arg1: memref<64x32768xf32, #tpu.memory_space<vmem>>, %arg2: memref<64x1xf32, #tpu.memory_space<vmem>>, %arg3: memref<64x1xf32, #tpu.memory_space<vmem>>, %arg4: memref<64x16xf32, #tpu.memory_space<vmem>>) attributes {dimension_semantics = [#tpu.dimension_semantics<arbitrary>], iteration_bounds = array<i64: 1>, scalar_prefetch = 0 : i64, scratch_operands = 0 : i64, tpu.core_type = #tpu.core_type<tc>, window_params = [{pipeline_mode = #tpu.pipeline_mode<synchronous>, transform_indices = @transform_0, window_bounds = array<i64: 64, 32768>}, {pipeline_mode = #tpu.pipeline_mode<synchronous>, transform_indices = @transform_1, window_bounds = array<i64: 64, 1>}, {pipeline_mode = #tpu.pipeline_mode<synchronous>, transform_indices = @transform_2, window_bounds = array<i64: 64, 1>}, {pipeline_mode = #tpu.pipeline_mode<synchronous>, transform_indices = @transform_3, window_bounds = array<i64: 64, 16>}]} {
    %get3A = arith.constant 0 : index
    %get3A_0 = arith.constant 0 : index
    %get3A_1 = vector.load %arg1[%get3A, %get3A_0] : memref<64x32768xf32, #tpu.memory_space<vmem>>, vector<64x32768xf32>
    %bitcast_convert_type3A = tpu.bitcast %get3A_1 : vector<64x32768xf32> -> vector<64x32768xi32>
    %ge3A = arith.constant 0 : i32
    %ge3A_2 = vector.broadcast %ge3A : i32 to vector<64x32768xi32>
    %ge3A_3 = arith.cmpi sge, %bitcast_convert_type3A, %ge3A_2 : vector<64x32768xi32>
    %xor3A = arith.constant 2147483647 : i32
    %xor3A_4 = vector.broadcast %xor3A : i32 to vector<64x32768xi32>
    %xor3A_5 = arith.xori %bitcast_convert_type3A, %xor3A_4 : vector<64x32768xi32>
    %select_n3A = arith.select %ge3A_3, %bitcast_convert_type3A, %xor3A_5 : vector<64x32768xi1>, vector<64x32768xi32>
    %broadcast_in_dim3A = arith.constant -2147483648 : i32
    %broadcast_in_dim3A_6 = vector.broadcast %broadcast_in_dim3A : i32 to vector<64x1xi32>
    %broadcast_in_dim3A_7 = arith.constant 2147483647 : i32
    %broadcast_in_dim3A_8 = vector.broadcast %broadcast_in_dim3A_7 : i32 to vector<64x1xi32>
    %scan3A = arith.constant 0 : i32
    %scan3A_9 = arith.constant 32 : i32
    %scan3A_10 = arith.addi %scan3A, %scan3A_9 : i32
    %scan3A_11 = arith.constant 1 : i32
    %scan3A_12:2 = scf.for %scan3A_33 = %scan3A to %scan3A_10 step %scan3A_11 iter_args(%scan3A_34 = %broadcast_in_dim3A_6, %scan3A_35 = %broadcast_in_dim3A_8) -> (vector<64x1xi32>, vector<64x1xi32>)  : i32 {
      %and3A = arith.andi %scan3A_34, %scan3A_35 : vector<64x1xi32>
      %xor3A_36 = arith.xori %scan3A_34, %scan3A_35 : vector<64x1xi32>
      %shift_right_arithmetic3A = arith.constant 1 : i32
      %shift_right_arithmetic3A_37 = vector.broadcast %shift_right_arithmetic3A : i32 to vector<64x1xi32>
      %shift_right_arithmetic3A_38 = arith.shrsi %xor3A_36, %shift_right_arithmetic3A_37 : vector<64x1xi32>
      %add3A = arith.addi %and3A, %shift_right_arithmetic3A_38 : vector<64x1xi32>
      %xor3A_39 = arith.xori %scan3A_34, %scan3A_35 : vector<64x1xi32>
      %and3A_40 = arith.constant 1 : i32
      %and3A_41 = vector.broadcast %and3A_40 : i32 to vector<64x1xi32>
      %and3A_42 = arith.andi %xor3A_39, %and3A_41 : vector<64x1xi32>
      %add3A_43 = arith.addi %add3A, %and3A_42 : vector<64x1xi32>
      %ge3A_44 = vector.broadcast %add3A_43 : vector<64x1xi32> to vector<64x32768xi32>
      %ge3A_45 = arith.cmpi sge, %select_n3A, %ge3A_44 : vector<64x32768xi32>
      %convert_element_type3A = arith.extui %ge3A_45 : vector<64x32768xi1> to vector<64x32768xi32>
      %reduce_sum3A = arith.constant dense<0> : vector<64xi32>
      %reduce_sum3A_46 = vector.multi_reduction <add>, %convert_element_type3A, %reduce_sum3A [1] : vector<64x32768xi32> to vector<64xi32>
      %broadcast_in_dim3A_47 = vector.shape_cast %reduce_sum3A_46 : vector<64xi32> to vector<64x1xi32>
      %ge3A_48 = arith.constant 512 : i32
      %ge3A_49 = vector.broadcast %ge3A_48 : i32 to vector<64x1xi32>
      %ge3A_50 = arith.cmpi sge, %broadcast_in_dim3A_47, %ge3A_49 : vector<64x1xi32>
      %select_n3A_51 = arith.select %ge3A_50, %add3A_43, %scan3A_34 : vector<64x1xi1>, vector<64x1xi32>
      %sub3A = arith.constant 1 : i32
      %sub3A_52 = vector.broadcast %sub3A : i32 to vector<64x1xi32>
      %sub3A_53 = arith.subi %add3A_43, %sub3A_52 : vector<64x1xi32>
      %select_n3A_54 = arith.select %ge3A_50, %scan3A_35, %sub3A_53 : vector<64x1xi1>, vector<64x1xi32>
      scf.yield %select_n3A_51, %select_n3A_54 : vector<64x1xi32>, vector<64x1xi32>
    }
    %ge3A_13 = arith.constant 0 : i32
    %ge3A_14 = vector.broadcast %ge3A_13 : i32 to vector<64x1xi32>
    %ge3A_15 = arith.cmpi sge, %scan3A_12#0, %ge3A_14 : vector<64x1xi32>
    %xor3A_16 = arith.constant 2147483647 : i32
    %xor3A_17 = vector.broadcast %xor3A_16 : i32 to vector<64x1xi32>
    %xor3A_18 = arith.xori %scan3A_12#0, %xor3A_17 : vector<64x1xi32>
    %select_n3A_19 = arith.select %ge3A_15, %scan3A_12#0, %xor3A_18 : vector<64x1xi1>, vector<64x1xi32>
    %bitcast_convert_type3A_20 = tpu.bitcast %select_n3A_19 : vector<64x1xi32> -> vector<64x1xf32>
    %get3A_21 = arith.constant 0 : index
    %get3A_22 = arith.constant 0 : index
    %get3A_23 = vector.load %arg2[%get3A_21, %get3A_22] : memref<64x1xf32, #tpu.memory_space<vmem>>, vector<64x1xf32>
    %get3A_24 = arith.constant 0 : index
    %get3A_25 = arith.constant 0 : index
    %get3A_26 = vector.load %arg3[%get3A_24, %get3A_25] : memref<64x1xf32, #tpu.memory_space<vmem>>, vector<64x1xf32>
    %div3A = arith.constant 1.000000e+00 : f32
    %div3A_27 = vector.broadcast %div3A : f32 to vector<64x1xf32>
    %div3A_28 = arith.divf %div3A_27, %get3A_26 : vector<64x1xf32>
    %broadcast_in_dim3A_29 = arith.constant 0.000000e+00 : f32
    %broadcast_in_dim3A_30 = vector.broadcast %broadcast_in_dim3A_29 : f32 to vector<64x12xf32>
    %slice3A = vector.extract_strided_slice %broadcast_in_dim3A_30 {offsets = [0, 0], sizes = [64, 1], strides = [1, 1]} : vector<64x12xf32> to vector<64x1xf32>
    %concatenate3A = tpu.concatenate %slice3A, %bitcast_convert_type3A_20, %get3A_23, %div3A_28, %broadcast_in_dim3A_30 in 1 : vector<64x1xf32>, vector<64x1xf32>, vector<64x1xf32>, vector<64x1xf32>, vector<64x12xf32> -> vector<64x16xf32>
    %swap3A = arith.constant 0 : index
    %swap3A_31 = arith.constant 0 : index
    %swap3A_32 = vector.load %arg4[%swap3A, %swap3A_31] : memref<64x16xf32, #tpu.memory_space<vmem>>, vector<64x16xf32>
    tpu.vector_store %arg4[%swap3A, %swap3A_31], %concatenate3A {strides = array<i32>} : memref<64x16xf32, #tpu.memory_space<vmem>>, vector<64x16xf32>,
    return
  }
  func.func @transform_0(%arg0: i32) -> (i32, i32) {
    %c0_i32 = arith.constant 0 : i32
    %c0_i32_0 = arith.constant 0 : i32
    %c0_i32_1 = arith.constant 0 : i32
    return %c0_i32, %c0_i32_0 : i32, i32
  }
  func.func @transform_1(%arg0: i32) -> (i32, i32) {
    %c0_i32 = arith.constant 0 : i32
    %c0_i32_0 = arith.constant 0 : i32
    %c0_i32_1 = arith.constant 0 : i32
    return %c0_i32, %c0_i32_0 : i32, i32
  }
  func.func @transform_2(%arg0: i32) -> (i32, i32) {
    %c0_i32 = arith.constant 0 : i32
    %c0_i32_0 = arith.constant 0 : i32
    %c0_i32_1 = arith.constant 0 : i32
    return %c0_i32, %c0_i32_0 : i32, i32
  }
  func.func @transform_3(%arg0: i32) -> (i32, i32) {
    %c0_i32 = arith.constant 0 : i32
    %c0_i32_0 = arith.constant 0 : i32
    %c0_i32_1 = arith.constant 0 : i32
    return %c0_i32, %c0_i32_0 : i32, i32
  }
}

module attributes {stable_mosaic.version = 14 : i64} {
  func.func @_router_body(%arg0: i32, %arg1: memref<2048x768xf32, #tpu.memory_space<vmem>>, %arg2: memref<64x768xf32, #tpu.memory_space<vmem>>, %arg3: memref<64x2048xf32, #tpu.memory_space<vmem>>, %arg4: memref<64x1xf32, #tpu.memory_space<vmem>>, %arg5: memref<64x1xf32, #tpu.memory_space<vmem>>, %arg6: memref<1x1xf32, #tpu.memory_space<vmem>>) attributes {dimension_semantics = [#tpu.dimension_semantics<arbitrary>], iteration_bounds = array<i64: 16>, scalar_prefetch = 0 : i64, scratch_operands = 0 : i64, tpu.core_type = #tpu.core_type<tc>, window_params = [{transform_indices = @transform_0, window_bounds = array<i64: 2048, 768>}, {pipeline_mode = #tpu.pipeline_mode<synchronous>, transform_indices = @transform_1, window_bounds = array<i64: 64, 768>}, {transform_indices = @transform_2, window_bounds = array<i64: 64, 2048>}, {pipeline_mode = #tpu.pipeline_mode<synchronous>, transform_indices = @transform_3, window_bounds = array<i64: 64, 1>}, {pipeline_mode = #tpu.pipeline_mode<synchronous>, transform_indices = @transform_4, window_bounds = array<i64: 64, 1>}, {pipeline_mode = #tpu.pipeline_mode<synchronous>, transform_indices = @transform_5, window_bounds = array<i64: 1, 1>}]} {
    %eq3A = arith.constant 0 : i32
    %eq3A_0 = arith.cmpi eq, %arg0, %eq3A : i32
    %convert_element_type3A = arith.extui %eq3A_0 : i1 to i32
    %cond3A = arith.constant 0 : i32
    %cond3A_1 = arith.cmpi ne, %convert_element_type3A, %cond3A : i32
    scf.if %cond3A_1 {
      %broadcast_in_dim3A_51 = arith.constant -1.000000e+30 : f32
      %broadcast_in_dim3A_52 = vector.broadcast %broadcast_in_dim3A_51 : f32 to vector<64x1xf32>
      %swap3A_53 = arith.constant 0 : index
      %swap3A_54 = arith.constant 0 : index
      %swap3A_55 = vector.load %arg4[%swap3A_53, %swap3A_54] : memref<64x1xf32, #tpu.memory_space<vmem>>, vector<64x1xf32>
      tpu.vector_store %arg4[%swap3A_53, %swap3A_54], %broadcast_in_dim3A_52 {strides = array<i32>} : memref<64x1xf32, #tpu.memory_space<vmem>>, vector<64x1xf32>,
      %broadcast_in_dim3A_56 = arith.constant 0.000000e+00 : f32
      %broadcast_in_dim3A_57 = vector.broadcast %broadcast_in_dim3A_56 : f32 to vector<64x1xf32>
      %swap3A_58 = arith.constant 0 : index
      %swap3A_59 = arith.constant 0 : index
      %swap3A_60 = vector.load %arg5[%swap3A_58, %swap3A_59] : memref<64x1xf32, #tpu.memory_space<vmem>>, vector<64x1xf32>
      tpu.vector_store %arg5[%swap3A_58, %swap3A_59], %broadcast_in_dim3A_57 {strides = array<i32>} : memref<64x1xf32, #tpu.memory_space<vmem>>, vector<64x1xf32>,
      %broadcast_in_dim3A_61 = arith.constant 0.000000e+00 : f32
      %broadcast_in_dim3A_62 = vector.broadcast %broadcast_in_dim3A_61 : f32 to vector<1x1xf32>
      %swap3A_63 = arith.constant 0 : index
      %swap3A_64 = arith.constant 0 : index
      %swap3A_65 = vector.load %arg6[%swap3A_63, %swap3A_64] : memref<1x1xf32, #tpu.memory_space<vmem>>, vector<1x1xf32>
      tpu.vector_store %arg6[%swap3A_63, %swap3A_64], %broadcast_in_dim3A_62 {strides = array<i32>} : memref<1x1xf32, #tpu.memory_space<vmem>>, vector<1x1xf32>,
    } else {
    }
    %get3A = arith.constant 0 : index
    %get3A_2 = arith.constant 0 : index
    %get3A_3 = vector.load %arg1[%get3A, %get3A_2] : memref<2048x768xf32, #tpu.memory_space<vmem>>, vector<2048x768xf32>
    %get3A_4 = arith.constant 0 : index
    %get3A_5 = arith.constant 0 : index
    %get3A_6 = vector.load %arg2[%get3A_4, %get3A_5] : memref<64x768xf32, #tpu.memory_space<vmem>>, vector<64x768xf32>
    %dot_general3A = arith.constant dense<0.000000e+00> : vector<64x2048xf32>
    %dot_general3A_7 = tpu.matmul %get3A_6, %get3A_3, %dot_general3A {dimension_numbers = #tpu.dot_dimension_numbers<[1], [1], [0], [0], [0, 0, 1, 0], [], []>, transpose_lhs_hint = false} : vector<64x768xf32>, vector<2048x768xf32>, vector<64x2048xf32> -> vector<64x2048xf32>
    %swap3A = arith.constant 0 : index
    %swap3A_8 = arith.constant 0 : index
    %swap3A_9 = vector.load %arg3[%swap3A, %swap3A_8] : memref<64x2048xf32, #tpu.memory_space<vmem>>, vector<64x2048xf32>
    tpu.vector_store %arg3[%swap3A, %swap3A_8], %dot_general3A_7 {strides = array<i32>} : memref<64x2048xf32, #tpu.memory_space<vmem>>, vector<64x2048xf32>,
    %reduce_max3A = arith.constant dense<0xFF800000> : vector<64xf32>
    %reduce_max3A_10 = vector.multi_reduction <maximumf>, %dot_general3A_7, %reduce_max3A [1] : vector<64x2048xf32> to vector<64xf32>
    %broadcast_in_dim3A = vector.shape_cast %reduce_max3A_10 : vector<64xf32> to vector<64x1xf32>
    %get3A_11 = arith.constant 0 : index
    %get3A_12 = arith.constant 0 : index
    %get3A_13 = vector.load %arg4[%get3A_11, %get3A_12] : memref<64x1xf32, #tpu.memory_space<vmem>>, vector<64x1xf32>
    %max3A = arith.maximumf %get3A_13, %broadcast_in_dim3A : vector<64x1xf32>
    %get3A_14 = arith.constant 0 : index
    %get3A_15 = arith.constant 0 : index
    %get3A_16 = vector.load %arg5[%get3A_14, %get3A_15] : memref<64x1xf32, #tpu.memory_space<vmem>>, vector<64x1xf32>
    %sub3A = arith.subf %get3A_13, %max3A : vector<64x1xf32>
    %exp3A = math.exp %sub3A : vector<64x1xf32>
    %mul3A = arith.mulf %get3A_16, %exp3A : vector<64x1xf32>
    %sub3A_17 = vector.broadcast %max3A : vector<64x1xf32> to vector<64x2048xf32>
    %sub3A_18 = arith.subf %dot_general3A_7, %sub3A_17 : vector<64x2048xf32>
    %exp3A_19 = math.exp %sub3A_18 : vector<64x2048xf32>
    %reduce_sum3A = arith.constant dense<0.000000e+00> : vector<64xf32>
    %reduce_sum3A_20 = vector.multi_reduction <add>, %exp3A_19, %reduce_sum3A [1] : vector<64x2048xf32> to vector<64xf32>
    %broadcast_in_dim3A_21 = vector.shape_cast %reduce_sum3A_20 : vector<64xf32> to vector<64x1xf32>
    %add3A = arith.addf %mul3A, %broadcast_in_dim3A_21 : vector<64x1xf32>
    %swap3A_22 = arith.constant 0 : index
    %swap3A_23 = arith.constant 0 : index
    %swap3A_24 = vector.load %arg5[%swap3A_22, %swap3A_23] : memref<64x1xf32, #tpu.memory_space<vmem>>, vector<64x1xf32>
    tpu.vector_store %arg5[%swap3A_22, %swap3A_23], %add3A {strides = array<i32>} : memref<64x1xf32, #tpu.memory_space<vmem>>, vector<64x1xf32>,
    %swap3A_25 = arith.constant 0 : index
    %swap3A_26 = arith.constant 0 : index
    %swap3A_27 = vector.load %arg4[%swap3A_25, %swap3A_26] : memref<64x1xf32, #tpu.memory_space<vmem>>, vector<64x1xf32>
    tpu.vector_store %arg4[%swap3A_25, %swap3A_26], %max3A {strides = array<i32>} : memref<64x1xf32, #tpu.memory_space<vmem>>, vector<64x1xf32>,
    %reduce_max3A_28 = arith.constant dense<0xFF800000> : vector<2048xf32>
    %reduce_max3A_29 = vector.multi_reduction <maximumf>, %dot_general3A_7, %reduce_max3A_28 [0] : vector<64x2048xf32> to vector<2048xf32>
    %broadcast_in_dim3A_30 = vector.shape_cast %reduce_max3A_29 : vector<2048xf32> to vector<1x2048xf32>
    %sub3A_31 = vector.broadcast %broadcast_in_dim3A_30 : vector<1x2048xf32> to vector<64x2048xf32>
    %sub3A_32 = arith.subf %dot_general3A_7, %sub3A_31 : vector<64x2048xf32>
    %exp3A_33 = math.exp %sub3A_32 : vector<64x2048xf32>
    %reduce_sum3A_34 = arith.constant dense<0.000000e+00> : vector<2048xf32>
    %reduce_sum3A_35 = vector.multi_reduction <add>, %exp3A_33, %reduce_sum3A_34 [0] : vector<64x2048xf32> to vector<2048xf32>
    %broadcast_in_dim3A_36 = vector.shape_cast %reduce_sum3A_35 : vector<2048xf32> to vector<1x2048xf32>
    %log3A = math.log %broadcast_in_dim3A_36 : vector<1x2048xf32>
    %add3A_37 = arith.addf %log3A, %broadcast_in_dim3A_30 : vector<1x2048xf32>
    %get3A_38 = arith.constant 0 : index
    %get3A_39 = arith.constant 0 : index
    %get3A_40 = vector.load %arg6[%get3A_38, %get3A_39] : memref<1x1xf32, #tpu.memory_space<vmem>>, vector<1x1xf32>
    %mul3A_41 = arith.mulf %add3A_37, %add3A_37 : vector<1x2048xf32>
    %reduce_sum3A_42 = vector.shape_cast %mul3A_41 : vector<1x2048xf32> to vector<1x1x2048xf32>
    %reduce_sum3A_43 = arith.constant dense<0.000000e+00> : vector<1xf32>
    %reduce_sum3A_44 = vector.multi_reduction <add>, %reduce_sum3A_42, %reduce_sum3A_43 [1, 2] : vector<1x1x2048xf32> to vector<1xf32>
    %reduce_sum3A_45 = vector.shape_cast %reduce_sum3A_44 : vector<1xf32> to vector<1x1x1xf32>
    %reduce_sum3A_46 = vector.extract %reduce_sum3A_45[0, 0, 0] : f32 from vector<1x1x1xf32>
    %reshape3A = vector.broadcast %reduce_sum3A_46 : f32 to vector<1x1xf32>
    %add3A_47 = arith.addf %get3A_40, %reshape3A : vector<1x1xf32>
    %swap3A_48 = arith.constant 0 : index
    %swap3A_49 = arith.constant 0 : index
    %swap3A_50 = vector.load %arg6[%swap3A_48, %swap3A_49] : memref<1x1xf32, #tpu.memory_space<vmem>>, vector<1x1xf32>
    tpu.vector_store %arg6[%swap3A_48, %swap3A_49], %add3A_47 {strides = array<i32>} : memref<1x1xf32, #tpu.memory_space<vmem>>, vector<1x1xf32>,
    return
  }
  func.func @transform_0(%arg0: i32) -> (i32, i32) {
    %c0_i32 = arith.constant 0 : i32
    %c0_i32_0 = arith.constant 0 : i32
    return %arg0, %c0_i32 : i32, i32
  }
  func.func @transform_1(%arg0: i32) -> (i32, i32) {
    %c0_i32 = arith.constant 0 : i32
    %c0_i32_0 = arith.constant 0 : i32
    %c0_i32_1 = arith.constant 0 : i32
    return %c0_i32, %c0_i32_0 : i32, i32
  }
  func.func @transform_2(%arg0: i32) -> (i32, i32) {
    %c0_i32 = arith.constant 0 : i32
    %c0_i32_0 = arith.constant 0 : i32
    return %c0_i32, %arg0 : i32, i32
  }
  func.func @transform_3(%arg0: i32) -> (i32, i32) {
    %c0_i32 = arith.constant 0 : i32
    %c0_i32_0 = arith.constant 0 : i32
    %c0_i32_1 = arith.constant 0 : i32
    return %c0_i32, %c0_i32_0 : i32, i32
  }
  func.func @transform_4(%arg0: i32) -> (i32, i32) {
    %c0_i32 = arith.constant 0 : i32
    %c0_i32_0 = arith.constant 0 : i32
    %c0_i32_1 = arith.constant 0 : i32
    return %c0_i32, %c0_i32_0 : i32, i32
  }
  func.func @transform_5(%arg0: i32) -> (i32, i32) {
    %c0_i32 = arith.constant 0 : i32
    %c0_i32_0 = arith.constant 0 : i32
    %c0_i32_1 = arith.constant 0 : i32
    return %c0_i32, %c0_i32_0 : i32, i32
  }
}

module attributes {stable_mosaic.version = 14 : i64} {
  func.func @_ffn_body(%arg0: i32, %arg1: i32, %arg2: memref<1x512x768xf32, #tpu.memory_space<vmem>>, %arg3: memref<1x512x768xf32, #tpu.memory_space<vmem>>, %arg4: memref<1x512x768xf32, #tpu.memory_space<vmem>>, %arg5: memref<1x768x512xf32, #tpu.memory_space<vmem>>, %arg6: memref<1x512x1xf32, #tpu.memory_space<vmem>>, %arg7: memref<1x512x768xf32, #tpu.memory_space<vmem>>) attributes {dimension_semantics = [#tpu.dimension_semantics<arbitrary>, #tpu.dimension_semantics<arbitrary>], iteration_bounds = array<i64: 64, 4>, scalar_prefetch = 0 : i64, scratch_operands = 0 : i64, tpu.core_type = #tpu.core_type<tc>, window_params = [{transform_indices = @transform_0, window_bounds = array<i64: 1, 512, 768>}, {transform_indices = @transform_1, window_bounds = array<i64: 1, 512, 768>}, {transform_indices = @transform_2, window_bounds = array<i64: 1, 512, 768>}, {transform_indices = @transform_3, window_bounds = array<i64: 1, 768, 512>}, {transform_indices = @transform_4, window_bounds = array<i64: 1, 512, 1>}, {transform_indices = @transform_5, window_bounds = array<i64: 1, 512, 768>}]} {
    %get3A = arith.constant 0 : index
    %get3A_0 = arith.constant 0 : index
    %get3A_1 = arith.constant 0 : index
    %get3A_2 = vector.load %arg2[%get3A, %get3A_0, %get3A_1] : memref<1x512x768xf32, #tpu.memory_space<vmem>>, vector<1x512x768xf32>
    %get3A_3 = vector.shape_cast %get3A_2 : vector<1x512x768xf32> to vector<512x768xf32>
    %convert_element_type3A = arith.truncf %get3A_3 : vector<512x768xf32> to vector<512x768xbf16>
    %get3A_4 = arith.constant 0 : index
    %get3A_5 = arith.constant 0 : index
    %get3A_6 = arith.constant 0 : index
    %get3A_7 = vector.load %arg3[%get3A_4, %get3A_5, %get3A_6] : memref<1x512x768xf32, #tpu.memory_space<vmem>>, vector<1x512x768xf32>
    %get3A_8 = vector.shape_cast %get3A_7 : vector<1x512x768xf32> to vector<512x768xf32>
    %convert_element_type3A_9 = arith.truncf %get3A_8 : vector<512x768xf32> to vector<512x768xbf16>
    %get3A_10 = arith.constant 0 : index
    %get3A_11 = arith.constant 0 : index
    %get3A_12 = arith.constant 0 : index
    %get3A_13 = vector.load %arg4[%get3A_10, %get3A_11, %get3A_12] : memref<1x512x768xf32, #tpu.memory_space<vmem>>, vector<1x512x768xf32>
    %get3A_14 = vector.shape_cast %get3A_13 : vector<1x512x768xf32> to vector<512x768xf32>
    %convert_element_type3A_15 = arith.truncf %get3A_14 : vector<512x768xf32> to vector<512x768xbf16>
    %dot_general3A = arith.constant dense<0.000000e+00> : vector<512x512xf32>
    %dot_general3A_16 = tpu.matmul %convert_element_type3A, %convert_element_type3A_9, %dot_general3A {dimension_numbers = #tpu.dot_dimension_numbers<[1], [1], [0], [0], [0, 0, 1, 0], [], []>, transpose_lhs_hint = false} : vector<512x768xbf16>, vector<512x768xbf16>, vector<512x512xf32> -> vector<512x512xf32>
    %dot_general3A_17 = arith.constant dense<0.000000e+00> : vector<512x512xf32>
    %dot_general3A_18 = tpu.matmul %convert_element_type3A, %convert_element_type3A_15, %dot_general3A_17 {dimension_numbers = #tpu.dot_dimension_numbers<[1], [1], [0], [0], [0, 0, 1, 0], [], []>, transpose_lhs_hint = false} : vector<512x768xbf16>, vector<512x768xbf16>, vector<512x512xf32> -> vector<512x512xf32>
    %logistic3A = arith.negf %dot_general3A_16 : vector<512x512xf32>
    %logistic3A_19 = math.exp %logistic3A : vector<512x512xf32>
    %logistic3A_20 = arith.constant 1.000000e+00 : f32
    %logistic3A_21 = vector.broadcast %logistic3A_20 : f32 to vector<512x512xf32>
    %logistic3A_22 = arith.addf %logistic3A_21, %logistic3A_19 : vector<512x512xf32>
    %logistic3A_23 = arith.divf %logistic3A_21, %logistic3A_22 : vector<512x512xf32>
    %mul3A = arith.mulf %dot_general3A_16, %logistic3A_23 : vector<512x512xf32>
    %mul3A_24 = arith.mulf %mul3A, %dot_general3A_18 : vector<512x512xf32>
    %convert_element_type3A_25 = arith.truncf %mul3A_24 : vector<512x512xf32> to vector<512x512xbf16>
    %get3A_26 = arith.constant 0 : index
    %get3A_27 = arith.constant 0 : index
    %get3A_28 = arith.constant 0 : index
    %get3A_29 = vector.load %arg5[%get3A_26, %get3A_27, %get3A_28] : memref<1x768x512xf32, #tpu.memory_space<vmem>>, vector<1x768x512xf32>
    %get3A_30 = vector.shape_cast %get3A_29 : vector<1x768x512xf32> to vector<768x512xf32>
    %convert_element_type3A_31 = arith.truncf %get3A_30 : vector<768x512xf32> to vector<768x512xbf16>
    %dot_general3A_32 = arith.constant dense<0.000000e+00> : vector<512x768xf32>
    %dot_general3A_33 = tpu.matmul %convert_element_type3A_25, %convert_element_type3A_31, %dot_general3A_32 {dimension_numbers = #tpu.dot_dimension_numbers<[1], [1], [0], [0], [0, 0, 1, 0], [], []>, transpose_lhs_hint = false} : vector<512x512xbf16>, vector<768x512xbf16>, vector<512x768xf32> -> vector<512x768xf32>
    %eq3A = arith.constant 0 : i32
    %eq3A_34 = arith.cmpi eq, %arg1, %eq3A : i32
    %convert_element_type3A_35 = arith.extui %eq3A_34 : i1 to i32
    %cond3A = arith.constant 0 : i32
    %cond3A_36 = arith.cmpi ne, %convert_element_type3A_35, %cond3A : i32
    scf.if %cond3A_36 {
      %swap3A = arith.constant 0 : index
      %swap3A_46 = arith.constant 0 : index
      %swap3A_47 = arith.constant 0 : index
      %swap3A_48 = vector.load %arg7[%swap3A, %swap3A_46, %swap3A_47] : memref<1x512x768xf32, #tpu.memory_space<vmem>>, vector<1x512x768xf32>
      %swap3A_49 = vector.shape_cast %swap3A_48 : vector<1x512x768xf32> to vector<512x768xf32>
      %swap3A_50 = vector.shape_cast %dot_general3A_33 : vector<512x768xf32> to vector<1x512x768xf32>
      tpu.vector_store %arg7[%swap3A, %swap3A_46, %swap3A_47], %swap3A_50 {strides = array<i32>} : memref<1x512x768xf32, #tpu.memory_space<vmem>>, vector<1x512x768xf32>,
    } else {
    }
    %gt3A = arith.constant 0 : i32
    %gt3A_37 = arith.cmpi sgt, %arg1, %gt3A : i32
    %convert_element_type3A_38 = arith.extui %gt3A_37 : i1 to i32
    %cond3A_39 = arith.constant 0 : i32
    %cond3A_40 = arith.cmpi ne, %convert_element_type3A_38, %cond3A_39 : i32
    scf.if %cond3A_40 {
      %get3A_46 = arith.constant 0 : index
      %get3A_47 = arith.constant 0 : index
      %get3A_48 = arith.constant 0 : index
      %get3A_49 = vector.load %arg7[%get3A_46, %get3A_47, %get3A_48] : memref<1x512x768xf32, #tpu.memory_space<vmem>>, vector<1x512x768xf32>
      %get3A_50 = vector.shape_cast %get3A_49 : vector<1x512x768xf32> to vector<512x768xf32>
      %add3A = arith.addf %get3A_50, %dot_general3A_33 : vector<512x768xf32>
      %swap3A = arith.constant 0 : index
      %swap3A_51 = arith.constant 0 : index
      %swap3A_52 = arith.constant 0 : index
      %swap3A_53 = vector.load %arg7[%swap3A, %swap3A_51, %swap3A_52] : memref<1x512x768xf32, #tpu.memory_space<vmem>>, vector<1x512x768xf32>
      %swap3A_54 = vector.shape_cast %swap3A_53 : vector<1x512x768xf32> to vector<512x768xf32>
      %swap3A_55 = vector.shape_cast %add3A : vector<512x768xf32> to vector<1x512x768xf32>
      tpu.vector_store %arg7[%swap3A, %swap3A_51, %swap3A_52], %swap3A_55 {strides = array<i32>} : memref<1x512x768xf32, #tpu.memory_space<vmem>>, vector<1x512x768xf32>,
    } else {
    }
    %eq3A_41 = arith.constant 3 : i32
    %eq3A_42 = arith.cmpi eq, %arg1, %eq3A_41 : i32
    %convert_element_type3A_43 = arith.extui %eq3A_42 : i1 to i32
    %cond3A_44 = arith.constant 0 : i32
    %cond3A_45 = arith.cmpi ne, %convert_element_type3A_43, %cond3A_44 : i32
    scf.if %cond3A_45 {
      %get3A_46 = arith.constant 0 : index
      %get3A_47 = arith.constant 0 : index
      %get3A_48 = arith.constant 0 : index
      %get3A_49 = vector.load %arg7[%get3A_46, %get3A_47, %get3A_48] : memref<1x512x768xf32, #tpu.memory_space<vmem>>, vector<1x512x768xf32>
      %get3A_50 = vector.shape_cast %get3A_49 : vector<1x512x768xf32> to vector<512x768xf32>
      %get3A_51 = arith.constant 0 : index
      %get3A_52 = arith.constant 0 : index
      %get3A_53 = arith.constant 0 : index
      %get3A_54 = vector.load %arg6[%get3A_51, %get3A_52, %get3A_53] : memref<1x512x1xf32, #tpu.memory_space<vmem>>, vector<1x512x1xf32>
      %get3A_55 = vector.shape_cast %get3A_54 : vector<1x512x1xf32> to vector<512x1xf32>
      %mul3A_56 = vector.broadcast %get3A_55 : vector<512x1xf32> to vector<512x768xf32>
      %mul3A_57 = arith.mulf %get3A_50, %mul3A_56 : vector<512x768xf32>
      %swap3A = arith.constant 0 : index
      %swap3A_58 = arith.constant 0 : index
      %swap3A_59 = arith.constant 0 : index
      %swap3A_60 = vector.load %arg7[%swap3A, %swap3A_58, %swap3A_59] : memref<1x512x768xf32, #tpu.memory_space<vmem>>, vector<1x512x768xf32>
      %swap3A_61 = vector.shape_cast %swap3A_60 : vector<1x512x768xf32> to vector<512x768xf32>
      %swap3A_62 = vector.shape_cast %mul3A_57 : vector<512x768xf32> to vector<1x512x768xf32>
      tpu.vector_store %arg7[%swap3A, %swap3A_58, %swap3A_59], %swap3A_62 {strides = array<i32>} : memref<1x512x768xf32, #tpu.memory_space<vmem>>, vector<1x512x768xf32>,
    } else {
    }
    return
  }
  func.func @transform_0(%arg0: i32, %arg1: i32) -> (i32, i32, i32) {
    %c0_i32 = arith.constant 0 : i32
    %c0_i32_0 = arith.constant 0 : i32
    %c0_i32_1 = arith.constant 0 : i32
    return %arg0, %c0_i32, %c0_i32_0 : i32, i32, i32
  }
  func.func @transform_1(%arg0: i32, %arg1: i32) -> (i32, i32, i32) {
    %c0_i32 = arith.constant 0 : i32
    %c0_i32_0 = arith.constant 0 : i32
    return %arg0, %arg1, %c0_i32 : i32, i32, i32
  }
  func.func @transform_2(%arg0: i32, %arg1: i32) -> (i32, i32, i32) {
    %c0_i32 = arith.constant 0 : i32
    %c0_i32_0 = arith.constant 0 : i32
    return %arg0, %arg1, %c0_i32 : i32, i32, i32
  }
  func.func @transform_3(%arg0: i32, %arg1: i32) -> (i32, i32, i32) {
    %c0_i32 = arith.constant 0 : i32
    %c0_i32_0 = arith.constant 0 : i32
    return %arg0, %c0_i32, %arg1 : i32, i32, i32
  }
  func.func @transform_4(%arg0: i32, %arg1: i32) -> (i32, i32, i32) {
    %c0_i32 = arith.constant 0 : i32
    %c0_i32_0 = arith.constant 0 : i32
    %c0_i32_1 = arith.constant 0 : i32
    return %arg0, %c0_i32, %c0_i32_0 : i32, i32, i32
  }
  func.func @transform_5(%arg0: i32, %arg1: i32) -> (i32, i32, i32) {
    %c0_i32 = arith.constant 0 : i32
    %c0_i32_0 = arith.constant 0 : i32
    %c0_i32_1 = arith.constant 0 : i32
    return %arg0, %c0_i32, %c0_i32_0 : i32, i32, i32
  }
}

</mosaic_0001>

<sc_bundles>
// kernel: kernel.10.cloned.1.call-start
scs
__scs_entry_jumppad:
0x0: {  	(pc) =	sbr.rel $0x88, $3  }
0x1: {  	(tag) =	ssettag $0x0;
	lr =	simm.s32 $0x1  }
0x2: {  	[smem:$0x3F9C] =	sst lr;
	_ =	strace $0xD0000000  }
0x3: {  	_ = 	snop  }
0x4: {  	_ = 	snop  }
0x5: {  	_ = 	snop  }
0x6: {  	_ = 	snop  }
0x7: {  	_ = 	snop  }
__scs_overlays_trampoline_lowered:
0x8: {  	[smem:$0x3FAB] =	sst s0  }
0x9: {  	[smem:$0x3FAC] =	sst s1  }
0xa: {  	[smem:$0x3FAD] =	sst s2  }
0xb: {  	[smem:$0x3FAE] =	sst s3  }
0xc: {  	[smem:$0x3FAF] =	sst s4  }
0xd: {  	[smem:$0x3FB0] =	sst s5  }
0xe: {  	[smem:$0x3FB1] =	sst s6  }
0xf: {  	[smem:$0x3FB2] =	sst s7  }
0x10: {  	[smem:$0x3FB3] =	sst s8  }
0x11: {  	[smem:$0x3FB4] =	sst s9;
	s0 =	simm.s32 @!p0 $0x0  }
0x12: {  	s1 =	sld [smem:$0x3F9A];
	s0 =	simm.s32 @p0 $0x1  }
0x13: {  	[smem:$0x3FB5] =	sst s0;
	s0 =	simm.s32 @!p1 $0x0  }
0x14: {  	s2 =	sld [smem:$0x3F99];
	s0 =	simm.s32 @p1 $0x1  }
0x15: {  	[smem:$0x3FB6] =	sst s0;
	s0 =	simm.s32 @!p2 $0x0  }
0x16: {  	s3 =	sld [smem:$0x3FDB];
	s0 =	simm.s32 @p2 $0x1  }
0x17: {  	s4 =	simm.s32 $0x1BF5;
	[smem:$0x3FB8] =	sst s0  }
0x18: {  	s0 =	sld [smem:$0x3F9B];
	_ =	swait.ge [sflag:s4], $0x0  }
0x19: {  	s7 =	sld [smem:$0x3F9C]  }
0x1a: {  	s8 =	sadd.s32 $0xFFFFE003, lr  }
0x1b: {  	s9 =	sadd.s32 $0xFFFFFEF7, lr;
	s5 =	simm.s32 $0xFFFFFFFF;
	p2 =	slt.u32 s8, $0xFFFFF086  }
0x1c: {  	p1 =	slt.u32 s9, $0xF7A;
	s5 =	simm.s32 @!p2 $0x0  }
0x1d: {  	s5 =	simm.s32 @p1 $0x1;
	p0 =	seq.s32 s7, s2  }
0x1e: {  	s7 =	smul.u32 @!p0 $0xF7A, s2;
	p2 =	seq.s32 @!p0 s5, $0x0  }
0x1f: {  	s9 =	smul.u32 $0xF7A, s1;
	s8 =	simm.s32 @!p0 $0x1BF5;
	p2 =	por !p2, p0  }
0x20: {  	[sflag:s8] =	ssyncset.s32 @!p0 $0xFFFFF086;
	s6 =	sadd.s32 @!p0 s3, s7;
	s7 =	simm.s32 @!p0 $0x108  }
0x21: {  	s3 =	sadd.s32 s3, s9;
	s6 =	sadd.s32 @!p0 $0x88, s6;
	s7 =	simm.s32 @p2 $0x1082  }
0x22: {  	[simem:s7], [sflag:s8] =	dma.local @!p0 [hbm:s6], $0xF7A  }
0x23: {  	s9 =	sor.u32 $0xD0000000, s2;
	s6 =	simm.s32 $0x108;
	_ =	swait.ge @!p0 [sflag:s8], $0x0  }
0x24: {  	s3 =	sadd.s32 $0x88, s3;
	s6 =	simm.s32 @!p1 $0x1082;
	[sflag:s4] =	ssyncset.s32 $0xFFFFF086  }
0x25: {  	[simem:s6], [sflag:s4] =	dma.local [hbm:s3], $0xF7A  }
0x26: {  	[smem:$0x3F9C] =	sst s1;
	(tag) =	ssettag s2;
	_ =	strace s9  }
0x27: {  	s1 =	sld [smem:$0x3FAC]  }
0x28: {  	s2 =	sld [smem:$0x3FAD]  }
0x29: {  	s4 =	sld [smem:$0x3FAF]  }
0x2a: {  	p0 =	seq.s32 s5, $0x0;
	s5 =	sld [smem:$0x3FB0]  }
0x2b: {  	s6 =	sld [smem:$0x3FB1]  }
0x2c: {  	s7 =	sld [smem:$0x3FB2]  }
0x2d: {  	s3 =	simm.s32 $0x108;
	s8 =	sld [smem:$0x3FB3]  }
0x2e: {  	s3 =	simm.s32 @!p0 $0x1082;
	s9 =	sld [smem:$0x3FB4]  }
0x2f: {  	lr =	sadd.s32 s0, s3;
	s0 =	sld [smem:$0x3FAB]  }
0x30: {  	s3 =	sld [smem:$0x3FAE]  }
0x31: {  	[smem:$0x3FB7] =	sst s10  }
0x32: {  	s10 =	sld [smem:$0x3FB5];
	_ =	sdelay $0x3  }
0x33: {  	p0 =	seq.s32 s10, $0x1;
	s10 =	sld [smem:$0x3FB7];
	_ =	sdelay $0x3  }
0x34: {  	[smem:$0x3FB7] =	sst s10  }
0x35: {  	s10 =	sld [smem:$0x3FB6];
	_ =	sdelay $0x3  }
0x36: {  	p1 =	seq.s32 s10, $0x1;
	s10 =	sld [smem:$0x3FB7];
	_ =	sdelay $0x3  }
0x37: {  	[smem:$0x3FB7] =	sst s10  }
0x38: {  	s10 =	sld [smem:$0x3FB8]  }
0x39: {  	_ = 	snop;
	(pc) =	sbr.ind lr, $3  }
0x3a: {  	_ = 	snop  }
0x3b: {  	_ = 	snop  }
0x3c: {  	p2 =	seq.s32 s10, $0x1;
	s10 =	sld [smem:$0x3FB7]  }
0x3d: {  	_ =	shalt  }
0x3e: {  	_ =	shalt  }
0x3f: {  	_ =	shalt  }
0x40: {  	_ =	shalt  }
0x41: {  	_ =	shalt  }
0x42: {  	_ =	shalt  }
0x43: {  	_ =	shalt  }
0x44: {  	_ =	shalt  }
0x45: {  	_ =	shalt  }
0x46: {  	_ =	shalt  }
0x47: {  	_ =	shalt  }
0x48: {  	_ =	shalt  }
0x49: {  	_ =	shalt  }
0x4a: {  	_ =	shalt  }
0x4b: {  	_ =	shalt  }
0x4c: {  	_ =	shalt  }
0x4d: {  	_ =	shalt  }
0x4e: {  	_ =	shalt  }
0x4f: {  	_ =	shalt  }
0x50: {  	_ =	shalt  }
0x51: {  	_ =	shalt  }
0x52: {  	_ =	shalt  }
0x53: {  	_ =	shalt  }
0x54: {  	_ =	shalt  }
0x55: {  	_ =	shalt  }
0x56: {  	_ =	shalt  }
0x57: {  	_ =	shalt  }
0x58: {  	_ =	shalt  }
0x59: {  	_ =	shalt  }
0x5a: {  	_ =	shalt  }
0x5b: {  	_ =	shalt  }
0x5c: {  	_ =	shalt  }
0x5d: {  	_ =	shalt  }
0x5e: {  	_ =	shalt  }
0x5f: {  	_ =	shalt  }
0x60: {  	_ =	shalt  }
0x61: {  	_ =	shalt  }
0x62: {  	_ =	shalt  }
0x63: {  	_ =	shalt  }
0x64: {  	_ =	shalt  }
0x65: {  	_ =	shalt  }
0x66: {  	_ =	shalt  }
0x67: {  	_ =	shalt  }
0x68: {  	_ =	shalt  }
0x69: {  	_ =	shalt  }
0x6a: {  	_ =	shalt  }
0x6b: {  	_ =	shalt  }
0x6c: {  	_ =	shalt  }
0x6d: {  	_ =	shalt  }
0x6e: {  	_ =	shalt  }
0x6f: {  	_ =	shalt  }
0x70: {  	_ =	shalt  }
0x71: {  	_ =	shalt  }
0x72: {  	_ =	shalt  }
0x73: {  	_ =	shalt  }
0x74: {  	_ =	shalt  }
0x75: {  	_ =	shalt  }
0x76: {  	_ =	shalt  }
0x77: {  	_ =	shalt  }
0x78: {  	_ =	shalt  }
0x79: {  	_ =	shalt  }
0x7a: {  	_ =	shalt  }
0x7b: {  	_ =	shalt  }
0x7c: {  	_ =	shalt  }
0x7d: {  	_ =	shalt  }
0x7e: {  	_ =	shalt  }
0x7f: {  	_ =	shalt  }
0x80: {  	_ =	shalt  }
0x81: {  	_ =	shalt  }
0x82: {  	_ =	shalt  }
0x83: {  	_ =	shalt  }
0x84: {  	_ =	shalt  }
0x85: {  	_ =	shalt  }
0x86: {  	_ =	shalt  }
0x87: {  	_ =	shalt  }
.Lfunc_end0:
.L_simem_size_0:
called_computation.1_lowered:
.L_overlay_start_0:
0x88: {  	s2 =	sld [smem:$0x3FD9]  }
0x89: {  	s3 =	sld [smem:$0x3FFE];
	_ =	sdelay $0x1  }
0x8a: {  	s1 =	srdreg.scid  }
0x8b: {  	s0 =	sand.u32 $0x1, s1  }
0x8c: {  	s14 =	sshll.u32 s0, $0xA;
	s2 =	sadd.s32 s3, s2  }
0x8d: {  	s2 =	sadd.s32 s2, s14  }
0x8e: {  	[smem:$0x3FC3] =	sst s2  }
0x8f: {  	_ = 	snop  }
0x90: {  	s2 =	sld [smem:$0x3FD0];
	_ =	sdelay $0x2  }
0x91: {  	s15 =	simm.s32 $0xA;
	s4 =	simm.s32 $0x10  }
0x92: {  	[smem:s4], [sflag:s15] =	dma.local [hbm:s2], $0x1  }
0x93: {  	_ =	swait.eq [sflag:s15], $0x1  }
0x94: {  	[sflag:s15] =	ssyncset.done $0x0  }
0x95: {  	[sflag:s15] =	ssyncadd.s32 $0xFFFFFFFF  }
0x96: {  	s16 =	sld [smem:$0x10];
	(tm) =	ssettm $0x1  }
0x97: {  	s17 =	sld [smem:$0x3FFB];
	_ =	sdelay $0x3  }
0x98: {  	_ =	strace s17  }
0x99: {  	s3 =	sld [smem:$0x3FFC];
	_ =	sdelay $0x3  }
0x9a: {  	_ =	strace s3  }
0x9b: {  	s3 =	sld [smem:$0x3FFD];
	_ =	sdelay $0x3  }
0x9c: {  	_ =	strace s3  }
0x9d: {  	_ =	strace $0x8FFFFFFF  }
0x9e: {  	s18 =	sld [smem:$0x3FDB];
	_ =	sdelay $0x1  }
0x9f: {  	s19 =	simm.s32 $_scs_section_size  }
0xa0: {  	s5 =	simm.s32 $_size__tile_overlayer_lowered;
	s6 =	simm.s32 $_tile_overlayer_lowered  }
0xa1: {  	s22 =	simm.s32 $0x1BFF;
	s21 =	sshll.u32 s6, $0x1;
	s3 =	sadd.s32 s19, s18  }
0xa2: {  	s7 =	simm.s32 $0x0;
	s20 =	sshll.u32 s5, $0x1;
	s5 =	sadd.s32 s21, s3  }
0xa3: {  	[timem:s7], [sflag:s22] =	dma.local [hbm:s5], s20  }
0xa4: {  	_ =	swait.ge [sflag:s22], s20  }
0xa5: {  	s4 =	ssub.s32 $0x0, s20;
	[sflag:s22] =	ssyncset.done $0x0  }
0xa6: {  	[sflag:s22] =	ssyncadd.s32 s4;
	_ =	sdelay $0x1  }
0xa7: {  	s23 =	simm.s32 $0x1B8B  }
0xa8: {  	_ =	swait.ge [sflag:s23], $0x1  }
0xa9: {  	[sflag:s23] =	ssyncset.done $0x0  }
0xaa: {  	s25 =	simm.s32 $0x1B8E;
	s24 =	sld [smem:$0x3FFE];
	[sflag:s23] =	ssyncadd.s32 $0xFFFFFFFF  }
0xab: {  	s26 =	simm.s32 $execute0_lowered;
	[smem:$0x3FD2] =	sst s25  }
0xac: {  	s5 =	sshll.u32 s26, $0x1;
	_ =	strace $0x80000049;
	[dreg:$0x1] =	wrdreg $0xFFFFFFFF  }
0xad: {  	s28 =	simm.s32 $_size_execute0_lowered;
	s3 =	sadd.s32 s3, s5;
	[dreg:$0x0] =	wrdreg $0x0  }
0xae: {  	s5 =	sshll.u32 s28, $0x1;
	[dreg:$0x2] =	wrdreg s3  }
0xaf: {  	[dreg:$0x3] =	wrdreg s5  }
0xb0: {  	[dreg:$0x4] =	wrdreg $0xC0  }
0xb1: {  	_ =	task [dreg:s7], $0x5FFFF  }
0xb2: {  	[dreg:$0x1] =	wrdreg $0xFFFFFFFF  }
0xb3: {  	[dreg:$0x0] =	wrdreg $0x60  }
0xb4: {  	[dreg:$0x2] =	wrdreg s24  }
0xb5: {  	[dreg:$0x3] =	wrdreg s16  }
0xb6: {  	[dreg:$0x4] =	wrdreg $0x9  }
0xb7: {  	_ =	task.clear_ibuf [dreg:s7], $0x5FFFF;
	_ =	strace $0x90000049  }
0xb8: {  	s29 =	simm.s32 $0x9;
	_ =	strace $0x8000004B  }
0xb9: {  	_ =	swait.ge [sflag:s29], $0x1  }
0xba: {  	[sflag:s29] =	ssyncadd.s32 $0xFFFFFFFF  }
0xbb: {  	_ =	strace $0x9000004B  }
0xbc: {  	_ =	sfence  }
0xbd: {  	s30 =	sld [smem:$0x0];
	_ =	sdelay $0x2  }
0xbe: {  	s31 =	sshll.u32 s1, $0xD;
	s1 =	sshrl.u32 s1, $0x2  }
0xbf: {  	s3 =	sand.u32 $0x4000, s31;
	s1 =	sadd.s32 s1, s30  }
0xc0: {  	s0 =	sor.u32 s3, s0;
	s1 =	sshll.u32 s1, $0x11  }
0xc1: {  	s0 =	sor.u32 s1, s0  }
0xc2: {  	s0 =	sadd.s32 $0x8F2B, s0  }
0xc3: {  	[sflag:s0] =	ssyncadd.remote.s32 $0x1  }
0xc4: {  	_ =	sfence.sel $0xFFFF  }
0xc5: {  	[dreg:$0x0] =	wrdreg $0xFFFFFFFF;
	(pc) =	sbr.abs _section_cstart, $3  }
0xc6: {  	[dreg:$0x1] =	wrdreg $0xFFFFFFFF  }
0xc7: {  	_ =	task.clear_ibuf [dreg:s7], $0x2FFFF;
	_ =	strace $0x9FFFFFFF  }
0xc8: {  	(tm) =	ssettm $0x7FFFFFFF  }
0xc9: {  	_ =	shalt  }
tec
execute0_lowered:
.L_overlay_start_1:
0x0: {  	(tag) =	ssettag $0x1  }
0x1: {  	s10 =	rddreg [dreg:$0x0]  }
0x2: {  	s1 =	rddreg [dreg:$0x1]  }
0x3: {  	s0 =	rddreg [dreg:$0x2];
	s2 =	simm.s32 $0x0  }
0x4: {  	s3 =	srdreg.scid;
	s13 =	simm.s32 $0x8000;
	s14 =	simm.s32 $0x1DA80  }
0x5: {  	s15 =	simm.s32 $0x1E280;
	s16 =	simm.s32 $0x1EA80;
	s17 =	simm.s32 $0x1  }
0x6: {  	s18 =	simm.s32 $0x10100;
	s19 =	simm.s32 $0x10180;
	s20 =	simm.s32 $0x0  }
0x7: {  	[smem:$0x7FF] =	sst s2;
	s4 =	sadd.s32 $0x42600, s10;
	s5 =	sadd.s32 $0x43600, s10  }
0x8: {  	s7 =	sand.u32 $0x1, s3;
	s6 =	sadd.s32 $0x45600, s10;
	s3 =	stileid.u32  }
0x9: {  	s8 =	ssub.s32 $0x2, s7;
	s11 =	sshll.u32 s3, $0x7;
	s7 =	sshll.u32 s7, $0x6  }
0xa: {  	v0 =	vimm.f32 $0.0e+00;
	v1 =	vlaneseq.u32;
	_ =	strace $0x8000004A;
	s9 =	sshrl.u32 s8, $0x1;
	s7 =	sor.u32 s7, s11  }
0xb: {  	v2 =	vimm.s32 $0x0;
	v3 =	vimm.s32 $0x4000000;
	v5 =	vshrl.u32 v1, $0x3;
	s12 =	ssub.s32 s8, s9;
	s8 =	sadd.s32 $0x45700, s10;
	s9 =	sadd.s32 $0x45800, s10  }
0xc: {  	vm0 =	vmmov $0xffff;
	v4 =	vand.u32 $0x7, v1;
	v5 =	vmul.u32 $0x8, v5;
	s10 =	sadd.s32 $0x44600, s10;
	s11 =	smax.u32 s12, $0x1;
	s12 =	simm.s32 $0x2  }
.LBB2_1:
0xd: {  	[tilespmem:s2], [sflag:$0x2] =	stream.linear.gather [hbm4b:s4+s2], $0x8000, $0x38;
	[tilespmem:$0x1F280] =	vst v63  }
0xe: {  	_ =	swait.ge [sflag:s12], $0x8000  }
0xf: {  	[sflag:s12] =	ssyncset.done $0x0  }
0x10: {  	s21 =	simm.s32 $0x0;
	[sflag:s12] =	ssyncadd.s32 $0xFFFF8000  }
.LBB2_2:
0x11: {  	s23 =	simm.s32 $0x0  }
0x12: {  	s23 =	smul.u32 $0x6000, s23  }
0x13: {  	s22 =	simm.s32 $0x0  }
0x14: {  	s24 =	sand.u32 $0x380, s22;
	s23 =	sshra.s32 s23, $0x2  }
0x15: {  	s23 =	sor.u32 s24, s23  }
0x16: {  	s24 =	sadd.s32 $0x10280, s23;
	[tilespmem:s23+$0x10280] =	vst v0  }
0x17: {  	[tilespmem:s24+$0x470] =	vst v0  }
0x18: {  	[tilespmem:s24+$0x460] =	vst v0  }
0x19: {  	[tilespmem:s24+$0x450] =	vst v0  }
0x1a: {  	[tilespmem:s24+$0x440] =	vst v0  }
0x1b: {  	[tilespmem:s24+$0x420] =	vst v0  }
0x1c: {  	[tilespmem:s24+$0x430] =	vst v0  }
0x1d: {  	[tilespmem:s24+$0x400] =	vst v0  }
0x1e: {  	[tilespmem:s24+$0x410] =	vst v0  }
0x1f: {  	[tilespmem:s24+$0x60] =	vst v0  }
0x20: {  	[tilespmem:s24+$0x50] =	vst v0  }
0x21: {  	[tilespmem:s24+$0x40] =	vst v0  }
0x22: {  	[tilespmem:s24+$0x30] =	vst v0  }
0x23: {  	[tilespmem:s24+$0x20] =	vst v0  }
0x24: {  	[tilespmem:s24+$0x70] =	vst v0  }
0x25: {  	s29 =	sadd.s32 $0x10A80, s23;
	[tilespmem:s24+$0x10] =	vst v0  }
0x26: {  	[tilespmem:s29+$0x70] =	vst v0  }
0x27: {  	[tilespmem:s29+$0x60] =	vst v0  }
0x28: {  	[tilespmem:s23+$0x10A80] =	vst v0  }
0x29: {  	[tilespmem:s29+$0x50] =	vst v0  }
0x2a: {  	[tilespmem:s29+$0x40] =	vst v0  }
0x2b: {  	[tilespmem:s29+$0x30] =	vst v0  }
0x2c: {  	[tilespmem:s29+$0x20] =	vst v0  }
0x2d: {  	s30 =	sadd.s32 $0x10E80, s23;
	[tilespmem:s29+$0x10] =	vst v0  }
0x2e: {  	[tilespmem:s30+$0x70] =	vst v0  }
0x2f: {  	[tilespmem:s30+$0x60] =	vst v0  }
0x30: {  	[tilespmem:s30+$0x50] =	vst v0  }
0x31: {  	[tilespmem:s23+$0x10E80] =	vst v0  }
0x32: {  	[tilespmem:s30+$0x40] =	vst v0  }
0x33: {  	[tilespmem:s30+$0x20] =	vst v0  }
0x34: {  	[tilespmem:s30+$0x30] =	vst v0  }
0x35: {  	s31 =	sadd.s32 $0x11280, s23;
	[tilespmem:s30+$0x10] =	vst v0  }
0x36: {  	[tilespmem:s31+$0x70] =	vst v0  }
0x37: {  	[tilespmem:s31+$0x60] =	vst v0  }
0x38: {  	[tilespmem:s31+$0x50] =	vst v0  }
0x39: {  	[tilespmem:s23+$0x11280] =	vst v0  }
0x3a: {  	[tilespmem:s31+$0x40] =	vst v0  }
0x3b: {  	[tilespmem:s31+$0x30] =	vst v0  }
0x3c: {  	[tilespmem:s31+$0x10] =	vst v0  }
0x3d: {  	s25 =	sadd.s32 $0x11680, s23;
	[tilespmem:s31+$0x20] =	vst v0  }
0x3e: {  	[tilespmem:s25+$0x70] =	vst v0  }
0x3f: {  	[tilespmem:s25+$0x40] =	vst v0  }
0x40: {  	s26 =	simm.s32 $0x1;
	[tilespmem:s25+$0x60] =	vst v0  }
.LBB2_3:
0x41: {  	s28 =	sshrl.u32 s26, $0x3  }
0x42: {  	[tilespmem:s23+$0x11680] =	vst v0;
	s22 =	sadd.s32 $0x80, s22;
	s23 =	smov.u32 s26;
	s24 =	sadd.s32 $0x1, s26  }
0x43: {  	p0 =	seq.s32 s26, $0x3F;
	s23 =	smul.u32 $0x6000, s28;
	[tilespmem:s25+$0x20] =	vst v0  }
0x44: {  	[tilespmem:s25+$0x30] =	vst v0  }
0x45: {  	s26 =	sand.u32 $0x380, s22;
	s23 =	sshra.s32 s23, $0x2;
	[tilespmem:s25+$0x10] =	vst v0  }
0x46: {  	s23 =	sor.u32 s26, s23;
	[tilespmem:s25+$0x50] =	vst v0  }
0x47: {  	s25 =	sadd.s32 $0x10280, s23;
	[tilespmem:s23+$0x10280] =	vst v0  }
0x48: {  	[tilespmem:s25+$0x470] =	vst v0  }
0x49: {  	[tilespmem:s25+$0x460] =	vst v0  }
0x4a: {  	[tilespmem:s25+$0x450] =	vst v0  }
0x4b: {  	[tilespmem:s25+$0x440] =	vst v0  }
0x4c: {  	[tilespmem:s25+$0x420] =	vst v0  }
0x4d: {  	[tilespmem:s25+$0x430] =	vst v0  }
0x4e: {  	[tilespmem:s25+$0x400] =	vst v0  }
0x4f: {  	[tilespmem:s25+$0x410] =	vst v0  }
0x50: {  	[tilespmem:s25+$0x60] =	vst v0  }
0x51: {  	[tilespmem:s25+$0x50] =	vst v0  }
0x52: {  	[tilespmem:s25+$0x40] =	vst v0  }
0x53: {  	[tilespmem:s25+$0x30] =	vst v0  }
0x54: {  	[tilespmem:s25+$0x20] =	vst v0  }
0x55: {  	[tilespmem:s25+$0x70] =	vst v0  }
0x56: {  	[tilespmem:s25+$0x10] =	vst v0;
	s25 =	sadd.s32 $0x10A80, s23  }
0x57: {  	[tilespmem:s25+$0x70] =	vst v0  }
0x58: {  	[tilespmem:s25+$0x60] =	vst v0  }
0x59: {  	[tilespmem:s23+$0x10A80] =	vst v0  }
0x5a: {  	[tilespmem:s25+$0x30] =	vst v0  }
0x5b: {  	[tilespmem:s25+$0x20] =	vst v0  }
0x5c: {  	[tilespmem:s25+$0x10] =	vst v0  }
0x5d: {  	[tilespmem:s25+$0x50] =	vst v0  }
0x5e: {  	[tilespmem:s25+$0x40] =	vst v0;
	s25 =	sadd.s32 $0x10E80, s23  }
0x5f: {  	[tilespmem:s25+$0x70] =	vst v0  }
0x60: {  	[tilespmem:s25+$0x60] =	vst v0  }
0x61: {  	[tilespmem:s25+$0x50] =	vst v0  }
0x62: {  	[tilespmem:s23+$0x10E80] =	vst v0  }
0x63: {  	[tilespmem:s25+$0x20] =	vst v0  }
0x64: {  	[tilespmem:s25+$0x30] =	vst v0  }
0x65: {  	[tilespmem:s25+$0x10] =	vst v0  }
0x66: {  	[tilespmem:s25+$0x40] =	vst v0;
	s25 =	sadd.s32 $0x11280, s23  }
0x67: {  	[tilespmem:s25+$0x70] =	vst v0  }
0x68: {  	[tilespmem:s25+$0x60] =	vst v0  }
0x69: {  	[tilespmem:s25+$0x50] =	vst v0  }
0x6a: {  	[tilespmem:s23+$0x11280] =	vst v0  }
0x6b: {  	[tilespmem:s25+$0x30] =	vst v0  }
0x6c: {  	[tilespmem:s25+$0x10] =	vst v0  }
.Ltmp0:
0x6d: {  	[tilespmem:s25+$0x40] =	vst v0;
	(pc) =	sbr.rel @!p0 .LBB2_3-.Ltmp0, $4  }
0x6e: {  	[tilespmem:s25+$0x20] =	vst v0;
	s25 =	sadd.s32 $0x11680, s23  }
0x6f: {  	[tilespmem:s25+$0x70] =	vst v0  }
0x70: {  	[tilespmem:s25+$0x40] =	vst v0  }
0x71: {  	s26 =	smov.u32 s24;
	[tilespmem:s25+$0x60] =	vst v0  }
0x72: {  	[tilespmem:s23+$0x11680] =	vst v0  }
0x73: {  	[tilespmem:s25+$0x50] =	vst v0  }
0x74: {  	[tilespmem:s25+$0x20] =	vst v0  }
0x75: {  	s22 =	sshll.u32 s21, $0xB;
	[tilespmem:s25+$0x30] =	vst v0  }
0x76: {  	s23 =	simm.s32 $0x0;
	[tilespmem:s25+$0x10] =	vst v0;
	s22 =	sor.u32 s7, s22  }
0x77: {  	v7 =	vimm.s32 $0x0;
	s24 =	simm.s32 $0x10;
	v6 =	vimm.s32 $0x0;
	s25 =	simm.s32 $0x0;
	v8 =	vmov s22;
	v9 =	vld [tilespmem:s23+$0x0]  }
.LBB2_5:
0x78: {  	p0 =	sne.s32 s24, $0x7FF0;
	_ =	sdelay $0x3  }
0x79: {  	v9 =	vsub.s32 v9, v8  }
0x7a: {  	vm1 =	vlt.u32 v9, $0x40  }
0x7b: {  	v10 =	vsel vm1, $0x1, v2;
	v11 =	vmpcnt.ones.xlane vm1  }
0x7c: {  	(xrf0) =	vadd.scan.msk.s32 $0xffff, v10  }
0x7d: {  	v7 =	vadd.s32 v7, v11;
	_ =	sdelay $0x4  }
0x7e: {  	v10, _, _ =	vpop (xrf0)  }
0x7f: {  	v10 =	vadd.s32 v10, v6;
	v6 =	vmov v7  }
0x80: {  	v10 =	vadd.s32 $0xFFFFFFFF, v10;
	_ =	sdelay $0x1  }
.Ltmp1:
0x81: {  	v9 =	vshll.u32 v9, $0x14;
	(pc) =	sbr.rel @p0 .LBB2_5-.Ltmp1, $4  }
0x82: {  	v9 =	vadd.s32 s23, v9;
	s23 =	smov.u32 s24  }
0x83: {  	v9 =	vadd.s32 v1, v9  }
0x84: {  	s25 =	sadd.s32 $0x10, s25;
	[tilespmem:v10+s13+$0x0] =	vst.idx.msk vm1, v9  }
0x85: {  	s24 =	sadd.s32 $0x10, s24;
	v9 =	vld [tilespmem:s25+$0x0]  }
0x86: {  	_ =	sdelay $0x3  }
0x87: {  	v8 =	vsub.s32 v9, v8  }
0x88: {  	vm1 =	vlt.u32 v8, $0x40  }
0x89: {  	v61 =	vmpcnt.ones.xlane vm1;
	_ =	sdelay $0x1  }
0x8a: {  	v10 =	vsel vm1, $0x1, v2;
	v7 =	vadd.s32 v7, v61  }
0x8b: {  	(xrf0) =	vadd.scan.msk.s32 $0xffff, v10;
	v9 =	vxor.u32 $0x80000000, v7  }
0x8c: {  	(xrf0) =	vmax.scan.msk.u32 $0xffff, v9;
	_ =	sdelay $0x4  }
0x8d: {  	v62, _, _ =	vpop (xrf0)  }
0x8e: {  	v63, _, _ =	vpop (xrf0)  }
0x8f: {  	(v2sf) =	vpush v63, $0xF;
	_ =	sdelay $0xe  }
0x90: {  	s24 =	spop (v2sf)  }
0x91: {  	v8 =	vshll.u32 v8, $0x14;
	v6 =	vadd.s32 v62, v6;
	s31 =	sadd.s32 $0x80000007, s24  }
0x92: {  	v8 =	vadd.s32 s23, v8;
	v6 =	vadd.s32 $0xFFFFFFFF, v6;
	s23 =	sshra.s32 s31, $0x3  }
0x93: {  	v7 =	vadd.s32 v1, v7;
	p0 =	slt.s32 s23, $0x1  }
.Ltmp2:
0x94: {  	_ = 	snop;
	(pc) =	sbr.rel @p0 .LBB2_10-.Ltmp2, $4  }
0x95: {  	_ = 	snop  }
0x96: {  	v8 =	vadd.s32 v1, v8  }
0x97: {  	[tilespmem:v6+s13+$0x0] =	vst.idx.msk vm1, v8  }
0x98: {  	s25 =	simm.s32 $0x0;
	[tilespmem:v7+s13+$0x0] =	vst.idx.msk $0xffff, v3;
	s24 =	simm.s32 $0x0  }
.LBB2_7:
0x99: {  	s26 =	sshll.u32 s25, $0x5  }
0x9a: {  	s26 =	sshra.s32 s26, $0x2  }
0x9b: {  	v6 =	vld [tilespmem:s26+$0x8000];
	_ =	sdelay $0x4  }
0x9c: {  	v7 =	vand.u32 $0xFFFFF, v6  }
0x9d: {  	[tilespmem:$0x10080] =	vst v7  }
0x9e: {  	v7 =	vld.msk [tilespmem:$0x10080], $0xff;
	_ =	sdelay $0x4  }
0x9f: {  	v8 =	vshrl.u32 v7, $0x3  }
0xa0: {  	v8 =	vmul.u32 $0x30, v8  }
0xa1: {  	v7 =	vand.u32 $0x7, v7  }
0xa2: {  	v7 =	vor.u32 v7, v8  }
0xa3: {  	v7 =	vperm.xlane v7, v4;
	_ =	sdelay $0x1  }
0xa4: {  	v7 =	vadd.s32 v5, v7;
	_ =	sdelay $0x4  }
0xa5: {  	[tilespmem:s14], [sflag:$0x1] =	stream.indirect_vreg.gather [hbm4b:s6+s24], $0x80, v7, vm0, $0xb8;
	[tilespmem:$0x1F280] =	vst v63  }
0xa6: {  	_ = 	snop  }
0xa7: {  	[tilespmem:s15], [sflag:$0x1] =	stream.indirect_vreg.gather [hbm4b:s8+s24], $0x80, v7, vm0, $0xb8;
	[tilespmem:$0x1F280] =	vst v63  }
0xa8: {  	_ = 	snop  }
0xa9: {  	[tilespmem:s16], [sflag:$0x1] =	stream.indirect_vreg.gather [hbm4b:s9+s24], $0x80, v7, vm0, $0xb8;
	[tilespmem:$0x1F280] =	vst v63  }
0xaa: {  	_ =	swait.ge [sflag:s17], $0x1800  }
0xab: {  	v6 =	vshra.s32 v6, $0x14;
	[sflag:s17] =	ssyncset.done $0x0  }
0xac: {  	s28 =	simm.s32 $0x0;
	s26 =	simm.s32 $0x1E680;
	v6 =	vxor.u32 $0x80000000, v6;
	[sflag:s17] =	ssyncadd.s32 $0xFFFFE800  }
.LBB2_8:
0xad: {  	v7 =	vmov s28  }
0xae: {  	vm1 =	veq.s32 v7, v1  }
0xaf: {  	v7 =	vnsel vm1, $0x80000000, v6  }
0xb0: {  	(xrf0) =	vmax.scan.msk.u32 $0xffff, v7;
	_ =	sdelay $0x5  }
0xb1: {  	v7, _, _ =	vpop (xrf0)  }
0xb2: {  	(v2sf) =	vpush v7, $0xF;
	_ =	sdelay $0xe  }
0xb3: {  	s29 =	spop (v2sf)  }
0xb4: {  	s30 =	sshrl.u32 s29, $0x3  }
0xb5: {  	s30 =	smul.u32 $0x6000, s30  }
0xb6: {  	s29 =	sshll.u32 s29, $0x7  }
0xb7: {  	s29 =	sand.u32 $0x380, s29;
	s30 =	sshra.s32 s30, $0x2  }
0xb8: {  	v8 =	vld [tilespmem:s26+$0xFFFFF400];
	s29 =	sor.u32 s29, s30  }
0xb9: {  	v7 =	vld [tilespmem:s29+$0x10280];
	_ =	sdelay $0x4  }
0xba: {  	v7 =	vadd.f32 v8, v7;
	_ =	sdelay $0x1  }
0xbb: {  	s30 =	sadd.s32 $0x10280, s29;
	[tilespmem:s29+$0x10280] =	vst v7  }
0xbc: {  	v7 =	vld [tilespmem:s30+$0x10]  }
0xbd: {  	v8 =	vld [tilespmem:s26+$0xFFFFF410];
	_ =	sdelay $0x4  }
0xbe: {  	v7 =	vadd.f32 v8, v7;
	_ =	sdelay $0x1  }
0xbf: {  	[tilespmem:s30+$0x10] =	vst v7;
	v7 =	vld [tilespmem:s30+$0x20]  }
0xc0: {  	v8 =	vld [tilespmem:s26+$0xFFFFF420];
	_ =	sdelay $0x4  }
0xc1: {  	v7 =	vadd.f32 v8, v7;
	_ =	sdelay $0x1  }
0xc2: {  	[tilespmem:s30+$0x20] =	vst v7;
	v7 =	vld [tilespmem:s30+$0x30]  }
0xc3: {  	v8 =	vld [tilespmem:s26+$0xFFFFF430];
	_ =	sdelay $0x4  }
0xc4: {  	v7 =	vadd.f32 v8, v7;
	_ =	sdelay $0x1  }
0xc5: {  	[tilespmem:s30+$0x30] =	vst v7;
	v7 =	vld [tilespmem:s30+$0x40]  }
0xc6: {  	v8 =	vld [tilespmem:s26+$0xFFFFF440];
	_ =	sdelay $0x4  }
0xc7: {  	v7 =	vadd.f32 v8, v7;
	_ =	sdelay $0x1  }
0xc8: {  	[tilespmem:s30+$0x40] =	vst v7;
	v7 =	vld [tilespmem:s30+$0x50]  }
0xc9: {  	v8 =	vld [tilespmem:s26+$0xFFFFF450];
	_ =	sdelay $0x4  }
0xca: {  	v7 =	vadd.f32 v8, v7;
	_ =	sdelay $0x1  }
0xcb: {  	[tilespmem:s30+$0x50] =	vst v7;
	v7 =	vld [tilespmem:s30+$0x60]  }
0xcc: {  	v8 =	vld [tilespmem:s26+$0xFFFFF460];
	_ =	sdelay $0x4  }
0xcd: {  	v7 =	vadd.f32 v8, v7;
	_ =	sdelay $0x1  }
0xce: {  	[tilespmem:s30+$0x60] =	vst v7;
	v7 =	vld [tilespmem:s30+$0x70]  }
0xcf: {  	v8 =	vld [tilespmem:s26+$0xFFFFF470];
	_ =	sdelay $0x4  }
0xd0: {  	v7 =	vadd.f32 v8, v7;
	_ =	sdelay $0x1  }
0xd1: {  	[tilespmem:s30+$0x70] =	vst v7;
	v7 =	vld [tilespmem:s30+$0x400]  }
0xd2: {  	v8 =	vld [tilespmem:s26+$0xFFFFF800];
	_ =	sdelay $0x4  }
0xd3: {  	v7 =	vadd.f32 v8, v7;
	_ =	sdelay $0x1  }
0xd4: {  	[tilespmem:s30+$0x400] =	vst v7;
	v7 =	vld [tilespmem:s30+$0x410]  }
0xd5: {  	v8 =	vld [tilespmem:s26+$0xFFFFF810];
	_ =	sdelay $0x4  }
0xd6: {  	v7 =	vadd.f32 v8, v7;
	_ =	sdelay $0x1  }
0xd7: {  	[tilespmem:s30+$0x410] =	vst v7;
	v7 =	vld [tilespmem:s30+$0x420]  }
0xd8: {  	v8 =	vld [tilespmem:s26+$0xFFFFF820];
	_ =	sdelay $0x4  }
0xd9: {  	v7 =	vadd.f32 v8, v7;
	_ =	sdelay $0x1  }
0xda: {  	[tilespmem:s30+$0x420] =	vst v7;
	v7 =	vld [tilespmem:s30+$0x430]  }
0xdb: {  	v8 =	vld [tilespmem:s26+$0xFFFFF830];
	_ =	sdelay $0x4  }
0xdc: {  	v7 =	vadd.f32 v8, v7;
	_ =	sdelay $0x1  }
0xdd: {  	[tilespmem:s30+$0x430] =	vst v7;
	v7 =	vld [tilespmem:s30+$0x440]  }
0xde: {  	v8 =	vld [tilespmem:s26+$0xFFFFF840];
	_ =	sdelay $0x4  }
0xdf: {  	v7 =	vadd.f32 v8, v7;
	_ =	sdelay $0x1  }
0xe0: {  	[tilespmem:s30+$0x440] =	vst v7;
	v7 =	vld [tilespmem:s30+$0x450]  }
0xe1: {  	v8 =	vld [tilespmem:s26+$0xFFFFF850];
	_ =	sdelay $0x4  }
0xe2: {  	v7 =	vadd.f32 v8, v7;
	_ =	sdelay $0x1  }
0xe3: {  	[tilespmem:s30+$0x450] =	vst v7;
	v7 =	vld [tilespmem:s30+$0x460]  }
0xe4: {  	v8 =	vld [tilespmem:s26+$0xFFFFF860];
	_ =	sdelay $0x4  }
0xe5: {  	v7 =	vadd.f32 v8, v7;
	_ =	sdelay $0x1  }
0xe6: {  	[tilespmem:s30+$0x460] =	vst v7;
	v7 =	vld [tilespmem:s30+$0x470]  }
0xe7: {  	v8 =	vld [tilespmem:s26+$0xFFFFF870];
	_ =	sdelay $0x4  }
0xe8: {  	v7 =	vadd.f32 v8, v7;
	_ =	sdelay $0x1  }
0xe9: {  	[tilespmem:s30+$0x470] =	vst v7  }
0xea: {  	v7 =	vld [tilespmem:s29+$0x10A80]  }
0xeb: {  	v8 =	vld [tilespmem:s26+$0xFFFFFC00];
	_ =	sdelay $0x4  }
0xec: {  	v7 =	vadd.f32 v8, v7;
	_ =	sdelay $0x1  }
0xed: {  	s31 =	sadd.s32 $0x10A80, s29;
	[tilespmem:s29+$0x10A80] =	vst v7  }
0xee: {  	v7 =	vld [tilespmem:s31+$0x10]  }
0xef: {  	v8 =	vld [tilespmem:s26+$0xFFFFFC10];
	_ =	sdelay $0x4  }
0xf0: {  	v7 =	vadd.f32 v8, v7;
	_ =	sdelay $0x1  }
0xf1: {  	[tilespmem:s31+$0x10] =	vst v7;
	v7 =	vld [tilespmem:s31+$0x20]  }
0xf2: {  	v8 =	vld [tilespmem:s26+$0xFFFFFC20];
	_ =	sdelay $0x4  }
0xf3: {  	v7 =	vadd.f32 v8, v7;
	_ =	sdelay $0x1  }
0xf4: {  	[tilespmem:s31+$0x20] =	vst v7;
	v7 =	vld [tilespmem:s31+$0x30]  }
0xf5: {  	v8 =	vld [tilespmem:s26+$0xFFFFFC30];
	_ =	sdelay $0x4  }
0xf6: {  	v7 =	vadd.f32 v8, v7;
	_ =	sdelay $0x1  }
0xf7: {  	[tilespmem:s31+$0x30] =	vst v7;
	v7 =	vld [tilespmem:s31+$0x40]  }
0xf8: {  	v8 =	vld [tilespmem:s26+$0xFFFFFC40];
	_ =	sdelay $0x4  }
0xf9: {  	v7 =	vadd.f32 v8, v7;
	_ =	sdelay $0x1  }
0xfa: {  	[tilespmem:s31+$0x40] =	vst v7;
	v7 =	vld [tilespmem:s31+$0x50]  }
0xfb: {  	v8 =	vld [tilespmem:s26+$0xFFFFFC50];
	_ =	sdelay $0x4  }
0xfc: {  	v7 =	vadd.f32 v8, v7;
	_ =	sdelay $0x1  }
0xfd: {  	[tilespmem:s31+$0x50] =	vst v7;
	v7 =	vld [tilespmem:s31+$0x60]  }
0xfe: {  	v8 =	vld [tilespmem:s26+$0xFFFFFC60];
	_ =	sdelay $0x4  }
0xff: {  	v7 =	vadd.f32 v8, v7;
	_ =	sdelay $0x1  }
0x100: {  	[tilespmem:s31+$0x60] =	vst v7;
	v7 =	vld [tilespmem:s31+$0x70]  }
0x101: {  	v8 =	vld [tilespmem:s26+$0xFFFFFC70];
	_ =	sdelay $0x4  }
0x102: {  	v7 =	vadd.f32 v8, v7;
	_ =	sdelay $0x1  }
0x103: {  	[tilespmem:s31+$0x70] =	vst v7  }
0x104: {  	v7 =	vld [tilespmem:s29+$0x10E80]  }
0x105: {  	v8 =	vld [tilespmem:s26+$0x0];
	_ =	sdelay $0x4  }
0x106: {  	v7 =	vadd.f32 v8, v7;
	_ =	sdelay $0x1  }
0x107: {  	s31 =	sadd.s32 $0x10E80, s29;
	[tilespmem:s29+$0x10E80] =	vst v7  }
0x108: {  	v7 =	vld [tilespmem:s31+$0x10]  }
0x109: {  	v8 =	vld [tilespmem:s26+$0x10];
	_ =	sdelay $0x4  }
0x10a: {  	v7 =	vadd.f32 v8, v7;
	_ =	sdelay $0x1  }
0x10b: {  	[tilespmem:s31+$0x10] =	vst v7;
	v7 =	vld [tilespmem:s31+$0x20]  }
0x10c: {  	v8 =	vld [tilespmem:s26+$0x20];
	_ =	sdelay $0x4  }
0x10d: {  	v7 =	vadd.f32 v8, v7;
	_ =	sdelay $0x1  }
0x10e: {  	[tilespmem:s31+$0x20] =	vst v7;
	v7 =	vld [tilespmem:s31+$0x30]  }
0x10f: {  	v8 =	vld [tilespmem:s26+$0x30];
	_ =	sdelay $0x4  }
0x110: {  	v7 =	vadd.f32 v8, v7;
	_ =	sdelay $0x1  }
0x111: {  	[tilespmem:s31+$0x30] =	vst v7;
	v7 =	vld [tilespmem:s31+$0x40]  }
0x112: {  	v8 =	vld [tilespmem:s26+$0x40];
	_ =	sdelay $0x4  }
0x113: {  	v7 =	vadd.f32 v8, v7;
	_ =	sdelay $0x1  }
0x114: {  	[tilespmem:s31+$0x40] =	vst v7;
	v7 =	vld [tilespmem:s31+$0x50]  }
0x115: {  	v8 =	vld [tilespmem:s26+$0x50];
	_ =	sdelay $0x4  }
0x116: {  	v7 =	vadd.f32 v8, v7;
	_ =	sdelay $0x1  }
0x117: {  	[tilespmem:s31+$0x50] =	vst v7;
	v7 =	vld [tilespmem:s31+$0x60]  }
0x118: {  	v8 =	vld [tilespmem:s26+$0x60];
	_ =	sdelay $0x4  }
0x119: {  	v7 =	vadd.f32 v8, v7;
	_ =	sdelay $0x1  }
0x11a: {  	[tilespmem:s31+$0x60] =	vst v7;
	v7 =	vld [tilespmem:s31+$0x70]  }
0x11b: {  	v8 =	vld [tilespmem:s26+$0x70];
	_ =	sdelay $0x4  }
0x11c: {  	v7 =	vadd.f32 v8, v7;
	_ =	sdelay $0x1  }
0x11d: {  	[tilespmem:s31+$0x70] =	vst v7  }
0x11e: {  	v7 =	vld [tilespmem:s29+$0x11280]  }
0x11f: {  	v8 =	vld [tilespmem:s26+$0x400];
	_ =	sdelay $0x4  }
0x120: {  	v7 =	vadd.f32 v8, v7;
	_ =	sdelay $0x1  }
0x121: {  	s31 =	sadd.s32 $0x11280, s29;
	[tilespmem:s29+$0x11280] =	vst v7  }
0x122: {  	v7 =	vld [tilespmem:s31+$0x10]  }
0x123: {  	v8 =	vld [tilespmem:s26+$0x410];
	_ =	sdelay $0x4  }
0x124: {  	v7 =	vadd.f32 v8, v7;
	_ =	sdelay $0x1  }
0x125: {  	[tilespmem:s31+$0x10] =	vst v7;
	v7 =	vld [tilespmem:s31+$0x20]  }
0x126: {  	v8 =	vld [tilespmem:s26+$0x420];
	_ =	sdelay $0x4  }
0x127: {  	v7 =	vadd.f32 v8, v7;
	_ =	sdelay $0x1  }
0x128: {  	[tilespmem:s31+$0x20] =	vst v7;
	v7 =	vld [tilespmem:s31+$0x30]  }
0x129: {  	v8 =	vld [tilespmem:s26+$0x430];
	_ =	sdelay $0x4  }
0x12a: {  	v7 =	vadd.f32 v8, v7;
	_ =	sdelay $0x1  }
0x12b: {  	[tilespmem:s31+$0x30] =	vst v7;
	v7 =	vld [tilespmem:s31+$0x40]  }
0x12c: {  	v8 =	vld [tilespmem:s26+$0x440];
	_ =	sdelay $0x4  }
0x12d: {  	v7 =	vadd.f32 v8, v7;
	_ =	sdelay $0x1  }
0x12e: {  	[tilespmem:s31+$0x40] =	vst v7;
	v7 =	vld [tilespmem:s31+$0x50]  }
0x12f: {  	v8 =	vld [tilespmem:s26+$0x450];
	_ =	sdelay $0x4  }
0x130: {  	v7 =	vadd.f32 v8, v7;
	_ =	sdelay $0x1  }
0x131: {  	[tilespmem:s31+$0x50] =	vst v7;
	v7 =	vld [tilespmem:s31+$0x60]  }
0x132: {  	v8 =	vld [tilespmem:s26+$0x460];
	_ =	sdelay $0x4  }
0x133: {  	v7 =	vadd.f32 v8, v7;
	_ =	sdelay $0x1  }
0x134: {  	[tilespmem:s31+$0x60] =	vst v7;
	v7 =	vld [tilespmem:s31+$0x70]  }
0x135: {  	v8 =	vld [tilespmem:s26+$0x470];
	_ =	sdelay $0x4  }
0x136: {  	v7 =	vadd.f32 v8, v7;
	_ =	sdelay $0x1  }
0x137: {  	[tilespmem:s31+$0x70] =	vst v7  }
0x138: {  	v7 =	vld [tilespmem:s29+$0x11680]  }
0x139: {  	v8 =	vld [tilespmem:s26+$0x800];
	_ =	sdelay $0x4  }
0x13a: {  	v7 =	vadd.f32 v8, v7;
	_ =	sdelay $0x1  }
0x13b: {  	s31 =	sadd.s32 $0x11680, s29;
	[tilespmem:s29+$0x11680] =	vst v7  }
0x13c: {  	v7 =	vld [tilespmem:s31+$0x10]  }
0x13d: {  	v8 =	vld [tilespmem:s26+$0x810];
	_ =	sdelay $0x4  }
0x13e: {  	v7 =	vadd.f32 v8, v7;
	_ =	sdelay $0x1  }
0x13f: {  	[tilespmem:s31+$0x10] =	vst v7;
	v7 =	vld [tilespmem:s31+$0x20]  }
0x140: {  	v8 =	vld [tilespmem:s26+$0x820];
	_ =	sdelay $0x4  }
0x141: {  	v7 =	vadd.f32 v8, v7;
	_ =	sdelay $0x1  }
0x142: {  	[tilespmem:s31+$0x20] =	vst v7;
	v7 =	vld [tilespmem:s31+$0x30]  }
0x143: {  	v8 =	vld [tilespmem:s26+$0x830];
	_ =	sdelay $0x4  }
0x144: {  	v7 =	vadd.f32 v8, v7;
	_ =	sdelay $0x1  }
0x145: {  	[tilespmem:s31+$0x30] =	vst v7;
	v7 =	vld [tilespmem:s31+$0x40]  }
0x146: {  	v8 =	vld [tilespmem:s26+$0x840];
	_ =	sdelay $0x4  }
0x147: {  	v7 =	vadd.f32 v8, v7;
	_ =	sdelay $0x1  }
0x148: {  	[tilespmem:s31+$0x40] =	vst v7;
	v7 =	vld [tilespmem:s31+$0x50]  }
0x149: {  	v8 =	vld [tilespmem:s26+$0x850];
	_ =	sdelay $0x4  }
0x14a: {  	v7 =	vadd.f32 v8, v7;
	_ =	sdelay $0x1  }
0x14b: {  	[tilespmem:s31+$0x50] =	vst v7;
	v7 =	vld [tilespmem:s31+$0x60]  }
0x14c: {  	v8 =	vld [tilespmem:s26+$0x860];
	_ =	sdelay $0x4  }
0x14d: {  	v7 =	vadd.f32 v8, v7;
	_ =	sdelay $0x1  }
0x14e: {  	[tilespmem:s31+$0x60] =	vst v7;
	v7 =	vld [tilespmem:s31+$0x70]  }
0x14f: {  	v8 =	vld [tilespmem:s26+$0x870];
	_ =	sdelay $0x1  }
0x150: {  	p0 =	sne.s32 s28, $0x7  }
.Ltmp3:
0x151: {  	_ = 	snop;
	(pc) =	sbr.rel @p0 .LBB2_8-.Ltmp3, $3  }
0x152: {  	_ = 	snop  }
0x153: {  	v7 =	vadd.f32 v8, v7;
	_ =	sdelay $0x1  }
0x154: {  	s28 =	sadd.s32 $0x1, s28;
	s26 =	sadd.s32 $0x80, s26;
	[tilespmem:s31+$0x70] =	vst v7  }
0x155: {  	s25 =	sadd.s32 $0x1, s25  }
0x156: {  	p0 =	sne.s32 s25, s23  }
.Ltmp4:
0x157: {  	_ = 	snop;
	(pc) =	sbr.rel @p0 .LBB2_7-.Ltmp4, $1  }
0x158: {  	_ =	sdelay $0x3  }
.LBB2_10:
0x159: {  	s22 =	sshrl.u32 s22, $0x3  }
0x15a: {  	s23 =	simm.s32 $0x0;
	s24 =	sadd.s32 s5, s22  }
0x15b: {  	[tilespmem:s18], [sflag:$0x2] =	stream.linear.gather [hbm4b:s24+s23], $0x40, $0x38;
	[tilespmem:$0x1F280] =	vst v63  }
0x15c: {  	_ =	swait.ge [sflag:s12], $0x40  }
0x15d: {  	[sflag:s12] =	ssyncset.done $0x0  }
0x15e: {  	s31 =	sadd.s32 s22, s10;
	[sflag:s12] =	ssyncadd.s32 $0xFFFFFFC0  }
0x15f: {  	[tilespmem:s19], [sflag:$0x2] =	stream.linear.gather [hbm4b:s31+s23], $0x40, $0x38;
	[tilespmem:$0x1F280] =	vst v63  }
0x160: {  	_ =	swait.ge [sflag:s12], $0x40  }
0x161: {  	[sflag:s12] =	ssyncset.done $0x0  }
0x162: {  	[sflag:s12] =	ssyncadd.s32 $0xFFFFFFC0  }
0x163: {  	v6 =	vld [tilespmem:$0x10100]  }
0x164: {  	v7 =	vld [tilespmem:$0x10180]  }
0x165: {  	v8 =	vld [tilespmem:$0x10110]  }
0x166: {  	v9 =	vld [tilespmem:$0x10190]  }
0x167: {  	v10 =	vld [tilespmem:$0x10120]  }
0x168: {  	v11 =	vld [tilespmem:$0x101A0]  }
0x169: {  	v12 =	vld [tilespmem:$0x10130]  }
0x16a: {  	v13 =	vld [tilespmem:$0x101B0];
	_ =	sdelay $0x1  }
0x16b: {  	v6 =	vadd.f32 v7, v6  }
0x16c: {  	v7 =	vadd.f32 v9, v8  }
0x16d: {  	v63 =	vadd.f32 v11, v10;
	v6 =	vmax.f32 v6, $9.999999710e-10  }
0x16e: {  	v7 =	vmax.f32 v7, $9.999999710e-10;
	(erf) = vrcp.f32 v6;
	v6 =	vadd.f32 v13, v12  }
0x16f: {  	(erf) = vrcp.f32 v7;
	v7 =	vmax.f32 v63, $9.999999710e-10  }
0x170: {  	(erf) = vrcp.f32 v7;
	v6 =	vmax.f32 v6, $9.999999710e-10  }
0x171: {  	(erf) = vrcp.f32 v6;
	_ =	sdelay $0x5  }
0x172: {  	v6 =	vpop (erf)  }
0x173: {  	v7 =	vpop (erf);
	[tilespmem:$0x10210] =	vst v6  }
0x174: {  	v6 =	vpop (erf);
	[tilespmem:$0x10220] =	vst v7  }
0x175: {  	[tilespmem:$0x10230] =	vst v6;
	v6 =	vpop (erf)  }
0x176: {  	s25 =	simm.s32 $0x0;
	s24 =	simm.s32 $0x10E80;
	[tilespmem:$0x10240] =	vst v6  }
.LBB2_11:
0x177: {  	s26 =	sshll.u32 s25, $0x3  }
0x178: {  	s26 =	sand.u32 $0x3FFFFFF8, s26  }
0x179: {  	v6 =	vld [tilespmem:s26+$0x10210];
	_ =	sdelay $0x2  }
0x17a: {  	v7 =	vmov s23  }
0x17b: {  	vm1 =	veq.s32 v7, v1  }
0x17c: {  	v7 =	vnsel vm1, $0x0, v6  }
0x17d: {  	(xrf0) =	vmax.scan.msk.f32 $0xffff, v7;
	_ =	sdelay $0x3  }
0x17e: {  	v8 =	vld [tilespmem:s24+$0xFFFFF400];
	_ =	sdelay $0x1  }
0x17f: {  	v7, _, _ =	vpop (xrf0)  }
0x180: {  	v7 =	vbroadcast v7, $0xF;
	_ =	sdelay $0x1  }
0x181: {  	v8 =	vmul.f32 v8, v7  }
0x182: {  	s26 =	simm.s32 $0x1E680  }
0x183: {  	[tilespmem:s26+$0xFFFFF400] =	vst v8  }
0x184: {  	v8 =	vld [tilespmem:s24+$0xFFFFF410];
	_ =	sdelay $0x4  }
0x185: {  	v8 =	vmul.f32 v8, v7;
	_ =	sdelay $0x1  }
0x186: {  	[tilespmem:s26+$0xFFFFF410] =	vst v8  }
0x187: {  	v8 =	vld [tilespmem:s24+$0xFFFFF420];
	_ =	sdelay $0x4  }
0x188: {  	v8 =	vmul.f32 v8, v7;
	_ =	sdelay $0x1  }
0x189: {  	[tilespmem:s26+$0xFFFFF420] =	vst v8  }
0x18a: {  	v8 =	vld [tilespmem:s24+$0xFFFFF430];
	_ =	sdelay $0x4  }
0x18b: {  	v8 =	vmul.f32 v8, v7;
	_ =	sdelay $0x1  }
0x18c: {  	[tilespmem:s26+$0xFFFFF430] =	vst v8  }
0x18d: {  	v8 =	vld [tilespmem:s24+$0xFFFFF440];
	_ =	sdelay $0x4  }
0x18e: {  	v8 =	vmul.f32 v8, v7;
	_ =	sdelay $0x1  }
0x18f: {  	[tilespmem:s26+$0xFFFFF440] =	vst v8  }
0x190: {  	v8 =	vld [tilespmem:s24+$0xFFFFF450];
	_ =	sdelay $0x4  }
0x191: {  	v8 =	vmul.f32 v8, v7;
	_ =	sdelay $0x1  }
0x192: {  	[tilespmem:s26+$0xFFFFF450] =	vst v8  }
0x193: {  	v8 =	vld [tilespmem:s24+$0xFFFFF460];
	_ =	sdelay $0x4  }
0x194: {  	v8 =	vmul.f32 v8, v7;
	_ =	sdelay $0x1  }
0x195: {  	[tilespmem:s26+$0xFFFFF460] =	vst v8  }
0x196: {  	v8 =	vld [tilespmem:s24+$0xFFFFF470];
	_ =	sdelay $0x4  }
0x197: {  	v8 =	vmul.f32 v8, v7;
	_ =	sdelay $0x1  }
0x198: {  	[tilespmem:s26+$0xFFFFF470] =	vst v8  }
0x199: {  	v8 =	vld [tilespmem:s24+$0xFFFFF800];
	_ =	sdelay $0x4  }
0x19a: {  	v8 =	vmul.f32 v8, v7;
	_ =	sdelay $0x1  }
0x19b: {  	[tilespmem:s26+$0xFFFFF800] =	vst v8  }
0x19c: {  	v8 =	vld [tilespmem:s24+$0xFFFFF810];
	_ =	sdelay $0x4  }
0x19d: {  	v8 =	vmul.f32 v8, v7;
	_ =	sdelay $0x1  }
0x19e: {  	[tilespmem:s26+$0xFFFFF810] =	vst v8  }
0x19f: {  	v8 =	vld [tilespmem:s24+$0xFFFFF820];
	_ =	sdelay $0x4  }
0x1a0: {  	v8 =	vmul.f32 v8, v7;
	_ =	sdelay $0x1  }
0x1a1: {  	[tilespmem:s26+$0xFFFFF820] =	vst v8  }
0x1a2: {  	v8 =	vld [tilespmem:s24+$0xFFFFF830];
	_ =	sdelay $0x4  }
0x1a3: {  	v8 =	vmul.f32 v8, v7;
	_ =	sdelay $0x1  }
0x1a4: {  	[tilespmem:s26+$0xFFFFF830] =	vst v8  }
0x1a5: {  	v8 =	vld [tilespmem:s24+$0xFFFFF840];
	_ =	sdelay $0x4  }
0x1a6: {  	v8 =	vmul.f32 v8, v7;
	_ =	sdelay $0x1  }
0x1a7: {  	[tilespmem:s26+$0xFFFFF840] =	vst v8  }
0x1a8: {  	v8 =	vld [tilespmem:s24+$0xFFFFF850];
	_ =	sdelay $0x4  }
0x1a9: {  	v8 =	vmul.f32 v8, v7;
	_ =	sdelay $0x1  }
0x1aa: {  	[tilespmem:s26+$0xFFFFF850] =	vst v8  }
0x1ab: {  	v8 =	vld [tilespmem:s24+$0xFFFFF860];
	_ =	sdelay $0x4  }
0x1ac: {  	v8 =	vmul.f32 v8, v7;
	_ =	sdelay $0x1  }
0x1ad: {  	[tilespmem:s26+$0xFFFFF860] =	vst v8  }
0x1ae: {  	v8 =	vld [tilespmem:s24+$0xFFFFF870];
	_ =	sdelay $0x4  }
0x1af: {  	v8 =	vmul.f32 v8, v7;
	_ =	sdelay $0x1  }
0x1b0: {  	[tilespmem:s26+$0xFFFFF870] =	vst v8  }
0x1b1: {  	v8 =	vld [tilespmem:s24+$0xFFFFFC00];
	_ =	sdelay $0x4  }
0x1b2: {  	v8 =	vmul.f32 v8, v7;
	_ =	sdelay $0x1  }
0x1b3: {  	[tilespmem:s26+$0xFFFFFC00] =	vst v8  }
0x1b4: {  	v8 =	vld [tilespmem:s24+$0xFFFFFC10];
	_ =	sdelay $0x4  }
0x1b5: {  	v8 =	vmul.f32 v8, v7;
	_ =	sdelay $0x1  }
0x1b6: {  	[tilespmem:s26+$0xFFFFFC10] =	vst v8  }
0x1b7: {  	v8 =	vld [tilespmem:s24+$0xFFFFFC20];
	_ =	sdelay $0x4  }
0x1b8: {  	v8 =	vmul.f32 v8, v7;
	_ =	sdelay $0x1  }
0x1b9: {  	[tilespmem:s26+$0xFFFFFC20] =	vst v8  }
0x1ba: {  	v8 =	vld [tilespmem:s24+$0xFFFFFC30];
	_ =	sdelay $0x4  }
0x1bb: {  	v8 =	vmul.f32 v8, v7;
	_ =	sdelay $0x1  }
0x1bc: {  	[tilespmem:s26+$0xFFFFFC30] =	vst v8  }
0x1bd: {  	v8 =	vld [tilespmem:s24+$0xFFFFFC40];
	_ =	sdelay $0x4  }
0x1be: {  	v8 =	vmul.f32 v8, v7;
	_ =	sdelay $0x1  }
0x1bf: {  	[tilespmem:s26+$0xFFFFFC40] =	vst v8  }
0x1c0: {  	v8 =	vld [tilespmem:s24+$0xFFFFFC50];
	_ =	sdelay $0x4  }
0x1c1: {  	v8 =	vmul.f32 v8, v7;
	_ =	sdelay $0x1  }
0x1c2: {  	[tilespmem:s26+$0xFFFFFC50] =	vst v8  }
0x1c3: {  	v8 =	vld [tilespmem:s24+$0xFFFFFC60];
	_ =	sdelay $0x4  }
0x1c4: {  	v8 =	vmul.f32 v8, v7;
	_ =	sdelay $0x1  }
0x1c5: {  	[tilespmem:s26+$0xFFFFFC60] =	vst v8  }
0x1c6: {  	v8 =	vld [tilespmem:s24+$0xFFFFFC70];
	_ =	sdelay $0x4  }
0x1c7: {  	v8 =	vmul.f32 v8, v7;
	_ =	sdelay $0x1  }
0x1c8: {  	[tilespmem:s26+$0xFFFFFC70] =	vst v8  }
0x1c9: {  	v8 =	vld [tilespmem:s24+$0x0];
	_ =	sdelay $0x4  }
0x1ca: {  	v8 =	vmul.f32 v8, v7;
	_ =	sdelay $0x1  }
0x1cb: {  	[tilespmem:s26+$0x0] =	vst v8  }
0x1cc: {  	v8 =	vld [tilespmem:s24+$0x10];
	_ =	sdelay $0x4  }
0x1cd: {  	v8 =	vmul.f32 v8, v7;
	_ =	sdelay $0x1  }
0x1ce: {  	[tilespmem:s26+$0x10] =	vst v8  }
0x1cf: {  	v8 =	vld [tilespmem:s24+$0x20];
	_ =	sdelay $0x4  }
0x1d0: {  	v8 =	vmul.f32 v8, v7;
	_ =	sdelay $0x1  }
0x1d1: {  	[tilespmem:s26+$0x20] =	vst v8  }
0x1d2: {  	v8 =	vld [tilespmem:s24+$0x30];
	_ =	sdelay $0x4  }
0x1d3: {  	v8 =	vmul.f32 v8, v7;
	_ =	sdelay $0x1  }
0x1d4: {  	[tilespmem:s26+$0x30] =	vst v8  }
0x1d5: {  	v8 =	vld [tilespmem:s24+$0x40];
	_ =	sdelay $0x4  }
0x1d6: {  	v8 =	vmul.f32 v8, v7;
	_ =	sdelay $0x1  }
0x1d7: {  	[tilespmem:s26+$0x40] =	vst v8  }
0x1d8: {  	v8 =	vld [tilespmem:s24+$0x50];
	_ =	sdelay $0x4  }
0x1d9: {  	v8 =	vmul.f32 v8, v7;
	_ =	sdelay $0x1  }
0x1da: {  	[tilespmem:s26+$0x50] =	vst v8  }
0x1db: {  	v8 =	vld [tilespmem:s24+$0x60];
	_ =	sdelay $0x4  }
0x1dc: {  	v8 =	vmul.f32 v8, v7;
	_ =	sdelay $0x1  }
0x1dd: {  	[tilespmem:s26+$0x60] =	vst v8  }
0x1de: {  	v8 =	vld [tilespmem:s24+$0x70];
	_ =	sdelay $0x4  }
0x1df: {  	v8 =	vmul.f32 v8, v7;
	_ =	sdelay $0x1  }
0x1e0: {  	[tilespmem:s26+$0x70] =	vst v8  }
0x1e1: {  	v8 =	vld [tilespmem:s24+$0x400];
	_ =	sdelay $0x4  }
0x1e2: {  	v8 =	vmul.f32 v8, v7;
	_ =	sdelay $0x1  }
0x1e3: {  	[tilespmem:s26+$0x400] =	vst v8  }
0x1e4: {  	v8 =	vld [tilespmem:s24+$0x410];
	_ =	sdelay $0x4  }
0x1e5: {  	v8 =	vmul.f32 v8, v7;
	_ =	sdelay $0x1  }
0x1e6: {  	[tilespmem:s26+$0x410] =	vst v8  }
0x1e7: {  	v8 =	vld [tilespmem:s24+$0x420];
	_ =	sdelay $0x4  }
0x1e8: {  	v8 =	vmul.f32 v8, v7;
	_ =	sdelay $0x1  }
0x1e9: {  	[tilespmem:s26+$0x420] =	vst v8  }
0x1ea: {  	v8 =	vld [tilespmem:s24+$0x430];
	_ =	sdelay $0x4  }
0x1eb: {  	v8 =	vmul.f32 v8, v7;
	_ =	sdelay $0x1  }
0x1ec: {  	[tilespmem:s26+$0x430] =	vst v8  }
0x1ed: {  	v8 =	vld [tilespmem:s24+$0x440];
	_ =	sdelay $0x4  }
0x1ee: {  	v8 =	vmul.f32 v8, v7;
	_ =	sdelay $0x1  }
0x1ef: {  	[tilespmem:s26+$0x440] =	vst v8  }
0x1f0: {  	v8 =	vld [tilespmem:s24+$0x450];
	_ =	sdelay $0x4  }
0x1f1: {  	v8 =	vmul.f32 v8, v7;
	_ =	sdelay $0x1  }
0x1f2: {  	[tilespmem:s26+$0x450] =	vst v8  }
0x1f3: {  	v8 =	vld [tilespmem:s24+$0x460];
	_ =	sdelay $0x4  }
0x1f4: {  	v8 =	vmul.f32 v8, v7;
	_ =	sdelay $0x1  }
0x1f5: {  	[tilespmem:s26+$0x460] =	vst v8  }
0x1f6: {  	v8 =	vld [tilespmem:s24+$0x470];
	_ =	sdelay $0x4  }
0x1f7: {  	v8 =	vmul.f32 v8, v7;
	_ =	sdelay $0x1  }
0x1f8: {  	[tilespmem:s26+$0x470] =	vst v8  }
0x1f9: {  	v8 =	vld [tilespmem:s24+$0x800];
	_ =	sdelay $0x4  }
0x1fa: {  	v8 =	vmul.f32 v8, v7;
	_ =	sdelay $0x1  }
0x1fb: {  	[tilespmem:s26+$0x800] =	vst v8  }
0x1fc: {  	v8 =	vld [tilespmem:s24+$0x810];
	_ =	sdelay $0x4  }
0x1fd: {  	v8 =	vmul.f32 v8, v7;
	_ =	sdelay $0x1  }
0x1fe: {  	[tilespmem:s26+$0x810] =	vst v8  }
0x1ff: {  	v8 =	vld [tilespmem:s24+$0x820];
	_ =	sdelay $0x4  }
0x200: {  	v8 =	vmul.f32 v8, v7;
	_ =	sdelay $0x1  }
0x201: {  	[tilespmem:s26+$0x820] =	vst v8  }
0x202: {  	v8 =	vld [tilespmem:s24+$0x830];
	_ =	sdelay $0x4  }
0x203: {  	v8 =	vmul.f32 v8, v7;
	_ =	sdelay $0x1  }
0x204: {  	[tilespmem:s26+$0x830] =	vst v8  }
0x205: {  	v8 =	vld [tilespmem:s24+$0x840];
	_ =	sdelay $0x4  }
0x206: {  	v8 =	vmul.f32 v8, v7;
	_ =	sdelay $0x1  }
0x207: {  	[tilespmem:s26+$0x840] =	vst v8  }
0x208: {  	v8 =	vld [tilespmem:s24+$0x850];
	_ =	sdelay $0x4  }
0x209: {  	v8 =	vmul.f32 v8, v7;
	_ =	sdelay $0x1  }
0x20a: {  	[tilespmem:s26+$0x850] =	vst v8  }
0x20b: {  	v8 =	vld [tilespmem:s24+$0x860];
	_ =	sdelay $0x4  }
0x20c: {  	v8 =	vmul.f32 v8, v7;
	_ =	sdelay $0x1  }
0x20d: {  	[tilespmem:s26+$0x860] =	vst v8  }
0x20e: {  	s28 =	simm.s32 $0x1;
	v8 =	vld [tilespmem:s24+$0x870]  }
0x20f: {  	s29 =	simm.s32 $0x2;
	v9 =	vmov s28;
	s28 =	smov.u32 s24  }
.LBB2_12:
0x210: {  	p0 =	sne.s32 s29, $0x7;
	vm1 =	veq.s32 v9, v1  }
0x211: {  	v9 =	vnsel vm1, $0x0, v6  }
0x212: {  	(xrf0) =	vmax.scan.msk.f32 $0xffff, v9  }
0x213: {  	v7 =	vmul.f32 v8, v7;
	_ =	sdelay $0x1  }
0x214: {  	s28 =	sadd.s32 $0x80, s28;
	[tilespmem:s26+$0x870] =	vst v7  }
0x215: {  	v8 =	vld [tilespmem:s28+$0xFFFFF400];
	_ =	sdelay $0x1  }
0x216: {  	v7, _, _ =	vpop (xrf0)  }
0x217: {  	v7 =	vbroadcast v7, $0xF;
	_ =	sdelay $0x1  }
0x218: {  	v8 =	vmul.f32 v8, v7  }
0x219: {  	s26 =	sadd.s32 $0x80, s26  }
0x21a: {  	[tilespmem:s26+$0xFFFFF400] =	vst v8  }
0x21b: {  	v8 =	vld [tilespmem:s28+$0xFFFFF410];
	_ =	sdelay $0x4  }
0x21c: {  	v8 =	vmul.f32 v8, v7;
	_ =	sdelay $0x1  }
0x21d: {  	[tilespmem:s26+$0xFFFFF410] =	vst v8  }
0x21e: {  	v8 =	vld [tilespmem:s28+$0xFFFFF420];
	_ =	sdelay $0x4  }
0x21f: {  	v8 =	vmul.f32 v8, v7;
	_ =	sdelay $0x1  }
0x220: {  	[tilespmem:s26+$0xFFFFF420] =	vst v8  }
0x221: {  	v8 =	vld [tilespmem:s28+$0xFFFFF430];
	_ =	sdelay $0x4  }
0x222: {  	v8 =	vmul.f32 v8, v7;
	_ =	sdelay $0x1  }
0x223: {  	[tilespmem:s26+$0xFFFFF430] =	vst v8  }
0x224: {  	v8 =	vld [tilespmem:s28+$0xFFFFF440];
	_ =	sdelay $0x4  }
0x225: {  	v8 =	vmul.f32 v8, v7;
	_ =	sdelay $0x1  }
0x226: {  	[tilespmem:s26+$0xFFFFF440] =	vst v8  }
0x227: {  	v8 =	vld [tilespmem:s28+$0xFFFFF450];
	_ =	sdelay $0x4  }
0x228: {  	v8 =	vmul.f32 v8, v7;
	_ =	sdelay $0x1  }
0x229: {  	[tilespmem:s26+$0xFFFFF450] =	vst v8  }
0x22a: {  	v8 =	vld [tilespmem:s28+$0xFFFFF460];
	_ =	sdelay $0x4  }
0x22b: {  	v8 =	vmul.f32 v8, v7;
	_ =	sdelay $0x1  }
0x22c: {  	[tilespmem:s26+$0xFFFFF460] =	vst v8  }
0x22d: {  	v8 =	vld [tilespmem:s28+$0xFFFFF470];
	_ =	sdelay $0x4  }
0x22e: {  	v8 =	vmul.f32 v8, v7;
	_ =	sdelay $0x1  }
0x22f: {  	[tilespmem:s26+$0xFFFFF470] =	vst v8  }
0x230: {  	v8 =	vld [tilespmem:s28+$0xFFFFF800];
	_ =	sdelay $0x4  }
0x231: {  	v8 =	vmul.f32 v8, v7;
	_ =	sdelay $0x1  }
0x232: {  	[tilespmem:s26+$0xFFFFF800] =	vst v8  }
0x233: {  	v8 =	vld [tilespmem:s28+$0xFFFFF810];
	_ =	sdelay $0x4  }
0x234: {  	v8 =	vmul.f32 v8, v7;
	_ =	sdelay $0x1  }
0x235: {  	[tilespmem:s26+$0xFFFFF810] =	vst v8  }
0x236: {  	v8 =	vld [tilespmem:s28+$0xFFFFF820];
	_ =	sdelay $0x4  }
0x237: {  	v8 =	vmul.f32 v8, v7;
	_ =	sdelay $0x1  }
0x238: {  	[tilespmem:s26+$0xFFFFF820] =	vst v8  }
0x239: {  	v8 =	vld [tilespmem:s28+$0xFFFFF830];
	_ =	sdelay $0x4  }
0x23a: {  	v8 =	vmul.f32 v8, v7;
	_ =	sdelay $0x1  }
0x23b: {  	[tilespmem:s26+$0xFFFFF830] =	vst v8  }
0x23c: {  	v8 =	vld [tilespmem:s28+$0xFFFFF840];
	_ =	sdelay $0x4  }
0x23d: {  	v8 =	vmul.f32 v8, v7;
	_ =	sdelay $0x1  }
0x23e: {  	[tilespmem:s26+$0xFFFFF840] =	vst v8  }
0x23f: {  	v8 =	vld [tilespmem:s28+$0xFFFFF850];
	_ =	sdelay $0x4  }
0x240: {  	v8 =	vmul.f32 v8, v7;
	_ =	sdelay $0x1  }
0x241: {  	[tilespmem:s26+$0xFFFFF850] =	vst v8  }
0x242: {  	v8 =	vld [tilespmem:s28+$0xFFFFF860];
	_ =	sdelay $0x4  }
0x243: {  	v8 =	vmul.f32 v8, v7;
	_ =	sdelay $0x1  }
0x244: {  	[tilespmem:s26+$0xFFFFF860] =	vst v8  }
0x245: {  	v8 =	vld [tilespmem:s28+$0xFFFFF870];
	_ =	sdelay $0x4  }
0x246: {  	v8 =	vmul.f32 v8, v7;
	_ =	sdelay $0x1  }
0x247: {  	[tilespmem:s26+$0xFFFFF870] =	vst v8  }
0x248: {  	v8 =	vld [tilespmem:s28+$0xFFFFFC00];
	_ =	sdelay $0x4  }
0x249: {  	v8 =	vmul.f32 v8, v7;
	_ =	sdelay $0x1  }
0x24a: {  	[tilespmem:s26+$0xFFFFFC00] =	vst v8  }
0x24b: {  	v8 =	vld [tilespmem:s28+$0xFFFFFC10];
	_ =	sdelay $0x4  }
0x24c: {  	v8 =	vmul.f32 v8, v7;
	_ =	sdelay $0x1  }
0x24d: {  	[tilespmem:s26+$0xFFFFFC10] =	vst v8  }
0x24e: {  	v8 =	vld [tilespmem:s28+$0xFFFFFC20];
	_ =	sdelay $0x4  }
0x24f: {  	v8 =	vmul.f32 v8, v7;
	_ =	sdelay $0x1  }
0x250: {  	[tilespmem:s26+$0xFFFFFC20] =	vst v8  }
0x251: {  	v8 =	vld [tilespmem:s28+$0xFFFFFC30];
	_ =	sdelay $0x4  }
0x252: {  	v8 =	vmul.f32 v8, v7;
	_ =	sdelay $0x1  }
0x253: {  	[tilespmem:s26+$0xFFFFFC30] =	vst v8  }
0x254: {  	v8 =	vld [tilespmem:s28+$0xFFFFFC40];
	_ =	sdelay $0x4  }
0x255: {  	v8 =	vmul.f32 v8, v7;
	_ =	sdelay $0x1  }
0x256: {  	[tilespmem:s26+$0xFFFFFC40] =	vst v8  }
0x257: {  	v8 =	vld [tilespmem:s28+$0xFFFFFC50];
	_ =	sdelay $0x4  }
0x258: {  	v8 =	vmul.f32 v8, v7;
	_ =	sdelay $0x1  }
0x259: {  	[tilespmem:s26+$0xFFFFFC50] =	vst v8  }
0x25a: {  	v8 =	vld [tilespmem:s28+$0xFFFFFC60];
	_ =	sdelay $0x4  }
0x25b: {  	v8 =	vmul.f32 v8, v7;
	_ =	sdelay $0x1  }
0x25c: {  	[tilespmem:s26+$0xFFFFFC60] =	vst v8  }
0x25d: {  	v8 =	vld [tilespmem:s28+$0xFFFFFC70];
	_ =	sdelay $0x4  }
0x25e: {  	v8 =	vmul.f32 v8, v7;
	_ =	sdelay $0x1  }
0x25f: {  	[tilespmem:s26+$0xFFFFFC70] =	vst v8  }
0x260: {  	v8 =	vld [tilespmem:s28+$0x0];
	_ =	sdelay $0x4  }
0x261: {  	v8 =	vmul.f32 v8, v7;
	_ =	sdelay $0x1  }
0x262: {  	[tilespmem:s26+$0x0] =	vst v8  }
0x263: {  	v8 =	vld [tilespmem:s28+$0x10];
	_ =	sdelay $0x4  }
0x264: {  	v8 =	vmul.f32 v8, v7;
	_ =	sdelay $0x1  }
0x265: {  	[tilespmem:s26+$0x10] =	vst v8  }
0x266: {  	v8 =	vld [tilespmem:s28+$0x20];
	_ =	sdelay $0x4  }
0x267: {  	v8 =	vmul.f32 v8, v7;
	_ =	sdelay $0x1  }
0x268: {  	[tilespmem:s26+$0x20] =	vst v8  }
0x269: {  	v8 =	vld [tilespmem:s28+$0x30];
	_ =	sdelay $0x4  }
0x26a: {  	v8 =	vmul.f32 v8, v7;
	_ =	sdelay $0x1  }
0x26b: {  	[tilespmem:s26+$0x30] =	vst v8  }
0x26c: {  	v8 =	vld [tilespmem:s28+$0x40];
	_ =	sdelay $0x4  }
0x26d: {  	v8 =	vmul.f32 v8, v7;
	_ =	sdelay $0x1  }
0x26e: {  	[tilespmem:s26+$0x40] =	vst v8  }
0x26f: {  	v8 =	vld [tilespmem:s28+$0x50];
	_ =	sdelay $0x4  }
0x270: {  	v8 =	vmul.f32 v8, v7;
	_ =	sdelay $0x1  }
0x271: {  	[tilespmem:s26+$0x50] =	vst v8  }
0x272: {  	v8 =	vld [tilespmem:s28+$0x60];
	_ =	sdelay $0x4  }
0x273: {  	v8 =	vmul.f32 v8, v7;
	_ =	sdelay $0x1  }
0x274: {  	[tilespmem:s26+$0x60] =	vst v8  }
0x275: {  	v8 =	vld [tilespmem:s28+$0x70];
	_ =	sdelay $0x4  }
0x276: {  	v8 =	vmul.f32 v8, v7;
	_ =	sdelay $0x1  }
0x277: {  	[tilespmem:s26+$0x70] =	vst v8  }
0x278: {  	v8 =	vld [tilespmem:s28+$0x400];
	_ =	sdelay $0x4  }
0x279: {  	v8 =	vmul.f32 v8, v7;
	_ =	sdelay $0x1  }
0x27a: {  	[tilespmem:s26+$0x400] =	vst v8  }
0x27b: {  	v8 =	vld [tilespmem:s28+$0x410];
	_ =	sdelay $0x4  }
0x27c: {  	v8 =	vmul.f32 v8, v7;
	_ =	sdelay $0x1  }
0x27d: {  	[tilespmem:s26+$0x410] =	vst v8  }
0x27e: {  	v8 =	vld [tilespmem:s28+$0x420];
	_ =	sdelay $0x4  }
0x27f: {  	v8 =	vmul.f32 v8, v7;
	_ =	sdelay $0x1  }
0x280: {  	[tilespmem:s26+$0x420] =	vst v8  }
0x281: {  	v8 =	vld [tilespmem:s28+$0x430];
	_ =	sdelay $0x4  }
0x282: {  	v8 =	vmul.f32 v8, v7;
	_ =	sdelay $0x1  }
0x283: {  	[tilespmem:s26+$0x430] =	vst v8  }
0x284: {  	v8 =	vld [tilespmem:s28+$0x440];
	_ =	sdelay $0x4  }
0x285: {  	v8 =	vmul.f32 v8, v7;
	_ =	sdelay $0x1  }
0x286: {  	[tilespmem:s26+$0x440] =	vst v8  }
0x287: {  	v8 =	vld [tilespmem:s28+$0x450];
	_ =	sdelay $0x4  }
0x288: {  	v8 =	vmul.f32 v8, v7;
	_ =	sdelay $0x1  }
0x289: {  	[tilespmem:s26+$0x450] =	vst v8  }
0x28a: {  	v8 =	vld [tilespmem:s28+$0x460];
	_ =	sdelay $0x4  }
0x28b: {  	v8 =	vmul.f32 v8, v7;
	_ =	sdelay $0x1  }
0x28c: {  	[tilespmem:s26+$0x460] =	vst v8  }
0x28d: {  	v8 =	vld [tilespmem:s28+$0x470];
	_ =	sdelay $0x4  }
0x28e: {  	v8 =	vmul.f32 v8, v7;
	_ =	sdelay $0x1  }
0x28f: {  	[tilespmem:s26+$0x470] =	vst v8  }
0x290: {  	v8 =	vld [tilespmem:s28+$0x800];
	_ =	sdelay $0x4  }
0x291: {  	v8 =	vmul.f32 v8, v7;
	_ =	sdelay $0x1  }
0x292: {  	[tilespmem:s26+$0x800] =	vst v8  }
0x293: {  	v8 =	vld [tilespmem:s28+$0x810];
	_ =	sdelay $0x4  }
0x294: {  	v8 =	vmul.f32 v8, v7;
	_ =	sdelay $0x1  }
0x295: {  	[tilespmem:s26+$0x810] =	vst v8  }
0x296: {  	v8 =	vld [tilespmem:s28+$0x820];
	_ =	sdelay $0x4  }
0x297: {  	v8 =	vmul.f32 v8, v7;
	_ =	sdelay $0x1  }
0x298: {  	[tilespmem:s26+$0x820] =	vst v8  }
0x299: {  	v8 =	vld [tilespmem:s28+$0x830];
	_ =	sdelay $0x4  }
0x29a: {  	v8 =	vmul.f32 v8, v7;
	_ =	sdelay $0x1  }
0x29b: {  	[tilespmem:s26+$0x830] =	vst v8  }
0x29c: {  	v8 =	vld [tilespmem:s28+$0x840];
	_ =	sdelay $0x4  }
0x29d: {  	v8 =	vmul.f32 v8, v7;
	_ =	sdelay $0x1  }
0x29e: {  	[tilespmem:s26+$0x840] =	vst v8  }
0x29f: {  	v8 =	vld [tilespmem:s28+$0x850];
	_ =	sdelay $0x4  }
0x2a0: {  	v8 =	vmul.f32 v8, v7;
	_ =	sdelay $0x1  }
0x2a1: {  	[tilespmem:s26+$0x850] =	vst v8  }
0x2a2: {  	v8 =	vld [tilespmem:s28+$0x860];
	_ =	sdelay $0x4  }
.Ltmp5:
0x2a3: {  	v8 =	vmul.f32 v8, v7;
	(pc) =	sbr.rel @p0 .LBB2_12-.Ltmp5, $4  }
0x2a4: {  	_ = 	snop  }
0x2a5: {  	[tilespmem:s26+$0x860] =	vst v8  }
0x2a6: {  	v8 =	vld [tilespmem:s28+$0x870]  }
0x2a7: {  	v9 =	vmov s29;
	s29 =	sadd.s32 $0x1, s29  }
0x2a8: {  	vm1 =	veq.s32 v9, v1  }
0x2a9: {  	v6 =	vnsel vm1, $0x0, v6  }
0x2aa: {  	(xrf0) =	vmax.scan.msk.f32 $0xffff, v6  }
0x2ab: {  	v6 =	vmul.f32 v8, v7;
	_ =	sdelay $0x1  }
0x2ac: {  	s28 =	sadd.s32 $0x80, s28;
	[tilespmem:s26+$0x870] =	vst v6  }
0x2ad: {  	v7 =	vld [tilespmem:s28+$0xFFFFF400];
	_ =	sdelay $0x1  }
0x2ae: {  	v6, _, _ =	vpop (xrf0)  }
0x2af: {  	v6 =	vbroadcast v6, $0xF;
	_ =	sdelay $0x1  }
0x2b0: {  	v7 =	vmul.f32 v7, v6  }
0x2b1: {  	s29 =	sadd.s32 $0x80, s26  }
0x2b2: {  	[tilespmem:s29+$0xFFFFF400] =	vst v7  }
0x2b3: {  	v7 =	vld [tilespmem:s28+$0xFFFFF410];
	_ =	sdelay $0x4  }
0x2b4: {  	v7 =	vmul.f32 v7, v6;
	_ =	sdelay $0x1  }
0x2b5: {  	[tilespmem:s29+$0xFFFFF410] =	vst v7  }
0x2b6: {  	v7 =	vld [tilespmem:s28+$0xFFFFF420];
	_ =	sdelay $0x4  }
0x2b7: {  	v7 =	vmul.f32 v7, v6;
	_ =	sdelay $0x1  }
0x2b8: {  	[tilespmem:s29+$0xFFFFF420] =	vst v7  }
0x2b9: {  	v7 =	vld [tilespmem:s28+$0xFFFFF430];
	_ =	sdelay $0x4  }
0x2ba: {  	v7 =	vmul.f32 v7, v6;
	_ =	sdelay $0x1  }
0x2bb: {  	[tilespmem:s29+$0xFFFFF430] =	vst v7  }
0x2bc: {  	v7 =	vld [tilespmem:s28+$0xFFFFF440];
	_ =	sdelay $0x4  }
0x2bd: {  	v7 =	vmul.f32 v7, v6;
	_ =	sdelay $0x1  }
0x2be: {  	[tilespmem:s29+$0xFFFFF440] =	vst v7  }
0x2bf: {  	v7 =	vld [tilespmem:s28+$0xFFFFF450];
	_ =	sdelay $0x4  }
0x2c0: {  	v7 =	vmul.f32 v7, v6;
	_ =	sdelay $0x1  }
0x2c1: {  	[tilespmem:s29+$0xFFFFF450] =	vst v7  }
0x2c2: {  	v7 =	vld [tilespmem:s28+$0xFFFFF460];
	_ =	sdelay $0x4  }
0x2c3: {  	v7 =	vmul.f32 v7, v6;
	_ =	sdelay $0x1  }
0x2c4: {  	[tilespmem:s29+$0xFFFFF460] =	vst v7  }
0x2c5: {  	v7 =	vld [tilespmem:s28+$0xFFFFF470];
	_ =	sdelay $0x4  }
0x2c6: {  	v7 =	vmul.f32 v7, v6;
	_ =	sdelay $0x1  }
0x2c7: {  	[tilespmem:s29+$0xFFFFF470] =	vst v7  }
0x2c8: {  	v7 =	vld [tilespmem:s28+$0xFFFFF800];
	_ =	sdelay $0x4  }
0x2c9: {  	v7 =	vmul.f32 v7, v6;
	_ =	sdelay $0x1  }
0x2ca: {  	[tilespmem:s29+$0xFFFFF800] =	vst v7  }
0x2cb: {  	v7 =	vld [tilespmem:s28+$0xFFFFF810];
	_ =	sdelay $0x4  }
0x2cc: {  	v7 =	vmul.f32 v7, v6;
	_ =	sdelay $0x1  }
0x2cd: {  	[tilespmem:s29+$0xFFFFF810] =	vst v7  }
0x2ce: {  	v7 =	vld [tilespmem:s28+$0xFFFFF820];
	_ =	sdelay $0x4  }
0x2cf: {  	v7 =	vmul.f32 v7, v6;
	_ =	sdelay $0x1  }
0x2d0: {  	[tilespmem:s29+$0xFFFFF820] =	vst v7  }
0x2d1: {  	v7 =	vld [tilespmem:s28+$0xFFFFF830];
	_ =	sdelay $0x4  }
0x2d2: {  	v7 =	vmul.f32 v7, v6;
	_ =	sdelay $0x1  }
0x2d3: {  	[tilespmem:s29+$0xFFFFF830] =	vst v7  }
0x2d4: {  	v7 =	vld [tilespmem:s28+$0xFFFFF840];
	_ =	sdelay $0x4  }
0x2d5: {  	v7 =	vmul.f32 v7, v6;
	_ =	sdelay $0x1  }
0x2d6: {  	[tilespmem:s29+$0xFFFFF840] =	vst v7  }
0x2d7: {  	v7 =	vld [tilespmem:s28+$0xFFFFF850];
	_ =	sdelay $0x4  }
0x2d8: {  	v7 =	vmul.f32 v7, v6;
	_ =	sdelay $0x1  }
0x2d9: {  	[tilespmem:s29+$0xFFFFF850] =	vst v7  }
0x2da: {  	v7 =	vld [tilespmem:s28+$0xFFFFF860];
	_ =	sdelay $0x4  }
0x2db: {  	v7 =	vmul.f32 v7, v6;
	_ =	sdelay $0x1  }
0x2dc: {  	[tilespmem:s29+$0xFFFFF860] =	vst v7  }
0x2dd: {  	v7 =	vld [tilespmem:s28+$0xFFFFF870];
	_ =	sdelay $0x4  }
0x2de: {  	v7 =	vmul.f32 v7, v6;
	_ =	sdelay $0x1  }
0x2df: {  	[tilespmem:s29+$0xFFFFF870] =	vst v7  }
0x2e0: {  	v7 =	vld [tilespmem:s28+$0xFFFFFC00];
	_ =	sdelay $0x4  }
0x2e1: {  	v7 =	vmul.f32 v7, v6;
	_ =	sdelay $0x1  }
0x2e2: {  	[tilespmem:s29+$0xFFFFFC00] =	vst v7  }
0x2e3: {  	v7 =	vld [tilespmem:s28+$0xFFFFFC10];
	_ =	sdelay $0x4  }
0x2e4: {  	v7 =	vmul.f32 v7, v6;
	_ =	sdelay $0x1  }
0x2e5: {  	[tilespmem:s29+$0xFFFFFC10] =	vst v7  }
0x2e6: {  	v7 =	vld [tilespmem:s28+$0xFFFFFC20];
	_ =	sdelay $0x4  }
0x2e7: {  	v7 =	vmul.f32 v7, v6;
	_ =	sdelay $0x1  }
0x2e8: {  	[tilespmem:s29+$0xFFFFFC20] =	vst v7  }
0x2e9: {  	v7 =	vld [tilespmem:s28+$0xFFFFFC30];
	_ =	sdelay $0x4  }
0x2ea: {  	v7 =	vmul.f32 v7, v6;
	_ =	sdelay $0x1  }
0x2eb: {  	[tilespmem:s29+$0xFFFFFC30] =	vst v7  }
0x2ec: {  	v7 =	vld [tilespmem:s28+$0xFFFFFC40];
	_ =	sdelay $0x4  }
0x2ed: {  	v7 =	vmul.f32 v7, v6;
	_ =	sdelay $0x1  }
0x2ee: {  	[tilespmem:s29+$0xFFFFFC40] =	vst v7  }
0x2ef: {  	v7 =	vld [tilespmem:s28+$0xFFFFFC50];
	_ =	sdelay $0x4  }
0x2f0: {  	v7 =	vmul.f32 v7, v6;
	_ =	sdelay $0x1  }
0x2f1: {  	[tilespmem:s29+$0xFFFFFC50] =	vst v7  }
0x2f2: {  	v7 =	vld [tilespmem:s28+$0xFFFFFC60];
	_ =	sdelay $0x4  }
0x2f3: {  	v7 =	vmul.f32 v7, v6;
	_ =	sdelay $0x1  }
0x2f4: {  	[tilespmem:s29+$0xFFFFFC60] =	vst v7  }
0x2f5: {  	v7 =	vld [tilespmem:s28+$0xFFFFFC70];
	_ =	sdelay $0x4  }
0x2f6: {  	v7 =	vmul.f32 v7, v6;
	_ =	sdelay $0x1  }
0x2f7: {  	[tilespmem:s29+$0xFFFFFC70] =	vst v7  }
0x2f8: {  	v7 =	vld [tilespmem:s28+$0x0];
	_ =	sdelay $0x4  }
0x2f9: {  	v7 =	vmul.f32 v7, v6;
	_ =	sdelay $0x1  }
0x2fa: {  	[tilespmem:s29+$0x0] =	vst v7  }
0x2fb: {  	v7 =	vld [tilespmem:s28+$0x10];
	_ =	sdelay $0x4  }
0x2fc: {  	v7 =	vmul.f32 v7, v6;
	_ =	sdelay $0x1  }
0x2fd: {  	[tilespmem:s29+$0x10] =	vst v7  }
0x2fe: {  	v7 =	vld [tilespmem:s28+$0x20];
	_ =	sdelay $0x4  }
0x2ff: {  	v7 =	vmul.f32 v7, v6;
	_ =	sdelay $0x1  }
0x300: {  	[tilespmem:s29+$0x20] =	vst v7  }
0x301: {  	v7 =	vld [tilespmem:s28+$0x30];
	_ =	sdelay $0x4  }
0x302: {  	v7 =	vmul.f32 v7, v6;
	_ =	sdelay $0x1  }
0x303: {  	[tilespmem:s29+$0x30] =	vst v7  }
0x304: {  	v7 =	vld [tilespmem:s28+$0x40];
	_ =	sdelay $0x4  }
0x305: {  	v7 =	vmul.f32 v7, v6;
	_ =	sdelay $0x1  }
0x306: {  	[tilespmem:s29+$0x40] =	vst v7  }
0x307: {  	v7 =	vld [tilespmem:s28+$0x50];
	_ =	sdelay $0x4  }
0x308: {  	v7 =	vmul.f32 v7, v6;
	_ =	sdelay $0x1  }
0x309: {  	[tilespmem:s29+$0x50] =	vst v7  }
0x30a: {  	v7 =	vld [tilespmem:s28+$0x60];
	_ =	sdelay $0x4  }
0x30b: {  	v7 =	vmul.f32 v7, v6;
	_ =	sdelay $0x1  }
0x30c: {  	[tilespmem:s29+$0x60] =	vst v7  }
0x30d: {  	v7 =	vld [tilespmem:s28+$0x70];
	_ =	sdelay $0x4  }
0x30e: {  	v7 =	vmul.f32 v7, v6;
	_ =	sdelay $0x1  }
0x30f: {  	[tilespmem:s29+$0x70] =	vst v7  }
0x310: {  	v7 =	vld [tilespmem:s28+$0x400];
	_ =	sdelay $0x4  }
0x311: {  	v7 =	vmul.f32 v7, v6;
	_ =	sdelay $0x1  }
0x312: {  	[tilespmem:s29+$0x400] =	vst v7  }
0x313: {  	v7 =	vld [tilespmem:s28+$0x410];
	_ =	sdelay $0x4  }
0x314: {  	v7 =	vmul.f32 v7, v6;
	_ =	sdelay $0x1  }
0x315: {  	[tilespmem:s29+$0x410] =	vst v7  }
0x316: {  	v7 =	vld [tilespmem:s28+$0x420];
	_ =	sdelay $0x4  }
0x317: {  	v7 =	vmul.f32 v7, v6;
	_ =	sdelay $0x1  }
0x318: {  	[tilespmem:s29+$0x420] =	vst v7  }
0x319: {  	v7 =	vld [tilespmem:s28+$0x430];
	_ =	sdelay $0x4  }
0x31a: {  	v7 =	vmul.f32 v7, v6;
	_ =	sdelay $0x1  }
0x31b: {  	[tilespmem:s29+$0x430] =	vst v7  }
0x31c: {  	v7 =	vld [tilespmem:s28+$0x440];
	_ =	sdelay $0x4  }
0x31d: {  	v7 =	vmul.f32 v7, v6;
	_ =	sdelay $0x1  }
0x31e: {  	[tilespmem:s29+$0x440] =	vst v7  }
0x31f: {  	v7 =	vld [tilespmem:s28+$0x450];
	_ =	sdelay $0x4  }
0x320: {  	v7 =	vmul.f32 v7, v6;
	_ =	sdelay $0x1  }
0x321: {  	[tilespmem:s29+$0x450] =	vst v7  }
0x322: {  	v7 =	vld [tilespmem:s28+$0x460];
	_ =	sdelay $0x4  }
0x323: {  	v7 =	vmul.f32 v7, v6;
	_ =	sdelay $0x1  }
0x324: {  	[tilespmem:s29+$0x460] =	vst v7  }
0x325: {  	v7 =	vld [tilespmem:s28+$0x470];
	_ =	sdelay $0x4  }
0x326: {  	v7 =	vmul.f32 v7, v6;
	_ =	sdelay $0x1  }
0x327: {  	[tilespmem:s29+$0x470] =	vst v7  }
0x328: {  	v7 =	vld [tilespmem:s28+$0x800];
	_ =	sdelay $0x4  }
0x329: {  	v7 =	vmul.f32 v7, v6;
	_ =	sdelay $0x1  }
0x32a: {  	[tilespmem:s29+$0x800] =	vst v7  }
0x32b: {  	v7 =	vld [tilespmem:s28+$0x810];
	_ =	sdelay $0x4  }
0x32c: {  	v7 =	vmul.f32 v7, v6;
	_ =	sdelay $0x1  }
0x32d: {  	[tilespmem:s29+$0x810] =	vst v7  }
0x32e: {  	v7 =	vld [tilespmem:s28+$0x820];
	_ =	sdelay $0x4  }
0x32f: {  	v7 =	vmul.f32 v7, v6;
	_ =	sdelay $0x1  }
0x330: {  	[tilespmem:s29+$0x820] =	vst v7  }
0x331: {  	v7 =	vld [tilespmem:s28+$0x830];
	_ =	sdelay $0x4  }
0x332: {  	v7 =	vmul.f32 v7, v6;
	_ =	sdelay $0x1  }
0x333: {  	[tilespmem:s29+$0x830] =	vst v7  }
0x334: {  	v7 =	vld [tilespmem:s28+$0x840];
	_ =	sdelay $0x4  }
0x335: {  	v7 =	vmul.f32 v7, v6;
	_ =	sdelay $0x1  }
0x336: {  	[tilespmem:s29+$0x840] =	vst v7  }
0x337: {  	v7 =	vld [tilespmem:s28+$0x850];
	_ =	sdelay $0x4  }
0x338: {  	v7 =	vmul.f32 v7, v6;
	_ =	sdelay $0x1  }
0x339: {  	[tilespmem:s29+$0x850] =	vst v7  }
0x33a: {  	v7 =	vld [tilespmem:s28+$0x860];
	_ =	sdelay $0x4  }
0x33b: {  	v7 =	vmul.f32 v7, v6;
	_ =	sdelay $0x1  }
0x33c: {  	[tilespmem:s29+$0x860] =	vst v7  }
0x33d: {  	v7 =	vld [tilespmem:s28+$0x870];
	_ =	sdelay $0x3  }
0x33e: {  	s30 =	sadd.s32 s22, s25  }
0x33f: {  	s25 =	sadd.s32 $0x1, s25;
	s28 =	smul.u32 $0x300, s30;
	v6 =	vmul.f32 v7, v6  }
0x340: {  	p0 =	sne.s32 s25, $0x8  }
.Ltmp6:
0x341: {  	s31 =	sadd.s32 s1, s28;
	[tilespmem:s29+$0x870] =	vst v6;
	(pc) =	sbr.rel @p0 .LBB2_11-.Ltmp6, $4  }
0x342: {  	[hbm4b:s31+s2] =	stream.linear.scatter [tilespmem:s14], [sflag:$0x2], $0x1800, $0x38;
	[tilespmem:$0x1F280] =	vst v63  }
0x343: {  	_ =	swait.ge [sflag:s12], $0x1800  }
0x344: {  	[sflag:s12] =	ssyncset.done $0x0  }
0x345: {  	s24 =	sadd.s32 $0x1800, s24;
	[sflag:s12] =	ssyncadd.s32 $0xFFFFE800  }
0x346: {  	s21 =	sadd.s32 $0x1, s21  }
0x347: {  	p0 =	sne.s32 s21, $0x10  }
.Ltmp7:
0x348: {  	_ = 	snop;
	(pc) =	sbr.rel @p0 .LBB2_2-.Ltmp7, $1  }
0x349: {  	_ =	sdelay $0x3  }
0x34a: {  	s20 =	sadd.s32 $0x1, s20  }
0x34b: {  	p0 =	sne.s32 s20, s11  }
.Ltmp8:
0x34c: {  	_ = 	snop;
	(pc) =	sbr.rel @p0 .LBB2_1-.Ltmp8, $1  }
0x34d: {  	_ =	sdelay $0x3  }
0x34e: {  	_ =	sfence.sel $0x180000  }
0x34f: {  	[bflag:$0x0] =	sbarrier.arrive $0xFFFF  }
0x350: {  	p0 =	sne.s32 s3, $0x0;
	_ =	strace $0x9000004A  }
0x351: {  	s0 =	sadd.s32 @!p0 $0x100000, s0;
	[bflag:$0x2] =	sbarrier.arrive $0xFFFF  }
0x352: {  	[sflag:s0] =	ssyncadd.tile.s32 @!p0 $0x1;
	_ =	shalt  }
.Lfunc_end2:
_tile_overlayer_lowered:
.L_overlay_start_2:
0x353: {  	(tag) =	ssettag $0x2  }
0x354: {  	s0 =	rddreg [dreg:$0x0];
	s2 =	stileid.u32  }
0x355: {  	s1 =	rddreg [dreg:$0x1];
	p0 =	sne.s32 s2, $0x0  }
0x356: {  	s3 =	rddreg [dreg:$0x2];
	[bflag:$0x3] =	sbarrier.arrive $0xFFFF;
	s2 =	simm.s32 @!p0 $0x1C02  }
0x357: {  	[timem:s3], [sflag:s2] =	dma.local @!p0 [hbm:s0], s1  }
0x358: {  	s0 =	simm.s32 @!p0 $0x2  }
0x359: {  	_ =	swait.ge @!p0 [sflag:s0], s1  }
0x35a: {  	s1 =	ssub.s32 @!p0 $0x0, s1;
	[sflag:s0] =	ssyncset.done @!p0 $0x0  }
0x35b: {  	[sflag:s0] =	ssyncadd.s32 @!p0 s1  }
0x35c: {  	[bflag:$0x3] =	sbarrier.arrive $0xFFFF  }
0x35d: {  	_ =	shalt  }

// kernel: kernel.7.cloned.1.call-start
scs
__scs_entry_jumppad:
0x0: {  	(pc) =	sbr.rel $0x88, $3  }
0x1: {  	(tag) =	ssettag $0x0;
	lr =	simm.s32 $0x1  }
0x2: {  	[smem:$0x3F9C] =	sst lr;
	_ =	strace $0xD0000000  }
0x3: {  	_ = 	snop  }
0x4: {  	_ = 	snop  }
0x5: {  	_ = 	snop  }
0x6: {  	_ = 	snop  }
0x7: {  	_ = 	snop  }
__scs_overlays_trampoline_lowered:
0x8: {  	[smem:$0x3FAB] =	sst s0  }
0x9: {  	[smem:$0x3FAC] =	sst s1  }
0xa: {  	[smem:$0x3FAD] =	sst s2  }
0xb: {  	[smem:$0x3FAE] =	sst s3  }
0xc: {  	[smem:$0x3FAF] =	sst s4  }
0xd: {  	[smem:$0x3FB0] =	sst s5  }
0xe: {  	[smem:$0x3FB1] =	sst s6  }
0xf: {  	[smem:$0x3FB2] =	sst s7  }
0x10: {  	[smem:$0x3FB3] =	sst s8  }
0x11: {  	[smem:$0x3FB4] =	sst s9;
	s0 =	simm.s32 @!p0 $0x0  }
0x12: {  	s1 =	sld [smem:$0x3F9A];
	s0 =	simm.s32 @p0 $0x1  }
0x13: {  	[smem:$0x3FB5] =	sst s0;
	s0 =	simm.s32 @!p1 $0x0  }
0x14: {  	s2 =	sld [smem:$0x3F99];
	s0 =	simm.s32 @p1 $0x1  }
0x15: {  	[smem:$0x3FB6] =	sst s0;
	s0 =	simm.s32 @!p2 $0x0  }
0x16: {  	s3 =	sld [smem:$0x3FDB];
	s0 =	simm.s32 @p2 $0x1  }
0x17: {  	s4 =	simm.s32 $0x1BF5;
	[smem:$0x3FB8] =	sst s0  }
0x18: {  	s0 =	sld [smem:$0x3F9B];
	_ =	swait.ge [sflag:s4], $0x0  }
0x19: {  	s7 =	sld [smem:$0x3F9C]  }
0x1a: {  	s8 =	sadd.s32 $0xFFFFE003, lr  }
0x1b: {  	s9 =	sadd.s32 $0xFFFFFEF7, lr;
	s5 =	simm.s32 $0xFFFFFFFF;
	p2 =	slt.u32 s8, $0xFFFFF086  }
0x1c: {  	p1 =	slt.u32 s9, $0xF7A;
	s5 =	simm.s32 @!p2 $0x0  }
0x1d: {  	s5 =	simm.s32 @p1 $0x1;
	p0 =	seq.s32 s7, s2  }
0x1e: {  	s7 =	smul.u32 @!p0 $0xF7A, s2;
	p2 =	seq.s32 @!p0 s5, $0x0  }
0x1f: {  	s9 =	smul.u32 $0xF7A, s1;
	s8 =	simm.s32 @!p0 $0x1BF5;
	p2 =	por !p2, p0  }
0x20: {  	[sflag:s8] =	ssyncset.s32 @!p0 $0xFFFFF086;
	s6 =	sadd.s32 @!p0 s3, s7;
	s7 =	simm.s32 @!p0 $0x108  }
0x21: {  	s3 =	sadd.s32 s3, s9;
	s6 =	sadd.s32 @!p0 $0x88, s6;
	s7 =	simm.s32 @p2 $0x1082  }
0x22: {  	[simem:s7], [sflag:s8] =	dma.local @!p0 [hbm:s6], $0xF7A  }
0x23: {  	s9 =	sor.u32 $0xD0000000, s2;
	s6 =	simm.s32 $0x108;
	_ =	swait.ge @!p0 [sflag:s8], $0x0  }
0x24: {  	s3 =	sadd.s32 $0x88, s3;
	s6 =	simm.s32 @!p1 $0x1082;
	[sflag:s4] =	ssyncset.s32 $0xFFFFF086  }
0x25: {  	[simem:s6], [sflag:s4] =	dma.local [hbm:s3], $0xF7A  }
0x26: {  	[smem:$0x3F9C] =	sst s1;
	(tag) =	ssettag s2;
	_ =	strace s9  }
0x27: {  	s1 =	sld [smem:$0x3FAC]  }
0x28: {  	s2 =	sld [smem:$0x3FAD]  }
0x29: {  	s4 =	sld [smem:$0x3FAF]  }
0x2a: {  	p0 =	seq.s32 s5, $0x0;
	s5 =	sld [smem:$0x3FB0]  }
0x2b: {  	s6 =	sld [smem:$0x3FB1]  }
0x2c: {  	s7 =	sld [smem:$0x3FB2]  }
0x2d: {  	s3 =	simm.s32 $0x108;
	s8 =	sld [smem:$0x3FB3]  }
0x2e: {  	s3 =	simm.s32 @!p0 $0x1082;
	s9 =	sld [smem:$0x3FB4]  }
0x2f: {  	lr =	sadd.s32 s0, s3;
	s0 =	sld [smem:$0x3FAB]  }
0x30: {  	s3 =	sld [smem:$0x3FAE]  }
0x31: {  	[smem:$0x3FB7] =	sst s10  }
0x32: {  	s10 =	sld [smem:$0x3FB5];
	_ =	sdelay $0x3  }
0x33: {  	p0 =	seq.s32 s10, $0x1;
	s10 =	sld [smem:$0x3FB7];
	_ =	sdelay $0x3  }
0x34: {  	[smem:$0x3FB7] =	sst s10  }
0x35: {  	s10 =	sld [smem:$0x3FB6];
	_ =	sdelay $0x3  }
0x36: {  	p1 =	seq.s32 s10, $0x1;
	s10 =	sld [smem:$0x3FB7];
	_ =	sdelay $0x3  }
0x37: {  	[smem:$0x3FB7] =	sst s10  }
0x38: {  	s10 =	sld [smem:$0x3FB8]  }
0x39: {  	_ = 	snop;
	(pc) =	sbr.ind lr, $3  }
0x3a: {  	_ = 	snop  }
0x3b: {  	_ = 	snop  }
0x3c: {  	p2 =	seq.s32 s10, $0x1;
	s10 =	sld [smem:$0x3FB7]  }
0x3d: {  	_ =	shalt  }
0x3e: {  	_ =	shalt  }
0x3f: {  	_ =	shalt  }
0x40: {  	_ =	shalt  }
0x41: {  	_ =	shalt  }
0x42: {  	_ =	shalt  }
0x43: {  	_ =	shalt  }
0x44: {  	_ =	shalt  }
0x45: {  	_ =	shalt  }
0x46: {  	_ =	shalt  }
0x47: {  	_ =	shalt  }
0x48: {  	_ =	shalt  }
0x49: {  	_ =	shalt  }
0x4a: {  	_ =	shalt  }
0x4b: {  	_ =	shalt  }
0x4c: {  	_ =	shalt  }
0x4d: {  	_ =	shalt  }
0x4e: {  	_ =	shalt  }
0x4f: {  	_ =	shalt  }
0x50: {  	_ =	shalt  }
0x51: {  	_ =	shalt  }
0x52: {  	_ =	shalt  }
0x53: {  	_ =	shalt  }
0x54: {  	_ =	shalt  }
0x55: {  	_ =	shalt  }
0x56: {  	_ =	shalt  }
0x57: {  	_ =	shalt  }
0x58: {  	_ =	shalt  }
0x59: {  	_ =	shalt  }
0x5a: {  	_ =	shalt  }
0x5b: {  	_ =	shalt  }
0x5c: {  	_ =	shalt  }
0x5d: {  	_ =	shalt  }
0x5e: {  	_ =	shalt  }
0x5f: {  	_ =	shalt  }
0x60: {  	_ =	shalt  }
0x61: {  	_ =	shalt  }
0x62: {  	_ =	shalt  }
0x63: {  	_ =	shalt  }
0x64: {  	_ =	shalt  }
0x65: {  	_ =	shalt  }
0x66: {  	_ =	shalt  }
0x67: {  	_ =	shalt  }
0x68: {  	_ =	shalt  }
0x69: {  	_ =	shalt  }
0x6a: {  	_ =	shalt  }
0x6b: {  	_ =	shalt  }
0x6c: {  	_ =	shalt  }
0x6d: {  	_ =	shalt  }
0x6e: {  	_ =	shalt  }
0x6f: {  	_ =	shalt  }
0x70: {  	_ =	shalt  }
0x71: {  	_ =	shalt  }
0x72: {  	_ =	shalt  }
0x73: {  	_ =	shalt  }
0x74: {  	_ =	shalt  }
0x75: {  	_ =	shalt  }
0x76: {  	_ =	shalt  }
0x77: {  	_ =	shalt  }
0x78: {  	_ =	shalt  }
0x79: {  	_ =	shalt  }
0x7a: {  	_ =	shalt  }
0x7b: {  	_ =	shalt  }
0x7c: {  	_ =	shalt  }
0x7d: {  	_ =	shalt  }
0x7e: {  	_ =	shalt  }
0x7f: {  	_ =	shalt  }
0x80: {  	_ =	shalt  }
0x81: {  	_ =	shalt  }
0x82: {  	_ =	shalt  }
0x83: {  	_ =	shalt  }
0x84: {  	_ =	shalt  }
0x85: {  	_ =	shalt  }
0x86: {  	_ =	shalt  }
0x87: {  	_ =	shalt  }
.Lfunc_end0:
.L_simem_size_0:
called_computation_lowered:
.L_overlay_start_0:
0x88: {  	s2 =	sld [smem:$0x3FD9]  }
0x89: {  	s3 =	sld [smem:$0x3FFE];
	_ =	sdelay $0x1  }
0x8a: {  	s1 =	srdreg.scid  }
0x8b: {  	s0 =	sand.u32 $0x1, s1  }
0x8c: {  	s14 =	sshll.u32 s0, $0xA;
	s2 =	sadd.s32 s3, s2  }
0x8d: {  	s2 =	sadd.s32 s2, s14  }
0x8e: {  	[smem:$0x3FC3] =	sst s2  }
0x8f: {  	_ = 	snop  }
0x90: {  	s2 =	sld [smem:$0x3FD0];
	_ =	sdelay $0x2  }
0x91: {  	s4 =	simm.s32 $0xA;
	s5 =	simm.s32 $0x10;
	s15 =	sld [smem:$0x3FC9]  }
0x92: {  	[smem:s5], [sflag:s4] =	dma.local [hbm:s2], $0x1  }
0x93: {  	_ =	swait.eq [sflag:s4], $0x1  }
0x94: {  	[sflag:s4] =	ssyncset.done $0x0  }
0x95: {  	[sflag:s4] =	ssyncadd.s32 $0xFFFFFFFF  }
0x96: {  	s16 =	sld [smem:$0x10];
	(tm) =	ssettm $0x1  }
0x97: {  	s17 =	sld [smem:$0x3FFB];
	_ =	sdelay $0x3  }
0x98: {  	_ =	strace s17  }
0x99: {  	s4 =	sld [smem:$0x3FFC];
	_ =	sdelay $0x3  }
0x9a: {  	_ =	strace s4  }
0x9b: {  	s4 =	sld [smem:$0x3FFD];
	_ =	sdelay $0x3  }
0x9c: {  	_ =	strace s4  }
0x9d: {  	_ =	strace $0x8FFFFFFF  }
0x9e: {  	s18 =	sld [smem:$0x3FDB];
	_ =	sdelay $0x1  }
0x9f: {  	s19 =	simm.s32 $_scs_section_size  }
0xa0: {  	s6 =	simm.s32 $_size__tile_overlayer_lowered;
	s7 =	simm.s32 $_tile_overlayer_lowered  }
0xa1: {  	s22 =	simm.s32 $0x1BFF;
	s21 =	sshll.u32 s7, $0x1;
	s4 =	sadd.s32 s19, s18  }
0xa2: {  	s8 =	simm.s32 $0x0;
	s20 =	sshll.u32 s6, $0x1;
	s6 =	sadd.s32 s21, s4  }
0xa3: {  	[timem:s8], [sflag:s22] =	dma.local [hbm:s6], s20  }
0xa4: {  	_ =	swait.ge [sflag:s22], s20  }
0xa5: {  	s5 =	ssub.s32 $0x0, s20;
	[sflag:s22] =	ssyncset.done $0x0  }
0xa6: {  	[sflag:s22] =	ssyncadd.s32 s5;
	_ =	sdelay $0x1  }
0xa7: {  	s23 =	simm.s32 $0x1B8B  }
0xa8: {  	_ =	swait.ge [sflag:s23], $0x1  }
0xa9: {  	[sflag:s23] =	ssyncset.done $0x0  }
0xaa: {  	s25 =	simm.s32 $0x1B8E;
	s24 =	sld [smem:$0x3FFE];
	[sflag:s23] =	ssyncadd.s32 $0xFFFFFFFF  }
0xab: {  	s26 =	simm.s32 $execute0_lowered;
	[smem:$0x3FD2] =	sst s25  }
0xac: {  	s6 =	sshll.u32 s26, $0x1;
	_ =	strace $0x80000046;
	[dreg:$0x1] =	wrdreg $0xFFFFFFFF  }
0xad: {  	s28 =	simm.s32 $_size_execute0_lowered;
	s4 =	sadd.s32 s4, s6;
	[dreg:$0x0] =	wrdreg $0x0  }
0xae: {  	s6 =	sshll.u32 s28, $0x1;
	[dreg:$0x2] =	wrdreg s4  }
0xaf: {  	[dreg:$0x3] =	wrdreg s6  }
0xb0: {  	[dreg:$0x4] =	wrdreg $0xC0  }
0xb1: {  	_ =	task [dreg:s8], $0x5FFFF  }
0xb2: {  	[dreg:$0x1] =	wrdreg $0xFFFFFFFF  }
0xb3: {  	[dreg:$0x0] =	wrdreg $0x60  }
0xb4: {  	[dreg:$0x2] =	wrdreg s24  }
0xb5: {  	[dreg:$0x3] =	wrdreg s15  }
0xb6: {  	[dreg:$0x4] =	wrdreg s16  }
0xb7: {  	[dreg:$0x5] =	wrdreg $0x110800  }
0xb8: {  	[dreg:$0x6] =	wrdreg $0x9  }
0xb9: {  	_ =	task.clear_ibuf [dreg:s8], $0x7FFFF;
	_ =	strace $0x90000046  }
0xba: {  	s29 =	simm.s32 $0x9;
	_ =	strace $0x80000048  }
0xbb: {  	_ =	swait.ge [sflag:s29], $0x1  }
0xbc: {  	[sflag:s29] =	ssyncadd.s32 $0xFFFFFFFF  }
0xbd: {  	_ =	strace $0x90000048  }
0xbe: {  	_ =	sfence  }
0xbf: {  	s30 =	sld [smem:$0x0];
	_ =	sdelay $0x2  }
0xc0: {  	s31 =	sshll.u32 s1, $0xD;
	s1 =	sshrl.u32 s1, $0x2  }
0xc1: {  	s3 =	sand.u32 $0x4000, s31;
	s1 =	sadd.s32 s1, s30  }
0xc2: {  	s0 =	sor.u32 s3, s0;
	s1 =	sshll.u32 s1, $0x11  }
0xc3: {  	s0 =	sor.u32 s1, s0  }
0xc4: {  	s0 =	sadd.s32 $0x8F2B, s0  }
0xc5: {  	[sflag:s0] =	ssyncadd.remote.s32 $0x1  }
0xc6: {  	_ =	sfence.sel $0xFFFF  }
0xc7: {  	[dreg:$0x0] =	wrdreg $0xFFFFFFFF;
	(pc) =	sbr.abs _section_cstart, $3  }
0xc8: {  	[dreg:$0x1] =	wrdreg $0xFFFFFFFF  }
0xc9: {  	_ =	task.clear_ibuf [dreg:s8], $0x2FFFF;
	_ =	strace $0x9FFFFFFF  }
0xca: {  	(tm) =	ssettm $0x7FFFFFFF  }
0xcb: {  	_ =	shalt  }
tec
execute0_lowered:
.L_overlay_start_1:
0x0: {  	(tag) =	ssettag $0x1  }
0x1: {  	s0 =	rddreg [dreg:$0x0]  }
0x2: {  	s1 =	rddreg [dreg:$0x1]  }
0x3: {  	s4 =	rddreg [dreg:$0x2]  }
0x4: {  	s5 =	rddreg [dreg:$0x3];
	s2 =	simm.s32 $0x0  }
0x5: {  	s6 =	srdreg.scid;
	s17 =	stileid.u32;
	s28 =	simm.s32 $0x5080  }
0x6: {  	s29 =	simm.s32 $0x5880;
	s30 =	simm.s32 $0x6080;
	s31 =	simm.s32 $0x6880  }
0x7: {  	[smem:$0x7FF] =	sst s2;
	s3 =	sadd.s32 $0x1200, s0;
	s7 =	sadd.s32 $0x41200, s0  }
0x8: {  	s8 =	sadd.s32 $0x42600, s0;
	s11 =	sadd.s32 $0x41600, s0;
	s13 =	sand.u32 $0x1, s6  }
0x9: {  	s25 =	sshll.u32 s17, $0x8;
	s10 =	sshll.u32 s17, $0x1;
	s12 =	sshll.u32 s17, $0x6  }
0xa: {  	_ =	strace $0x80000047;
	s9 =	ssub.s32 $0x2, s13;
	s0 =	sadd.s32 s25, s0  }
0xb: {  	s10 =	sor.u32 s13, s10;
	s12 =	sand.u32 $0x380, s12;
	s25 =	sshll.u32 s17, $0xF  }
0xc: {  	s26 =	sshrl.u32 s9, $0x1;
	s15 =	sshll.u32 s10, $0x5;
	s18 =	sshll.u32 s10, $0x7  }
0xd: {  	s19 =	sshll.u32 s10, $0x10;
	s14 =	ssub.s32 s9, s26;
	s16 =	sadd.s32 s7, s15  }
0xe: {  	[dreg:$0x6] =	wrdreg s19;
	s20 =	sadd.s32 s8, s18;
	s15 =	sshllo.u32 s10, $0x1  }
0xf: {  	s21 =	sadd.s32 s11, s18;
	s9 =	sadd.s32 $0x100, s1;
	[dreg:$0x5] =	wrdreg s16  }
0x10: {  	s10 =	sadd.s32 $0x200, s1;
	s7 =	sadd.s32 s7, s12;
	[dreg:$0x7] =	wrdreg s20  }
0x11: {  	s26 =	sshll.u32 s17, $0x7;
	s19 =	sshll.u32 s17, $0xE;
	[dreg:$0x8] =	wrdreg s21  }
0x12: {  	s16 =	sshll.u32 s15, $0x4;
	s12 =	sshll.u32 s15, $0xF;
	s23 =	sshll.u32 s15, $0x6  }
0x13: {  	s15 =	sshll.u32 s17, $0xB;
	s6 =	sadd.s32 s19, s5;
	s16 =	sand.u32 $0x70, s16  }
0x14: {  	s24 =	sadd.s32 s8, s23;
	s8 =	sand.u32 $0x40000, s25;
	[dreg:$0xd] =	wrdreg s6  }
0x15: {  	s25 =	sshll.u32 s13, $0xC;
	s17 =	sadd.s32 $0x300, s6;
	[dreg:$0xa] =	wrdreg s24  }
0x16: {  	s19 =	sadd.s32 $0x40000, s6;
	s22 =	sadd.s32 s16, s7;
	[dreg:$0x17] =	wrdreg s17  }
0x17: {  	s7 =	sadd.s32 s11, s23;
	s11 =	sand.u32 $0x380, s26;
	[dreg:$0x19] =	wrdreg s19  }
0x18: {  	s16 =	sshll.u32 s13, $0xA;
	s23 =	sadd.s32 $0x80, s6;
	[dreg:$0x9] =	wrdreg s22  }
0x19: {  	s24 =	sadd.s32 $0x100, s6;
	s26 =	sadd.s32 $0x180, s6;
	[dreg:$0xb] =	wrdreg s7  }
0x1a: {  	s0 =	sadd.s32 s25, s0;
	s13 =	sadd.s32 $0x200, s6;
	[dreg:$0xe] =	wrdreg s23  }
0x1b: {  	s25 =	sadd.s32 $0x40300, s6;
	s17 =	simm.s32 $0x8880;
	[dreg:$0xf] =	wrdreg s24  }
0x1c: {  	s19 =	simm.s32 $0x2600;
	s7 =	sadd.s32 s8, s5;
	[dreg:$0x10] =	wrdreg s26  }
0x1d: {  	s20 =	sor.u32 s16, s15;
	[dreg:$0x11] =	wrdreg s13;
	s15 =	sadd.s32 $0x280, s6  }
0x1e: {  	s0 =	sadd.s32 $0x43600, s0;
	s16 =	smax.u32 s14, $0x1;
	[dreg:$0x1f] =	wrdreg s25  }
0x1f: {  	s23 =	sadd.s32 $0x40200, s6;
	s24 =	sadd.s32 $0x40280, s6;
	[dreg:$0x14] =	wrdreg s15  }
0x20: {  	s26 =	sadd.s32 $0x40380, s6;
	s13 =	simm.s32 $0x2;
	[dreg:$0x15] =	wrdreg s0  }
0x21: {  	s14 =	simm.s32 $0x2000;
	s25 =	simm.s32 $0x4080;
	[dreg:$0x16] =	wrdreg s16  }
0x22: {  	s18 =	sadd.s32 s11, s7;
	s21 =	sshrl.u32 s20, $0x3;
	[dreg:$0x1d] =	wrdreg s23  }
0x23: {  	s22 =	sor.u32 $0x200, s20;
	s20 =	sadd.s32 $0x40080, s6;
	[dreg:$0x1e] =	wrdreg s24  }
0x24: {  	[smem:$0x7FD] =	sst s26;
	s15 =	simm.s32 $0x2200;
	s23 =	simm.s32 $0x3080  }
0x25: {  	s24 =	simm.s32 $0x3880;
	s26 =	simm.s32 $0x4880;
	s0 =	simm.s32 $0x7080  }
0x26: {  	[dreg:$0xc] =	wrdreg s18;
	s5 =	smul.u32 $0x300, s21;
	s7 =	sshrl.u32 s22, $0x3  }
0x27: {  	s18 =	sadd.s32 $0x380, s6;
	[dreg:$0x1a] =	wrdreg s20;
	s21 =	sadd.s32 $0x40100, s6  }
0x28: {  	s22 =	sadd.s32 $0x40180, s6;
	s20 =	simm.s32 $0x2880;
	[dreg:$0x18] =	wrdreg s18  }
0x29: {  	v0 =	vimm.f32 $0.0e+00;
	v1 =	vimm.s32 $0x1;
	s6 =	simm.s32 $0x0;
	s7 =	smul.u32 $0x300, s7;
	[dreg:$0x1b] =	wrdreg s21  }
0x2a: {  	v2 =	vimm.s32 $0x2;
	v3 =	vimm.s32 $0x3;
	v4 =	vlaneseq.u32;
	[dreg:$0x1c] =	wrdreg s22;
	s18 =	simm.s32 $0x2400;
	s5 =	sadd.s32 s5, s4  }
0x2b: {  	v5 =	vimm.s32 $0x0;
	vm0 =	vmmov $0xffff;
	v7 =	vshrl.u32 v4, $0x3;
	s21 =	simm.s32 $0x7880;
	[dreg:$0x12] =	wrdreg s5;
	s4 =	sadd.s32 s7, s4  }
0x2c: {  	v6 =	vand.u32 $0x7, v4;
	v8 =	vor.u32 $0x8, v4;
	v7 =	vmul.u32 $0x8, v7;
	s22 =	simm.s32 $0x1;
	[dreg:$0x13] =	wrdreg s4;
	s4 =	simm.s32 $0x8080  }
.LBB2_1:
0x2d: {  	[smem:$0x7FC] =	sst s6;
	s5 =	simm.s32 $0x40;
	s7 =	simm.s32 $0x0  }
.LBB2_2:
0x2e: {  	p0 =	sne.s32 s5, $0x1FFC0;
	[tilespmem:s7+$0x8880] =	vst v0;
	s7 =	smov.u32 s5;
	s5 =	sadd.s32 $0x40, s5  }
.Ltmp0:
0x2f: {  	(pc) =	sbr.rel @p0 .LBB2_2-.Ltmp0, $2  }
0x30: {  	_ =	sdelay $0x2  }
0x31: {  	s7 =	sshra.s32 s7, $0x2  }
0x32: {  	[tilespmem:s7+$0x8880] =	vst v0;
	s16 =	simm.s32 $0x0;
	s5 =	rddreg [dreg:$0x5];
	s6 =	simm.s32 $0x2800  }
0x33: {  	[tilespmem:s6], [sflag:$0x2] =	stream.linear.gather [hbm4b:s5+s16], $0x80, $0x38;
	[tilespmem:$0x19080] =	vst v63  }
0x34: {  	_ =	swait.ge [sflag:s13], $0x80  }
0x35: {  	[sflag:s13] =	ssyncset.done $0x0  }
0x36: {  	[sflag:s13] =	ssyncadd.s32 $0xFFFFFF80  }
0x37: {  	v10 =	vld.idx.msk [tilespmem:v1+s6+$0x0], $0xffff  }
0x38: {  	v11 =	vld.idx.msk [tilespmem:v2+s6+$0x0], $0xffff  }
0x39: {  	v13 =	vimm.s32 $0x0;
	s7 =	simm.s32 $0x0;
	v9 =	vimm.s32 $0x0;
	s8 =	simm.s32 $0x0;
	v12 =	vld.idx.msk [tilespmem:v3+s6+$0x0], $0xffff  }
.LBB2_4:
0x3a: {  	s5 =	sshll.u32 s8, $0xD;
	s6 =	rddreg [dreg:$0x6]  }
0x3b: {  	s5 =	sadd.s32 s6, s5  }
0x3c: {  	s5 =	sshrl.u32 s5, $0x3  }
0x3d: {  	s5 =	sadd.s32 s3, s5  }
0x3e: {  	[tilespmem:s16], [sflag:$0x2] =	stream.linear.gather [hbm4b:s5+s16], $0x2000, $0x38;
	[tilespmem:$0x19080] =	vst v63  }
0x3f: {  	_ =	swait.ge [sflag:s13], $0x2000  }
0x40: {  	[sflag:s13] =	ssyncset.done $0x0  }
0x41: {  	s11 =	simm.s32 $0x0;
	[sflag:s13] =	ssyncadd.s32 $0xFFFFE000  }
0x42: {  	v14 =	vld [tilespmem:s11+$0x0];
	_ =	sdelay $0x4  }
0x43: {  	vm1 =	vgt.f32 v14, v10  }
0x44: {  	v16 =	vsel vm1, $0x1, v5  }
0x45: {  	(xrf0) =	vadd.scan.msk.s32 $0xffff, v16  }
0x46: {  	v15 =	vsub.f32 v14, v11  }
0x47: {  	vm2 =	veq.f32 v14, v10  }
0x48: {  	v14 =	vsel vm2, $0x1, v5;
	v15 =	vmul.f32 $1.442695020e+00, v15  }
0x49: {  	(xrf0) =	vadd.scan.msk.s32 $0xffff, v14  }
0x4a: {  	(erf) = vpow2.f32 v15  }
0x4b: {  	v14, _, _ =	vpop (xrf0)  }
0x4c: {  	v14 =	vadd.s32 v14, v9;
	_ =	sdelay $0x2  }
0x4d: {  	v17 =	vadd.s32 $0xFFFFFFFF, v14;
	v14, _, _ =	vpop (xrf0)  }
0x4e: {  	v14 =	vadd.s32 v14, v13  }
0x4f: {  	v14 =	vadd.s32 $0xFFFFFFFF, v14  }
0x50: {  	v15 =	vor.u32 s7, v4;
	vm3 =	vlt.s32 v14, $0x200  }
0x51: {  	v19 =	vmpcnt.ones.xlane vm2;
	v16 =	vpop (erf);
	vm2 =	vmand vm2, vm3  }
0x52: {  	v16 =	vmul.f32 v16, v12  }
0x53: {  	v18 =	vmpcnt.ones.xlane vm1;
	[tilespmem:v17+s14+$0x0] =	vst.idx.msk vm1, v15  }
0x54: {  	[tilespmem:v17+s15+$0x0] =	vst.idx.msk vm1, v16  }
0x55: {  	s5 =	simm.s32 $0x40;
	s11 =	smov.u32 s7;
	v9 =	vadd.s32 v9, v18;
	v13 =	vadd.s32 v13, v19;
	[tilespmem:v15+s17+$0x0] =	vst.idx.add.f32.msk vm1, v16  }
.LBB2_5:
0x56: {  	p0 =	sne.s32 s5, $0x7FC0  }
0x57: {  	[tilespmem:v14+s18+$0x0] =	vst.idx.msk vm2, v15;
	s11 =	sadd.s32 $0x10, s11;
	v15 =	vmov v9;
	v17 =	vmov v13;
	s6 =	smov.u32 s5;
	s5 =	sadd.s32 $0x40, s5  }
0x58: {  	s6 =	sshra.s32 s6, $0x2;
	[tilespmem:v14+s19+$0x0] =	vst.idx.msk vm2, v16  }
0x59: {  	v14 =	vld [tilespmem:s6+$0x0];
	_ =	sdelay $0x4  }
0x5a: {  	vm1 =	vgt.f32 v14, v10;
	vm2 =	veq.f32 v14, v10;
	v14 =	vsub.f32 v14, v11  }
0x5b: {  	v16 =	vsel vm1, $0x1, v5;
	v18 =	vsel vm2, $0x1, v5;
	v19 =	vmpcnt.ones.xlane vm1  }
0x5c: {  	v20 =	vmpcnt.ones.xlane vm2;
	v14 =	vmul.f32 $1.442695020e+00, v14;
	(xrf0) =	vadd.scan.msk.s32 $0xffff, v16  }
0x5d: {  	v9 =	vadd.s32 v9, v19;
	(xrf0) =	vadd.scan.msk.s32 $0xffff, v18  }
0x5e: {  	v13 =	vadd.s32 v13, v20;
	(erf) = vpow2.f32 v14;
	_ =	sdelay $0x3  }
0x5f: {  	v14, _, _ =	vpop (xrf0)  }
0x60: {  	v14 =	vadd.s32 v14, v15;
	v15, _, _ =	vpop (xrf0)  }
0x61: {  	v18 =	vadd.s32 $0xFFFFFFFF, v14;
	v14 =	vadd.s32 v15, v17  }
0x62: {  	v14 =	vadd.s32 $0xFFFFFFFF, v14  }
0x63: {  	v15 =	vor.u32 s11, v4;
	vm3 =	vlt.s32 v14, $0x200  }
.Ltmp1:
0x64: {  	vm2 =	vmand vm2, vm3;
	v16 =	vpop (erf);
	(pc) =	sbr.rel @p0 .LBB2_5-.Ltmp1, $4  }
0x65: {  	v16 =	vmul.f32 v16, v12  }
0x66: {  	[tilespmem:v18+s14+$0x0] =	vst.idx.msk vm1, v15  }
0x67: {  	[tilespmem:v18+s15+$0x0] =	vst.idx.msk vm1, v16  }
0x68: {  	[tilespmem:v15+s17+$0x0] =	vst.idx.add.f32.msk vm1, v16  }
0x69: {  	s8 =	sadd.s32 $0x1, s8  }
0x6a: {  	p0 =	sne.s32 s8, $0x4  }
.Ltmp2:
0x6b: {  	_ = 	snop;
	(pc) =	sbr.rel @p0 .LBB2_4-.Ltmp2, $3  }
0x6c: {  	_ =	sdelay $0x1  }
0x6d: {  	[tilespmem:v14+s18+$0x0] =	vst.idx.msk vm2, v15  }
0x6e: {  	s7 =	sadd.s32 $0x2000, s7;
	[tilespmem:v14+s19+$0x0] =	vst.idx.msk vm2, v16  }
0x6f: {  	s5 =	simm.s32 $0x0  }
0x70: {  	v10 =	vsub.s32 $0x200, v9;
	s7 =	simm.s32 $0x2400;
	v12 =	vor.u32 s5, v4  }
0x71: {  	s8 =	simm.s32 $0x10;
	s5 =	simm.s32 $0x2600;
	v11 =	vld [tilespmem:s7+$0x0];
	vm1 =	vlt.s32 v12, v10  }
.LBB2_8:
0x72: {  	p0 =	sne.s32 s8, $0x1F0;
	v13 =	vld [tilespmem:s5+$0x0];
	v12 =	vadd.s32 v9, v12;
	_ =	sdelay $0x3  }
.Ltmp3:
0x73: {  	(pc) =	sbr.rel @p0 .LBB2_8-.Ltmp3, $4  }
0x74: {  	[tilespmem:v12+s14+$0x0] =	vst.idx.msk vm1, v11  }
0x75: {  	[tilespmem:v12+s15+$0x0] =	vst.idx.msk vm1, v13  }
0x76: {  	s7 =	sadd.s32 $0x10, s7;
	v12 =	vor.u32 s8, v4;
	[tilespmem:v11+s17+$0x0] =	vst.idx.add.f32.msk vm1, v13  }
0x77: {  	s5 =	sadd.s32 $0x10, s5;
	s8 =	sadd.s32 $0x10, s8;
	vm1 =	vlt.s32 v12, v10;
	v11 =	vld [tilespmem:s7+$0x0]  }
0x78: {  	_ = 	snop  }
0x79: {  	v9 =	vadd.s32 v9, v12  }
0x7a: {  	v10 =	vld [tilespmem:s5+$0x0];
	_ =	sdelay $0x3  }
0x7b: {  	[tilespmem:v9+s14+$0x0] =	vst.idx.msk vm1, v11  }
0x7c: {  	[tilespmem:v9+s15+$0x0] =	vst.idx.msk vm1, v10  }
0x7d: {  	s5 =	simm.s32 $0x0;
	s6 =	rddreg [dreg:$0x7];
	[tilespmem:v11+s17+$0x0] =	vst.idx.add.f32.msk vm1, v10  }
0x7e: {  	[hbm4b:s6+s5] =	stream.linear.scatter [tilespmem:s14], [sflag:$0x2], $0x200, $0x38;
	[tilespmem:$0x19080] =	vst v63  }
0x7f: {  	_ =	swait.ge [sflag:s13], $0x200  }
0x80: {  	[sflag:s13] =	ssyncset.done $0x0  }
0x81: {  	s16 =	rddreg [dreg:$0x8];
	[sflag:s13] =	ssyncadd.s32 $0xFFFFFE00  }
0x82: {  	[hbm4b:s16+s5] =	stream.linear.scatter [tilespmem:s15], [sflag:$0x2], $0x200, $0x38;
	[tilespmem:$0x19080] =	vst v63  }
0x83: {  	_ =	swait.ge [sflag:s13], $0x200  }
0x84: {  	[sflag:s13] =	ssyncset.done $0x0  }
0x85: {  	s7 =	rddreg [dreg:$0x12];
	[sflag:s13] =	ssyncadd.s32 $0xFFFFFE00  }
.LBB2_10:
0x86: {  	s6 =	sshra.s32 s5, $0x2  }
0x87: {  	v9 =	vld [tilespmem:s6+$0x2000];
	_ =	sdelay $0x4  }
0x88: {  	v10 =	vshrl.u32 v9, $0x3  }
0x89: {  	v10 =	vmul.u32 $0x30, v10  }
0x8a: {  	v9 =	vand.u32 $0x7, v9  }
0x8b: {  	v9 =	vor.u32 v9, v10  }
0x8c: {  	v10 =	vperm.xlane v9, v6;
	_ =	sdelay $0x1  }
0x8d: {  	v10 =	vadd.s32 v7, v10;
	_ =	sdelay $0x3  }
0x8e: {  	v9 =	vperm.xlane v9, v8  }
0x8f: {  	[tilespmem:s20], [sflag:$0x1] =	stream.indirect_vreg.gather [hbm4b:s1+s2], $0x80, v10, vm0, $0xb8;
	[tilespmem:$0x19080] =	vst v63  }
0x90: {  	v9 =	vadd.s32 v7, v9  }
0x91: {  	[tilespmem:s23], [sflag:$0x1] =	stream.indirect_vreg.gather [hbm4b:s9+s2], $0x80, v10, vm0, $0xb8;
	[tilespmem:$0x19080] =	vst v63  }
0x92: {  	_ = 	snop  }
0x93: {  	[tilespmem:s24], [sflag:$0x1] =	stream.indirect_vreg.gather [hbm4b:s10+s2], $0x80, v10, vm0, $0xb8;
	[tilespmem:$0x19080] =	vst v63  }
0x94: {  	_ = 	snop  }
0x95: {  	[tilespmem:s25], [sflag:$0x1] =	stream.indirect_vreg.gather [hbm4b:s1+s2], $0x80, v9, vm0, $0xb8;
	[tilespmem:$0x19080] =	vst v63  }
0x96: {  	_ = 	snop  }
0x97: {  	[tilespmem:s26], [sflag:$0x1] =	stream.indirect_vreg.gather [hbm4b:s9+s2], $0x80, v9, vm0, $0xb8;
	[tilespmem:$0x19080] =	vst v63  }
0x98: {  	_ = 	snop  }
0x99: {  	[tilespmem:s28], [sflag:$0x1] =	stream.indirect_vreg.gather [hbm4b:s10+s2], $0x80, v9, vm0, $0xb8;
	[tilespmem:$0x19080] =	vst v63  }
0x9a: {  	v9 =	vld [tilespmem:s6+$0x2010];
	_ =	sdelay $0x4  }
0x9b: {  	v10 =	vshrl.u32 v9, $0x3  }
0x9c: {  	v10 =	vmul.u32 $0x30, v10  }
0x9d: {  	v9 =	vand.u32 $0x7, v9  }
0x9e: {  	v9 =	vor.u32 v9, v10  }
0x9f: {  	v10 =	vperm.xlane v9, v6;
	_ =	sdelay $0x1  }
0xa0: {  	v10 =	vadd.s32 v7, v10;
	_ =	sdelay $0x3  }
0xa1: {  	v9 =	vperm.xlane v9, v8  }
0xa2: {  	[tilespmem:s29], [sflag:$0x1] =	stream.indirect_vreg.gather [hbm4b:s1+s2], $0x80, v10, vm0, $0xb8;
	[tilespmem:$0x19080] =	vst v63  }
0xa3: {  	v9 =	vadd.s32 v7, v9  }
0xa4: {  	[tilespmem:s30], [sflag:$0x1] =	stream.indirect_vreg.gather [hbm4b:s9+s2], $0x80, v10, vm0, $0xb8;
	[tilespmem:$0x19080] =	vst v63  }
0xa5: {  	_ = 	snop  }
0xa6: {  	[tilespmem:s31], [sflag:$0x1] =	stream.indirect_vreg.gather [hbm4b:s10+s2], $0x80, v10, vm0, $0xb8;
	[tilespmem:$0x19080] =	vst v63  }
0xa7: {  	_ = 	snop  }
0xa8: {  	[tilespmem:s0], [sflag:$0x1] =	stream.indirect_vreg.gather [hbm4b:s1+s2], $0x80, v9, vm0, $0xb8;
	[tilespmem:$0x19080] =	vst v63  }
0xa9: {  	_ = 	snop  }
0xaa: {  	[tilespmem:s21], [sflag:$0x1] =	stream.indirect_vreg.gather [hbm4b:s9+s2], $0x80, v9, vm0, $0xb8;
	[tilespmem:$0x19080] =	vst v63  }
0xab: {  	_ = 	snop  }
0xac: {  	[tilespmem:s4], [sflag:$0x1] =	stream.indirect_vreg.gather [hbm4b:s10+s2], $0x80, v9, vm0, $0xb8;
	[tilespmem:$0x19080] =	vst v63  }
0xad: {  	_ =	swait.ge [sflag:s22], $0x6000  }
0xae: {  	p0 =	sne.s32 s5, $0x780;
	[sflag:s22] =	ssyncset.done $0x0  }
.Ltmp4:
0xaf: {  	[sflag:s22] =	ssyncadd.s32 $0xFFFFA000;
	(pc) =	sbr.rel @p0 .LBB2_10-.Ltmp4, $4  }
0xb0: {  	[hbm4b:s7+s2] =	stream.linear.scatter [tilespmem:s20], [sflag:$0x2], $0x6000, $0x38;
	[tilespmem:$0x19080] =	vst v63  }
0xb1: {  	_ =	swait.ge [sflag:s13], $0x6000  }
0xb2: {  	[sflag:s13] =	ssyncset.done $0x0  }
0xb3: {  	s5 =	sadd.s32 $0x80, s5;
	s7 =	sadd.s32 $0xC00, s7;
	[sflag:s13] =	ssyncadd.s32 $0xFFFFA000  }
0xb4: {  	s16 =	simm.s32 $0x0;
	s5 =	rddreg [dreg:$0x9];
	s6 =	simm.s32 $0x2800  }
0xb5: {  	[tilespmem:s6], [sflag:$0x2] =	stream.linear.gather [hbm4b:s5+s16], $0x80, $0x38;
	[tilespmem:$0x19080] =	vst v63  }
0xb6: {  	_ =	swait.ge [sflag:s13], $0x80  }
0xb7: {  	[sflag:s13] =	ssyncset.done $0x0  }
0xb8: {  	[sflag:s13] =	ssyncadd.s32 $0xFFFFFF80  }
0xb9: {  	v10 =	vld.idx.msk [tilespmem:v1+s6+$0x0], $0xffff  }
0xba: {  	v11 =	vld.idx.msk [tilespmem:v2+s6+$0x0], $0xffff  }
0xbb: {  	v13 =	vimm.s32 $0x0;
	s11 =	simm.s32 $0x0;
	v9 =	vimm.s32 $0x0;
	s8 =	simm.s32 $0x0;
	v12 =	vld.idx.msk [tilespmem:v3+s6+$0x0], $0xffff  }
.LBB2_12:
0xbc: {  	s5 =	sshll.u32 s8, $0xD  }
0xbd: {  	s5 =	sadd.s32 s12, s5  }
0xbe: {  	s5 =	sshrl.u32 s5, $0x3  }
0xbf: {  	s5 =	sadd.s32 s3, s5  }
0xc0: {  	[tilespmem:s16], [sflag:$0x2] =	stream.linear.gather [hbm4b:s5+s16], $0x2000, $0x38;
	[tilespmem:$0x19080] =	vst v63  }
0xc1: {  	_ =	swait.ge [sflag:s13], $0x2000  }
0xc2: {  	[sflag:s13] =	ssyncset.done $0x0  }
0xc3: {  	s7 =	simm.s32 $0x0;
	[sflag:s13] =	ssyncadd.s32 $0xFFFFE000  }
0xc4: {  	v14 =	vld [tilespmem:s7+$0x0];
	_ =	sdelay $0x4  }
0xc5: {  	vm1 =	vgt.f32 v14, v10  }
0xc6: {  	v16 =	vsel vm1, $0x1, v5  }
0xc7: {  	(xrf0) =	vadd.scan.msk.s32 $0xffff, v16  }
0xc8: {  	v15 =	vsub.f32 v14, v11  }
0xc9: {  	vm2 =	veq.f32 v14, v10  }
0xca: {  	v14 =	vsel vm2, $0x1, v5;
	v15 =	vmul.f32 $1.442695020e+00, v15  }
0xcb: {  	(xrf0) =	vadd.scan.msk.s32 $0xffff, v14  }
0xcc: {  	(erf) = vpow2.f32 v15  }
0xcd: {  	v14, _, _ =	vpop (xrf0)  }
0xce: {  	v14 =	vadd.s32 v14, v9;
	_ =	sdelay $0x2  }
0xcf: {  	v17 =	vadd.s32 $0xFFFFFFFF, v14;
	v14, _, _ =	vpop (xrf0)  }
0xd0: {  	v14 =	vadd.s32 v14, v13  }
0xd1: {  	v14 =	vadd.s32 $0xFFFFFFFF, v14  }
0xd2: {  	v15 =	vor.u32 s11, v4;
	vm3 =	vlt.s32 v14, $0x200  }
0xd3: {  	v19 =	vmpcnt.ones.xlane vm2;
	v16 =	vpop (erf);
	vm2 =	vmand vm2, vm3  }
0xd4: {  	v16 =	vmul.f32 v16, v12  }
0xd5: {  	v18 =	vmpcnt.ones.xlane vm1;
	[tilespmem:v17+s14+$0x0] =	vst.idx.msk vm1, v15  }
0xd6: {  	[tilespmem:v17+s15+$0x0] =	vst.idx.msk vm1, v16  }
0xd7: {  	s5 =	simm.s32 $0x40;
	s7 =	smov.u32 s11;
	v9 =	vadd.s32 v9, v18;
	v13 =	vadd.s32 v13, v19;
	[tilespmem:v15+s17+$0x0] =	vst.idx.add.f32.msk vm1, v16  }
.LBB2_13:
0xd8: {  	p0 =	sne.s32 s5, $0x7FC0  }
0xd9: {  	[tilespmem:v14+s18+$0x0] =	vst.idx.msk vm2, v15;
	s7 =	sadd.s32 $0x10, s7;
	v15 =	vmov v9;
	v17 =	vmov v13;
	s6 =	smov.u32 s5;
	s5 =	sadd.s32 $0x40, s5  }
0xda: {  	s6 =	sshra.s32 s6, $0x2;
	[tilespmem:v14+s19+$0x0] =	vst.idx.msk vm2, v16  }
0xdb: {  	v14 =	vld [tilespmem:s6+$0x0];
	_ =	sdelay $0x4  }
0xdc: {  	vm1 =	vgt.f32 v14, v10;
	vm2 =	veq.f32 v14, v10;
	v14 =	vsub.f32 v14, v11  }
0xdd: {  	v16 =	vsel vm1, $0x1, v5;
	v18 =	vsel vm2, $0x1, v5;
	v19 =	vmpcnt.ones.xlane vm1  }
0xde: {  	v20 =	vmpcnt.ones.xlane vm2;
	v14 =	vmul.f32 $1.442695020e+00, v14;
	(xrf0) =	vadd.scan.msk.s32 $0xffff, v16  }
0xdf: {  	v9 =	vadd.s32 v9, v19;
	(xrf0) =	vadd.scan.msk.s32 $0xffff, v18  }
0xe0: {  	v13 =	vadd.s32 v13, v20;
	(erf) = vpow2.f32 v14;
	_ =	sdelay $0x3  }
0xe1: {  	v14, _, _ =	vpop (xrf0)  }
0xe2: {  	v14 =	vadd.s32 v14, v15;
	v15, _, _ =	vpop (xrf0)  }
0xe3: {  	v18 =	vadd.s32 $0xFFFFFFFF, v14;
	v14 =	vadd.s32 v15, v17  }
0xe4: {  	v14 =	vadd.s32 $0xFFFFFFFF, v14  }
0xe5: {  	v15 =	vor.u32 s7, v4;
	vm3 =	vlt.s32 v14, $0x200  }
.Ltmp5:
0xe6: {  	vm2 =	vmand vm2, vm3;
	v16 =	vpop (erf);
	(pc) =	sbr.rel @p0 .LBB2_13-.Ltmp5, $4  }
0xe7: {  	v16 =	vmul.f32 v16, v12  }
0xe8: {  	[tilespmem:v18+s14+$0x0] =	vst.idx.msk vm1, v15  }
0xe9: {  	[tilespmem:v18+s15+$0x0] =	vst.idx.msk vm1, v16  }
0xea: {  	[tilespmem:v15+s17+$0x0] =	vst.idx.add.f32.msk vm1, v16  }
0xeb: {  	s8 =	sadd.s32 $0x1, s8  }
0xec: {  	p0 =	sne.s32 s8, $0x4  }
.Ltmp6:
0xed: {  	_ = 	snop;
	(pc) =	sbr.rel @p0 .LBB2_12-.Ltmp6, $3  }
0xee: {  	_ =	sdelay $0x1  }
0xef: {  	[tilespmem:v14+s18+$0x0] =	vst.idx.msk vm2, v15  }
0xf0: {  	s11 =	sadd.s32 $0x2000, s11;
	[tilespmem:v14+s19+$0x0] =	vst.idx.msk vm2, v16  }
0xf1: {  	s5 =	simm.s32 $0x0  }
0xf2: {  	v10 =	vsub.s32 $0x200, v9;
	s7 =	simm.s32 $0x2400;
	v12 =	vor.u32 s5, v4  }
0xf3: {  	s8 =	simm.s32 $0x10;
	s5 =	simm.s32 $0x2600;
	v11 =	vld [tilespmem:s7+$0x0];
	vm1 =	vlt.s32 v12, v10  }
.LBB2_16:
0xf4: {  	p0 =	sne.s32 s8, $0x1F0;
	v13 =	vld [tilespmem:s5+$0x0];
	v12 =	vadd.s32 v9, v12;
	_ =	sdelay $0x3  }
.Ltmp7:
0xf5: {  	(pc) =	sbr.rel @p0 .LBB2_16-.Ltmp7, $4  }
0xf6: {  	[tilespmem:v12+s14+$0x0] =	vst.idx.msk vm1, v11  }
0xf7: {  	[tilespmem:v12+s15+$0x0] =	vst.idx.msk vm1, v13  }
0xf8: {  	s7 =	sadd.s32 $0x10, s7;
	v12 =	vor.u32 s8, v4;
	[tilespmem:v11+s17+$0x0] =	vst.idx.add.f32.msk vm1, v13  }
0xf9: {  	s5 =	sadd.s32 $0x10, s5;
	s8 =	sadd.s32 $0x10, s8;
	vm1 =	vlt.s32 v12, v10;
	v11 =	vld [tilespmem:s7+$0x0]  }
0xfa: {  	_ = 	snop  }
0xfb: {  	v9 =	vadd.s32 v9, v12  }
0xfc: {  	v10 =	vld [tilespmem:s5+$0x0];
	_ =	sdelay $0x3  }
0xfd: {  	[tilespmem:v9+s14+$0x0] =	vst.idx.msk vm1, v11  }
0xfe: {  	[tilespmem:v9+s15+$0x0] =	vst.idx.msk vm1, v10  }
0xff: {  	s5 =	simm.s32 $0x0;
	s6 =	rddreg [dreg:$0xa];
	[tilespmem:v11+s17+$0x0] =	vst.idx.add.f32.msk vm1, v10  }
0x100: {  	[hbm4b:s6+s5] =	stream.linear.scatter [tilespmem:s14], [sflag:$0x2], $0x200, $0x38;
	[tilespmem:$0x19080] =	vst v63  }
0x101: {  	_ =	swait.ge [sflag:s13], $0x200  }
0x102: {  	[sflag:s13] =	ssyncset.done $0x0  }
0x103: {  	s16 =	rddreg [dreg:$0xb];
	[sflag:s13] =	ssyncadd.s32 $0xFFFFFE00  }
0x104: {  	[hbm4b:s16+s5] =	stream.linear.scatter [tilespmem:s15], [sflag:$0x2], $0x200, $0x38;
	[tilespmem:$0x19080] =	vst v63  }
0x105: {  	_ =	swait.ge [sflag:s13], $0x200  }
0x106: {  	[sflag:s13] =	ssyncset.done $0x0  }
0x107: {  	s11 =	simm.s32 $0x400;
	s7 =	rddreg [dreg:$0x13];
	[sflag:s13] =	ssyncadd.s32 $0xFFFFFE00  }
.LBB2_18:
0x108: {  	s6 =	sshra.s32 s5, $0x2  }
0x109: {  	v9 =	vld [tilespmem:s6+$0x2000];
	_ =	sdelay $0x4  }
0x10a: {  	v10 =	vshrl.u32 v9, $0x3  }
0x10b: {  	v10 =	vmul.u32 $0x30, v10  }
0x10c: {  	v9 =	vand.u32 $0x7, v9  }
0x10d: {  	v9 =	vor.u32 v9, v10  }
0x10e: {  	v10 =	vperm.xlane v9, v6;
	_ =	sdelay $0x1  }
0x10f: {  	v10 =	vadd.s32 v7, v10;
	_ =	sdelay $0x3  }
0x110: {  	v9 =	vperm.xlane v9, v8  }
0x111: {  	[tilespmem:s20], [sflag:$0x1] =	stream.indirect_vreg.gather [hbm4b:s1+s2], $0x80, v10, vm0, $0xb8;
	[tilespmem:$0x19080] =	vst v63  }
0x112: {  	v9 =	vadd.s32 v7, v9  }
0x113: {  	[tilespmem:s23], [sflag:$0x1] =	stream.indirect_vreg.gather [hbm4b:s9+s2], $0x80, v10, vm0, $0xb8;
	[tilespmem:$0x19080] =	vst v63  }
0x114: {  	_ = 	snop  }
0x115: {  	[tilespmem:s24], [sflag:$0x1] =	stream.indirect_vreg.gather [hbm4b:s10+s2], $0x80, v10, vm0, $0xb8;
	[tilespmem:$0x19080] =	vst v63  }
0x116: {  	_ = 	snop  }
0x117: {  	[tilespmem:s25], [sflag:$0x1] =	stream.indirect_vreg.gather [hbm4b:s1+s2], $0x80, v9, vm0, $0xb8;
	[tilespmem:$0x19080] =	vst v63  }
0x118: {  	_ = 	snop  }
0x119: {  	[tilespmem:s26], [sflag:$0x1] =	stream.indirect_vreg.gather [hbm4b:s9+s2], $0x80, v9, vm0, $0xb8;
	[tilespmem:$0x19080] =	vst v63  }
0x11a: {  	_ = 	snop  }
0x11b: {  	[tilespmem:s28], [sflag:$0x1] =	stream.indirect_vreg.gather [hbm4b:s10+s2], $0x80, v9, vm0, $0xb8;
	[tilespmem:$0x19080] =	vst v63  }
0x11c: {  	v9 =	vld [tilespmem:s6+$0x2010];
	_ =	sdelay $0x4  }
0x11d: {  	v10 =	vshrl.u32 v9, $0x3  }
0x11e: {  	v10 =	vmul.u32 $0x30, v10  }
0x11f: {  	v9 =	vand.u32 $0x7, v9  }
0x120: {  	v9 =	vor.u32 v9, v10  }
0x121: {  	v10 =	vperm.xlane v9, v6;
	_ =	sdelay $0x1  }
0x122: {  	v10 =	vadd.s32 v7, v10;
	_ =	sdelay $0x3  }
0x123: {  	v9 =	vperm.xlane v9, v8  }
0x124: {  	[tilespmem:s29], [sflag:$0x1] =	stream.indirect_vreg.gather [hbm4b:s1+s2], $0x80, v10, vm0, $0xb8;
	[tilespmem:$0x19080] =	vst v63  }
0x125: {  	v9 =	vadd.s32 v7, v9  }
0x126: {  	[tilespmem:s30], [sflag:$0x1] =	stream.indirect_vreg.gather [hbm4b:s9+s2], $0x80, v10, vm0, $0xb8;
	[tilespmem:$0x19080] =	vst v63  }
0x127: {  	_ = 	snop  }
0x128: {  	[tilespmem:s31], [sflag:$0x1] =	stream.indirect_vreg.gather [hbm4b:s10+s2], $0x80, v10, vm0, $0xb8;
	[tilespmem:$0x19080] =	vst v63  }
0x129: {  	_ = 	snop  }
0x12a: {  	[tilespmem:s0], [sflag:$0x1] =	stream.indirect_vreg.gather [hbm4b:s1+s2], $0x80, v9, vm0, $0xb8;
	[tilespmem:$0x19080] =	vst v63  }
0x12b: {  	_ = 	snop  }
0x12c: {  	[tilespmem:s21], [sflag:$0x1] =	stream.indirect_vreg.gather [hbm4b:s9+s2], $0x80, v9, vm0, $0xb8;
	[tilespmem:$0x19080] =	vst v63  }
0x12d: {  	_ = 	snop  }
0x12e: {  	[tilespmem:s4], [sflag:$0x1] =	stream.indirect_vreg.gather [hbm4b:s10+s2], $0x80, v9, vm0, $0xb8;
	[tilespmem:$0x19080] =	vst v63  }
0x12f: {  	_ =	swait.ge [sflag:s22], $0x6000  }
0x130: {  	p0 =	sne.s32 s5, $0x780;
	[sflag:s22] =	ssyncset.done $0x0  }
.Ltmp8:
0x131: {  	[sflag:s22] =	ssyncadd.s32 $0xFFFFA000;
	(pc) =	sbr.rel @p0 .LBB2_18-.Ltmp8, $4  }
0x132: {  	[hbm4b:s7+s2] =	stream.linear.scatter [tilespmem:s20], [sflag:$0x2], $0x6000, $0x38;
	[tilespmem:$0x19080] =	vst v63  }
0x133: {  	_ =	swait.ge [sflag:s13], $0x6000  }
0x134: {  	[sflag:s13] =	ssyncset.done $0x0  }
0x135: {  	s5 =	sadd.s32 $0x80, s5;
	s7 =	sadd.s32 $0xC00, s7;
	[sflag:s13] =	ssyncadd.s32 $0xFFFFA000  }
0x136: {  	s5 =	rddreg [dreg:$0xc];
	s8 =	simm.s32 $0x80  }
0x137: {  	[spmem:s5] =	stream.strided.scatter [tilespmem:s17], [sflag:$0x2], $0x8000, s11, s8, $0x38;
	[tilespmem:$0x19080] =	vst v63  }
0x138: {  	_ =	swait.ge [sflag:s13], $0x8000  }
0x139: {  	[sflag:s13] =	ssyncset.done $0x0  }
0x13a: {  	[sflag:s13] =	ssyncadd.s32 $0xFFFF8000  }
0x13b: {  	s7 =	simm.s32 $0x0;
	s5 =	simm.s32 $0x40;
	[bflag:$0x0] =	sbarrier.arrive $0xFFFF  }
.LBB2_20:
0x13c: {  	p0 =	sne.s32 s5, $0x1FC0;
	[tilespmem:s7+$0x10880] =	vst v0;
	s6 =	smov.u32 s5;
	s5 =	sadd.s32 $0x40, s5  }
.Ltmp9:
0x13d: {  	(pc) =	sbr.rel @p0 .LBB2_20-.Ltmp9, $2  }
0x13e: {  	_ =	sdelay $0x2  }
0x13f: {  	s7 =	sshra.s32 s6, $0x2  }
0x140: {  	[tilespmem:s7+$0x10880] =	vst v0;
	s5 =	rddreg [dreg:$0xd]  }
0x141: {  	[tilespmem:s17], [sflag:$0x2] =	stream.strided.gather [spmem:s5], $0x800, s11, s8, $0x38;
	[tilespmem:$0x19080] =	vst v63  }
0x142: {  	_ =	swait.ge [sflag:s13], $0x800  }
0x143: {  	[sflag:s13] =	ssyncset.done $0x0  }
0x144: {  	s5 =	simm.s32 $0x0;
	[sflag:s13] =	ssyncadd.s32 $0xFFFFF800  }
0x145: {  	s7 =	simm.s32 $0x40;
	v9 =	vld [tilespmem:s5+$0x8880]  }
.LBB2_22:
0x146: {  	p0 =	sne.s32 s7, $0x1FC0;
	v10 =	vld [tilespmem:s5+$0x10880];
	_ =	sdelay $0x2  }
.Ltmp10:
0x147: {  	(pc) =	sbr.rel @p0 .LBB2_22-.Ltmp10, $4  }
0x148: {  	_ = 	snop  }
0x149: {  	v10 =	vadd.f32 v9, v10  }
0x14a: {  	s6 =	sshra.s32 s7, $0x2  }
0x14b: {  	s7 =	sadd.s32 $0x40, s7;
	v9 =	vld [tilespmem:s6+$0x8880];
	[tilespmem:s5+$0x10880] =	vst v10;
	s5 =	smov.u32 s6  }
0x14c: {  	v10 =	vld [tilespmem:s5+$0x10880];
	_ =	sdelay $0x4  }
0x14d: {  	v9 =	vadd.f32 v9, v10;
	_ =	sdelay $0x1  }
0x14e: {  	s16 =	rddreg [dreg:$0xe];
	[tilespmem:s5+$0x10880] =	vst v9  }
0x14f: {  	[tilespmem:s17], [sflag:$0x2] =	stream.strided.gather [spmem:s16], $0x800, s11, s8, $0x38;
	[tilespmem:$0x19080] =	vst v63  }
0x150: {  	_ =	swait.ge [sflag:s13], $0x800  }
0x151: {  	[sflag:s13] =	ssyncset.done $0x0  }
0x152: {  	s5 =	simm.s32 $0x0;
	[sflag:s13] =	ssyncadd.s32 $0xFFFFF800  }
0x153: {  	s7 =	simm.s32 $0x40;
	v9 =	vld [tilespmem:s5+$0x8880]  }
.LBB2_24:
0x154: {  	p0 =	sne.s32 s7, $0x1FC0;
	v10 =	vld [tilespmem:s5+$0x10880];
	_ =	sdelay $0x2  }
.Ltmp11:
0x155: {  	(pc) =	sbr.rel @p0 .LBB2_24-.Ltmp11, $4  }
0x156: {  	_ = 	snop  }
0x157: {  	v10 =	vadd.f32 v9, v10  }
0x158: {  	s6 =	sshra.s32 s7, $0x2  }
0x159: {  	s7 =	sadd.s32 $0x40, s7;
	v9 =	vld [tilespmem:s6+$0x8880];
	[tilespmem:s5+$0x10880] =	vst v10;
	s5 =	smov.u32 s6  }
0x15a: {  	v10 =	vld [tilespmem:s5+$0x10880];
	_ =	sdelay $0x4  }
0x15b: {  	v9 =	vadd.f32 v9, v10;
	_ =	sdelay $0x1  }
0x15c: {  	s16 =	rddreg [dreg:$0xf];
	[tilespmem:s5+$0x10880] =	vst v9  }
0x15d: {  	[tilespmem:s17], [sflag:$0x2] =	stream.strided.gather [spmem:s16], $0x800, s11, s8, $0x38;
	[tilespmem:$0x19080] =	vst v63  }
0x15e: {  	_ =	swait.ge [sflag:s13], $0x800  }
0x15f: {  	[sflag:s13] =	ssyncset.done $0x0  }
0x160: {  	s5 =	simm.s32 $0x0;
	[sflag:s13] =	ssyncadd.s32 $0xFFFFF800  }
0x161: {  	s7 =	simm.s32 $0x40;
	v9 =	vld [tilespmem:s5+$0x8880]  }
.LBB2_26:
0x162: {  	p0 =	sne.s32 s7, $0x1FC0;
	v10 =	vld [tilespmem:s5+$0x10880];
	_ =	sdelay $0x2  }
.Ltmp12:
0x163: {  	(pc) =	sbr.rel @p0 .LBB2_26-.Ltmp12, $4  }
0x164: {  	_ = 	snop  }
0x165: {  	v10 =	vadd.f32 v9, v10  }
0x166: {  	s6 =	sshra.s32 s7, $0x2  }
0x167: {  	s7 =	sadd.s32 $0x40, s7;
	v9 =	vld [tilespmem:s6+$0x8880];
	[tilespmem:s5+$0x10880] =	vst v10;
	s5 =	smov.u32 s6  }
0x168: {  	v10 =	vld [tilespmem:s5+$0x10880];
	_ =	sdelay $0x4  }
0x169: {  	v9 =	vadd.f32 v9, v10;
	_ =	sdelay $0x1  }
0x16a: {  	s16 =	rddreg [dreg:$0x10];
	[tilespmem:s5+$0x10880] =	vst v9  }
0x16b: {  	[tilespmem:s17], [sflag:$0x2] =	stream.strided.gather [spmem:s16], $0x800, s11, s8, $0x38;
	[tilespmem:$0x19080] =	vst v63  }
0x16c: {  	_ =	swait.ge [sflag:s13], $0x800  }
0x16d: {  	[sflag:s13] =	ssyncset.done $0x0  }
0x16e: {  	s5 =	simm.s32 $0x0;
	[sflag:s13] =	ssyncadd.s32 $0xFFFFF800  }
0x16f: {  	s7 =	simm.s32 $0x40;
	v9 =	vld [tilespmem:s5+$0x8880]  }
.LBB2_28:
0x170: {  	p0 =	sne.s32 s7, $0x1FC0;
	v10 =	vld [tilespmem:s5+$0x10880];
	_ =	sdelay $0x2  }
.Ltmp13:
0x171: {  	(pc) =	sbr.rel @p0 .LBB2_28-.Ltmp13, $4  }
0x172: {  	_ = 	snop  }
0x173: {  	v10 =	vadd.f32 v9, v10  }
0x174: {  	s6 =	sshra.s32 s7, $0x2  }
0x175: {  	s7 =	sadd.s32 $0x40, s7;
	v9 =	vld [tilespmem:s6+$0x8880];
	[tilespmem:s5+$0x10880] =	vst v10;
	s5 =	smov.u32 s6  }
0x176: {  	v10 =	vld [tilespmem:s5+$0x10880];
	_ =	sdelay $0x4  }
0x177: {  	v9 =	vadd.f32 v9, v10;
	_ =	sdelay $0x1  }
0x178: {  	s16 =	rddreg [dreg:$0x11];
	[tilespmem:s5+$0x10880] =	vst v9  }
0x179: {  	[tilespmem:s17], [sflag:$0x2] =	stream.strided.gather [spmem:s16], $0x800, s11, s8, $0x38;
	[tilespmem:$0x19080] =	vst v63  }
0x17a: {  	_ =	swait.ge [sflag:s13], $0x800  }
0x17b: {  	[sflag:s13] =	ssyncset.done $0x0  }
0x17c: {  	s5 =	simm.s32 $0x0;
	[sflag:s13] =	ssyncadd.s32 $0xFFFFF800  }
0x17d: {  	s7 =	simm.s32 $0x40;
	v9 =	vld [tilespmem:s5+$0x8880]  }
.LBB2_30:
0x17e: {  	p0 =	sne.s32 s7, $0x1FC0;
	v10 =	vld [tilespmem:s5+$0x10880];
	_ =	sdelay $0x2  }
.Ltmp14:
0x17f: {  	(pc) =	sbr.rel @p0 .LBB2_30-.Ltmp14, $4  }
0x180: {  	_ = 	snop  }
0x181: {  	v10 =	vadd.f32 v9, v10  }
0x182: {  	s6 =	sshra.s32 s7, $0x2  }
0x183: {  	s7 =	sadd.s32 $0x40, s7;
	v9 =	vld [tilespmem:s6+$0x8880];
	[tilespmem:s5+$0x10880] =	vst v10;
	s5 =	smov.u32 s6  }
0x184: {  	v10 =	vld [tilespmem:s5+$0x10880];
	_ =	sdelay $0x4  }
0x185: {  	v9 =	vadd.f32 v9, v10;
	_ =	sdelay $0x1  }
0x186: {  	s16 =	rddreg [dreg:$0x14];
	[tilespmem:s5+$0x10880] =	vst v9  }
0x187: {  	[tilespmem:s17], [sflag:$0x2] =	stream.strided.gather [spmem:s16], $0x800, s11, s8, $0x38;
	[tilespmem:$0x19080] =	vst v63  }
0x188: {  	_ =	swait.ge [sflag:s13], $0x800  }
0x189: {  	[sflag:s13] =	ssyncset.done $0x0  }
0x18a: {  	s5 =	simm.s32 $0x0;
	[sflag:s13] =	ssyncadd.s32 $0xFFFFF800  }
0x18b: {  	s7 =	simm.s32 $0x40;
	v9 =	vld [tilespmem:s5+$0x8880]  }
.LBB2_32:
0x18c: {  	p0 =	sne.s32 s7, $0x1FC0;
	v10 =	vld [tilespmem:s5+$0x10880];
	_ =	sdelay $0x2  }
.Ltmp15:
0x18d: {  	(pc) =	sbr.rel @p0 .LBB2_32-.Ltmp15, $4  }
0x18e: {  	_ = 	snop  }
0x18f: {  	v10 =	vadd.f32 v9, v10  }
0x190: {  	s6 =	sshra.s32 s7, $0x2  }
0x191: {  	s7 =	sadd.s32 $0x40, s7;
	v9 =	vld [tilespmem:s6+$0x8880];
	[tilespmem:s5+$0x10880] =	vst v10;
	s5 =	smov.u32 s6  }
0x192: {  	v10 =	vld [tilespmem:s5+$0x10880];
	_ =	sdelay $0x4  }
0x193: {  	v9 =	vadd.f32 v9, v10;
	_ =	sdelay $0x1  }
0x194: {  	s16 =	rddreg [dreg:$0x17];
	[tilespmem:s5+$0x10880] =	vst v9  }
0x195: {  	[tilespmem:s17], [sflag:$0x2] =	stream.strided.gather [spmem:s16], $0x800, s11, s8, $0x38;
	[tilespmem:$0x19080] =	vst v63  }
0x196: {  	_ =	swait.ge [sflag:s13], $0x800  }
0x197: {  	[sflag:s13] =	ssyncset.done $0x0  }
0x198: {  	s5 =	simm.s32 $0x0;
	[sflag:s13] =	ssyncadd.s32 $0xFFFFF800  }
0x199: {  	s7 =	simm.s32 $0x40;
	v9 =	vld [tilespmem:s5+$0x8880]  }
.LBB2_34:
0x19a: {  	p0 =	sne.s32 s7, $0x1FC0;
	v10 =	vld [tilespmem:s5+$0x10880];
	_ =	sdelay $0x2  }
.Ltmp16:
0x19b: {  	(pc) =	sbr.rel @p0 .LBB2_34-.Ltmp16, $4  }
0x19c: {  	_ = 	snop  }
0x19d: {  	v10 =	vadd.f32 v9, v10  }
0x19e: {  	s6 =	sshra.s32 s7, $0x2  }
0x19f: {  	s7 =	sadd.s32 $0x40, s7;
	v9 =	vld [tilespmem:s6+$0x8880];
	[tilespmem:s5+$0x10880] =	vst v10;
	s5 =	smov.u32 s6  }
0x1a0: {  	v10 =	vld [tilespmem:s5+$0x10880];
	_ =	sdelay $0x4  }
0x1a1: {  	v9 =	vadd.f32 v9, v10;
	_ =	sdelay $0x1  }
0x1a2: {  	s16 =	rddreg [dreg:$0x18];
	[tilespmem:s5+$0x10880] =	vst v9  }
0x1a3: {  	[tilespmem:s17], [sflag:$0x2] =	stream.strided.gather [spmem:s16], $0x800, s11, s8, $0x38;
	[tilespmem:$0x19080] =	vst v63  }
0x1a4: {  	_ =	swait.ge [sflag:s13], $0x800  }
0x1a5: {  	[sflag:s13] =	ssyncset.done $0x0  }
0x1a6: {  	s5 =	simm.s32 $0x0;
	[sflag:s13] =	ssyncadd.s32 $0xFFFFF800  }
0x1a7: {  	s7 =	simm.s32 $0x40;
	v9 =	vld [tilespmem:s5+$0x8880]  }
.LBB2_36:
0x1a8: {  	p0 =	sne.s32 s7, $0x1FC0;
	v10 =	vld [tilespmem:s5+$0x10880];
	_ =	sdelay $0x2  }
.Ltmp17:
0x1a9: {  	(pc) =	sbr.rel @p0 .LBB2_36-.Ltmp17, $4  }
0x1aa: {  	_ = 	snop  }
0x1ab: {  	v10 =	vadd.f32 v9, v10  }
0x1ac: {  	s6 =	sshra.s32 s7, $0x2  }
0x1ad: {  	s7 =	sadd.s32 $0x40, s7;
	v9 =	vld [tilespmem:s6+$0x8880];
	[tilespmem:s5+$0x10880] =	vst v10;
	s5 =	smov.u32 s6  }
0x1ae: {  	v10 =	vld [tilespmem:s5+$0x10880];
	_ =	sdelay $0x4  }
0x1af: {  	v9 =	vadd.f32 v9, v10;
	_ =	sdelay $0x1  }
0x1b0: {  	s16 =	rddreg [dreg:$0x19];
	[tilespmem:s5+$0x10880] =	vst v9  }
0x1b1: {  	[tilespmem:s17], [sflag:$0x2] =	stream.strided.gather [spmem:s16], $0x800, s11, s8, $0x38;
	[tilespmem:$0x19080] =	vst v63  }
0x1b2: {  	_ =	swait.ge [sflag:s13], $0x800  }
0x1b3: {  	[sflag:s13] =	ssyncset.done $0x0  }
0x1b4: {  	s5 =	simm.s32 $0x0;
	[sflag:s13] =	ssyncadd.s32 $0xFFFFF800  }
0x1b5: {  	s7 =	simm.s32 $0x40;
	v9 =	vld [tilespmem:s5+$0x8880]  }
.LBB2_38:
0x1b6: {  	p0 =	sne.s32 s7, $0x1FC0;
	v10 =	vld [tilespmem:s5+$0x10880];
	_ =	sdelay $0x2  }
.Ltmp18:
0x1b7: {  	(pc) =	sbr.rel @p0 .LBB2_38-.Ltmp18, $4  }
0x1b8: {  	_ = 	snop  }
0x1b9: {  	v10 =	vadd.f32 v9, v10  }
0x1ba: {  	s6 =	sshra.s32 s7, $0x2  }
0x1bb: {  	s7 =	sadd.s32 $0x40, s7;
	v9 =	vld [tilespmem:s6+$0x8880];
	[tilespmem:s5+$0x10880] =	vst v10;
	s5 =	smov.u32 s6  }
0x1bc: {  	v10 =	vld [tilespmem:s5+$0x10880];
	_ =	sdelay $0x4  }
0x1bd: {  	v9 =	vadd.f32 v9, v10;
	_ =	sdelay $0x1  }
0x1be: {  	s16 =	rddreg [dreg:$0x1a];
	[tilespmem:s5+$0x10880] =	vst v9  }
0x1bf: {  	[tilespmem:s17], [sflag:$0x2] =	stream.strided.gather [spmem:s16], $0x800, s11, s8, $0x38;
	[tilespmem:$0x19080] =	vst v63  }
0x1c0: {  	_ =	swait.ge [sflag:s13], $0x800  }
0x1c1: {  	[sflag:s13] =	ssyncset.done $0x0  }
0x1c2: {  	s5 =	simm.s32 $0x0;
	[sflag:s13] =	ssyncadd.s32 $0xFFFFF800  }
0x1c3: {  	s7 =	simm.s32 $0x40;
	v9 =	vld [tilespmem:s5+$0x8880]  }
.LBB2_40:
0x1c4: {  	p0 =	sne.s32 s7, $0x1FC0;
	v10 =	vld [tilespmem:s5+$0x10880];
	_ =	sdelay $0x2  }
.Ltmp19:
0x1c5: {  	(pc) =	sbr.rel @p0 .LBB2_40-.Ltmp19, $4  }
0x1c6: {  	_ = 	snop  }
0x1c7: {  	v10 =	vadd.f32 v9, v10  }
0x1c8: {  	s6 =	sshra.s32 s7, $0x2  }
0x1c9: {  	s7 =	sadd.s32 $0x40, s7;
	v9 =	vld [tilespmem:s6+$0x8880];
	[tilespmem:s5+$0x10880] =	vst v10;
	s5 =	smov.u32 s6  }
0x1ca: {  	v10 =	vld [tilespmem:s5+$0x10880];
	_ =	sdelay $0x4  }
0x1cb: {  	v9 =	vadd.f32 v9, v10;
	_ =	sdelay $0x1  }
0x1cc: {  	s16 =	rddreg [dreg:$0x1b];
	[tilespmem:s5+$0x10880] =	vst v9  }
0x1cd: {  	[tilespmem:s17], [sflag:$0x2] =	stream.strided.gather [spmem:s16], $0x800, s11, s8, $0x38;
	[tilespmem:$0x19080] =	vst v63  }
0x1ce: {  	_ =	swait.ge [sflag:s13], $0x800  }
0x1cf: {  	[sflag:s13] =	ssyncset.done $0x0  }
0x1d0: {  	s5 =	simm.s32 $0x0;
	[sflag:s13] =	ssyncadd.s32 $0xFFFFF800  }
0x1d1: {  	s7 =	simm.s32 $0x40;
	v9 =	vld [tilespmem:s5+$0x8880]  }
.LBB2_42:
0x1d2: {  	p0 =	sne.s32 s7, $0x1FC0;
	v10 =	vld [tilespmem:s5+$0x10880];
	_ =	sdelay $0x2  }
.Ltmp20:
0x1d3: {  	(pc) =	sbr.rel @p0 .LBB2_42-.Ltmp20, $4  }
0x1d4: {  	_ = 	snop  }
0x1d5: {  	v10 =	vadd.f32 v9, v10  }
0x1d6: {  	s6 =	sshra.s32 s7, $0x2  }
0x1d7: {  	s7 =	sadd.s32 $0x40, s7;
	v9 =	vld [tilespmem:s6+$0x8880];
	[tilespmem:s5+$0x10880] =	vst v10;
	s5 =	smov.u32 s6  }
0x1d8: {  	v10 =	vld [tilespmem:s5+$0x10880];
	_ =	sdelay $0x4  }
0x1d9: {  	v9 =	vadd.f32 v9, v10;
	_ =	sdelay $0x1  }
0x1da: {  	s16 =	rddreg [dreg:$0x1c];
	[tilespmem:s5+$0x10880] =	vst v9  }
0x1db: {  	[tilespmem:s17], [sflag:$0x2] =	stream.strided.gather [spmem:s16], $0x800, s11, s8, $0x38;
	[tilespmem:$0x19080] =	vst v63  }
0x1dc: {  	_ =	swait.ge [sflag:s13], $0x800  }
0x1dd: {  	[sflag:s13] =	ssyncset.done $0x0  }
0x1de: {  	s5 =	simm.s32 $0x0;
	[sflag:s13] =	ssyncadd.s32 $0xFFFFF800  }
0x1df: {  	s7 =	simm.s32 $0x40;
	v9 =	vld [tilespmem:s5+$0x8880]  }
.LBB2_44:
0x1e0: {  	p0 =	sne.s32 s7, $0x1FC0;
	v10 =	vld [tilespmem:s5+$0x10880];
	_ =	sdelay $0x2  }
.Ltmp21:
0x1e1: {  	(pc) =	sbr.rel @p0 .LBB2_44-.Ltmp21, $4  }
0x1e2: {  	_ = 	snop  }
0x1e3: {  	v10 =	vadd.f32 v9, v10  }
0x1e4: {  	s6 =	sshra.s32 s7, $0x2  }
0x1e5: {  	s7 =	sadd.s32 $0x40, s7;
	v9 =	vld [tilespmem:s6+$0x8880];
	[tilespmem:s5+$0x10880] =	vst v10;
	s5 =	smov.u32 s6  }
0x1e6: {  	v10 =	vld [tilespmem:s5+$0x10880];
	_ =	sdelay $0x4  }
0x1e7: {  	v9 =	vadd.f32 v9, v10;
	_ =	sdelay $0x1  }
0x1e8: {  	s16 =	rddreg [dreg:$0x1d];
	[tilespmem:s5+$0x10880] =	vst v9  }
0x1e9: {  	[tilespmem:s17], [sflag:$0x2] =	stream.strided.gather [spmem:s16], $0x800, s11, s8, $0x38;
	[tilespmem:$0x19080] =	vst v63  }
0x1ea: {  	_ =	swait.ge [sflag:s13], $0x800  }
0x1eb: {  	[sflag:s13] =	ssyncset.done $0x0  }
0x1ec: {  	s5 =	simm.s32 $0x0;
	[sflag:s13] =	ssyncadd.s32 $0xFFFFF800  }
0x1ed: {  	s7 =	simm.s32 $0x40;
	v9 =	vld [tilespmem:s5+$0x8880]  }
.LBB2_46:
0x1ee: {  	p0 =	sne.s32 s7, $0x1FC0;
	v10 =	vld [tilespmem:s5+$0x10880];
	_ =	sdelay $0x2  }
.Ltmp22:
0x1ef: {  	(pc) =	sbr.rel @p0 .LBB2_46-.Ltmp22, $4  }
0x1f0: {  	_ = 	snop  }
0x1f1: {  	v10 =	vadd.f32 v9, v10  }
0x1f2: {  	s6 =	sshra.s32 s7, $0x2  }
0x1f3: {  	s7 =	sadd.s32 $0x40, s7;
	v9 =	vld [tilespmem:s6+$0x8880];
	[tilespmem:s5+$0x10880] =	vst v10;
	s5 =	smov.u32 s6  }
0x1f4: {  	v10 =	vld [tilespmem:s5+$0x10880];
	_ =	sdelay $0x4  }
0x1f5: {  	v9 =	vadd.f32 v9, v10;
	_ =	sdelay $0x1  }
0x1f6: {  	s16 =	rddreg [dreg:$0x1e];
	[tilespmem:s5+$0x10880] =	vst v9  }
0x1f7: {  	[tilespmem:s17], [sflag:$0x2] =	stream.strided.gather [spmem:s16], $0x800, s11, s8, $0x38;
	[tilespmem:$0x19080] =	vst v63  }
0x1f8: {  	_ =	swait.ge [sflag:s13], $0x800  }
0x1f9: {  	[sflag:s13] =	ssyncset.done $0x0  }
0x1fa: {  	s5 =	simm.s32 $0x0;
	[sflag:s13] =	ssyncadd.s32 $0xFFFFF800  }
0x1fb: {  	s7 =	simm.s32 $0x40;
	v9 =	vld [tilespmem:s5+$0x8880]  }
.LBB2_48:
0x1fc: {  	p0 =	sne.s32 s7, $0x1FC0;
	v10 =	vld [tilespmem:s5+$0x10880];
	_ =	sdelay $0x2  }
.Ltmp23:
0x1fd: {  	(pc) =	sbr.rel @p0 .LBB2_48-.Ltmp23, $4  }
0x1fe: {  	_ = 	snop  }
0x1ff: {  	v10 =	vadd.f32 v9, v10  }
0x200: {  	s6 =	sshra.s32 s7, $0x2  }
0x201: {  	s7 =	sadd.s32 $0x40, s7;
	v9 =	vld [tilespmem:s6+$0x8880];
	[tilespmem:s5+$0x10880] =	vst v10;
	s5 =	smov.u32 s6  }
0x202: {  	v10 =	vld [tilespmem:s5+$0x10880];
	_ =	sdelay $0x4  }
0x203: {  	v9 =	vadd.f32 v9, v10;
	_ =	sdelay $0x1  }
0x204: {  	s16 =	rddreg [dreg:$0x1f];
	[tilespmem:s5+$0x10880] =	vst v9  }
0x205: {  	[tilespmem:s17], [sflag:$0x2] =	stream.strided.gather [spmem:s16], $0x800, s11, s8, $0x38;
	[tilespmem:$0x19080] =	vst v63  }
0x206: {  	_ =	swait.ge [sflag:s13], $0x800  }
0x207: {  	[sflag:s13] =	ssyncset.done $0x0  }
0x208: {  	s5 =	simm.s32 $0x0;
	[sflag:s13] =	ssyncadd.s32 $0xFFFFF800  }
0x209: {  	s7 =	simm.s32 $0x40;
	v9 =	vld [tilespmem:s5+$0x8880]  }
.LBB2_50:
0x20a: {  	p0 =	sne.s32 s7, $0x1FC0;
	v10 =	vld [tilespmem:s5+$0x10880];
	_ =	sdelay $0x2  }
.Ltmp24:
0x20b: {  	(pc) =	sbr.rel @p0 .LBB2_50-.Ltmp24, $4  }
0x20c: {  	_ = 	snop  }
0x20d: {  	v10 =	vadd.f32 v9, v10  }
0x20e: {  	s6 =	sshra.s32 s7, $0x2  }
0x20f: {  	s7 =	sadd.s32 $0x40, s7;
	v9 =	vld [tilespmem:s6+$0x8880];
	[tilespmem:s5+$0x10880] =	vst v10;
	s5 =	smov.u32 s6  }
0x210: {  	v10 =	vld [tilespmem:s5+$0x10880];
	_ =	sdelay $0x4  }
0x211: {  	s16 =	sld [smem:$0x7FD];
	v9 =	vadd.f32 v9, v10;
	_ =	sdelay $0x1  }
0x212: {  	[tilespmem:s5+$0x10880] =	vst v9  }
0x213: {  	[tilespmem:s17], [sflag:$0x2] =	stream.strided.gather [spmem:s16], $0x800, s11, s8, $0x38;
	[tilespmem:$0x19080] =	vst v63  }
0x214: {  	_ =	swait.ge [sflag:s13], $0x800  }
0x215: {  	[sflag:s13] =	ssyncset.done $0x0  }
0x216: {  	s5 =	simm.s32 $0x0;
	[sflag:s13] =	ssyncadd.s32 $0xFFFFF800  }
0x217: {  	s7 =	simm.s32 $0x40;
	v9 =	vld [tilespmem:s5+$0x8880]  }
.LBB2_52:
0x218: {  	p0 =	sne.s32 s7, $0x1FC0;
	v10 =	vld [tilespmem:s5+$0x10880];
	_ =	sdelay $0x2  }
.Ltmp25:
0x219: {  	(pc) =	sbr.rel @p0 .LBB2_52-.Ltmp25, $4  }
0x21a: {  	_ = 	snop  }
0x21b: {  	v10 =	vadd.f32 v9, v10  }
0x21c: {  	s6 =	sshra.s32 s7, $0x2  }
0x21d: {  	s7 =	sadd.s32 $0x40, s7;
	v9 =	vld [tilespmem:s6+$0x8880];
	[tilespmem:s5+$0x10880] =	vst v10;
	s5 =	smov.u32 s6  }
0x21e: {  	v10 =	vld [tilespmem:s5+$0x10880];
	_ =	sdelay $0x4  }
0x21f: {  	v9 =	vadd.f32 v9, v10;
	_ =	sdelay $0x1  }
0x220: {  	s8 =	rddreg [dreg:$0x15];
	s6 =	simm.s32 $0x10880;
	[tilespmem:s5+$0x10880] =	vst v9  }
0x221: {  	[hbm4b:s8+s2] =	stream.linear.scatter [tilespmem:s6], [sflag:$0x2], $0x800, $0x38;
	[tilespmem:$0x19080] =	vst v63  }
0x222: {  	_ =	swait.ge [sflag:s13], $0x800  }
0x223: {  	s11 =	sld [smem:$0x7FC];
	_ =	sdelay $0x2  }
0x224: {  	s16 =	rddreg [dreg:$0x16];
	s6 =	sadd.s32 $0x1, s11  }
0x225: {  	p0 =	sne.s32 s6, s16  }
.Ltmp26:
0x226: {  	_ = 	snop;
	(pc) =	sbr.rel @p0 .LBB2_1-.Ltmp26, $3  }
0x227: {  	_ =	sdelay $0x1  }
0x228: {  	[sflag:s13] =	ssyncset.done $0x0  }
0x229: {  	[sflag:s13] =	ssyncadd.s32 $0xFFFFF800  }
0x22a: {  	_ =	sfence.sel $0x180000  }
0x22b: {  	[bflag:$0x0] =	sbarrier.arrive $0xFFFF  }
0x22c: {  	_ =	strace $0x90000047  }
0x22d: {  	s0 =	stileid.u32;
	[bflag:$0x2] =	sbarrier.arrive $0xFFFF  }
0x22e: {  	p0 =	sne.s32 s0, $0x0;
	s0 =	rddreg [dreg:$0x4]  }
0x22f: {  	s0 =	sadd.s32 @!p0 $0x100000, s0  }
0x230: {  	[sflag:s0] =	ssyncadd.tile.s32 @!p0 $0x1;
	_ =	shalt  }
.Lfunc_end2:
_tile_overlayer_lowered:
.L_overlay_start_2:
0x231: {  	(tag) =	ssettag $0x2  }
0x232: {  	s0 =	rddreg [dreg:$0x0];
	s2 =	stileid.u32  }
0x233: {  	s1 =	rddreg [dreg:$0x1];
	p0 =	sne.s32 s2, $0x0  }
0x234: {  	s3 =	rddreg [dreg:$0x2];
	[bflag:$0x3] =	sbarrier.arrive $0xFFFF;
	s2 =	simm.s32 @!p0 $0x1C02  }
0x235: {  	[timem:s3], [sflag:s2] =	dma.local @!p0 [hbm:s0], s1  }
0x236: {  	s0 =	simm.s32 @!p0 $0x2  }
0x237: {  	_ =	swait.ge @!p0 [sflag:s0], s1  }
0x238: {  	s1 =	ssub.s32 @!p0 $0x0, s1;
	[sflag:s0] =	ssyncset.done @!p0 $0x0  }
0x239: {  	[sflag:s0] =	ssyncadd.s32 @!p0 s1  }
0x23a: {  	[bflag:$0x3] =	sbarrier.arrive $0xFFFF  }
0x23b: {  	_ =	shalt  }

</sc_bundles>
